<compile_context>
chip_gen: v7x
topology: tpu7x:2x2x1
jax: 0.10.2.dev20260603
libtpu: 0.0.44.dev20260713+nightly
codegen_flags: <defaults>
</compile_context>

<pallas_src>
import math

import jax
import jax.numpy as jnp
from jax import lax
from jax.experimental import pallas as pl
from jax.experimental.pallas import tpu as pltpu
from jax.experimental.pallas import tpu_sc as plsc

VOCAB = 1000000
D = 64
NT = 4096
NS_ = 200
B = NT * NS_
SCALE = math.sqrt(D)

_info = plsc.get_sparse_core_info()
NC, NSUB, L = _info.num_cores, _info.num_subcores, _info.num_lanes
NW = NC * NSUB

FULL_BLOCKS = VOCAB // 128
BPW_BASE = FULL_BLOCKS // NW
BPW_EXTRA = FULL_BLOCKS - BPW_BASE * NW


def _repack_body(wt_hbm, wtail_hbm, tab_hbm, blk_v, tb_v, semg, sems):
    wid = lax.axis_index("s") * NC + lax.axis_index("c")
    iota = jax.lax.iota(jnp.int32, L)

    def fire_load(i, b):
        bl = wid + i * NW
        pltpu.async_copy(
            wt_hbm.at[:, pl.ds(pl.multiple_of(bl * 128, 128), 128)],
            blk_v.at[b], semg.at[b],
        )

    def transpose_blk(b, tb):
        for r0g in range(8):
            rv = iota + r0g * L
            rv32 = rv * 32

            @plsc.parallel_loop(0, 32, unroll=4)
            def transpose_col(c32):
                cv = (c32 + iota) & 31
                va = plsc.load_gather(blk_v.at[b], [2 * cv, rv])
                vb = plsc.load_gather(blk_v.at[b], [2 * cv + 1, rv])
                pk = plsc.bitcast(
                    plsc.pack(va, vb, format=plsc.PackFormat.INTERLEAVED),
                    jnp.int32,
                )
                flat = rv32 + cv
                plsc.store_scatter(
                    tb_v.at[tb],
                    [jax.lax.shift_right_logical(flat, 7), flat & 127],
                    pk,
                )

    n_mine = jnp.where(wid < BPW_EXTRA, BPW_BASE + 1, BPW_BASE).astype(jnp.int32)

    fire_load(0, 0)

    @pl.when(1 < n_mine)
    def _():
        fire_load(1, 1)

    @pl.when(2 < n_mine)
    def _():
        fire_load(2, 2)

    def block_step(i, _):
        b = i % 4
        bl = wid + i * NW

        @pl.when(i + 3 < n_mine)
        def _():
            fire_load(i + 3, (i + 3) % 4)

        pltpu.make_async_copy(
            wt_hbm.at[:, pl.ds(0, 128)], blk_v.at[b], semg.at[b]
        ).wait()

        tb = i & 1

        @pl.when(i >= 2)
        def _():
            pltpu.make_async_copy(
                tab_hbm.at[pl.ds(0, 32)], tb_v.at[tb], sems.at[tb]
            ).wait()

        transpose_blk(b, tb)
        pltpu.async_copy(
            tb_v.at[tb], tab_hbm.at[pl.ds(pl.multiple_of(bl * 32, 32), 32)],
            sems.at[tb],
        )
        return ()

    lax.fori_loop(0, n_mine, block_step, ())

    for b in range(2):
        pltpu.make_async_copy(
            tab_hbm.at[pl.ds(0, 32)], tb_v.at[b], sems.at[b]
        ).wait()

    @pl.when(wid == NW - 1)
    def _():
        pltpu.sync_copy(wtail_hbm, blk_v.at[0])
        transpose_blk(0, 0)
        pltpu.sync_copy(tb_v.at[0, pl.ds(0, 16)], tab_hbm.at[pl.ds(VOCAB // 4 - 16, 16)])


N_CHUNKS = B // 128
CPW = N_CHUNKS // NW


def _lookup_body(xt_hbm, tab_hbm, out_hbm, idx_v, g_v, tb_v, semg, sems):
    wid = lax.axis_index("s") * NC + lax.axis_index("c")
    iota = jax.lax.iota(jnp.int32, L)
    c0 = wid * CPW

    pltpu.sync_copy(xt_hbm.at[pl.ds(pl.multiple_of(c0 * 128, 128), CPW * 128)], idx_v)

    def fire_gather(i, g):
        pltpu.async_copy(
            tab_hbm.at[idx_v.at[pl.ds(pl.multiple_of(i * 128, 128), 128)]],
            g_v.at[g], semg.at[g],
        )

    fire_gather(0, 0)
    fire_gather(1, 1)
    fire_gather(2, 2)

    def step(i, _):
        g = i % 4
        b = i & 1

        @pl.when(i + 3 < CPW)
        def _():
            fire_gather(i + 3, (i + 3) % 4)

        pltpu.make_async_copy(
            tab_hbm.at[pl.ds(0, 128)], g_v.at[g], semg.at[g]
        ).wait()

        @pl.when(i >= 2)
        def _():
            pltpu.make_async_copy(
                out_hbm.at[0, :, 0], tb_v.at[b], sems.at[b]
            ).wait()

        for bl0 in range(8):
            rows = iota + bl0 * L

            @plsc.parallel_loop(0, D // 2, unroll=4)
            def emit_j(j0):
                cv = (j0 + iota) & 31
                pk = plsc.load_gather(g_v.at[g], [rows, cv])
                va, vb = plsc.unpack(
                    plsc.bitcast(pk, jnp.bfloat16),
                    format=plsc.PackFormat.INTERLEAVED,
                    preferred_element_type=jnp.float32,
                )
                jv = 2 * cv
                plsc.store_scatter(
                    tb_v.at[b],
                    [jax.lax.shift_right_logical(jv, 3), jv & 7, rows],
                    va * SCALE,
                )
                jv1 = jv | 1
                plsc.store_scatter(
                    tb_v.at[b],
                    [jax.lax.shift_right_logical(jv1, 3), jv1 & 7, rows],
                    vb * SCALE,
                )
        c = c0 + i
        pltpu.async_copy(tb_v.at[b], out_hbm.at[c // 32, :, c % 32], sems.at[b])
        return ()

    lax.fori_loop(0, CPW, step, ())

    for b in range(2):
        pltpu.make_async_copy(
            out_hbm.at[0, :, 0], tb_v.at[b], sems.at[b]
        ).wait()


@jax.jit
def _embed(xt, wt, wtail):
    mesh = plsc.VectorSubcoreMesh(core_axis_name="c", subcore_axis_name="s")
    repack = pl.kernel(
        _repack_body,
        out_type=jax.ShapeDtypeStruct((VOCAB // 4, 128), jnp.int32),
        mesh=mesh,
        scratch_types=[
            pltpu.VMEM((4, D, 128), jnp.float32),
            pltpu.VMEM((2, 32, 128), jnp.int32),
            pltpu.SemaphoreType.DMA((4,)),
            pltpu.SemaphoreType.DMA((2,)),
        ],
        compiler_params=pltpu.CompilerParams(use_tc_tiling_on_sc=True, needs_layout_passes=False),
    )
    tab = repack(wt, wtail)
    tabl = tab.reshape(VOCAB, 32)
    lookup = pl.kernel(
        _lookup_body,
        out_type=jax.ShapeDtypeStruct((NS_, 8, 32, 8, 128), jnp.float32),
        mesh=mesh,
        scratch_types=[
            pltpu.VMEM((CPW * 128,), jnp.int32),
            pltpu.VMEM((4, 128, 32), jnp.int32),
            pltpu.VMEM((2, 8, 8, 128), jnp.float32),
            pltpu.SemaphoreType.DMA((4,)),
            pltpu.SemaphoreType.DMA((2,)),
        ],
        compiler_params=pltpu.CompilerParams(use_tc_tiling_on_sc=False, needs_layout_passes=False),
    )
    return lookup(xt, tabl)


def kernel(x, embed_weight):
    xt = x.astype(jnp.int32).T.reshape(B)
    wt = embed_weight.T
    wtail = jnp.pad(embed_weight[VOCAB - 64:].T, ((0, 0), (0, 64)))
    out5 = _embed(xt, wt, wtail)
    return out5.transpose(2, 4, 0, 1, 3).reshape(NT, NS_, D)

# --- scband reference (transcript-rebuilt; emitter-appended) ---
"""Pipeline reference for scband-embedder-14740327760123 (READ-ONLY COPY).

The authoritative reference and input builder live on the scoring server;
editing this copy changes nothing except your own understanding.
"""

import jax, jax.numpy as jnp
import numpy as np
import math

VOCAB_SIZE = 1000000
D_MODEL = 64

def setup_inputs(seed: int = 0) -> dict:
    key = jax.random.key(seed)
    k_idx, k_tab = jax.random.split(key)
    x = jax.random.randint(k_idx, (4096, 200), 0, VOCAB_SIZE, dtype=jnp.int64 if jax.config.jax_enable_x64 else jnp.int32)
    embed_weight = jax.random.normal(k_tab, (VOCAB_SIZE, D_MODEL), dtype=jnp.float32)
    return {"x": x, "embed_weight": embed_weight}

def reference(x, embed_weight):
    # Embedder.forward: embedding lookup scaled by sqrt(d_model)
    idx = x.astype(jnp.int32)
    out = jnp.take(embed_weight, idx, axis=0)
    return out * math.sqrt(D_MODEL)

if __name__ == "__main__":
    import jax
    _d = setup_inputs()
    print(jax.jit(kernel)(*tuple(_d.values())))

</pallas_src>

<mosaic_0001>
#map = affine_map<(d0, d1) -> (0, 0)>
module attributes {stable_mosaic.version = 14 : i64} {
  func.func @_repack_body(%arg0: i32, %arg1: i32, %arg2: memref<64x1000000xf32, #tpu.memory_space<hbm>>, %arg3: memref<64x128xf32, #tpu.memory_space<hbm>>, %arg4: memref<250000x128xi32, #tpu.memory_space<hbm>>, %arg5: memref<4x64x128xf32, #tpu.memory_space<vmem>>, %arg6: memref<2x32x128xi32, #tpu.memory_space<vmem>>, %arg7: memref<4x!tpu.dma_semaphore, #tpu.memory_space<semaphore_mem>>, %arg8: memref<2x!tpu.dma_semaphore, #tpu.memory_space<semaphore_mem>>) attributes {dimension_semantics = [#tpu.dimension_semantics<core_parallel>, #tpu.dimension_semantics<subcore_parallel>], iteration_bounds = array<i64: 2, 16>, scalar_prefetch = 0 : i64, scratch_operands = 4 : i64, tpu.core_type = #tpu.core_type<sc_vector_subcore>, window_params = [{transform_indices = #map}, {transform_indices = #map}, {transform_indices = #map}]} {
    %mul3A = arith.constant 2 : i32
    %mul3A_0 = arith.muli %arg1, %mul3A : i32
    %add3A = arith.addi %mul3A_0, %arg0 : i32
    %iota3A = tpu.iota {dimensions = array<i32: 0>} : vector<16xi32>
    %lt3A = arith.constant 4 : i32
    %lt3A_1 = arith.cmpi slt, %add3A, %lt3A : i32
    %jit3A = arith.constant 245 : i32
    %jit3A_2 = arith.constant 244 : i32
    %select_n3A = arith.select %lt3A_1, %jit3A, %jit3A_2 : i32
    %add3A_3 = arith.constant 0 : i32
    %add3A_4 = arith.addi %add3A, %add3A_3 : i32
    %mul3A_5 = arith.constant 128 : i32
    %mul3A_6 = arith.muli %add3A_4, %mul3A_5 : i32
    %multiple_of3A = tpu.assume_multiple %mul3A_6, 128 : i32
    %dma_start3A = arith.constant 0 : i32
    %dma_start3A_7 = arith.constant 0 : i32
    %dma_start3A_8 = arith.constant 0 : i32
    %dma_start3A_9 = arith.constant 0 : i32
    %dma_start3A_10 = tpu.memref_slice %arg5[%dma_start3A, %dma_start3A_8, %dma_start3A_9] : memref<4x64x128xf32, #tpu.memory_space<vmem>> -> memref<1x64x128xf32, #tpu.memory_space<vmem>>
    %dma_start3A_11 = tpu.memref_squeeze %dma_start3A_10 : memref<1x64x128xf32, #tpu.memory_space<vmem>> -> memref<64x128xf32, #tpu.memory_space<vmem>>
    %dma_start3A_12 = arith.constant 0 : i32
    %dma_start3A_13 = tpu.memref_slice %arg2[%dma_start3A_12, %multiple_of3A] : memref<64x1000000xf32, #tpu.memory_space<hbm>> -> memref<64x128xf32, #tpu.memory_space<hbm>>
    %dma_start3A_14 = tpu.memref_slice %arg7[%dma_start3A_7] : memref<4x!tpu.dma_semaphore, #tpu.memory_space<semaphore_mem>> -> memref<1x!tpu.dma_semaphore, #tpu.memory_space<semaphore_mem>>
    %dma_start3A_15 = tpu.memref_squeeze %dma_start3A_14 : memref<1x!tpu.dma_semaphore, #tpu.memory_space<semaphore_mem>> -> memref<!tpu.dma_semaphore, #tpu.memory_space<semaphore_mem>>
    %dma_start3A_16 = arith.constant 0 : i32
    %dma_start3A_17 = arith.constant 0 : i32
    %dma_start3A_18 = tpu.memref_slice %arg5[%dma_start3A, %dma_start3A_16, %dma_start3A_17] : memref<4x64x128xf32, #tpu.memory_space<vmem>> -> memref<1x64x128xf32, #tpu.memory_space<vmem>>
    %dma_start3A_19 = tpu.memref_squeeze %dma_start3A_18 : memref<1x64x128xf32, #tpu.memory_space<vmem>> -> memref<64x128xf32, #tpu.memory_space<vmem>>
    %dma_start3A_20 = arith.constant 0 : i32
    %dma_start3A_21 = tpu.memref_slice %arg2[%dma_start3A_20, %multiple_of3A] : memref<64x1000000xf32, #tpu.memory_space<hbm>> -> memref<64x128xf32, #tpu.memory_space<hbm>>
    tpu.enqueue_dma source(%dma_start3A_21 : memref<64x128xf32, #tpu.memory_space<hbm>>) target(%dma_start3A_19 : memref<64x128xf32, #tpu.memory_space<vmem>>) target_semaphore(%dma_start3A_15 : memref<!tpu.dma_semaphore, #tpu.memory_space<semaphore_mem>>)
    %gt3A = arith.constant 1 : i32
    %gt3A_22 = arith.cmpi sgt, %select_n3A, %gt3A : i32
    %convert_element_type3A = arith.extui %gt3A_22 : i1 to i32
    %cond3A = arith.constant 0 : i32
    %cond3A_23 = arith.cmpi ne, %convert_element_type3A, %cond3A : i32
    scf.if %cond3A_23 {
      %add3A_76 = arith.constant 32 : i32
      %add3A_77 = arith.addi %add3A, %add3A_76 : i32
      %mul3A_78 = arith.constant 128 : i32
      %mul3A_79 = arith.muli %add3A_77, %mul3A_78 : i32
      %multiple_of3A_80 = tpu.assume_multiple %mul3A_79, 128 : i32
      %dma_start3A_81 = arith.constant 1 : i32
      %dma_start3A_82 = arith.constant 1 : i32
      %dma_start3A_83 = arith.constant 0 : i32
      %dma_start3A_84 = arith.constant 0 : i32
      %dma_start3A_85 = tpu.memref_slice %arg5[%dma_start3A_81, %dma_start3A_83, %dma_start3A_84] : memref<4x64x128xf32, #tpu.memory_space<vmem>> -> memref<1x64x128xf32, #tpu.memory_space<vmem>>
      %dma_start3A_86 = tpu.memref_squeeze %dma_start3A_85 : memref<1x64x128xf32, #tpu.memory_space<vmem>> -> memref<64x128xf32, #tpu.memory_space<vmem>>
      %dma_start3A_87 = arith.constant 0 : i32
      %dma_start3A_88 = tpu.memref_slice %arg2[%dma_start3A_87, %multiple_of3A_80] : memref<64x1000000xf32, #tpu.memory_space<hbm>> -> memref<64x128xf32, #tpu.memory_space<hbm>>
      %dma_start3A_89 = tpu.memref_slice %arg7[%dma_start3A_82] : memref<4x!tpu.dma_semaphore, #tpu.memory_space<semaphore_mem>> -> memref<1x!tpu.dma_semaphore, #tpu.memory_space<semaphore_mem>>
      %dma_start3A_90 = tpu.memref_squeeze %dma_start3A_89 : memref<1x!tpu.dma_semaphore, #tpu.memory_space<semaphore_mem>> -> memref<!tpu.dma_semaphore, #tpu.memory_space<semaphore_mem>>
      %dma_start3A_91 = arith.constant 0 : i32
      %dma_start3A_92 = arith.constant 0 : i32
      %dma_start3A_93 = tpu.memref_slice %arg5[%dma_start3A_81, %dma_start3A_91, %dma_start3A_92] : memref<4x64x128xf32, #tpu.memory_space<vmem>> -> memref<1x64x128xf32, #tpu.memory_space<vmem>>
      %dma_start3A_94 = tpu.memref_squeeze %dma_start3A_93 : memref<1x64x128xf32, #tpu.memory_space<vmem>> -> memref<64x128xf32, #tpu.memory_space<vmem>>
      %dma_start3A_95 = arith.constant 0 : i32
      %dma_start3A_96 = tpu.memref_slice %arg2[%dma_start3A_95, %multiple_of3A_80] : memref<64x1000000xf32, #tpu.memory_space<hbm>> -> memref<64x128xf32, #tpu.memory_space<hbm>>
      tpu.enqueue_dma source(%dma_start3A_96 : memref<64x128xf32, #tpu.memory_space<hbm>>) target(%dma_start3A_94 : memref<64x128xf32, #tpu.memory_space<vmem>>) target_semaphore(%dma_start3A_90 : memref<!tpu.dma_semaphore, #tpu.memory_space<semaphore_mem>>)
    } else {
    }
    %gt3A_24 = arith.constant 2 : i32
    %gt3A_25 = arith.cmpi sgt, %select_n3A, %gt3A_24 : i32
    %convert_element_type3A_26 = arith.extui %gt3A_25 : i1 to i32
    %cond3A_27 = arith.constant 0 : i32
    %cond3A_28 = arith.cmpi ne, %convert_element_type3A_26, %cond3A_27 : i32
    scf.if %cond3A_28 {
      %add3A_76 = arith.constant 64 : i32
      %add3A_77 = arith.addi %add3A, %add3A_76 : i32
      %mul3A_78 = arith.constant 128 : i32
      %mul3A_79 = arith.muli %add3A_77, %mul3A_78 : i32
      %multiple_of3A_80 = tpu.assume_multiple %mul3A_79, 128 : i32
      %dma_start3A_81 = arith.constant 2 : i32
      %dma_start3A_82 = arith.constant 2 : i32
      %dma_start3A_83 = arith.constant 0 : i32
      %dma_start3A_84 = arith.constant 0 : i32
      %dma_start3A_85 = tpu.memref_slice %arg5[%dma_start3A_81, %dma_start3A_83, %dma_start3A_84] : memref<4x64x128xf32, #tpu.memory_space<vmem>> -> memref<1x64x128xf32, #tpu.memory_space<vmem>>
      %dma_start3A_86 = tpu.memref_squeeze %dma_start3A_85 : memref<1x64x128xf32, #tpu.memory_space<vmem>> -> memref<64x128xf32, #tpu.memory_space<vmem>>
      %dma_start3A_87 = arith.constant 0 : i32
      %dma_start3A_88 = tpu.memref_slice %arg2[%dma_start3A_87, %multiple_of3A_80] : memref<64x1000000xf32, #tpu.memory_space<hbm>> -> memref<64x128xf32, #tpu.memory_space<hbm>>
      %dma_start3A_89 = tpu.memref_slice %arg7[%dma_start3A_82] : memref<4x!tpu.dma_semaphore, #tpu.memory_space<semaphore_mem>> -> memref<1x!tpu.dma_semaphore, #tpu.memory_space<semaphore_mem>>
      %dma_start3A_90 = tpu.memref_squeeze %dma_start3A_89 : memref<1x!tpu.dma_semaphore, #tpu.memory_space<semaphore_mem>> -> memref<!tpu.dma_semaphore, #tpu.memory_space<semaphore_mem>>
      %dma_start3A_91 = arith.constant 0 : i32
      %dma_start3A_92 = arith.constant 0 : i32
      %dma_start3A_93 = tpu.memref_slice %arg5[%dma_start3A_81, %dma_start3A_91, %dma_start3A_92] : memref<4x64x128xf32, #tpu.memory_space<vmem>> -> memref<1x64x128xf32, #tpu.memory_space<vmem>>
      %dma_start3A_94 = tpu.memref_squeeze %dma_start3A_93 : memref<1x64x128xf32, #tpu.memory_space<vmem>> -> memref<64x128xf32, #tpu.memory_space<vmem>>
      %dma_start3A_95 = arith.constant 0 : i32
      %dma_start3A_96 = tpu.memref_slice %arg2[%dma_start3A_95, %multiple_of3A_80] : memref<64x1000000xf32, #tpu.memory_space<hbm>> -> memref<64x128xf32, #tpu.memory_space<hbm>>
      tpu.enqueue_dma source(%dma_start3A_96 : memref<64x128xf32, #tpu.memory_space<hbm>>) target(%dma_start3A_94 : memref<64x128xf32, #tpu.memory_space<vmem>>) target_semaphore(%dma_start3A_90 : memref<!tpu.dma_semaphore, #tpu.memory_space<semaphore_mem>>)
    } else {
    }
    %while3A = arith.constant 0 : i32
    %while3A_29 = arith.subi %select_n3A, %while3A : i32
    %while3A_30 = arith.addi %while3A, %while3A_29 : i32
    %while3A_31 = arith.constant 1 : i32
    %while3A_32 = arith.divsi %while3A_29, %while3A_31 : i32
    %while3A_33 = arith.muli %while3A_32, %while3A_31 : i32
    %while3A_34 = arith.addi %while3A, %while3A_33 : i32
    %while3A_35 = arith.constant 1 : i32
    scf.for %while3A_76 = %while3A to %while3A_34 step %while3A_35  : i32 {
      %jit3A_77 = arith.constant 4 : i32
      %eq3A_78 = arith.constant 0 : i32
      %eq3A_79 = arith.cmpi eq, %jit3A_77, %eq3A_78 : i32
      %jit3A_80 = arith.constant 1 : i32
      %select_n3A_81 = arith.select %eq3A_79, %jit3A_80, %jit3A_77 : i32
      %rem3A = arith.remsi %while3A_76, %select_n3A_81 : i32
      %ne3A = arith.constant 0 : i32
      %ne3A_82 = arith.cmpi ne, %rem3A, %ne3A : i32
      %lt3A_83 = arith.constant 0 : i32
      %lt3A_84 = arith.cmpi slt, %rem3A, %lt3A_83 : i32
      %lt3A_85 = arith.constant 0 : i32
      %lt3A_86 = arith.cmpi slt, %select_n3A_81, %lt3A_85 : i32
      %ne3A_87 = arith.xori %lt3A_84, %lt3A_86 : i1
      %and3A = arith.andi %ne3A_87, %ne3A_82 : i1
      %add3A_88 = arith.addi %rem3A, %select_n3A_81 : i32
      %select_n3A_89 = arith.select %and3A, %add3A_88, %rem3A : i32
      %mul3A_90 = arith.constant 32 : i32
      %mul3A_91 = arith.muli %while3A_76, %mul3A_90 : i32
      %add3A_92 = arith.addi %add3A, %mul3A_91 : i32
      %add3A_93 = arith.constant 3 : i32
      %add3A_94 = arith.addi %while3A_76, %add3A_93 : i32
      %lt3A_95 = arith.cmpi slt, %add3A_94, %select_n3A : i32
      %convert_element_type3A_96 = arith.extui %lt3A_95 : i1 to i32
      %cond3A_97 = arith.constant 0 : i32
      %cond3A_98 = arith.cmpi ne, %convert_element_type3A_96, %cond3A_97 : i32
      scf.if %cond3A_98 {
        %add3A_209 = arith.constant 3 : i32
        %add3A_210 = arith.addi %while3A_76, %add3A_209 : i32
        %add3A_211 = arith.constant 3 : i32
        %add3A_212 = arith.addi %while3A_76, %add3A_211 : i32
        %jit3A_213 = arith.constant 4 : i32
        %eq3A_214 = arith.constant 0 : i32
        %eq3A_215 = arith.cmpi eq, %jit3A_213, %eq3A_214 : i32
        %jit3A_216 = arith.constant 1 : i32
        %select_n3A_217 = arith.select %eq3A_215, %jit3A_216, %jit3A_213 : i32
        %rem3A_218 = arith.remsi %add3A_212, %select_n3A_217 : i32
        %ne3A_219 = arith.constant 0 : i32
        %ne3A_220 = arith.cmpi ne, %rem3A_218, %ne3A_219 : i32
        %lt3A_221 = arith.constant 0 : i32
        %lt3A_222 = arith.cmpi slt, %rem3A_218, %lt3A_221 : i32
        %lt3A_223 = arith.constant 0 : i32
        %lt3A_224 = arith.cmpi slt, %select_n3A_217, %lt3A_223 : i32
        %ne3A_225 = arith.xori %lt3A_222, %lt3A_224 : i1
        %and3A_226 = arith.andi %ne3A_225, %ne3A_220 : i1
        %add3A_227 = arith.addi %rem3A_218, %select_n3A_217 : i32
        %select_n3A_228 = arith.select %and3A_226, %add3A_227, %rem3A_218 : i32
        %mul3A_229 = arith.constant 32 : i32
        %mul3A_230 = arith.muli %add3A_210, %mul3A_229 : i32
        %add3A_231 = arith.addi %add3A, %mul3A_230 : i32
        %mul3A_232 = arith.constant 128 : i32
        %mul3A_233 = arith.muli %add3A_231, %mul3A_232 : i32
        %multiple_of3A_234 = tpu.assume_multiple %mul3A_233, 128 : i32
        %dma_start3A_235 = arith.constant 0 : i32
        %dma_start3A_236 = arith.constant 0 : i32
        %dma_start3A_237 = tpu.memref_slice %arg5[%select_n3A_228, %dma_start3A_235, %dma_start3A_236] : memref<4x64x128xf32, #tpu.memory_space<vmem>> -> memref<1x64x128xf32, #tpu.memory_space<vmem>>
        %dma_start3A_238 = tpu.memref_squeeze %dma_start3A_237 : memref<1x64x128xf32, #tpu.memory_space<vmem>> -> memref<64x128xf32, #tpu.memory_space<vmem>>
        %dma_start3A_239 = arith.constant 0 : i32
        %dma_start3A_240 = tpu.memref_slice %arg2[%dma_start3A_239, %multiple_of3A_234] : memref<64x1000000xf32, #tpu.memory_space<hbm>> -> memref<64x128xf32, #tpu.memory_space<hbm>>
        %dma_start3A_241 = tpu.memref_slice %arg7[%select_n3A_228] : memref<4x!tpu.dma_semaphore, #tpu.memory_space<semaphore_mem>> -> memref<1x!tpu.dma_semaphore, #tpu.memory_space<semaphore_mem>>
        %dma_start3A_242 = tpu.memref_squeeze %dma_start3A_241 : memref<1x!tpu.dma_semaphore, #tpu.memory_space<semaphore_mem>> -> memref<!tpu.dma_semaphore, #tpu.memory_space<semaphore_mem>>
        %dma_start3A_243 = arith.constant 0 : i32
        %dma_start3A_244 = arith.constant 0 : i32
        %dma_start3A_245 = tpu.memref_slice %arg5[%select_n3A_228, %dma_start3A_243, %dma_start3A_244] : memref<4x64x128xf32, #tpu.memory_space<vmem>> -> memref<1x64x128xf32, #tpu.memory_space<vmem>>
        %dma_start3A_246 = tpu.memref_squeeze %dma_start3A_245 : memref<1x64x128xf32, #tpu.memory_space<vmem>> -> memref<64x128xf32, #tpu.memory_space<vmem>>
        %dma_start3A_247 = arith.constant 0 : i32
        %dma_start3A_248 = tpu.memref_slice %arg2[%dma_start3A_247, %multiple_of3A_234] : memref<64x1000000xf32, #tpu.memory_space<hbm>> -> memref<64x128xf32, #tpu.memory_space<hbm>>
        tpu.enqueue_dma source(%dma_start3A_248 : memref<64x128xf32, #tpu.memory_space<hbm>>) target(%dma_start3A_246 : memref<64x128xf32, #tpu.memory_space<vmem>>) target_semaphore(%dma_start3A_242 : memref<!tpu.dma_semaphore, #tpu.memory_space<semaphore_mem>>)
      } else {
      }
      %dma_wait3A_99 = arith.constant 0 : i32
      %dma_wait3A_100 = arith.constant 0 : i32
      %dma_wait3A_101 = tpu.memref_slice %arg5[%select_n3A_89, %dma_wait3A_99, %dma_wait3A_100] : memref<4x64x128xf32, #tpu.memory_space<vmem>> -> memref<1x64x128xf32, #tpu.memory_space<vmem>>
      %dma_wait3A_102 = tpu.memref_squeeze %dma_wait3A_101 : memref<1x64x128xf32, #tpu.memory_space<vmem>> -> memref<64x128xf32, #tpu.memory_space<vmem>>
      %dma_wait3A_103 = arith.constant 0 : i32
      %dma_wait3A_104 = arith.constant 0 : i32
      %dma_wait3A_105 = tpu.memref_slice %arg2[%dma_wait3A_103, %dma_wait3A_104] : memref<64x1000000xf32, #tpu.memory_space<hbm>> -> memref<64x128xf32, #tpu.memory_space<hbm>>
      %dma_wait3A_106 = tpu.memref_slice %arg7[%select_n3A_89] : memref<4x!tpu.dma_semaphore, #tpu.memory_space<semaphore_mem>> -> memref<1x!tpu.dma_semaphore, #tpu.memory_space<semaphore_mem>>
      %dma_wait3A_107 = tpu.memref_squeeze %dma_wait3A_106 : memref<1x!tpu.dma_semaphore, #tpu.memory_space<semaphore_mem>> -> memref<!tpu.dma_semaphore, #tpu.memory_space<semaphore_mem>>
      %dma_wait3A_108 = arith.constant 0 : i32
      %dma_wait3A_109 = arith.constant 0 : i32
      %dma_wait3A_110 = tpu.memref_slice %arg5[%select_n3A_89, %dma_wait3A_108, %dma_wait3A_109] : memref<4x64x128xf32, #tpu.memory_space<vmem>> -> memref<1x64x128xf32, #tpu.memory_space<vmem>>
      %dma_wait3A_111 = tpu.memref_squeeze %dma_wait3A_110 : memref<1x64x128xf32, #tpu.memory_space<vmem>> -> memref<64x128xf32, #tpu.memory_space<vmem>>
      %dma_wait3A_112 = arith.constant 0 : i32
      %dma_wait3A_113 = arith.constant 0 : i32
      %dma_wait3A_114 = tpu.memref_slice %arg2[%dma_wait3A_112, %dma_wait3A_113] : memref<64x1000000xf32, #tpu.memory_space<hbm>> -> memref<64x128xf32, #tpu.memory_space<hbm>>
      tpu.wait_dma2 semaphore(%dma_wait3A_107 : memref<!tpu.dma_semaphore, #tpu.memory_space<semaphore_mem>>) src(%dma_wait3A_114 : memref<64x128xf32, #tpu.memory_space<hbm>>) dst(%dma_wait3A_111 : memref<64x128xf32, #tpu.memory_space<vmem>>)
      %and3A_115 = arith.constant 1 : i32
      %and3A_116 = arith.andi %while3A_76, %and3A_115 : i32
      %ge3A = arith.constant 2 : i32
      %ge3A_117 = arith.cmpi sge, %while3A_76, %ge3A : i32
      %convert_element_type3A_118 = arith.extui %ge3A_117 : i1 to i32
      %cond3A_119 = arith.constant 0 : i32
      %cond3A_120 = arith.cmpi ne, %convert_element_type3A_118, %cond3A_119 : i32
      scf.if %cond3A_120 {
        %dma_wait3A_209 = arith.constant 0 : i32
        %dma_wait3A_210 = arith.constant 0 : i32
        %dma_wait3A_211 = tpu.memref_slice %arg6[%and3A_116, %dma_wait3A_209, %dma_wait3A_210] : memref<2x32x128xi32, #tpu.memory_space<vmem>> -> memref<1x32x128xi32, #tpu.memory_space<vmem>>
        %dma_wait3A_212 = tpu.memref_squeeze %dma_wait3A_211 : memref<1x32x128xi32, #tpu.memory_space<vmem>> -> memref<32x128xi32, #tpu.memory_space<vmem>>
        %dma_wait3A_213 = arith.constant 0 : i32
        %dma_wait3A_214 = arith.constant 0 : i32
        %dma_wait3A_215 = tpu.memref_slice %arg4[%dma_wait3A_213, %dma_wait3A_214] : memref<250000x128xi32, #tpu.memory_space<hbm>> -> memref<32x128xi32, #tpu.memory_space<hbm>>
        %dma_wait3A_216 = tpu.memref_slice %arg8[%and3A_116] : memref<2x!tpu.dma_semaphore, #tpu.memory_space<semaphore_mem>> -> memref<1x!tpu.dma_semaphore, #tpu.memory_space<semaphore_mem>>
        %dma_wait3A_217 = tpu.memref_squeeze %dma_wait3A_216 : memref<1x!tpu.dma_semaphore, #tpu.memory_space<semaphore_mem>> -> memref<!tpu.dma_semaphore, #tpu.memory_space<semaphore_mem>>
        %dma_wait3A_218 = arith.constant 0 : i32
        %dma_wait3A_219 = arith.constant 0 : i32
        %dma_wait3A_220 = tpu.memref_slice %arg6[%and3A_116, %dma_wait3A_218, %dma_wait3A_219] : memref<2x32x128xi32, #tpu.memory_space<vmem>> -> memref<1x32x128xi32, #tpu.memory_space<vmem>>
        %dma_wait3A_221 = tpu.memref_squeeze %dma_wait3A_220 : memref<1x32x128xi32, #tpu.memory_space<vmem>> -> memref<32x128xi32, #tpu.memory_space<vmem>>
        %dma_wait3A_222 = arith.constant 0 : i32
        %dma_wait3A_223 = arith.constant 0 : i32
        %dma_wait3A_224 = tpu.memref_slice %arg4[%dma_wait3A_222, %dma_wait3A_223] : memref<250000x128xi32, #tpu.memory_space<hbm>> -> memref<32x128xi32, #tpu.memory_space<hbm>>
        tpu.wait_dma2 semaphore(%dma_wait3A_217 : memref<!tpu.dma_semaphore, #tpu.memory_space<semaphore_mem>>) src(%dma_wait3A_224 : memref<32x128xi32, #tpu.memory_space<hbm>>) dst(%dma_wait3A_221 : memref<32x128xi32, #tpu.memory_space<vmem>>)
      } else {
      }
      %add3A_121 = arith.constant 0 : i32
      %add3A_122 = vector.broadcast %add3A_121 : i32 to vector<16xi32>
      %add3A_123 = arith.addi %iota3A, %add3A_122 : vector<16xi32>
      %mul3A_124 = arith.constant 32 : i32
      %mul3A_125 = vector.broadcast %mul3A_124 : i32 to vector<16xi32>
      %mul3A_126 = arith.muli %add3A_123, %mul3A_125 : vector<16xi32>
      %parallel_loop3A = arith.constant 0 : i32
      %parallel_loop3A_127 = arith.constant 32 : i32
      %parallel_loop3A_128 = arith.constant 1 : i32
      scf.for %parallel_loop3A_209 = %parallel_loop3A to %parallel_loop3A_127 step %parallel_loop3A_128  : i32 {
        %parallel_loop3A_210 = vector.broadcast %parallel_loop3A_209 : i32 to vector<16xi32>
        %parallel_loop3A_211 = arith.addi %parallel_loop3A_210, %iota3A : vector<16xi32>
        %parallel_loop3A_212 = arith.constant 31 : i32
        %parallel_loop3A_213 = vector.broadcast %parallel_loop3A_212 : i32 to vector<16xi32>
        %parallel_loop3A_214 = arith.andi %parallel_loop3A_211, %parallel_loop3A_213 : vector<16xi32>
        %parallel_loop3A_215 = arith.constant 2 : i32
        %parallel_loop3A_216 = vector.broadcast %parallel_loop3A_215 : i32 to vector<16xi32>
        %parallel_loop3A_217 = arith.muli %parallel_loop3A_216, %parallel_loop3A_214 : vector<16xi32>
        %parallel_loop3A_218 = arith.constant 0 : i32
        %parallel_loop3A_219 = arith.constant 0 : i32
        %parallel_loop3A_220 = tpu.memref_slice %arg5[%select_n3A_89, %parallel_loop3A_218, %parallel_loop3A_219] : memref<4x64x128xf32, #tpu.memory_space<vmem>> -> memref<1x64x128xf32, #tpu.memory_space<vmem>>
        %parallel_loop3A_221 = tpu.memref_squeeze %parallel_loop3A_220 : memref<1x64x128xf32, #tpu.memory_space<vmem>> -> memref<64x128xf32, #tpu.memory_space<vmem>>
        %parallel_loop3A_222 = tpu.vector_load_idx %parallel_loop3A_221[%parallel_loop3A_217, %add3A_123] : memref<64x128xf32, #tpu.memory_space<vmem>>[vector<16xi32>, vector<16xi32>], vector<16xf32>,
        %parallel_loop3A_223 = arith.constant 2 : i32
        %parallel_loop3A_224 = vector.broadcast %parallel_loop3A_223 : i32 to vector<16xi32>
        %parallel_loop3A_225 = arith.muli %parallel_loop3A_224, %parallel_loop3A_214 : vector<16xi32>
        %parallel_loop3A_226 = arith.constant 1 : i32
        %parallel_loop3A_227 = vector.broadcast %parallel_loop3A_226 : i32 to vector<16xi32>
        %parallel_loop3A_228 = arith.addi %parallel_loop3A_225, %parallel_loop3A_227 : vector<16xi32>
        %parallel_loop3A_229 = arith.constant 0 : i32
        %parallel_loop3A_230 = arith.constant 0 : i32
        %parallel_loop3A_231 = tpu.memref_slice %arg5[%select_n3A_89, %parallel_loop3A_229, %parallel_loop3A_230] : memref<4x64x128xf32, #tpu.memory_space<vmem>> -> memref<1x64x128xf32, #tpu.memory_space<vmem>>
        %parallel_loop3A_232 = tpu.memref_squeeze %parallel_loop3A_231 : memref<1x64x128xf32, #tpu.memory_space<vmem>> -> memref<64x128xf32, #tpu.memory_space<vmem>>
        %parallel_loop3A_233 = tpu.vector_load_idx %parallel_loop3A_232[%parallel_loop3A_228, %add3A_123] : memref<64x128xf32, #tpu.memory_space<vmem>>[vector<16xi32>, vector<16xi32>], vector<16xf32>,
        %parallel_loop3A_234 = tpu.pack_subelements %parallel_loop3A_222, %parallel_loop3A_233 {pack_format = #tpu.pack_format<interleaved>, positions = array<i32: 0, 1>} : vector<16xf32>, vector<16xf32> -> vector<32xbf16>
        %parallel_loop3A_235 = vector.bitcast %parallel_loop3A_234 : vector<32xbf16> to vector<16xi32>
        %parallel_loop3A_236 = arith.addi %mul3A_126, %parallel_loop3A_214 : vector<16xi32>
        %parallel_loop3A_237 = arith.constant 7 : i32
        %parallel_loop3A_238 = vector.broadcast %parallel_loop3A_237 : i32 to vector<16xi32>
        %parallel_loop3A_239 = arith.shrui %parallel_loop3A_236, %parallel_loop3A_238 : vector<16xi32>
        %parallel_loop3A_240 = arith.constant 127 : i32
        %parallel_loop3A_241 = vector.broadcast %parallel_loop3A_240 : i32 to vector<16xi32>
        %parallel_loop3A_242 = arith.andi %parallel_loop3A_236, %parallel_loop3A_241 : vector<16xi32>
        %parallel_loop3A_243 = arith.constant 0 : i32
        %parallel_loop3A_244 = arith.constant 0 : i32
        %parallel_loop3A_245 = tpu.memref_slice %arg6[%and3A_116, %parallel_loop3A_243, %parallel_loop3A_244] : memref<2x32x128xi32, #tpu.memory_space<vmem>> -> memref<1x32x128xi32, #tpu.memory_space<vmem>>
        %parallel_loop3A_246 = tpu.memref_squeeze %parallel_loop3A_245 : memref<1x32x128xi32, #tpu.memory_space<vmem>> -> memref<32x128xi32, #tpu.memory_space<vmem>>
        tpu.vector_store_idx %parallel_loop3A_246[%parallel_loop3A_239, %parallel_loop3A_242], %parallel_loop3A_235 : memref<32x128xi32, #tpu.memory_space<vmem>>[vector<16xi32>, vector<16xi32>], vector<16xi32>,
      } {sc.loop_unroll_factor = 4 : i64, sc.parallel_access}
      %add3A_129 = arith.constant 16 : i32
      %add3A_130 = vector.broadcast %add3A_129 : i32 to vector<16xi32>
      %add3A_131 = arith.addi %iota3A, %add3A_130 : vector<16xi32>
      %mul3A_132 = arith.constant 32 : i32
      %mul3A_133 = vector.broadcast %mul3A_132 : i32 to vector<16xi32>
      %mul3A_134 = arith.muli %add3A_131, %mul3A_133 : vector<16xi32>
      %parallel_loop3A_135 = arith.constant 0 : i32
      %parallel_loop3A_136 = arith.constant 32 : i32
      %parallel_loop3A_137 = arith.constant 1 : i32
      scf.for %parallel_loop3A_209 = %parallel_loop3A_135 to %parallel_loop3A_136 step %parallel_loop3A_137  : i32 {
        %parallel_loop3A_210 = vector.broadcast %parallel_loop3A_209 : i32 to vector<16xi32>
        %parallel_loop3A_211 = arith.addi %parallel_loop3A_210, %iota3A : vector<16xi32>
        %parallel_loop3A_212 = arith.constant 31 : i32
        %parallel_loop3A_213 = vector.broadcast %parallel_loop3A_212 : i32 to vector<16xi32>
        %parallel_loop3A_214 = arith.andi %parallel_loop3A_211, %parallel_loop3A_213 : vector<16xi32>
        %parallel_loop3A_215 = arith.constant 2 : i32
        %parallel_loop3A_216 = vector.broadcast %parallel_loop3A_215 : i32 to vector<16xi32>
        %parallel_loop3A_217 = arith.muli %parallel_loop3A_216, %parallel_loop3A_214 : vector<16xi32>
        %parallel_loop3A_218 = arith.constant 0 : i32
        %parallel_loop3A_219 = arith.constant 0 : i32
        %parallel_loop3A_220 = tpu.memref_slice %arg5[%select_n3A_89, %parallel_loop3A_218, %parallel_loop3A_219] : memref<4x64x128xf32, #tpu.memory_space<vmem>> -> memref<1x64x128xf32, #tpu.memory_space<vmem>>
        %parallel_loop3A_221 = tpu.memref_squeeze %parallel_loop3A_220 : memref<1x64x128xf32, #tpu.memory_space<vmem>> -> memref<64x128xf32, #tpu.memory_space<vmem>>
        %parallel_loop3A_222 = tpu.vector_load_idx %parallel_loop3A_221[%parallel_loop3A_217, %add3A_131] : memref<64x128xf32, #tpu.memory_space<vmem>>[vector<16xi32>, vector<16xi32>], vector<16xf32>,
        %parallel_loop3A_223 = arith.constant 2 : i32
        %parallel_loop3A_224 = vector.broadcast %parallel_loop3A_223 : i32 to vector<16xi32>
        %parallel_loop3A_225 = arith.muli %parallel_loop3A_224, %parallel_loop3A_214 : vector<16xi32>
        %parallel_loop3A_226 = arith.constant 1 : i32
        %parallel_loop3A_227 = vector.broadcast %parallel_loop3A_226 : i32 to vector<16xi32>
        %parallel_loop3A_228 = arith.addi %parallel_loop3A_225, %parallel_loop3A_227 : vector<16xi32>
        %parallel_loop3A_229 = arith.constant 0 : i32
        %parallel_loop3A_230 = arith.constant 0 : i32
        %parallel_loop3A_231 = tpu.memref_slice %arg5[%select_n3A_89, %parallel_loop3A_229, %parallel_loop3A_230] : memref<4x64x128xf32, #tpu.memory_space<vmem>> -> memref<1x64x128xf32, #tpu.memory_space<vmem>>
        %parallel_loop3A_232 = tpu.memref_squeeze %parallel_loop3A_231 : memref<1x64x128xf32, #tpu.memory_space<vmem>> -> memref<64x128xf32, #tpu.memory_space<vmem>>
        %parallel_loop3A_233 = tpu.vector_load_idx %parallel_loop3A_232[%parallel_loop3A_228, %add3A_131] : memref<64x128xf32, #tpu.memory_space<vmem>>[vector<16xi32>, vector<16xi32>], vector<16xf32>,
        %parallel_loop3A_234 = tpu.pack_subelements %parallel_loop3A_222, %parallel_loop3A_233 {pack_format = #tpu.pack_format<interleaved>, positions = array<i32: 0, 1>} : vector<16xf32>, vector<16xf32> -> vector<32xbf16>
        %parallel_loop3A_235 = vector.bitcast %parallel_loop3A_234 : vector<32xbf16> to vector<16xi32>
        %parallel_loop3A_236 = arith.addi %mul3A_134, %parallel_loop3A_214 : vector<16xi32>
        %parallel_loop3A_237 = arith.constant 7 : i32
        %parallel_loop3A_238 = vector.broadcast %parallel_loop3A_237 : i32 to vector<16xi32>
        %parallel_loop3A_239 = arith.shrui %parallel_loop3A_236, %parallel_loop3A_238 : vector<16xi32>
        %parallel_loop3A_240 = arith.constant 127 : i32
        %parallel_loop3A_241 = vector.broadcast %parallel_loop3A_240 : i32 to vector<16xi32>
        %parallel_loop3A_242 = arith.andi %parallel_loop3A_236, %parallel_loop3A_241 : vector<16xi32>
        %parallel_loop3A_243 = arith.constant 0 : i32
        %parallel_loop3A_244 = arith.constant 0 : i32
        %parallel_loop3A_245 = tpu.memref_slice %arg6[%and3A_116, %parallel_loop3A_243, %parallel_loop3A_244] : memref<2x32x128xi32, #tpu.memory_space<vmem>> -> memref<1x32x128xi32, #tpu.memory_space<vmem>>
        %parallel_loop3A_246 = tpu.memref_squeeze %parallel_loop3A_245 : memref<1x32x128xi32, #tpu.memory_space<vmem>> -> memref<32x128xi32, #tpu.memory_space<vmem>>
        tpu.vector_store_idx %parallel_loop3A_246[%parallel_loop3A_239, %parallel_loop3A_242], %parallel_loop3A_235 : memref<32x128xi32, #tpu.memory_space<vmem>>[vector<16xi32>, vector<16xi32>], vector<16xi32>,
      } {sc.loop_unroll_factor = 4 : i64, sc.parallel_access}
      %add3A_138 = arith.constant 32 : i32
      %add3A_139 = vector.broadcast %add3A_138 : i32 to vector<16xi32>
      %add3A_140 = arith.addi %iota3A, %add3A_139 : vector<16xi32>
      %mul3A_141 = arith.constant 32 : i32
      %mul3A_142 = vector.broadcast %mul3A_141 : i32 to vector<16xi32>
      %mul3A_143 = arith.muli %add3A_140, %mul3A_142 : vector<16xi32>
      %parallel_loop3A_144 = arith.constant 0 : i32
      %parallel_loop3A_145 = arith.constant 32 : i32
      %parallel_loop3A_146 = arith.constant 1 : i32
      scf.for %parallel_loop3A_209 = %parallel_loop3A_144 to %parallel_loop3A_145 step %parallel_loop3A_146  : i32 {
        %parallel_loop3A_210 = vector.broadcast %parallel_loop3A_209 : i32 to vector<16xi32>
        %parallel_loop3A_211 = arith.addi %parallel_loop3A_210, %iota3A : vector<16xi32>
        %parallel_loop3A_212 = arith.constant 31 : i32
        %parallel_loop3A_213 = vector.broadcast %parallel_loop3A_212 : i32 to vector<16xi32>
        %parallel_loop3A_214 = arith.andi %parallel_loop3A_211, %parallel_loop3A_213 : vector<16xi32>
        %parallel_loop3A_215 = arith.constant 2 : i32
        %parallel_loop3A_216 = vector.broadcast %parallel_loop3A_215 : i32 to vector<16xi32>
        %parallel_loop3A_217 = arith.muli %parallel_loop3A_216, %parallel_loop3A_214 : vector<16xi32>
        %parallel_loop3A_218 = arith.constant 0 : i32
        %parallel_loop3A_219 = arith.constant 0 : i32
        %parallel_loop3A_220 = tpu.memref_slice %arg5[%select_n3A_89, %parallel_loop3A_218, %parallel_loop3A_219] : memref<4x64x128xf32, #tpu.memory_space<vmem>> -> memref<1x64x128xf32, #tpu.memory_space<vmem>>
        %parallel_loop3A_221 = tpu.memref_squeeze %parallel_loop3A_220 : memref<1x64x128xf32, #tpu.memory_space<vmem>> -> memref<64x128xf32, #tpu.memory_space<vmem>>
        %parallel_loop3A_222 = tpu.vector_load_idx %parallel_loop3A_221[%parallel_loop3A_217, %add3A_140] : memref<64x128xf32, #tpu.memory_space<vmem>>[vector<16xi32>, vector<16xi32>], vector<16xf32>,
        %parallel_loop3A_223 = arith.constant 2 : i32
        %parallel_loop3A_224 = vector.broadcast %parallel_loop3A_223 : i32 to vector<16xi32>
        %parallel_loop3A_225 = arith.muli %parallel_loop3A_224, %parallel_loop3A_214 : vector<16xi32>
        %parallel_loop3A_226 = arith.constant 1 : i32
        %parallel_loop3A_227 = vector.broadcast %parallel_loop3A_226 : i32 to vector<16xi32>
        %parallel_loop3A_228 = arith.addi %parallel_loop3A_225, %parallel_loop3A_227 : vector<16xi32>
        %parallel_loop3A_229 = arith.constant 0 : i32
        %parallel_loop3A_230 = arith.constant 0 : i32
        %parallel_loop3A_231 = tpu.memref_slice %arg5[%select_n3A_89, %parallel_loop3A_229, %parallel_loop3A_230] : memref<4x64x128xf32, #tpu.memory_space<vmem>> -> memref<1x64x128xf32, #tpu.memory_space<vmem>>
        %parallel_loop3A_232 = tpu.memref_squeeze %parallel_loop3A_231 : memref<1x64x128xf32, #tpu.memory_space<vmem>> -> memref<64x128xf32, #tpu.memory_space<vmem>>
        %parallel_loop3A_233 = tpu.vector_load_idx %parallel_loop3A_232[%parallel_loop3A_228, %add3A_140] : memref<64x128xf32, #tpu.memory_space<vmem>>[vector<16xi32>, vector<16xi32>], vector<16xf32>,
        %parallel_loop3A_234 = tpu.pack_subelements %parallel_loop3A_222, %parallel_loop3A_233 {pack_format = #tpu.pack_format<interleaved>, positions = array<i32: 0, 1>} : vector<16xf32>, vector<16xf32> -> vector<32xbf16>
        %parallel_loop3A_235 = vector.bitcast %parallel_loop3A_234 : vector<32xbf16> to vector<16xi32>
        %parallel_loop3A_236 = arith.addi %mul3A_143, %parallel_loop3A_214 : vector<16xi32>
        %parallel_loop3A_237 = arith.constant 7 : i32
        %parallel_loop3A_238 = vector.broadcast %parallel_loop3A_237 : i32 to vector<16xi32>
        %parallel_loop3A_239 = arith.shrui %parallel_loop3A_236, %parallel_loop3A_238 : vector<16xi32>
        %parallel_loop3A_240 = arith.constant 127 : i32
        %parallel_loop3A_241 = vector.broadcast %parallel_loop3A_240 : i32 to vector<16xi32>
        %parallel_loop3A_242 = arith.andi %parallel_loop3A_236, %parallel_loop3A_241 : vector<16xi32>
        %parallel_loop3A_243 = arith.constant 0 : i32
        %parallel_loop3A_244 = arith.constant 0 : i32
        %parallel_loop3A_245 = tpu.memref_slice %arg6[%and3A_116, %parallel_loop3A_243, %parallel_loop3A_244] : memref<2x32x128xi32, #tpu.memory_space<vmem>> -> memref<1x32x128xi32, #tpu.memory_space<vmem>>
        %parallel_loop3A_246 = tpu.memref_squeeze %parallel_loop3A_245 : memref<1x32x128xi32, #tpu.memory_space<vmem>> -> memref<32x128xi32, #tpu.memory_space<vmem>>
        tpu.vector_store_idx %parallel_loop3A_246[%parallel_loop3A_239, %parallel_loop3A_242], %parallel_loop3A_235 : memref<32x128xi32, #tpu.memory_space<vmem>>[vector<16xi32>, vector<16xi32>], vector<16xi32>,
      } {sc.loop_unroll_factor = 4 : i64, sc.parallel_access}
      %add3A_147 = arith.constant 48 : i32
      %add3A_148 = vector.broadcast %add3A_147 : i32 to vector<16xi32>
      %add3A_149 = arith.addi %iota3A, %add3A_148 : vector<16xi32>
      %mul3A_150 = arith.constant 32 : i32
      %mul3A_151 = vector.broadcast %mul3A_150 : i32 to vector<16xi32>
      %mul3A_152 = arith.muli %add3A_149, %mul3A_151 : vector<16xi32>
      %parallel_loop3A_153 = arith.constant 0 : i32
      %parallel_loop3A_154 = arith.constant 32 : i32
      %parallel_loop3A_155 = arith.constant 1 : i32
      scf.for %parallel_loop3A_209 = %parallel_loop3A_153 to %parallel_loop3A_154 step %parallel_loop3A_155  : i32 {
        %parallel_loop3A_210 = vector.broadcast %parallel_loop3A_209 : i32 to vector<16xi32>
        %parallel_loop3A_211 = arith.addi %parallel_loop3A_210, %iota3A : vector<16xi32>
        %parallel_loop3A_212 = arith.constant 31 : i32
        %parallel_loop3A_213 = vector.broadcast %parallel_loop3A_212 : i32 to vector<16xi32>
        %parallel_loop3A_214 = arith.andi %parallel_loop3A_211, %parallel_loop3A_213 : vector<16xi32>
        %parallel_loop3A_215 = arith.constant 2 : i32
        %parallel_loop3A_216 = vector.broadcast %parallel_loop3A_215 : i32 to vector<16xi32>
        %parallel_loop3A_217 = arith.muli %parallel_loop3A_216, %parallel_loop3A_214 : vector<16xi32>
        %parallel_loop3A_218 = arith.constant 0 : i32
        %parallel_loop3A_219 = arith.constant 0 : i32
        %parallel_loop3A_220 = tpu.memref_slice %arg5[%select_n3A_89, %parallel_loop3A_218, %parallel_loop3A_219] : memref<4x64x128xf32, #tpu.memory_space<vmem>> -> memref<1x64x128xf32, #tpu.memory_space<vmem>>
        %parallel_loop3A_221 = tpu.memref_squeeze %parallel_loop3A_220 : memref<1x64x128xf32, #tpu.memory_space<vmem>> -> memref<64x128xf32, #tpu.memory_space<vmem>>
        %parallel_loop3A_222 = tpu.vector_load_idx %parallel_loop3A_221[%parallel_loop3A_217, %add3A_149] : memref<64x128xf32, #tpu.memory_space<vmem>>[vector<16xi32>, vector<16xi32>], vector<16xf32>,
        %parallel_loop3A_223 = arith.constant 2 : i32
        %parallel_loop3A_224 = vector.broadcast %parallel_loop3A_223 : i32 to vector<16xi32>
        %parallel_loop3A_225 = arith.muli %parallel_loop3A_224, %parallel_loop3A_214 : vector<16xi32>
        %parallel_loop3A_226 = arith.constant 1 : i32
        %parallel_loop3A_227 = vector.broadcast %parallel_loop3A_226 : i32 to vector<16xi32>
        %parallel_loop3A_228 = arith.addi %parallel_loop3A_225, %parallel_loop3A_227 : vector<16xi32>
        %parallel_loop3A_229 = arith.constant 0 : i32
        %parallel_loop3A_230 = arith.constant 0 : i32
        %parallel_loop3A_231 = tpu.memref_slice %arg5[%select_n3A_89, %parallel_loop3A_229, %parallel_loop3A_230] : memref<4x64x128xf32, #tpu.memory_space<vmem>> -> memref<1x64x128xf32, #tpu.memory_space<vmem>>
        %parallel_loop3A_232 = tpu.memref_squeeze %parallel_loop3A_231 : memref<1x64x128xf32, #tpu.memory_space<vmem>> -> memref<64x128xf32, #tpu.memory_space<vmem>>
        %parallel_loop3A_233 = tpu.vector_load_idx %parallel_loop3A_232[%parallel_loop3A_228, %add3A_149] : memref<64x128xf32, #tpu.memory_space<vmem>>[vector<16xi32>, vector<16xi32>], vector<16xf32>,
        %parallel_loop3A_234 = tpu.pack_subelements %parallel_loop3A_222, %parallel_loop3A_233 {pack_format = #tpu.pack_format<interleaved>, positions = array<i32: 0, 1>} : vector<16xf32>, vector<16xf32> -> vector<32xbf16>
        %parallel_loop3A_235 = vector.bitcast %parallel_loop3A_234 : vector<32xbf16> to vector<16xi32>
        %parallel_loop3A_236 = arith.addi %mul3A_152, %parallel_loop3A_214 : vector<16xi32>
        %parallel_loop3A_237 = arith.constant 7 : i32
        %parallel_loop3A_238 = vector.broadcast %parallel_loop3A_237 : i32 to vector<16xi32>
        %parallel_loop3A_239 = arith.shrui %parallel_loop3A_236, %parallel_loop3A_238 : vector<16xi32>
        %parallel_loop3A_240 = arith.constant 127 : i32
        %parallel_loop3A_241 = vector.broadcast %parallel_loop3A_240 : i32 to vector<16xi32>
        %parallel_loop3A_242 = arith.andi %parallel_loop3A_236, %parallel_loop3A_241 : vector<16xi32>
        %parallel_loop3A_243 = arith.constant 0 : i32
        %parallel_loop3A_244 = arith.constant 0 : i32
        %parallel_loop3A_245 = tpu.memref_slice %arg6[%and3A_116, %parallel_loop3A_243, %parallel_loop3A_244] : memref<2x32x128xi32, #tpu.memory_space<vmem>> -> memref<1x32x128xi32, #tpu.memory_space<vmem>>
        %parallel_loop3A_246 = tpu.memref_squeeze %parallel_loop3A_245 : memref<1x32x128xi32, #tpu.memory_space<vmem>> -> memref<32x128xi32, #tpu.memory_space<vmem>>
        tpu.vector_store_idx %parallel_loop3A_246[%parallel_loop3A_239, %parallel_loop3A_242], %parallel_loop3A_235 : memref<32x128xi32, #tpu.memory_space<vmem>>[vector<16xi32>, vector<16xi32>], vector<16xi32>,
      } {sc.loop_unroll_factor = 4 : i64, sc.parallel_access}
      %add3A_156 = arith.constant 64 : i32
      %add3A_157 = vector.broadcast %add3A_156 : i32 to vector<16xi32>
      %add3A_158 = arith.addi %iota3A, %add3A_157 : vector<16xi32>
      %mul3A_159 = arith.constant 32 : i32
      %mul3A_160 = vector.broadcast %mul3A_159 : i32 to vector<16xi32>
      %mul3A_161 = arith.muli %add3A_158, %mul3A_160 : vector<16xi32>
      %parallel_loop3A_162 = arith.constant 0 : i32
      %parallel_loop3A_163 = arith.constant 32 : i32
      %parallel_loop3A_164 = arith.constant 1 : i32
      scf.for %parallel_loop3A_209 = %parallel_loop3A_162 to %parallel_loop3A_163 step %parallel_loop3A_164  : i32 {
        %parallel_loop3A_210 = vector.broadcast %parallel_loop3A_209 : i32 to vector<16xi32>
        %parallel_loop3A_211 = arith.addi %parallel_loop3A_210, %iota3A : vector<16xi32>
        %parallel_loop3A_212 = arith.constant 31 : i32
        %parallel_loop3A_213 = vector.broadcast %parallel_loop3A_212 : i32 to vector<16xi32>
        %parallel_loop3A_214 = arith.andi %parallel_loop3A_211, %parallel_loop3A_213 : vector<16xi32>
        %parallel_loop3A_215 = arith.constant 2 : i32
        %parallel_loop3A_216 = vector.broadcast %parallel_loop3A_215 : i32 to vector<16xi32>
        %parallel_loop3A_217 = arith.muli %parallel_loop3A_216, %parallel_loop3A_214 : vector<16xi32>
        %parallel_loop3A_218 = arith.constant 0 : i32
        %parallel_loop3A_219 = arith.constant 0 : i32
        %parallel_loop3A_220 = tpu.memref_slice %arg5[%select_n3A_89, %parallel_loop3A_218, %parallel_loop3A_219] : memref<4x64x128xf32, #tpu.memory_space<vmem>> -> memref<1x64x128xf32, #tpu.memory_space<vmem>>
        %parallel_loop3A_221 = tpu.memref_squeeze %parallel_loop3A_220 : memref<1x64x128xf32, #tpu.memory_space<vmem>> -> memref<64x128xf32, #tpu.memory_space<vmem>>
        %parallel_loop3A_222 = tpu.vector_load_idx %parallel_loop3A_221[%parallel_loop3A_217, %add3A_158] : memref<64x128xf32, #tpu.memory_space<vmem>>[vector<16xi32>, vector<16xi32>], vector<16xf32>,
        %parallel_loop3A_223 = arith.constant 2 : i32
        %parallel_loop3A_224 = vector.broadcast %parallel_loop3A_223 : i32 to vector<16xi32>
        %parallel_loop3A_225 = arith.muli %parallel_loop3A_224, %parallel_loop3A_214 : vector<16xi32>
        %parallel_loop3A_226 = arith.constant 1 : i32
        %parallel_loop3A_227 = vector.broadcast %parallel_loop3A_226 : i32 to vector<16xi32>
        %parallel_loop3A_228 = arith.addi %parallel_loop3A_225, %parallel_loop3A_227 : vector<16xi32>
        %parallel_loop3A_229 = arith.constant 0 : i32
        %parallel_loop3A_230 = arith.constant 0 : i32
        %parallel_loop3A_231 = tpu.memref_slice %arg5[%select_n3A_89, %parallel_loop3A_229, %parallel_loop3A_230] : memref<4x64x128xf32, #tpu.memory_space<vmem>> -> memref<1x64x128xf32, #tpu.memory_space<vmem>>
        %parallel_loop3A_232 = tpu.memref_squeeze %parallel_loop3A_231 : memref<1x64x128xf32, #tpu.memory_space<vmem>> -> memref<64x128xf32, #tpu.memory_space<vmem>>
        %parallel_loop3A_233 = tpu.vector_load_idx %parallel_loop3A_232[%parallel_loop3A_228, %add3A_158] : memref<64x128xf32, #tpu.memory_space<vmem>>[vector<16xi32>, vector<16xi32>], vector<16xf32>,
        %parallel_loop3A_234 = tpu.pack_subelements %parallel_loop3A_222, %parallel_loop3A_233 {pack_format = #tpu.pack_format<interleaved>, positions = array<i32: 0, 1>} : vector<16xf32>, vector<16xf32> -> vector<32xbf16>
        %parallel_loop3A_235 = vector.bitcast %parallel_loop3A_234 : vector<32xbf16> to vector<16xi32>
        %parallel_loop3A_236 = arith.addi %mul3A_161, %parallel_loop3A_214 : vector<16xi32>
        %parallel_loop3A_237 = arith.constant 7 : i32
        %parallel_loop3A_238 = vector.broadcast %parallel_loop3A_237 : i32 to vector<16xi32>
        %parallel_loop3A_239 = arith.shrui %parallel_loop3A_236, %parallel_loop3A_238 : vector<16xi32>
        %parallel_loop3A_240 = arith.constant 127 : i32
        %parallel_loop3A_241 = vector.broadcast %parallel_loop3A_240 : i32 to vector<16xi32>
        %parallel_loop3A_242 = arith.andi %parallel_loop3A_236, %parallel_loop3A_241 : vector<16xi32>
        %parallel_loop3A_243 = arith.constant 0 : i32
        %parallel_loop3A_244 = arith.constant 0 : i32
        %parallel_loop3A_245 = tpu.memref_slice %arg6[%and3A_116, %parallel_loop3A_243, %parallel_loop3A_244] : memref<2x32x128xi32, #tpu.memory_space<vmem>> -> memref<1x32x128xi32, #tpu.memory_space<vmem>>
        %parallel_loop3A_246 = tpu.memref_squeeze %parallel_loop3A_245 : memref<1x32x128xi32, #tpu.memory_space<vmem>> -> memref<32x128xi32, #tpu.memory_space<vmem>>
        tpu.vector_store_idx %parallel_loop3A_246[%parallel_loop3A_239, %parallel_loop3A_242], %parallel_loop3A_235 : memref<32x128xi32, #tpu.memory_space<vmem>>[vector<16xi32>, vector<16xi32>], vector<16xi32>,
      } {sc.loop_unroll_factor = 4 : i64, sc.parallel_access}
      %add3A_165 = arith.constant 80 : i32
      %add3A_166 = vector.broadcast %add3A_165 : i32 to vector<16xi32>
      %add3A_167 = arith.addi %iota3A, %add3A_166 : vector<16xi32>
      %mul3A_168 = arith.constant 32 : i32
      %mul3A_169 = vector.broadcast %mul3A_168 : i32 to vector<16xi32>
      %mul3A_170 = arith.muli %add3A_167, %mul3A_169 : vector<16xi32>
      %parallel_loop3A_171 = arith.constant 0 : i32
      %parallel_loop3A_172 = arith.constant 32 : i32
      %parallel_loop3A_173 = arith.constant 1 : i32
      scf.for %parallel_loop3A_209 = %parallel_loop3A_171 to %parallel_loop3A_172 step %parallel_loop3A_173  : i32 {
        %parallel_loop3A_210 = vector.broadcast %parallel_loop3A_209 : i32 to vector<16xi32>
        %parallel_loop3A_211 = arith.addi %parallel_loop3A_210, %iota3A : vector<16xi32>
        %parallel_loop3A_212 = arith.constant 31 : i32
        %parallel_loop3A_213 = vector.broadcast %parallel_loop3A_212 : i32 to vector<16xi32>
        %parallel_loop3A_214 = arith.andi %parallel_loop3A_211, %parallel_loop3A_213 : vector<16xi32>
        %parallel_loop3A_215 = arith.constant 2 : i32
        %parallel_loop3A_216 = vector.broadcast %parallel_loop3A_215 : i32 to vector<16xi32>
        %parallel_loop3A_217 = arith.muli %parallel_loop3A_216, %parallel_loop3A_214 : vector<16xi32>
        %parallel_loop3A_218 = arith.constant 0 : i32
        %parallel_loop3A_219 = arith.constant 0 : i32
        %parallel_loop3A_220 = tpu.memref_slice %arg5[%select_n3A_89, %parallel_loop3A_218, %parallel_loop3A_219] : memref<4x64x128xf32, #tpu.memory_space<vmem>> -> memref<1x64x128xf32, #tpu.memory_space<vmem>>
        %parallel_loop3A_221 = tpu.memref_squeeze %parallel_loop3A_220 : memref<1x64x128xf32, #tpu.memory_space<vmem>> -> memref<64x128xf32, #tpu.memory_space<vmem>>
        %parallel_loop3A_222 = tpu.vector_load_idx %parallel_loop3A_221[%parallel_loop3A_217, %add3A_167] : memref<64x128xf32, #tpu.memory_space<vmem>>[vector<16xi32>, vector<16xi32>], vector<16xf32>,
        %parallel_loop3A_223 = arith.constant 2 : i32
        %parallel_loop3A_224 = vector.broadcast %parallel_loop3A_223 : i32 to vector<16xi32>
        %parallel_loop3A_225 = arith.muli %parallel_loop3A_224, %parallel_loop3A_214 : vector<16xi32>
        %parallel_loop3A_226 = arith.constant 1 : i32
        %parallel_loop3A_227 = vector.broadcast %parallel_loop3A_226 : i32 to vector<16xi32>
        %parallel_loop3A_228 = arith.addi %parallel_loop3A_225, %parallel_loop3A_227 : vector<16xi32>
        %parallel_loop3A_229 = arith.constant 0 : i32
        %parallel_loop3A_230 = arith.constant 0 : i32
        %parallel_loop3A_231 = tpu.memref_slice %arg5[%select_n3A_89, %parallel_loop3A_229, %parallel_loop3A_230] : memref<4x64x128xf32, #tpu.memory_space<vmem>> -> memref<1x64x128xf32, #tpu.memory_space<vmem>>
        %parallel_loop3A_232 = tpu.memref_squeeze %parallel_loop3A_231 : memref<1x64x128xf32, #tpu.memory_space<vmem>> -> memref<64x128xf32, #tpu.memory_space<vmem>>
        %parallel_loop3A_233 = tpu.vector_load_idx %parallel_loop3A_232[%parallel_loop3A_228, %add3A_167] : memref<64x128xf32, #tpu.memory_space<vmem>>[vector<16xi32>, vector<16xi32>], vector<16xf32>,
        %parallel_loop3A_234 = tpu.pack_subelements %parallel_loop3A_222, %parallel_loop3A_233 {pack_format = #tpu.pack_format<interleaved>, positions = array<i32: 0, 1>} : vector<16xf32>, vector<16xf32> -> vector<32xbf16>
        %parallel_loop3A_235 = vector.bitcast %parallel_loop3A_234 : vector<32xbf16> to vector<16xi32>
        %parallel_loop3A_236 = arith.addi %mul3A_170, %parallel_loop3A_214 : vector<16xi32>
        %parallel_loop3A_237 = arith.constant 7 : i32
        %parallel_loop3A_238 = vector.broadcast %parallel_loop3A_237 : i32 to vector<16xi32>
        %parallel_loop3A_239 = arith.shrui %parallel_loop3A_236, %parallel_loop3A_238 : vector<16xi32>
        %parallel_loop3A_240 = arith.constant 127 : i32
        %parallel_loop3A_241 = vector.broadcast %parallel_loop3A_240 : i32 to vector<16xi32>
        %parallel_loop3A_242 = arith.andi %parallel_loop3A_236, %parallel_loop3A_241 : vector<16xi32>
        %parallel_loop3A_243 = arith.constant 0 : i32
        %parallel_loop3A_244 = arith.constant 0 : i32
        %parallel_loop3A_245 = tpu.memref_slice %arg6[%and3A_116, %parallel_loop3A_243, %parallel_loop3A_244] : memref<2x32x128xi32, #tpu.memory_space<vmem>> -> memref<1x32x128xi32, #tpu.memory_space<vmem>>
        %parallel_loop3A_246 = tpu.memref_squeeze %parallel_loop3A_245 : memref<1x32x128xi32, #tpu.memory_space<vmem>> -> memref<32x128xi32, #tpu.memory_space<vmem>>
        tpu.vector_store_idx %parallel_loop3A_246[%parallel_loop3A_239, %parallel_loop3A_242], %parallel_loop3A_235 : memref<32x128xi32, #tpu.memory_space<vmem>>[vector<16xi32>, vector<16xi32>], vector<16xi32>,
      } {sc.loop_unroll_factor = 4 : i64, sc.parallel_access}
      %add3A_174 = arith.constant 96 : i32
      %add3A_175 = vector.broadcast %add3A_174 : i32 to vector<16xi32>
      %add3A_176 = arith.addi %iota3A, %add3A_175 : vector<16xi32>
      %mul3A_177 = arith.constant 32 : i32
      %mul3A_178 = vector.broadcast %mul3A_177 : i32 to vector<16xi32>
      %mul3A_179 = arith.muli %add3A_176, %mul3A_178 : vector<16xi32>
      %parallel_loop3A_180 = arith.constant 0 : i32
      %parallel_loop3A_181 = arith.constant 32 : i32
      %parallel_loop3A_182 = arith.constant 1 : i32
      scf.for %parallel_loop3A_209 = %parallel_loop3A_180 to %parallel_loop3A_181 step %parallel_loop3A_182  : i32 {
        %parallel_loop3A_210 = vector.broadcast %parallel_loop3A_209 : i32 to vector<16xi32>
        %parallel_loop3A_211 = arith.addi %parallel_loop3A_210, %iota3A : vector<16xi32>
        %parallel_loop3A_212 = arith.constant 31 : i32
        %parallel_loop3A_213 = vector.broadcast %parallel_loop3A_212 : i32 to vector<16xi32>
        %parallel_loop3A_214 = arith.andi %parallel_loop3A_211, %parallel_loop3A_213 : vector<16xi32>
        %parallel_loop3A_215 = arith.constant 2 : i32
        %parallel_loop3A_216 = vector.broadcast %parallel_loop3A_215 : i32 to vector<16xi32>
        %parallel_loop3A_217 = arith.muli %parallel_loop3A_216, %parallel_loop3A_214 : vector<16xi32>
        %parallel_loop3A_218 = arith.constant 0 : i32
        %parallel_loop3A_219 = arith.constant 0 : i32
        %parallel_loop3A_220 = tpu.memref_slice %arg5[%select_n3A_89, %parallel_loop3A_218, %parallel_loop3A_219] : memref<4x64x128xf32, #tpu.memory_space<vmem>> -> memref<1x64x128xf32, #tpu.memory_space<vmem>>
        %parallel_loop3A_221 = tpu.memref_squeeze %parallel_loop3A_220 : memref<1x64x128xf32, #tpu.memory_space<vmem>> -> memref<64x128xf32, #tpu.memory_space<vmem>>
        %parallel_loop3A_222 = tpu.vector_load_idx %parallel_loop3A_221[%parallel_loop3A_217, %add3A_176] : memref<64x128xf32, #tpu.memory_space<vmem>>[vector<16xi32>, vector<16xi32>], vector<16xf32>,
        %parallel_loop3A_223 = arith.constant 2 : i32
        %parallel_loop3A_224 = vector.broadcast %parallel_loop3A_223 : i32 to vector<16xi32>
        %parallel_loop3A_225 = arith.muli %parallel_loop3A_224, %parallel_loop3A_214 : vector<16xi32>
        %parallel_loop3A_226 = arith.constant 1 : i32
        %parallel_loop3A_227 = vector.broadcast %parallel_loop3A_226 : i32 to vector<16xi32>
        %parallel_loop3A_228 = arith.addi %parallel_loop3A_225, %parallel_loop3A_227 : vector<16xi32>
        %parallel_loop3A_229 = arith.constant 0 : i32
        %parallel_loop3A_230 = arith.constant 0 : i32
        %parallel_loop3A_231 = tpu.memref_slice %arg5[%select_n3A_89, %parallel_loop3A_229, %parallel_loop3A_230] : memref<4x64x128xf32, #tpu.memory_space<vmem>> -> memref<1x64x128xf32, #tpu.memory_space<vmem>>
        %parallel_loop3A_232 = tpu.memref_squeeze %parallel_loop3A_231 : memref<1x64x128xf32, #tpu.memory_space<vmem>> -> memref<64x128xf32, #tpu.memory_space<vmem>>
        %parallel_loop3A_233 = tpu.vector_load_idx %parallel_loop3A_232[%parallel_loop3A_228, %add3A_176] : memref<64x128xf32, #tpu.memory_space<vmem>>[vector<16xi32>, vector<16xi32>], vector<16xf32>,
        %parallel_loop3A_234 = tpu.pack_subelements %parallel_loop3A_222, %parallel_loop3A_233 {pack_format = #tpu.pack_format<interleaved>, positions = array<i32: 0, 1>} : vector<16xf32>, vector<16xf32> -> vector<32xbf16>
        %parallel_loop3A_235 = vector.bitcast %parallel_loop3A_234 : vector<32xbf16> to vector<16xi32>
        %parallel_loop3A_236 = arith.addi %mul3A_179, %parallel_loop3A_214 : vector<16xi32>
        %parallel_loop3A_237 = arith.constant 7 : i32
        %parallel_loop3A_238 = vector.broadcast %parallel_loop3A_237 : i32 to vector<16xi32>
        %parallel_loop3A_239 = arith.shrui %parallel_loop3A_236, %parallel_loop3A_238 : vector<16xi32>
        %parallel_loop3A_240 = arith.constant 127 : i32
        %parallel_loop3A_241 = vector.broadcast %parallel_loop3A_240 : i32 to vector<16xi32>
        %parallel_loop3A_242 = arith.andi %parallel_loop3A_236, %parallel_loop3A_241 : vector<16xi32>
        %parallel_loop3A_243 = arith.constant 0 : i32
        %parallel_loop3A_244 = arith.constant 0 : i32
        %parallel_loop3A_245 = tpu.memref_slice %arg6[%and3A_116, %parallel_loop3A_243, %parallel_loop3A_244] : memref<2x32x128xi32, #tpu.memory_space<vmem>> -> memref<1x32x128xi32, #tpu.memory_space<vmem>>
        %parallel_loop3A_246 = tpu.memref_squeeze %parallel_loop3A_245 : memref<1x32x128xi32, #tpu.memory_space<vmem>> -> memref<32x128xi32, #tpu.memory_space<vmem>>
        tpu.vector_store_idx %parallel_loop3A_246[%parallel_loop3A_239, %parallel_loop3A_242], %parallel_loop3A_235 : memref<32x128xi32, #tpu.memory_space<vmem>>[vector<16xi32>, vector<16xi32>], vector<16xi32>,
      } {sc.loop_unroll_factor = 4 : i64, sc.parallel_access}
      %add3A_183 = arith.constant 112 : i32
      %add3A_184 = vector.broadcast %add3A_183 : i32 to vector<16xi32>
      %add3A_185 = arith.addi %iota3A, %add3A_184 : vector<16xi32>
      %mul3A_186 = arith.constant 32 : i32
      %mul3A_187 = vector.broadcast %mul3A_186 : i32 to vector<16xi32>
      %mul3A_188 = arith.muli %add3A_185, %mul3A_187 : vector<16xi32>
      %parallel_loop3A_189 = arith.constant 0 : i32
      %parallel_loop3A_190 = arith.constant 32 : i32
      %parallel_loop3A_191 = arith.constant 1 : i32
      scf.for %parallel_loop3A_209 = %parallel_loop3A_189 to %parallel_loop3A_190 step %parallel_loop3A_191  : i32 {
        %parallel_loop3A_210 = vector.broadcast %parallel_loop3A_209 : i32 to vector<16xi32>
        %parallel_loop3A_211 = arith.addi %parallel_loop3A_210, %iota3A : vector<16xi32>
        %parallel_loop3A_212 = arith.constant 31 : i32
        %parallel_loop3A_213 = vector.broadcast %parallel_loop3A_212 : i32 to vector<16xi32>
        %parallel_loop3A_214 = arith.andi %parallel_loop3A_211, %parallel_loop3A_213 : vector<16xi32>
        %parallel_loop3A_215 = arith.constant 2 : i32
        %parallel_loop3A_216 = vector.broadcast %parallel_loop3A_215 : i32 to vector<16xi32>
        %parallel_loop3A_217 = arith.muli %parallel_loop3A_216, %parallel_loop3A_214 : vector<16xi32>
        %parallel_loop3A_218 = arith.constant 0 : i32
        %parallel_loop3A_219 = arith.constant 0 : i32
        %parallel_loop3A_220 = tpu.memref_slice %arg5[%select_n3A_89, %parallel_loop3A_218, %parallel_loop3A_219] : memref<4x64x128xf32, #tpu.memory_space<vmem>> -> memref<1x64x128xf32, #tpu.memory_space<vmem>>
        %parallel_loop3A_221 = tpu.memref_squeeze %parallel_loop3A_220 : memref<1x64x128xf32, #tpu.memory_space<vmem>> -> memref<64x128xf32, #tpu.memory_space<vmem>>
        %parallel_loop3A_222 = tpu.vector_load_idx %parallel_loop3A_221[%parallel_loop3A_217, %add3A_185] : memref<64x128xf32, #tpu.memory_space<vmem>>[vector<16xi32>, vector<16xi32>], vector<16xf32>,
        %parallel_loop3A_223 = arith.constant 2 : i32
        %parallel_loop3A_224 = vector.broadcast %parallel_loop3A_223 : i32 to vector<16xi32>
        %parallel_loop3A_225 = arith.muli %parallel_loop3A_224, %parallel_loop3A_214 : vector<16xi32>
        %parallel_loop3A_226 = arith.constant 1 : i32
        %parallel_loop3A_227 = vector.broadcast %parallel_loop3A_226 : i32 to vector<16xi32>
        %parallel_loop3A_228 = arith.addi %parallel_loop3A_225, %parallel_loop3A_227 : vector<16xi32>
        %parallel_loop3A_229 = arith.constant 0 : i32
        %parallel_loop3A_230 = arith.constant 0 : i32
        %parallel_loop3A_231 = tpu.memref_slice %arg5[%select_n3A_89, %parallel_loop3A_229, %parallel_loop3A_230] : memref<4x64x128xf32, #tpu.memory_space<vmem>> -> memref<1x64x128xf32, #tpu.memory_space<vmem>>
        %parallel_loop3A_232 = tpu.memref_squeeze %parallel_loop3A_231 : memref<1x64x128xf32, #tpu.memory_space<vmem>> -> memref<64x128xf32, #tpu.memory_space<vmem>>
        %parallel_loop3A_233 = tpu.vector_load_idx %parallel_loop3A_232[%parallel_loop3A_228, %add3A_185] : memref<64x128xf32, #tpu.memory_space<vmem>>[vector<16xi32>, vector<16xi32>], vector<16xf32>,
        %parallel_loop3A_234 = tpu.pack_subelements %parallel_loop3A_222, %parallel_loop3A_233 {pack_format = #tpu.pack_format<interleaved>, positions = array<i32: 0, 1>} : vector<16xf32>, vector<16xf32> -> vector<32xbf16>
        %parallel_loop3A_235 = vector.bitcast %parallel_loop3A_234 : vector<32xbf16> to vector<16xi32>
        %parallel_loop3A_236 = arith.addi %mul3A_188, %parallel_loop3A_214 : vector<16xi32>
        %parallel_loop3A_237 = arith.constant 7 : i32
        %parallel_loop3A_238 = vector.broadcast %parallel_loop3A_237 : i32 to vector<16xi32>
        %parallel_loop3A_239 = arith.shrui %parallel_loop3A_236, %parallel_loop3A_238 : vector<16xi32>
        %parallel_loop3A_240 = arith.constant 127 : i32
        %parallel_loop3A_241 = vector.broadcast %parallel_loop3A_240 : i32 to vector<16xi32>
        %parallel_loop3A_242 = arith.andi %parallel_loop3A_236, %parallel_loop3A_241 : vector<16xi32>
        %parallel_loop3A_243 = arith.constant 0 : i32
        %parallel_loop3A_244 = arith.constant 0 : i32
        %parallel_loop3A_245 = tpu.memref_slice %arg6[%and3A_116, %parallel_loop3A_243, %parallel_loop3A_244] : memref<2x32x128xi32, #tpu.memory_space<vmem>> -> memref<1x32x128xi32, #tpu.memory_space<vmem>>
        %parallel_loop3A_246 = tpu.memref_squeeze %parallel_loop3A_245 : memref<1x32x128xi32, #tpu.memory_space<vmem>> -> memref<32x128xi32, #tpu.memory_space<vmem>>
        tpu.vector_store_idx %parallel_loop3A_246[%parallel_loop3A_239, %parallel_loop3A_242], %parallel_loop3A_235 : memref<32x128xi32, #tpu.memory_space<vmem>>[vector<16xi32>, vector<16xi32>], vector<16xi32>,
      } {sc.loop_unroll_factor = 4 : i64, sc.parallel_access}
      %mul3A_192 = arith.constant 32 : i32
      %mul3A_193 = arith.muli %add3A_92, %mul3A_192 : i32
      %multiple_of3A_194 = tpu.assume_multiple %mul3A_193, 32 : i32
      %dma_start3A_195 = arith.constant 0 : i32
      %dma_start3A_196 = arith.constant 0 : i32
      %dma_start3A_197 = tpu.memref_slice %arg6[%and3A_116, %dma_start3A_195, %dma_start3A_196] : memref<2x32x128xi32, #tpu.memory_space<vmem>> -> memref<1x32x128xi32, #tpu.memory_space<vmem>>
      %dma_start3A_198 = tpu.memref_squeeze %dma_start3A_197 : memref<1x32x128xi32, #tpu.memory_space<vmem>> -> memref<32x128xi32, #tpu.memory_space<vmem>>
      %dma_start3A_199 = arith.constant 0 : i32
      %dma_start3A_200 = tpu.memref_slice %arg4[%multiple_of3A_194, %dma_start3A_199] : memref<250000x128xi32, #tpu.memory_space<hbm>> -> memref<32x128xi32, #tpu.memory_space<hbm>>
      %dma_start3A_201 = tpu.memref_slice %arg8[%and3A_116] : memref<2x!tpu.dma_semaphore, #tpu.memory_space<semaphore_mem>> -> memref<1x!tpu.dma_semaphore, #tpu.memory_space<semaphore_mem>>
      %dma_start3A_202 = tpu.memref_squeeze %dma_start3A_201 : memref<1x!tpu.dma_semaphore, #tpu.memory_space<semaphore_mem>> -> memref<!tpu.dma_semaphore, #tpu.memory_space<semaphore_mem>>
      %dma_start3A_203 = arith.constant 0 : i32
      %dma_start3A_204 = tpu.memref_slice %arg4[%multiple_of3A_194, %dma_start3A_203] : memref<250000x128xi32, #tpu.memory_space<hbm>> -> memref<32x128xi32, #tpu.memory_space<hbm>>
      %dma_start3A_205 = arith.constant 0 : i32
      %dma_start3A_206 = arith.constant 0 : i32
      %dma_start3A_207 = tpu.memref_slice %arg6[%and3A_116, %dma_start3A_205, %dma_start3A_206] : memref<2x32x128xi32, #tpu.memory_space<vmem>> -> memref<1x32x128xi32, #tpu.memory_space<vmem>>
      %dma_start3A_208 = tpu.memref_squeeze %dma_start3A_207 : memref<1x32x128xi32, #tpu.memory_space<vmem>> -> memref<32x128xi32, #tpu.memory_space<vmem>>
      tpu.enqueue_dma source(%dma_start3A_208 : memref<32x128xi32, #tpu.memory_space<vmem>>) target(%dma_start3A_204 : memref<32x128xi32, #tpu.memory_space<hbm>>) target_semaphore(%dma_start3A_202 : memref<!tpu.dma_semaphore, #tpu.memory_space<semaphore_mem>>)
    }
    %while3A_36 = arith.constant 1 : i32
    scf.for %while3A_76 = %while3A_34 to %while3A_30 step %while3A_36  : i32 {
      %jit3A_77 = arith.constant 4 : i32
      %eq3A_78 = arith.constant 0 : i32
      %eq3A_79 = arith.cmpi eq, %jit3A_77, %eq3A_78 : i32
      %jit3A_80 = arith.constant 1 : i32
      %select_n3A_81 = arith.select %eq3A_79, %jit3A_80, %jit3A_77 : i32
      %rem3A = arith.remsi %while3A_76, %select_n3A_81 : i32
      %ne3A = arith.constant 0 : i32
      %ne3A_82 = arith.cmpi ne, %rem3A, %ne3A : i32
      %lt3A_83 = arith.constant 0 : i32
      %lt3A_84 = arith.cmpi slt, %rem3A, %lt3A_83 : i32
      %lt3A_85 = arith.constant 0 : i32
      %lt3A_86 = arith.cmpi slt, %select_n3A_81, %lt3A_85 : i32
      %ne3A_87 = arith.xori %lt3A_84, %lt3A_86 : i1
      %and3A = arith.andi %ne3A_87, %ne3A_82 : i1
      %add3A_88 = arith.addi %rem3A, %select_n3A_81 : i32
      %select_n3A_89 = arith.select %and3A, %add3A_88, %rem3A : i32
      %mul3A_90 = arith.constant 32 : i32
      %mul3A_91 = arith.muli %while3A_76, %mul3A_90 : i32
      %add3A_92 = arith.addi %add3A, %mul3A_91 : i32
      %add3A_93 = arith.constant 3 : i32
      %add3A_94 = arith.addi %while3A_76, %add3A_93 : i32
      %lt3A_95 = arith.cmpi slt, %add3A_94, %select_n3A : i32
      %convert_element_type3A_96 = arith.extui %lt3A_95 : i1 to i32
      %cond3A_97 = arith.constant 0 : i32
      %cond3A_98 = arith.cmpi ne, %convert_element_type3A_96, %cond3A_97 : i32
      scf.if %cond3A_98 {
        %add3A_209 = arith.constant 3 : i32
        %add3A_210 = arith.addi %while3A_76, %add3A_209 : i32
        %add3A_211 = arith.constant 3 : i32
        %add3A_212 = arith.addi %while3A_76, %add3A_211 : i32
        %jit3A_213 = arith.constant 4 : i32
        %eq3A_214 = arith.constant 0 : i32
        %eq3A_215 = arith.cmpi eq, %jit3A_213, %eq3A_214 : i32
        %jit3A_216 = arith.constant 1 : i32
        %select_n3A_217 = arith.select %eq3A_215, %jit3A_216, %jit3A_213 : i32
        %rem3A_218 = arith.remsi %add3A_212, %select_n3A_217 : i32
        %ne3A_219 = arith.constant 0 : i32
        %ne3A_220 = arith.cmpi ne, %rem3A_218, %ne3A_219 : i32
        %lt3A_221 = arith.constant 0 : i32
        %lt3A_222 = arith.cmpi slt, %rem3A_218, %lt3A_221 : i32
        %lt3A_223 = arith.constant 0 : i32
        %lt3A_224 = arith.cmpi slt, %select_n3A_217, %lt3A_223 : i32
        %ne3A_225 = arith.xori %lt3A_222, %lt3A_224 : i1
        %and3A_226 = arith.andi %ne3A_225, %ne3A_220 : i1
        %add3A_227 = arith.addi %rem3A_218, %select_n3A_217 : i32
        %select_n3A_228 = arith.select %and3A_226, %add3A_227, %rem3A_218 : i32
        %mul3A_229 = arith.constant 32 : i32
        %mul3A_230 = arith.muli %add3A_210, %mul3A_229 : i32
        %add3A_231 = arith.addi %add3A, %mul3A_230 : i32
        %mul3A_232 = arith.constant 128 : i32
        %mul3A_233 = arith.muli %add3A_231, %mul3A_232 : i32
        %multiple_of3A_234 = tpu.assume_multiple %mul3A_233, 128 : i32
        %dma_start3A_235 = arith.constant 0 : i32
        %dma_start3A_236 = arith.constant 0 : i32
        %dma_start3A_237 = tpu.memref_slice %arg5[%select_n3A_228, %dma_start3A_235, %dma_start3A_236] : memref<4x64x128xf32, #tpu.memory_space<vmem>> -> memref<1x64x128xf32, #tpu.memory_space<vmem>>
        %dma_start3A_238 = tpu.memref_squeeze %dma_start3A_237 : memref<1x64x128xf32, #tpu.memory_space<vmem>> -> memref<64x128xf32, #tpu.memory_space<vmem>>
        %dma_start3A_239 = arith.constant 0 : i32
        %dma_start3A_240 = tpu.memref_slice %arg2[%dma_start3A_239, %multiple_of3A_234] : memref<64x1000000xf32, #tpu.memory_space<hbm>> -> memref<64x128xf32, #tpu.memory_space<hbm>>
        %dma_start3A_241 = tpu.memref_slice %arg7[%select_n3A_228] : memref<4x!tpu.dma_semaphore, #tpu.memory_space<semaphore_mem>> -> memref<1x!tpu.dma_semaphore, #tpu.memory_space<semaphore_mem>>
        %dma_start3A_242 = tpu.memref_squeeze %dma_start3A_241 : memref<1x!tpu.dma_semaphore, #tpu.memory_space<semaphore_mem>> -> memref<!tpu.dma_semaphore, #tpu.memory_space<semaphore_mem>>
        %dma_start3A_243 = arith.constant 0 : i32
        %dma_start3A_244 = arith.constant 0 : i32
        %dma_start3A_245 = tpu.memref_slice %arg5[%select_n3A_228, %dma_start3A_243, %dma_start3A_244] : memref<4x64x128xf32, #tpu.memory_space<vmem>> -> memref<1x64x128xf32, #tpu.memory_space<vmem>>
        %dma_start3A_246 = tpu.memref_squeeze %dma_start3A_245 : memref<1x64x128xf32, #tpu.memory_space<vmem>> -> memref<64x128xf32, #tpu.memory_space<vmem>>
        %dma_start3A_247 = arith.constant 0 : i32
        %dma_start3A_248 = tpu.memref_slice %arg2[%dma_start3A_247, %multiple_of3A_234] : memref<64x1000000xf32, #tpu.memory_space<hbm>> -> memref<64x128xf32, #tpu.memory_space<hbm>>
        tpu.enqueue_dma source(%dma_start3A_248 : memref<64x128xf32, #tpu.memory_space<hbm>>) target(%dma_start3A_246 : memref<64x128xf32, #tpu.memory_space<vmem>>) target_semaphore(%dma_start3A_242 : memref<!tpu.dma_semaphore, #tpu.memory_space<semaphore_mem>>)
      } else {
      }
      %dma_wait3A_99 = arith.constant 0 : i32
      %dma_wait3A_100 = arith.constant 0 : i32
      %dma_wait3A_101 = tpu.memref_slice %arg5[%select_n3A_89, %dma_wait3A_99, %dma_wait3A_100] : memref<4x64x128xf32, #tpu.memory_space<vmem>> -> memref<1x64x128xf32, #tpu.memory_space<vmem>>
      %dma_wait3A_102 = tpu.memref_squeeze %dma_wait3A_101 : memref<1x64x128xf32, #tpu.memory_space<vmem>> -> memref<64x128xf32, #tpu.memory_space<vmem>>
      %dma_wait3A_103 = arith.constant 0 : i32
      %dma_wait3A_104 = arith.constant 0 : i32
      %dma_wait3A_105 = tpu.memref_slice %arg2[%dma_wait3A_103, %dma_wait3A_104] : memref<64x1000000xf32, #tpu.memory_space<hbm>> -> memref<64x128xf32, #tpu.memory_space<hbm>>
      %dma_wait3A_106 = tpu.memref_slice %arg7[%select_n3A_89] : memref<4x!tpu.dma_semaphore, #tpu.memory_space<semaphore_mem>> -> memref<1x!tpu.dma_semaphore, #tpu.memory_space<semaphore_mem>>
      %dma_wait3A_107 = tpu.memref_squeeze %dma_wait3A_106 : memref<1x!tpu.dma_semaphore, #tpu.memory_space<semaphore_mem>> -> memref<!tpu.dma_semaphore, #tpu.memory_space<semaphore_mem>>
      %dma_wait3A_108 = arith.constant 0 : i32
      %dma_wait3A_109 = arith.constant 0 : i32
      %dma_wait3A_110 = tpu.memref_slice %arg5[%select_n3A_89, %dma_wait3A_108, %dma_wait3A_109] : memref<4x64x128xf32, #tpu.memory_space<vmem>> -> memref<1x64x128xf32, #tpu.memory_space<vmem>>
      %dma_wait3A_111 = tpu.memref_squeeze %dma_wait3A_110 : memref<1x64x128xf32, #tpu.memory_space<vmem>> -> memref<64x128xf32, #tpu.memory_space<vmem>>
      %dma_wait3A_112 = arith.constant 0 : i32
      %dma_wait3A_113 = arith.constant 0 : i32
      %dma_wait3A_114 = tpu.memref_slice %arg2[%dma_wait3A_112, %dma_wait3A_113] : memref<64x1000000xf32, #tpu.memory_space<hbm>> -> memref<64x128xf32, #tpu.memory_space<hbm>>
      tpu.wait_dma2 semaphore(%dma_wait3A_107 : memref<!tpu.dma_semaphore, #tpu.memory_space<semaphore_mem>>) src(%dma_wait3A_114 : memref<64x128xf32, #tpu.memory_space<hbm>>) dst(%dma_wait3A_111 : memref<64x128xf32, #tpu.memory_space<vmem>>)
      %and3A_115 = arith.constant 1 : i32
      %and3A_116 = arith.andi %while3A_76, %and3A_115 : i32
      %ge3A = arith.constant 2 : i32
      %ge3A_117 = arith.cmpi sge, %while3A_76, %ge3A : i32
      %convert_element_type3A_118 = arith.extui %ge3A_117 : i1 to i32
      %cond3A_119 = arith.constant 0 : i32
      %cond3A_120 = arith.cmpi ne, %convert_element_type3A_118, %cond3A_119 : i32
      scf.if %cond3A_120 {
        %dma_wait3A_209 = arith.constant 0 : i32
        %dma_wait3A_210 = arith.constant 0 : i32
        %dma_wait3A_211 = tpu.memref_slice %arg6[%and3A_116, %dma_wait3A_209, %dma_wait3A_210] : memref<2x32x128xi32, #tpu.memory_space<vmem>> -> memref<1x32x128xi32, #tpu.memory_space<vmem>>
        %dma_wait3A_212 = tpu.memref_squeeze %dma_wait3A_211 : memref<1x32x128xi32, #tpu.memory_space<vmem>> -> memref<32x128xi32, #tpu.memory_space<vmem>>
        %dma_wait3A_213 = arith.constant 0 : i32
        %dma_wait3A_214 = arith.constant 0 : i32
        %dma_wait3A_215 = tpu.memref_slice %arg4[%dma_wait3A_213, %dma_wait3A_214] : memref<250000x128xi32, #tpu.memory_space<hbm>> -> memref<32x128xi32, #tpu.memory_space<hbm>>
        %dma_wait3A_216 = tpu.memref_slice %arg8[%and3A_116] : memref<2x!tpu.dma_semaphore, #tpu.memory_space<semaphore_mem>> -> memref<1x!tpu.dma_semaphore, #tpu.memory_space<semaphore_mem>>
        %dma_wait3A_217 = tpu.memref_squeeze %dma_wait3A_216 : memref<1x!tpu.dma_semaphore, #tpu.memory_space<semaphore_mem>> -> memref<!tpu.dma_semaphore, #tpu.memory_space<semaphore_mem>>
        %dma_wait3A_218 = arith.constant 0 : i32
        %dma_wait3A_219 = arith.constant 0 : i32
        %dma_wait3A_220 = tpu.memref_slice %arg6[%and3A_116, %dma_wait3A_218, %dma_wait3A_219] : memref<2x32x128xi32, #tpu.memory_space<vmem>> -> memref<1x32x128xi32, #tpu.memory_space<vmem>>
        %dma_wait3A_221 = tpu.memref_squeeze %dma_wait3A_220 : memref<1x32x128xi32, #tpu.memory_space<vmem>> -> memref<32x128xi32, #tpu.memory_space<vmem>>
        %dma_wait3A_222 = arith.constant 0 : i32
        %dma_wait3A_223 = arith.constant 0 : i32
        %dma_wait3A_224 = tpu.memref_slice %arg4[%dma_wait3A_222, %dma_wait3A_223] : memref<250000x128xi32, #tpu.memory_space<hbm>> -> memref<32x128xi32, #tpu.memory_space<hbm>>
        tpu.wait_dma2 semaphore(%dma_wait3A_217 : memref<!tpu.dma_semaphore, #tpu.memory_space<semaphore_mem>>) src(%dma_wait3A_224 : memref<32x128xi32, #tpu.memory_space<hbm>>) dst(%dma_wait3A_221 : memref<32x128xi32, #tpu.memory_space<vmem>>)
      } else {
      }
      %add3A_121 = arith.constant 0 : i32
      %add3A_122 = vector.broadcast %add3A_121 : i32 to vector<16xi32>
      %add3A_123 = arith.addi %iota3A, %add3A_122 : vector<16xi32>
      %mul3A_124 = arith.constant 32 : i32
      %mul3A_125 = vector.broadcast %mul3A_124 : i32 to vector<16xi32>
      %mul3A_126 = arith.muli %add3A_123, %mul3A_125 : vector<16xi32>
      %parallel_loop3A = arith.constant 0 : i32
      %parallel_loop3A_127 = arith.constant 32 : i32
      %parallel_loop3A_128 = arith.constant 1 : i32
      scf.for %parallel_loop3A_209 = %parallel_loop3A to %parallel_loop3A_127 step %parallel_loop3A_128  : i32 {
        %parallel_loop3A_210 = vector.broadcast %parallel_loop3A_209 : i32 to vector<16xi32>
        %parallel_loop3A_211 = arith.addi %parallel_loop3A_210, %iota3A : vector<16xi32>
        %parallel_loop3A_212 = arith.constant 31 : i32
        %parallel_loop3A_213 = vector.broadcast %parallel_loop3A_212 : i32 to vector<16xi32>
        %parallel_loop3A_214 = arith.andi %parallel_loop3A_211, %parallel_loop3A_213 : vector<16xi32>
        %parallel_loop3A_215 = arith.constant 2 : i32
        %parallel_loop3A_216 = vector.broadcast %parallel_loop3A_215 : i32 to vector<16xi32>
        %parallel_loop3A_217 = arith.muli %parallel_loop3A_216, %parallel_loop3A_214 : vector<16xi32>
        %parallel_loop3A_218 = arith.constant 0 : i32
        %parallel_loop3A_219 = arith.constant 0 : i32
        %parallel_loop3A_220 = tpu.memref_slice %arg5[%select_n3A_89, %parallel_loop3A_218, %parallel_loop3A_219] : memref<4x64x128xf32, #tpu.memory_space<vmem>> -> memref<1x64x128xf32, #tpu.memory_space<vmem>>
        %parallel_loop3A_221 = tpu.memref_squeeze %parallel_loop3A_220 : memref<1x64x128xf32, #tpu.memory_space<vmem>> -> memref<64x128xf32, #tpu.memory_space<vmem>>
        %parallel_loop3A_222 = tpu.vector_load_idx %parallel_loop3A_221[%parallel_loop3A_217, %add3A_123] : memref<64x128xf32, #tpu.memory_space<vmem>>[vector<16xi32>, vector<16xi32>], vector<16xf32>,
        %parallel_loop3A_223 = arith.constant 2 : i32
        %parallel_loop3A_224 = vector.broadcast %parallel_loop3A_223 : i32 to vector<16xi32>
        %parallel_loop3A_225 = arith.muli %parallel_loop3A_224, %parallel_loop3A_214 : vector<16xi32>
        %parallel_loop3A_226 = arith.constant 1 : i32
        %parallel_loop3A_227 = vector.broadcast %parallel_loop3A_226 : i32 to vector<16xi32>
        %parallel_loop3A_228 = arith.addi %parallel_loop3A_225, %parallel_loop3A_227 : vector<16xi32>
        %parallel_loop3A_229 = arith.constant 0 : i32
        %parallel_loop3A_230 = arith.constant 0 : i32
        %parallel_loop3A_231 = tpu.memref_slice %arg5[%select_n3A_89, %parallel_loop3A_229, %parallel_loop3A_230] : memref<4x64x128xf32, #tpu.memory_space<vmem>> -> memref<1x64x128xf32, #tpu.memory_space<vmem>>
        %parallel_loop3A_232 = tpu.memref_squeeze %parallel_loop3A_231 : memref<1x64x128xf32, #tpu.memory_space<vmem>> -> memref<64x128xf32, #tpu.memory_space<vmem>>
        %parallel_loop3A_233 = tpu.vector_load_idx %parallel_loop3A_232[%parallel_loop3A_228, %add3A_123] : memref<64x128xf32, #tpu.memory_space<vmem>>[vector<16xi32>, vector<16xi32>], vector<16xf32>,
        %parallel_loop3A_234 = tpu.pack_subelements %parallel_loop3A_222, %parallel_loop3A_233 {pack_format = #tpu.pack_format<interleaved>, positions = array<i32: 0, 1>} : vector<16xf32>, vector<16xf32> -> vector<32xbf16>
        %parallel_loop3A_235 = vector.bitcast %parallel_loop3A_234 : vector<32xbf16> to vector<16xi32>
        %parallel_loop3A_236 = arith.addi %mul3A_126, %parallel_loop3A_214 : vector<16xi32>
        %parallel_loop3A_237 = arith.constant 7 : i32
        %parallel_loop3A_238 = vector.broadcast %parallel_loop3A_237 : i32 to vector<16xi32>
        %parallel_loop3A_239 = arith.shrui %parallel_loop3A_236, %parallel_loop3A_238 : vector<16xi32>
        %parallel_loop3A_240 = arith.constant 127 : i32
        %parallel_loop3A_241 = vector.broadcast %parallel_loop3A_240 : i32 to vector<16xi32>
        %parallel_loop3A_242 = arith.andi %parallel_loop3A_236, %parallel_loop3A_241 : vector<16xi32>
        %parallel_loop3A_243 = arith.constant 0 : i32
        %parallel_loop3A_244 = arith.constant 0 : i32
        %parallel_loop3A_245 = tpu.memref_slice %arg6[%and3A_116, %parallel_loop3A_243, %parallel_loop3A_244] : memref<2x32x128xi32, #tpu.memory_space<vmem>> -> memref<1x32x128xi32, #tpu.memory_space<vmem>>
        %parallel_loop3A_246 = tpu.memref_squeeze %parallel_loop3A_245 : memref<1x32x128xi32, #tpu.memory_space<vmem>> -> memref<32x128xi32, #tpu.memory_space<vmem>>
        tpu.vector_store_idx %parallel_loop3A_246[%parallel_loop3A_239, %parallel_loop3A_242], %parallel_loop3A_235 : memref<32x128xi32, #tpu.memory_space<vmem>>[vector<16xi32>, vector<16xi32>], vector<16xi32>,
      } {sc.loop_unroll_factor = 4 : i64, sc.parallel_access}
      %add3A_129 = arith.constant 16 : i32
      %add3A_130 = vector.broadcast %add3A_129 : i32 to vector<16xi32>
      %add3A_131 = arith.addi %iota3A, %add3A_130 : vector<16xi32>
      %mul3A_132 = arith.constant 32 : i32
      %mul3A_133 = vector.broadcast %mul3A_132 : i32 to vector<16xi32>
      %mul3A_134 = arith.muli %add3A_131, %mul3A_133 : vector<16xi32>
      %parallel_loop3A_135 = arith.constant 0 : i32
      %parallel_loop3A_136 = arith.constant 32 : i32
      %parallel_loop3A_137 = arith.constant 1 : i32
      scf.for %parallel_loop3A_209 = %parallel_loop3A_135 to %parallel_loop3A_136 step %parallel_loop3A_137  : i32 {
        %parallel_loop3A_210 = vector.broadcast %parallel_loop3A_209 : i32 to vector<16xi32>
        %parallel_loop3A_211 = arith.addi %parallel_loop3A_210, %iota3A : vector<16xi32>
        %parallel_loop3A_212 = arith.constant 31 : i32
        %parallel_loop3A_213 = vector.broadcast %parallel_loop3A_212 : i32 to vector<16xi32>
        %parallel_loop3A_214 = arith.andi %parallel_loop3A_211, %parallel_loop3A_213 : vector<16xi32>
        %parallel_loop3A_215 = arith.constant 2 : i32
        %parallel_loop3A_216 = vector.broadcast %parallel_loop3A_215 : i32 to vector<16xi32>
        %parallel_loop3A_217 = arith.muli %parallel_loop3A_216, %parallel_loop3A_214 : vector<16xi32>
        %parallel_loop3A_218 = arith.constant 0 : i32
        %parallel_loop3A_219 = arith.constant 0 : i32
        %parallel_loop3A_220 = tpu.memref_slice %arg5[%select_n3A_89, %parallel_loop3A_218, %parallel_loop3A_219] : memref<4x64x128xf32, #tpu.memory_space<vmem>> -> memref<1x64x128xf32, #tpu.memory_space<vmem>>
        %parallel_loop3A_221 = tpu.memref_squeeze %parallel_loop3A_220 : memref<1x64x128xf32, #tpu.memory_space<vmem>> -> memref<64x128xf32, #tpu.memory_space<vmem>>
        %parallel_loop3A_222 = tpu.vector_load_idx %parallel_loop3A_221[%parallel_loop3A_217, %add3A_131] : memref<64x128xf32, #tpu.memory_space<vmem>>[vector<16xi32>, vector<16xi32>], vector<16xf32>,
        %parallel_loop3A_223 = arith.constant 2 : i32
        %parallel_loop3A_224 = vector.broadcast %parallel_loop3A_223 : i32 to vector<16xi32>
        %parallel_loop3A_225 = arith.muli %parallel_loop3A_224, %parallel_loop3A_214 : vector<16xi32>
        %parallel_loop3A_226 = arith.constant 1 : i32
        %parallel_loop3A_227 = vector.broadcast %parallel_loop3A_226 : i32 to vector<16xi32>
        %parallel_loop3A_228 = arith.addi %parallel_loop3A_225, %parallel_loop3A_227 : vector<16xi32>
        %parallel_loop3A_229 = arith.constant 0 : i32
        %parallel_loop3A_230 = arith.constant 0 : i32
        %parallel_loop3A_231 = tpu.memref_slice %arg5[%select_n3A_89, %parallel_loop3A_229, %parallel_loop3A_230] : memref<4x64x128xf32, #tpu.memory_space<vmem>> -> memref<1x64x128xf32, #tpu.memory_space<vmem>>
        %parallel_loop3A_232 = tpu.memref_squeeze %parallel_loop3A_231 : memref<1x64x128xf32, #tpu.memory_space<vmem>> -> memref<64x128xf32, #tpu.memory_space<vmem>>
        %parallel_loop3A_233 = tpu.vector_load_idx %parallel_loop3A_232[%parallel_loop3A_228, %add3A_131] : memref<64x128xf32, #tpu.memory_space<vmem>>[vector<16xi32>, vector<16xi32>], vector<16xf32>,
        %parallel_loop3A_234 = tpu.pack_subelements %parallel_loop3A_222, %parallel_loop3A_233 {pack_format = #tpu.pack_format<interleaved>, positions = array<i32: 0, 1>} : vector<16xf32>, vector<16xf32> -> vector<32xbf16>
        %parallel_loop3A_235 = vector.bitcast %parallel_loop3A_234 : vector<32xbf16> to vector<16xi32>
        %parallel_loop3A_236 = arith.addi %mul3A_134, %parallel_loop3A_214 : vector<16xi32>
        %parallel_loop3A_237 = arith.constant 7 : i32
        %parallel_loop3A_238 = vector.broadcast %parallel_loop3A_237 : i32 to vector<16xi32>
        %parallel_loop3A_239 = arith.shrui %parallel_loop3A_236, %parallel_loop3A_238 : vector<16xi32>
        %parallel_loop3A_240 = arith.constant 127 : i32
        %parallel_loop3A_241 = vector.broadcast %parallel_loop3A_240 : i32 to vector<16xi32>
        %parallel_loop3A_242 = arith.andi %parallel_loop3A_236, %parallel_loop3A_241 : vector<16xi32>
        %parallel_loop3A_243 = arith.constant 0 : i32
        %parallel_loop3A_244 = arith.constant 0 : i32
        %parallel_loop3A_245 = tpu.memref_slice %arg6[%and3A_116, %parallel_loop3A_243, %parallel_loop3A_244] : memref<2x32x128xi32, #tpu.memory_space<vmem>> -> memref<1x32x128xi32, #tpu.memory_space<vmem>>
        %parallel_loop3A_246 = tpu.memref_squeeze %parallel_loop3A_245 : memref<1x32x128xi32, #tpu.memory_space<vmem>> -> memref<32x128xi32, #tpu.memory_space<vmem>>
        tpu.vector_store_idx %parallel_loop3A_246[%parallel_loop3A_239, %parallel_loop3A_242], %parallel_loop3A_235 : memref<32x128xi32, #tpu.memory_space<vmem>>[vector<16xi32>, vector<16xi32>], vector<16xi32>,
      } {sc.loop_unroll_factor = 4 : i64, sc.parallel_access}
      %add3A_138 = arith.constant 32 : i32
      %add3A_139 = vector.broadcast %add3A_138 : i32 to vector<16xi32>
      %add3A_140 = arith.addi %iota3A, %add3A_139 : vector<16xi32>
      %mul3A_141 = arith.constant 32 : i32
      %mul3A_142 = vector.broadcast %mul3A_141 : i32 to vector<16xi32>
      %mul3A_143 = arith.muli %add3A_140, %mul3A_142 : vector<16xi32>
      %parallel_loop3A_144 = arith.constant 0 : i32
      %parallel_loop3A_145 = arith.constant 32 : i32
      %parallel_loop3A_146 = arith.constant 1 : i32
      scf.for %parallel_loop3A_209 = %parallel_loop3A_144 to %parallel_loop3A_145 step %parallel_loop3A_146  : i32 {
        %parallel_loop3A_210 = vector.broadcast %parallel_loop3A_209 : i32 to vector<16xi32>
        %parallel_loop3A_211 = arith.addi %parallel_loop3A_210, %iota3A : vector<16xi32>
        %parallel_loop3A_212 = arith.constant 31 : i32
        %parallel_loop3A_213 = vector.broadcast %parallel_loop3A_212 : i32 to vector<16xi32>
        %parallel_loop3A_214 = arith.andi %parallel_loop3A_211, %parallel_loop3A_213 : vector<16xi32>
        %parallel_loop3A_215 = arith.constant 2 : i32
        %parallel_loop3A_216 = vector.broadcast %parallel_loop3A_215 : i32 to vector<16xi32>
        %parallel_loop3A_217 = arith.muli %parallel_loop3A_216, %parallel_loop3A_214 : vector<16xi32>
        %parallel_loop3A_218 = arith.constant 0 : i32
        %parallel_loop3A_219 = arith.constant 0 : i32
        %parallel_loop3A_220 = tpu.memref_slice %arg5[%select_n3A_89, %parallel_loop3A_218, %parallel_loop3A_219] : memref<4x64x128xf32, #tpu.memory_space<vmem>> -> memref<1x64x128xf32, #tpu.memory_space<vmem>>
        %parallel_loop3A_221 = tpu.memref_squeeze %parallel_loop3A_220 : memref<1x64x128xf32, #tpu.memory_space<vmem>> -> memref<64x128xf32, #tpu.memory_space<vmem>>
        %parallel_loop3A_222 = tpu.vector_load_idx %parallel_loop3A_221[%parallel_loop3A_217, %add3A_140] : memref<64x128xf32, #tpu.memory_space<vmem>>[vector<16xi32>, vector<16xi32>], vector<16xf32>,
        %parallel_loop3A_223 = arith.constant 2 : i32
        %parallel_loop3A_224 = vector.broadcast %parallel_loop3A_223 : i32 to vector<16xi32>
        %parallel_loop3A_225 = arith.muli %parallel_loop3A_224, %parallel_loop3A_214 : vector<16xi32>
        %parallel_loop3A_226 = arith.constant 1 : i32
        %parallel_loop3A_227 = vector.broadcast %parallel_loop3A_226 : i32 to vector<16xi32>
        %parallel_loop3A_228 = arith.addi %parallel_loop3A_225, %parallel_loop3A_227 : vector<16xi32>
        %parallel_loop3A_229 = arith.constant 0 : i32
        %parallel_loop3A_230 = arith.constant 0 : i32
        %parallel_loop3A_231 = tpu.memref_slice %arg5[%select_n3A_89, %parallel_loop3A_229, %parallel_loop3A_230] : memref<4x64x128xf32, #tpu.memory_space<vmem>> -> memref<1x64x128xf32, #tpu.memory_space<vmem>>
        %parallel_loop3A_232 = tpu.memref_squeeze %parallel_loop3A_231 : memref<1x64x128xf32, #tpu.memory_space<vmem>> -> memref<64x128xf32, #tpu.memory_space<vmem>>
        %parallel_loop3A_233 = tpu.vector_load_idx %parallel_loop3A_232[%parallel_loop3A_228, %add3A_140] : memref<64x128xf32, #tpu.memory_space<vmem>>[vector<16xi32>, vector<16xi32>], vector<16xf32>,
        %parallel_loop3A_234 = tpu.pack_subelements %parallel_loop3A_222, %parallel_loop3A_233 {pack_format = #tpu.pack_format<interleaved>, positions = array<i32: 0, 1>} : vector<16xf32>, vector<16xf32> -> vector<32xbf16>
        %parallel_loop3A_235 = vector.bitcast %parallel_loop3A_234 : vector<32xbf16> to vector<16xi32>
        %parallel_loop3A_236 = arith.addi %mul3A_143, %parallel_loop3A_214 : vector<16xi32>
        %parallel_loop3A_237 = arith.constant 7 : i32
        %parallel_loop3A_238 = vector.broadcast %parallel_loop3A_237 : i32 to vector<16xi32>
        %parallel_loop3A_239 = arith.shrui %parallel_loop3A_236, %parallel_loop3A_238 : vector<16xi32>
        %parallel_loop3A_240 = arith.constant 127 : i32
        %parallel_loop3A_241 = vector.broadcast %parallel_loop3A_240 : i32 to vector<16xi32>
        %parallel_loop3A_242 = arith.andi %parallel_loop3A_236, %parallel_loop3A_241 : vector<16xi32>
        %parallel_loop3A_243 = arith.constant 0 : i32
        %parallel_loop3A_244 = arith.constant 0 : i32
        %parallel_loop3A_245 = tpu.memref_slice %arg6[%and3A_116, %parallel_loop3A_243, %parallel_loop3A_244] : memref<2x32x128xi32, #tpu.memory_space<vmem>> -> memref<1x32x128xi32, #tpu.memory_space<vmem>>
        %parallel_loop3A_246 = tpu.memref_squeeze %parallel_loop3A_245 : memref<1x32x128xi32, #tpu.memory_space<vmem>> -> memref<32x128xi32, #tpu.memory_space<vmem>>
        tpu.vector_store_idx %parallel_loop3A_246[%parallel_loop3A_239, %parallel_loop3A_242], %parallel_loop3A_235 : memref<32x128xi32, #tpu.memory_space<vmem>>[vector<16xi32>, vector<16xi32>], vector<16xi32>,
      } {sc.loop_unroll_factor = 4 : i64, sc.parallel_access}
      %add3A_147 = arith.constant 48 : i32
      %add3A_148 = vector.broadcast %add3A_147 : i32 to vector<16xi32>
      %add3A_149 = arith.addi %iota3A, %add3A_148 : vector<16xi32>
      %mul3A_150 = arith.constant 32 : i32
      %mul3A_151 = vector.broadcast %mul3A_150 : i32 to vector<16xi32>
      %mul3A_152 = arith.muli %add3A_149, %mul3A_151 : vector<16xi32>
      %parallel_loop3A_153 = arith.constant 0 : i32
      %parallel_loop3A_154 = arith.constant 32 : i32
      %parallel_loop3A_155 = arith.constant 1 : i32
      scf.for %parallel_loop3A_209 = %parallel_loop3A_153 to %parallel_loop3A_154 step %parallel_loop3A_155  : i32 {
        %parallel_loop3A_210 = vector.broadcast %parallel_loop3A_209 : i32 to vector<16xi32>
        %parallel_loop3A_211 = arith.addi %parallel_loop3A_210, %iota3A : vector<16xi32>
        %parallel_loop3A_212 = arith.constant 31 : i32
        %parallel_loop3A_213 = vector.broadcast %parallel_loop3A_212 : i32 to vector<16xi32>
        %parallel_loop3A_214 = arith.andi %parallel_loop3A_211, %parallel_loop3A_213 : vector<16xi32>
        %parallel_loop3A_215 = arith.constant 2 : i32
        %parallel_loop3A_216 = vector.broadcast %parallel_loop3A_215 : i32 to vector<16xi32>
        %parallel_loop3A_217 = arith.muli %parallel_loop3A_216, %parallel_loop3A_214 : vector<16xi32>
        %parallel_loop3A_218 = arith.constant 0 : i32
        %parallel_loop3A_219 = arith.constant 0 : i32
        %parallel_loop3A_220 = tpu.memref_slice %arg5[%select_n3A_89, %parallel_loop3A_218, %parallel_loop3A_219] : memref<4x64x128xf32, #tpu.memory_space<vmem>> -> memref<1x64x128xf32, #tpu.memory_space<vmem>>
        %parallel_loop3A_221 = tpu.memref_squeeze %parallel_loop3A_220 : memref<1x64x128xf32, #tpu.memory_space<vmem>> -> memref<64x128xf32, #tpu.memory_space<vmem>>
        %parallel_loop3A_222 = tpu.vector_load_idx %parallel_loop3A_221[%parallel_loop3A_217, %add3A_149] : memref<64x128xf32, #tpu.memory_space<vmem>>[vector<16xi32>, vector<16xi32>], vector<16xf32>,
        %parallel_loop3A_223 = arith.constant 2 : i32
        %parallel_loop3A_224 = vector.broadcast %parallel_loop3A_223 : i32 to vector<16xi32>
        %parallel_loop3A_225 = arith.muli %parallel_loop3A_224, %parallel_loop3A_214 : vector<16xi32>
        %parallel_loop3A_226 = arith.constant 1 : i32
        %parallel_loop3A_227 = vector.broadcast %parallel_loop3A_226 : i32 to vector<16xi32>
        %parallel_loop3A_228 = arith.addi %parallel_loop3A_225, %parallel_loop3A_227 : vector<16xi32>
        %parallel_loop3A_229 = arith.constant 0 : i32
        %parallel_loop3A_230 = arith.constant 0 : i32
        %parallel_loop3A_231 = tpu.memref_slice %arg5[%select_n3A_89, %parallel_loop3A_229, %parallel_loop3A_230] : memref<4x64x128xf32, #tpu.memory_space<vmem>> -> memref<1x64x128xf32, #tpu.memory_space<vmem>>
        %parallel_loop3A_232 = tpu.memref_squeeze %parallel_loop3A_231 : memref<1x64x128xf32, #tpu.memory_space<vmem>> -> memref<64x128xf32, #tpu.memory_space<vmem>>
        %parallel_loop3A_233 = tpu.vector_load_idx %parallel_loop3A_232[%parallel_loop3A_228, %add3A_149] : memref<64x128xf32, #tpu.memory_space<vmem>>[vector<16xi32>, vector<16xi32>], vector<16xf32>,
        %parallel_loop3A_234 = tpu.pack_subelements %parallel_loop3A_222, %parallel_loop3A_233 {pack_format = #tpu.pack_format<interleaved>, positions = array<i32: 0, 1>} : vector<16xf32>, vector<16xf32> -> vector<32xbf16>
        %parallel_loop3A_235 = vector.bitcast %parallel_loop3A_234 : vector<32xbf16> to vector<16xi32>
        %parallel_loop3A_236 = arith.addi %mul3A_152, %parallel_loop3A_214 : vector<16xi32>
        %parallel_loop3A_237 = arith.constant 7 : i32
        %parallel_loop3A_238 = vector.broadcast %parallel_loop3A_237 : i32 to vector<16xi32>
        %parallel_loop3A_239 = arith.shrui %parallel_loop3A_236, %parallel_loop3A_238 : vector<16xi32>
        %parallel_loop3A_240 = arith.constant 127 : i32
        %parallel_loop3A_241 = vector.broadcast %parallel_loop3A_240 : i32 to vector<16xi32>
        %parallel_loop3A_242 = arith.andi %parallel_loop3A_236, %parallel_loop3A_241 : vector<16xi32>
        %parallel_loop3A_243 = arith.constant 0 : i32
        %parallel_loop3A_244 = arith.constant 0 : i32
        %parallel_loop3A_245 = tpu.memref_slice %arg6[%and3A_116, %parallel_loop3A_243, %parallel_loop3A_244] : memref<2x32x128xi32, #tpu.memory_space<vmem>> -> memref<1x32x128xi32, #tpu.memory_space<vmem>>
        %parallel_loop3A_246 = tpu.memref_squeeze %parallel_loop3A_245 : memref<1x32x128xi32, #tpu.memory_space<vmem>> -> memref<32x128xi32, #tpu.memory_space<vmem>>
        tpu.vector_store_idx %parallel_loop3A_246[%parallel_loop3A_239, %parallel_loop3A_242], %parallel_loop3A_235 : memref<32x128xi32, #tpu.memory_space<vmem>>[vector<16xi32>, vector<16xi32>], vector<16xi32>,
      } {sc.loop_unroll_factor = 4 : i64, sc.parallel_access}
      %add3A_156 = arith.constant 64 : i32
      %add3A_157 = vector.broadcast %add3A_156 : i32 to vector<16xi32>
      %add3A_158 = arith.addi %iota3A, %add3A_157 : vector<16xi32>
      %mul3A_159 = arith.constant 32 : i32
      %mul3A_160 = vector.broadcast %mul3A_159 : i32 to vector<16xi32>
      %mul3A_161 = arith.muli %add3A_158, %mul3A_160 : vector<16xi32>
      %parallel_loop3A_162 = arith.constant 0 : i32
      %parallel_loop3A_163 = arith.constant 32 : i32
      %parallel_loop3A_164 = arith.constant 1 : i32
      scf.for %parallel_loop3A_209 = %parallel_loop3A_162 to %parallel_loop3A_163 step %parallel_loop3A_164  : i32 {
        %parallel_loop3A_210 = vector.broadcast %parallel_loop3A_209 : i32 to vector<16xi32>
        %parallel_loop3A_211 = arith.addi %parallel_loop3A_210, %iota3A : vector<16xi32>
        %parallel_loop3A_212 = arith.constant 31 : i32
        %parallel_loop3A_213 = vector.broadcast %parallel_loop3A_212 : i32 to vector<16xi32>
        %parallel_loop3A_214 = arith.andi %parallel_loop3A_211, %parallel_loop3A_213 : vector<16xi32>
        %parallel_loop3A_215 = arith.constant 2 : i32
        %parallel_loop3A_216 = vector.broadcast %parallel_loop3A_215 : i32 to vector<16xi32>
        %parallel_loop3A_217 = arith.muli %parallel_loop3A_216, %parallel_loop3A_214 : vector<16xi32>
        %parallel_loop3A_218 = arith.constant 0 : i32
        %parallel_loop3A_219 = arith.constant 0 : i32
        %parallel_loop3A_220 = tpu.memref_slice %arg5[%select_n3A_89, %parallel_loop3A_218, %parallel_loop3A_219] : memref<4x64x128xf32, #tpu.memory_space<vmem>> -> memref<1x64x128xf32, #tpu.memory_space<vmem>>
        %parallel_loop3A_221 = tpu.memref_squeeze %parallel_loop3A_220 : memref<1x64x128xf32, #tpu.memory_space<vmem>> -> memref<64x128xf32, #tpu.memory_space<vmem>>
        %parallel_loop3A_222 = tpu.vector_load_idx %parallel_loop3A_221[%parallel_loop3A_217, %add3A_158] : memref<64x128xf32, #tpu.memory_space<vmem>>[vector<16xi32>, vector<16xi32>], vector<16xf32>,
        %parallel_loop3A_223 = arith.constant 2 : i32
        %parallel_loop3A_224 = vector.broadcast %parallel_loop3A_223 : i32 to vector<16xi32>
        %parallel_loop3A_225 = arith.muli %parallel_loop3A_224, %parallel_loop3A_214 : vector<16xi32>
        %parallel_loop3A_226 = arith.constant 1 : i32
        %parallel_loop3A_227 = vector.broadcast %parallel_loop3A_226 : i32 to vector<16xi32>
        %parallel_loop3A_228 = arith.addi %parallel_loop3A_225, %parallel_loop3A_227 : vector<16xi32>
        %parallel_loop3A_229 = arith.constant 0 : i32
        %parallel_loop3A_230 = arith.constant 0 : i32
        %parallel_loop3A_231 = tpu.memref_slice %arg5[%select_n3A_89, %parallel_loop3A_229, %parallel_loop3A_230] : memref<4x64x128xf32, #tpu.memory_space<vmem>> -> memref<1x64x128xf32, #tpu.memory_space<vmem>>
        %parallel_loop3A_232 = tpu.memref_squeeze %parallel_loop3A_231 : memref<1x64x128xf32, #tpu.memory_space<vmem>> -> memref<64x128xf32, #tpu.memory_space<vmem>>
        %parallel_loop3A_233 = tpu.vector_load_idx %parallel_loop3A_232[%parallel_loop3A_228, %add3A_158] : memref<64x128xf32, #tpu.memory_space<vmem>>[vector<16xi32>, vector<16xi32>], vector<16xf32>,
        %parallel_loop3A_234 = tpu.pack_subelements %parallel_loop3A_222, %parallel_loop3A_233 {pack_format = #tpu.pack_format<interleaved>, positions = array<i32: 0, 1>} : vector<16xf32>, vector<16xf32> -> vector<32xbf16>
        %parallel_loop3A_235 = vector.bitcast %parallel_loop3A_234 : vector<32xbf16> to vector<16xi32>
        %parallel_loop3A_236 = arith.addi %mul3A_161, %parallel_loop3A_214 : vector<16xi32>
        %parallel_loop3A_237 = arith.constant 7 : i32
        %parallel_loop3A_238 = vector.broadcast %parallel_loop3A_237 : i32 to vector<16xi32>
        %parallel_loop3A_239 = arith.shrui %parallel_loop3A_236, %parallel_loop3A_238 : vector<16xi32>
        %parallel_loop3A_240 = arith.constant 127 : i32
        %parallel_loop3A_241 = vector.broadcast %parallel_loop3A_240 : i32 to vector<16xi32>
        %parallel_loop3A_242 = arith.andi %parallel_loop3A_236, %parallel_loop3A_241 : vector<16xi32>
        %parallel_loop3A_243 = arith.constant 0 : i32
        %parallel_loop3A_244 = arith.constant 0 : i32
        %parallel_loop3A_245 = tpu.memref_slice %arg6[%and3A_116, %parallel_loop3A_243, %parallel_loop3A_244] : memref<2x32x128xi32, #tpu.memory_space<vmem>> -> memref<1x32x128xi32, #tpu.memory_space<vmem>>
        %parallel_loop3A_246 = tpu.memref_squeeze %parallel_loop3A_245 : memref<1x32x128xi32, #tpu.memory_space<vmem>> -> memref<32x128xi32, #tpu.memory_space<vmem>>
        tpu.vector_store_idx %parallel_loop3A_246[%parallel_loop3A_239, %parallel_loop3A_242], %parallel_loop3A_235 : memref<32x128xi32, #tpu.memory_space<vmem>>[vector<16xi32>, vector<16xi32>], vector<16xi32>,
      } {sc.loop_unroll_factor = 4 : i64, sc.parallel_access}
      %add3A_165 = arith.constant 80 : i32
      %add3A_166 = vector.broadcast %add3A_165 : i32 to vector<16xi32>
      %add3A_167 = arith.addi %iota3A, %add3A_166 : vector<16xi32>
      %mul3A_168 = arith.constant 32 : i32
      %mul3A_169 = vector.broadcast %mul3A_168 : i32 to vector<16xi32>
      %mul3A_170 = arith.muli %add3A_167, %mul3A_169 : vector<16xi32>
      %parallel_loop3A_171 = arith.constant 0 : i32
      %parallel_loop3A_172 = arith.constant 32 : i32
      %parallel_loop3A_173 = arith.constant 1 : i32
      scf.for %parallel_loop3A_209 = %parallel_loop3A_171 to %parallel_loop3A_172 step %parallel_loop3A_173  : i32 {
        %parallel_loop3A_210 = vector.broadcast %parallel_loop3A_209 : i32 to vector<16xi32>
        %parallel_loop3A_211 = arith.addi %parallel_loop3A_210, %iota3A : vector<16xi32>
        %parallel_loop3A_212 = arith.constant 31 : i32
        %parallel_loop3A_213 = vector.broadcast %parallel_loop3A_212 : i32 to vector<16xi32>
        %parallel_loop3A_214 = arith.andi %parallel_loop3A_211, %parallel_loop3A_213 : vector<16xi32>
        %parallel_loop3A_215 = arith.constant 2 : i32
        %parallel_loop3A_216 = vector.broadcast %parallel_loop3A_215 : i32 to vector<16xi32>
        %parallel_loop3A_217 = arith.muli %parallel_loop3A_216, %parallel_loop3A_214 : vector<16xi32>
        %parallel_loop3A_218 = arith.constant 0 : i32
        %parallel_loop3A_219 = arith.constant 0 : i32
        %parallel_loop3A_220 = tpu.memref_slice %arg5[%select_n3A_89, %parallel_loop3A_218, %parallel_loop3A_219] : memref<4x64x128xf32, #tpu.memory_space<vmem>> -> memref<1x64x128xf32, #tpu.memory_space<vmem>>
        %parallel_loop3A_221 = tpu.memref_squeeze %parallel_loop3A_220 : memref<1x64x128xf32, #tpu.memory_space<vmem>> -> memref<64x128xf32, #tpu.memory_space<vmem>>
        %parallel_loop3A_222 = tpu.vector_load_idx %parallel_loop3A_221[%parallel_loop3A_217, %add3A_167] : memref<64x128xf32, #tpu.memory_space<vmem>>[vector<16xi32>, vector<16xi32>], vector<16xf32>,
        %parallel_loop3A_223 = arith.constant 2 : i32
        %parallel_loop3A_224 = vector.broadcast %parallel_loop3A_223 : i32 to vector<16xi32>
        %parallel_loop3A_225 = arith.muli %parallel_loop3A_224, %parallel_loop3A_214 : vector<16xi32>
        %parallel_loop3A_226 = arith.constant 1 : i32
        %parallel_loop3A_227 = vector.broadcast %parallel_loop3A_226 : i32 to vector<16xi32>
        %parallel_loop3A_228 = arith.addi %parallel_loop3A_225, %parallel_loop3A_227 : vector<16xi32>
        %parallel_loop3A_229 = arith.constant 0 : i32
        %parallel_loop3A_230 = arith.constant 0 : i32
        %parallel_loop3A_231 = tpu.memref_slice %arg5[%select_n3A_89, %parallel_loop3A_229, %parallel_loop3A_230] : memref<4x64x128xf32, #tpu.memory_space<vmem>> -> memref<1x64x128xf32, #tpu.memory_space<vmem>>
        %parallel_loop3A_232 = tpu.memref_squeeze %parallel_loop3A_231 : memref<1x64x128xf32, #tpu.memory_space<vmem>> -> memref<64x128xf32, #tpu.memory_space<vmem>>
        %parallel_loop3A_233 = tpu.vector_load_idx %parallel_loop3A_232[%parallel_loop3A_228, %add3A_167] : memref<64x128xf32, #tpu.memory_space<vmem>>[vector<16xi32>, vector<16xi32>], vector<16xf32>,
        %parallel_loop3A_234 = tpu.pack_subelements %parallel_loop3A_222, %parallel_loop3A_233 {pack_format = #tpu.pack_format<interleaved>, positions = array<i32: 0, 1>} : vector<16xf32>, vector<16xf32> -> vector<32xbf16>
        %parallel_loop3A_235 = vector.bitcast %parallel_loop3A_234 : vector<32xbf16> to vector<16xi32>
        %parallel_loop3A_236 = arith.addi %mul3A_170, %parallel_loop3A_214 : vector<16xi32>
        %parallel_loop3A_237 = arith.constant 7 : i32
        %parallel_loop3A_238 = vector.broadcast %parallel_loop3A_237 : i32 to vector<16xi32>
        %parallel_loop3A_239 = arith.shrui %parallel_loop3A_236, %parallel_loop3A_238 : vector<16xi32>
        %parallel_loop3A_240 = arith.constant 127 : i32
        %parallel_loop3A_241 = vector.broadcast %parallel_loop3A_240 : i32 to vector<16xi32>
        %parallel_loop3A_242 = arith.andi %parallel_loop3A_236, %parallel_loop3A_241 : vector<16xi32>
        %parallel_loop3A_243 = arith.constant 0 : i32
        %parallel_loop3A_244 = arith.constant 0 : i32
        %parallel_loop3A_245 = tpu.memref_slice %arg6[%and3A_116, %parallel_loop3A_243, %parallel_loop3A_244] : memref<2x32x128xi32, #tpu.memory_space<vmem>> -> memref<1x32x128xi32, #tpu.memory_space<vmem>>
        %parallel_loop3A_246 = tpu.memref_squeeze %parallel_loop3A_245 : memref<1x32x128xi32, #tpu.memory_space<vmem>> -> memref<32x128xi32, #tpu.memory_space<vmem>>
        tpu.vector_store_idx %parallel_loop3A_246[%parallel_loop3A_239, %parallel_loop3A_242], %parallel_loop3A_235 : memref<32x128xi32, #tpu.memory_space<vmem>>[vector<16xi32>, vector<16xi32>], vector<16xi32>,
      } {sc.loop_unroll_factor = 4 : i64, sc.parallel_access}
      %add3A_174 = arith.constant 96 : i32
      %add3A_175 = vector.broadcast %add3A_174 : i32 to vector<16xi32>
      %add3A_176 = arith.addi %iota3A, %add3A_175 : vector<16xi32>
      %mul3A_177 = arith.constant 32 : i32
      %mul3A_178 = vector.broadcast %mul3A_177 : i32 to vector<16xi32>
      %mul3A_179 = arith.muli %add3A_176, %mul3A_178 : vector<16xi32>
      %parallel_loop3A_180 = arith.constant 0 : i32
      %parallel_loop3A_181 = arith.constant 32 : i32
      %parallel_loop3A_182 = arith.constant 1 : i32
      scf.for %parallel_loop3A_209 = %parallel_loop3A_180 to %parallel_loop3A_181 step %parallel_loop3A_182  : i32 {
        %parallel_loop3A_210 = vector.broadcast %parallel_loop3A_209 : i32 to vector<16xi32>
        %parallel_loop3A_211 = arith.addi %parallel_loop3A_210, %iota3A : vector<16xi32>
        %parallel_loop3A_212 = arith.constant 31 : i32
        %parallel_loop3A_213 = vector.broadcast %parallel_loop3A_212 : i32 to vector<16xi32>
        %parallel_loop3A_214 = arith.andi %parallel_loop3A_211, %parallel_loop3A_213 : vector<16xi32>
        %parallel_loop3A_215 = arith.constant 2 : i32
        %parallel_loop3A_216 = vector.broadcast %parallel_loop3A_215 : i32 to vector<16xi32>
        %parallel_loop3A_217 = arith.muli %parallel_loop3A_216, %parallel_loop3A_214 : vector<16xi32>
        %parallel_loop3A_218 = arith.constant 0 : i32
        %parallel_loop3A_219 = arith.constant 0 : i32
        %parallel_loop3A_220 = tpu.memref_slice %arg5[%select_n3A_89, %parallel_loop3A_218, %parallel_loop3A_219] : memref<4x64x128xf32, #tpu.memory_space<vmem>> -> memref<1x64x128xf32, #tpu.memory_space<vmem>>
        %parallel_loop3A_221 = tpu.memref_squeeze %parallel_loop3A_220 : memref<1x64x128xf32, #tpu.memory_space<vmem>> -> memref<64x128xf32, #tpu.memory_space<vmem>>
        %parallel_loop3A_222 = tpu.vector_load_idx %parallel_loop3A_221[%parallel_loop3A_217, %add3A_176] : memref<64x128xf32, #tpu.memory_space<vmem>>[vector<16xi32>, vector<16xi32>], vector<16xf32>,
        %parallel_loop3A_223 = arith.constant 2 : i32
        %parallel_loop3A_224 = vector.broadcast %parallel_loop3A_223 : i32 to vector<16xi32>
        %parallel_loop3A_225 = arith.muli %parallel_loop3A_224, %parallel_loop3A_214 : vector<16xi32>
        %parallel_loop3A_226 = arith.constant 1 : i32
        %parallel_loop3A_227 = vector.broadcast %parallel_loop3A_226 : i32 to vector<16xi32>
        %parallel_loop3A_228 = arith.addi %parallel_loop3A_225, %parallel_loop3A_227 : vector<16xi32>
        %parallel_loop3A_229 = arith.constant 0 : i32
        %parallel_loop3A_230 = arith.constant 0 : i32
        %parallel_loop3A_231 = tpu.memref_slice %arg5[%select_n3A_89, %parallel_loop3A_229, %parallel_loop3A_230] : memref<4x64x128xf32, #tpu.memory_space<vmem>> -> memref<1x64x128xf32, #tpu.memory_space<vmem>>
        %parallel_loop3A_232 = tpu.memref_squeeze %parallel_loop3A_231 : memref<1x64x128xf32, #tpu.memory_space<vmem>> -> memref<64x128xf32, #tpu.memory_space<vmem>>
        %parallel_loop3A_233 = tpu.vector_load_idx %parallel_loop3A_232[%parallel_loop3A_228, %add3A_176] : memref<64x128xf32, #tpu.memory_space<vmem>>[vector<16xi32>, vector<16xi32>], vector<16xf32>,
        %parallel_loop3A_234 = tpu.pack_subelements %parallel_loop3A_222, %parallel_loop3A_233 {pack_format = #tpu.pack_format<interleaved>, positions = array<i32: 0, 1>} : vector<16xf32>, vector<16xf32> -> vector<32xbf16>
        %parallel_loop3A_235 = vector.bitcast %parallel_loop3A_234 : vector<32xbf16> to vector<16xi32>
        %parallel_loop3A_236 = arith.addi %mul3A_179, %parallel_loop3A_214 : vector<16xi32>
        %parallel_loop3A_237 = arith.constant 7 : i32
        %parallel_loop3A_238 = vector.broadcast %parallel_loop3A_237 : i32 to vector<16xi32>
        %parallel_loop3A_239 = arith.shrui %parallel_loop3A_236, %parallel_loop3A_238 : vector<16xi32>
        %parallel_loop3A_240 = arith.constant 127 : i32
        %parallel_loop3A_241 = vector.broadcast %parallel_loop3A_240 : i32 to vector<16xi32>
        %parallel_loop3A_242 = arith.andi %parallel_loop3A_236, %parallel_loop3A_241 : vector<16xi32>
        %parallel_loop3A_243 = arith.constant 0 : i32
        %parallel_loop3A_244 = arith.constant 0 : i32
        %parallel_loop3A_245 = tpu.memref_slice %arg6[%and3A_116, %parallel_loop3A_243, %parallel_loop3A_244] : memref<2x32x128xi32, #tpu.memory_space<vmem>> -> memref<1x32x128xi32, #tpu.memory_space<vmem>>
        %parallel_loop3A_246 = tpu.memref_squeeze %parallel_loop3A_245 : memref<1x32x128xi32, #tpu.memory_space<vmem>> -> memref<32x128xi32, #tpu.memory_space<vmem>>
        tpu.vector_store_idx %parallel_loop3A_246[%parallel_loop3A_239, %parallel_loop3A_242], %parallel_loop3A_235 : memref<32x128xi32, #tpu.memory_space<vmem>>[vector<16xi32>, vector<16xi32>], vector<16xi32>,
      } {sc.loop_unroll_factor = 4 : i64, sc.parallel_access}
      %add3A_183 = arith.constant 112 : i32
      %add3A_184 = vector.broadcast %add3A_183 : i32 to vector<16xi32>
      %add3A_185 = arith.addi %iota3A, %add3A_184 : vector<16xi32>
      %mul3A_186 = arith.constant 32 : i32
      %mul3A_187 = vector.broadcast %mul3A_186 : i32 to vector<16xi32>
      %mul3A_188 = arith.muli %add3A_185, %mul3A_187 : vector<16xi32>
      %parallel_loop3A_189 = arith.constant 0 : i32
      %parallel_loop3A_190 = arith.constant 32 : i32
      %parallel_loop3A_191 = arith.constant 1 : i32
      scf.for %parallel_loop3A_209 = %parallel_loop3A_189 to %parallel_loop3A_190 step %parallel_loop3A_191  : i32 {
        %parallel_loop3A_210 = vector.broadcast %parallel_loop3A_209 : i32 to vector<16xi32>
        %parallel_loop3A_211 = arith.addi %parallel_loop3A_210, %iota3A : vector<16xi32>
        %parallel_loop3A_212 = arith.constant 31 : i32
        %parallel_loop3A_213 = vector.broadcast %parallel_loop3A_212 : i32 to vector<16xi32>
        %parallel_loop3A_214 = arith.andi %parallel_loop3A_211, %parallel_loop3A_213 : vector<16xi32>
        %parallel_loop3A_215 = arith.constant 2 : i32
        %parallel_loop3A_216 = vector.broadcast %parallel_loop3A_215 : i32 to vector<16xi32>
        %parallel_loop3A_217 = arith.muli %parallel_loop3A_216, %parallel_loop3A_214 : vector<16xi32>
        %parallel_loop3A_218 = arith.constant 0 : i32
        %parallel_loop3A_219 = arith.constant 0 : i32
        %parallel_loop3A_220 = tpu.memref_slice %arg5[%select_n3A_89, %parallel_loop3A_218, %parallel_loop3A_219] : memref<4x64x128xf32, #tpu.memory_space<vmem>> -> memref<1x64x128xf32, #tpu.memory_space<vmem>>
        %parallel_loop3A_221 = tpu.memref_squeeze %parallel_loop3A_220 : memref<1x64x128xf32, #tpu.memory_space<vmem>> -> memref<64x128xf32, #tpu.memory_space<vmem>>
        %parallel_loop3A_222 = tpu.vector_load_idx %parallel_loop3A_221[%parallel_loop3A_217, %add3A_185] : memref<64x128xf32, #tpu.memory_space<vmem>>[vector<16xi32>, vector<16xi32>], vector<16xf32>,
        %parallel_loop3A_223 = arith.constant 2 : i32
        %parallel_loop3A_224 = vector.broadcast %parallel_loop3A_223 : i32 to vector<16xi32>
        %parallel_loop3A_225 = arith.muli %parallel_loop3A_224, %parallel_loop3A_214 : vector<16xi32>
        %parallel_loop3A_226 = arith.constant 1 : i32
        %parallel_loop3A_227 = vector.broadcast %parallel_loop3A_226 : i32 to vector<16xi32>
        %parallel_loop3A_228 = arith.addi %parallel_loop3A_225, %parallel_loop3A_227 : vector<16xi32>
        %parallel_loop3A_229 = arith.constant 0 : i32
        %parallel_loop3A_230 = arith.constant 0 : i32
        %parallel_loop3A_231 = tpu.memref_slice %arg5[%select_n3A_89, %parallel_loop3A_229, %parallel_loop3A_230] : memref<4x64x128xf32, #tpu.memory_space<vmem>> -> memref<1x64x128xf32, #tpu.memory_space<vmem>>
        %parallel_loop3A_232 = tpu.memref_squeeze %parallel_loop3A_231 : memref<1x64x128xf32, #tpu.memory_space<vmem>> -> memref<64x128xf32, #tpu.memory_space<vmem>>
        %parallel_loop3A_233 = tpu.vector_load_idx %parallel_loop3A_232[%parallel_loop3A_228, %add3A_185] : memref<64x128xf32, #tpu.memory_space<vmem>>[vector<16xi32>, vector<16xi32>], vector<16xf32>,
        %parallel_loop3A_234 = tpu.pack_subelements %parallel_loop3A_222, %parallel_loop3A_233 {pack_format = #tpu.pack_format<interleaved>, positions = array<i32: 0, 1>} : vector<16xf32>, vector<16xf32> -> vector<32xbf16>
        %parallel_loop3A_235 = vector.bitcast %parallel_loop3A_234 : vector<32xbf16> to vector<16xi32>
        %parallel_loop3A_236 = arith.addi %mul3A_188, %parallel_loop3A_214 : vector<16xi32>
        %parallel_loop3A_237 = arith.constant 7 : i32
        %parallel_loop3A_238 = vector.broadcast %parallel_loop3A_237 : i32 to vector<16xi32>
        %parallel_loop3A_239 = arith.shrui %parallel_loop3A_236, %parallel_loop3A_238 : vector<16xi32>
        %parallel_loop3A_240 = arith.constant 127 : i32
        %parallel_loop3A_241 = vector.broadcast %parallel_loop3A_240 : i32 to vector<16xi32>
        %parallel_loop3A_242 = arith.andi %parallel_loop3A_236, %parallel_loop3A_241 : vector<16xi32>
        %parallel_loop3A_243 = arith.constant 0 : i32
        %parallel_loop3A_244 = arith.constant 0 : i32
        %parallel_loop3A_245 = tpu.memref_slice %arg6[%and3A_116, %parallel_loop3A_243, %parallel_loop3A_244] : memref<2x32x128xi32, #tpu.memory_space<vmem>> -> memref<1x32x128xi32, #tpu.memory_space<vmem>>
        %parallel_loop3A_246 = tpu.memref_squeeze %parallel_loop3A_245 : memref<1x32x128xi32, #tpu.memory_space<vmem>> -> memref<32x128xi32, #tpu.memory_space<vmem>>
        tpu.vector_store_idx %parallel_loop3A_246[%parallel_loop3A_239, %parallel_loop3A_242], %parallel_loop3A_235 : memref<32x128xi32, #tpu.memory_space<vmem>>[vector<16xi32>, vector<16xi32>], vector<16xi32>,
      } {sc.loop_unroll_factor = 4 : i64, sc.parallel_access}
      %mul3A_192 = arith.constant 32 : i32
      %mul3A_193 = arith.muli %add3A_92, %mul3A_192 : i32
      %multiple_of3A_194 = tpu.assume_multiple %mul3A_193, 32 : i32
      %dma_start3A_195 = arith.constant 0 : i32
      %dma_start3A_196 = arith.constant 0 : i32
      %dma_start3A_197 = tpu.memref_slice %arg6[%and3A_116, %dma_start3A_195, %dma_start3A_196] : memref<2x32x128xi32, #tpu.memory_space<vmem>> -> memref<1x32x128xi32, #tpu.memory_space<vmem>>
      %dma_start3A_198 = tpu.memref_squeeze %dma_start3A_197 : memref<1x32x128xi32, #tpu.memory_space<vmem>> -> memref<32x128xi32, #tpu.memory_space<vmem>>
      %dma_start3A_199 = arith.constant 0 : i32
      %dma_start3A_200 = tpu.memref_slice %arg4[%multiple_of3A_194, %dma_start3A_199] : memref<250000x128xi32, #tpu.memory_space<hbm>> -> memref<32x128xi32, #tpu.memory_space<hbm>>
      %dma_start3A_201 = tpu.memref_slice %arg8[%and3A_116] : memref<2x!tpu.dma_semaphore, #tpu.memory_space<semaphore_mem>> -> memref<1x!tpu.dma_semaphore, #tpu.memory_space<semaphore_mem>>
      %dma_start3A_202 = tpu.memref_squeeze %dma_start3A_201 : memref<1x!tpu.dma_semaphore, #tpu.memory_space<semaphore_mem>> -> memref<!tpu.dma_semaphore, #tpu.memory_space<semaphore_mem>>
      %dma_start3A_203 = arith.constant 0 : i32
      %dma_start3A_204 = tpu.memref_slice %arg4[%multiple_of3A_194, %dma_start3A_203] : memref<250000x128xi32, #tpu.memory_space<hbm>> -> memref<32x128xi32, #tpu.memory_space<hbm>>
      %dma_start3A_205 = arith.constant 0 : i32
      %dma_start3A_206 = arith.constant 0 : i32
      %dma_start3A_207 = tpu.memref_slice %arg6[%and3A_116, %dma_start3A_205, %dma_start3A_206] : memref<2x32x128xi32, #tpu.memory_space<vmem>> -> memref<1x32x128xi32, #tpu.memory_space<vmem>>
      %dma_start3A_208 = tpu.memref_squeeze %dma_start3A_207 : memref<1x32x128xi32, #tpu.memory_space<vmem>> -> memref<32x128xi32, #tpu.memory_space<vmem>>
      tpu.enqueue_dma source(%dma_start3A_208 : memref<32x128xi32, #tpu.memory_space<vmem>>) target(%dma_start3A_204 : memref<32x128xi32, #tpu.memory_space<hbm>>) target_semaphore(%dma_start3A_202 : memref<!tpu.dma_semaphore, #tpu.memory_space<semaphore_mem>>)
    }
    %dma_wait3A = arith.constant 0 : i32
    %dma_wait3A_37 = arith.constant 0 : i32
    %dma_wait3A_38 = arith.constant 0 : i32
    %dma_wait3A_39 = arith.constant 0 : i32
    %dma_wait3A_40 = tpu.memref_slice %arg6[%dma_wait3A, %dma_wait3A_38, %dma_wait3A_39] : memref<2x32x128xi32, #tpu.memory_space<vmem>> -> memref<1x32x128xi32, #tpu.memory_space<vmem>>
    %dma_wait3A_41 = tpu.memref_squeeze %dma_wait3A_40 : memref<1x32x128xi32, #tpu.memory_space<vmem>> -> memref<32x128xi32, #tpu.memory_space<vmem>>
    %dma_wait3A_42 = arith.constant 0 : i32
    %dma_wait3A_43 = arith.constant 0 : i32
    %dma_wait3A_44 = tpu.memref_slice %arg4[%dma_wait3A_42, %dma_wait3A_43] : memref<250000x128xi32, #tpu.memory_space<hbm>> -> memref<32x128xi32, #tpu.memory_space<hbm>>
    %dma_wait3A_45 = tpu.memref_slice %arg8[%dma_wait3A_37] : memref<2x!tpu.dma_semaphore, #tpu.memory_space<semaphore_mem>> -> memref<1x!tpu.dma_semaphore, #tpu.memory_space<semaphore_mem>>
    %dma_wait3A_46 = tpu.memref_squeeze %dma_wait3A_45 : memref<1x!tpu.dma_semaphore, #tpu.memory_space<semaphore_mem>> -> memref<!tpu.dma_semaphore, #tpu.memory_space<semaphore_mem>>
    %dma_wait3A_47 = arith.constant 0 : i32
    %dma_wait3A_48 = arith.constant 0 : i32
    %dma_wait3A_49 = tpu.memref_slice %arg6[%dma_wait3A, %dma_wait3A_47, %dma_wait3A_48] : memref<2x32x128xi32, #tpu.memory_space<vmem>> -> memref<1x32x128xi32, #tpu.memory_space<vmem>>
    %dma_wait3A_50 = tpu.memref_squeeze %dma_wait3A_49 : memref<1x32x128xi32, #tpu.memory_space<vmem>> -> memref<32x128xi32, #tpu.memory_space<vmem>>
    %dma_wait3A_51 = arith.constant 0 : i32
    %dma_wait3A_52 = arith.constant 0 : i32
    %dma_wait3A_53 = tpu.memref_slice %arg4[%dma_wait3A_51, %dma_wait3A_52] : memref<250000x128xi32, #tpu.memory_space<hbm>> -> memref<32x128xi32, #tpu.memory_space<hbm>>
    tpu.wait_dma2 semaphore(%dma_wait3A_46 : memref<!tpu.dma_semaphore, #tpu.memory_space<semaphore_mem>>) src(%dma_wait3A_53 : memref<32x128xi32, #tpu.memory_space<hbm>>) dst(%dma_wait3A_50 : memref<32x128xi32, #tpu.memory_space<vmem>>)
    %dma_wait3A_54 = arith.constant 1 : i32
    %dma_wait3A_55 = arith.constant 1 : i32
    %dma_wait3A_56 = arith.constant 0 : i32
    %dma_wait3A_57 = arith.constant 0 : i32
    %dma_wait3A_58 = tpu.memref_slice %arg6[%dma_wait3A_54, %dma_wait3A_56, %dma_wait3A_57] : memref<2x32x128xi32, #tpu.memory_space<vmem>> -> memref<1x32x128xi32, #tpu.memory_space<vmem>>
    %dma_wait3A_59 = tpu.memref_squeeze %dma_wait3A_58 : memref<1x32x128xi32, #tpu.memory_space<vmem>> -> memref<32x128xi32, #tpu.memory_space<vmem>>
    %dma_wait3A_60 = arith.constant 0 : i32
    %dma_wait3A_61 = arith.constant 0 : i32
    %dma_wait3A_62 = tpu.memref_slice %arg4[%dma_wait3A_60, %dma_wait3A_61] : memref<250000x128xi32, #tpu.memory_space<hbm>> -> memref<32x128xi32, #tpu.memory_space<hbm>>
    %dma_wait3A_63 = tpu.memref_slice %arg8[%dma_wait3A_55] : memref<2x!tpu.dma_semaphore, #tpu.memory_space<semaphore_mem>> -> memref<1x!tpu.dma_semaphore, #tpu.memory_space<semaphore_mem>>
    %dma_wait3A_64 = tpu.memref_squeeze %dma_wait3A_63 : memref<1x!tpu.dma_semaphore, #tpu.memory_space<semaphore_mem>> -> memref<!tpu.dma_semaphore, #tpu.memory_space<semaphore_mem>>
    %dma_wait3A_65 = arith.constant 0 : i32
    %dma_wait3A_66 = arith.constant 0 : i32
    %dma_wait3A_67 = tpu.memref_slice %arg6[%dma_wait3A_54, %dma_wait3A_65, %dma_wait3A_66] : memref<2x32x128xi32, #tpu.memory_space<vmem>> -> memref<1x32x128xi32, #tpu.memory_space<vmem>>
    %dma_wait3A_68 = tpu.memref_squeeze %dma_wait3A_67 : memref<1x32x128xi32, #tpu.memory_space<vmem>> -> memref<32x128xi32, #tpu.memory_space<vmem>>
    %dma_wait3A_69 = arith.constant 0 : i32
    %dma_wait3A_70 = arith.constant 0 : i32
    %dma_wait3A_71 = tpu.memref_slice %arg4[%dma_wait3A_69, %dma_wait3A_70] : memref<250000x128xi32, #tpu.memory_space<hbm>> -> memref<32x128xi32, #tpu.memory_space<hbm>>
    tpu.wait_dma2 semaphore(%dma_wait3A_64 : memref<!tpu.dma_semaphore, #tpu.memory_space<semaphore_mem>>) src(%dma_wait3A_71 : memref<32x128xi32, #tpu.memory_space<hbm>>) dst(%dma_wait3A_68 : memref<32x128xi32, #tpu.memory_space<vmem>>)
    %eq3A = arith.constant 31 : i32
    %eq3A_72 = arith.cmpi eq, %add3A, %eq3A : i32
    %convert_element_type3A_73 = arith.extui %eq3A_72 : i1 to i32
    %cond3A_74 = arith.constant 0 : i32
    %cond3A_75 = arith.cmpi ne, %convert_element_type3A_73, %cond3A_74 : i32
    scf.if %cond3A_75 {
      %run_scoped3A = arith.constant 0 : i32
      "tpu.region"() ({
        %run_scoped3A_148 = tpu.sem_alloc : memref<!tpu.dma_semaphore, #tpu.memory_space<semaphore_mem>>
        %dma_start3A_149 = arith.constant 0 : i32
        %dma_start3A_150 = arith.constant 0 : i32
        %dma_start3A_151 = tpu.memref_slice %arg5[%run_scoped3A, %dma_start3A_149, %dma_start3A_150] : memref<4x64x128xf32, #tpu.memory_space<vmem>> -> memref<1x64x128xf32, #tpu.memory_space<vmem>>
        %dma_start3A_152 = tpu.memref_squeeze %dma_start3A_151 : memref<1x64x128xf32, #tpu.memory_space<vmem>> -> memref<64x128xf32, #tpu.memory_space<vmem>>
        %dma_start3A_153 = arith.constant 0 : i32
        %dma_start3A_154 = arith.constant 0 : i32
        %dma_start3A_155 = tpu.memref_slice %arg5[%run_scoped3A, %dma_start3A_153, %dma_start3A_154] : memref<4x64x128xf32, #tpu.memory_space<vmem>> -> memref<1x64x128xf32, #tpu.memory_space<vmem>>
        %dma_start3A_156 = tpu.memref_squeeze %dma_start3A_155 : memref<1x64x128xf32, #tpu.memory_space<vmem>> -> memref<64x128xf32, #tpu.memory_space<vmem>>
        tpu.enqueue_dma source(%arg3 : memref<64x128xf32, #tpu.memory_space<hbm>>) target(%dma_start3A_156 : memref<64x128xf32, #tpu.memory_space<vmem>>) target_semaphore(%run_scoped3A_148 : memref<!tpu.dma_semaphore, #tpu.memory_space<semaphore_mem>>)
        %dma_wait3A_157 = arith.constant 0 : i32
        %dma_wait3A_158 = arith.constant 0 : i32
        %dma_wait3A_159 = tpu.memref_slice %arg5[%run_scoped3A, %dma_wait3A_157, %dma_wait3A_158] : memref<4x64x128xf32, #tpu.memory_space<vmem>> -> memref<1x64x128xf32, #tpu.memory_space<vmem>>
        %dma_wait3A_160 = tpu.memref_squeeze %dma_wait3A_159 : memref<1x64x128xf32, #tpu.memory_space<vmem>> -> memref<64x128xf32, #tpu.memory_space<vmem>>
        %dma_wait3A_161 = arith.constant 0 : i32
        %dma_wait3A_162 = arith.constant 0 : i32
        %dma_wait3A_163 = tpu.memref_slice %arg5[%run_scoped3A, %dma_wait3A_161, %dma_wait3A_162] : memref<4x64x128xf32, #tpu.memory_space<vmem>> -> memref<1x64x128xf32, #tpu.memory_space<vmem>>
        %dma_wait3A_164 = tpu.memref_squeeze %dma_wait3A_163 : memref<1x64x128xf32, #tpu.memory_space<vmem>> -> memref<64x128xf32, #tpu.memory_space<vmem>>
        tpu.wait_dma2 semaphore(%run_scoped3A_148 : memref<!tpu.dma_semaphore, #tpu.memory_space<semaphore_mem>>) src(%arg3 : memref<64x128xf32, #tpu.memory_space<hbm>>) dst(%dma_wait3A_164 : memref<64x128xf32, #tpu.memory_space<vmem>>)
        tpu.yield
      }) : () -> ()
      %add3A_76 = arith.constant 0 : i32
      %add3A_77 = vector.broadcast %add3A_76 : i32 to vector<16xi32>
      %add3A_78 = arith.addi %iota3A, %add3A_77 : vector<16xi32>
      %mul3A_79 = arith.constant 32 : i32
      %mul3A_80 = vector.broadcast %mul3A_79 : i32 to vector<16xi32>
      %mul3A_81 = arith.muli %add3A_78, %mul3A_80 : vector<16xi32>
      %parallel_loop3A = arith.constant 0 : i32
      %parallel_loop3A_82 = arith.constant 32 : i32
      %parallel_loop3A_83 = arith.constant 1 : i32
      scf.for %parallel_loop3A_148 = %parallel_loop3A to %parallel_loop3A_82 step %parallel_loop3A_83  : i32 {
        %parallel_loop3A_149 = vector.broadcast %parallel_loop3A_148 : i32 to vector<16xi32>
        %parallel_loop3A_150 = arith.addi %parallel_loop3A_149, %iota3A : vector<16xi32>
        %parallel_loop3A_151 = arith.constant 31 : i32
        %parallel_loop3A_152 = vector.broadcast %parallel_loop3A_151 : i32 to vector<16xi32>
        %parallel_loop3A_153 = arith.andi %parallel_loop3A_150, %parallel_loop3A_152 : vector<16xi32>
        %parallel_loop3A_154 = arith.constant 2 : i32
        %parallel_loop3A_155 = vector.broadcast %parallel_loop3A_154 : i32 to vector<16xi32>
        %parallel_loop3A_156 = arith.muli %parallel_loop3A_155, %parallel_loop3A_153 : vector<16xi32>
        %parallel_loop3A_157 = arith.constant 0 : i32
        %parallel_loop3A_158 = arith.constant 0 : i32
        %parallel_loop3A_159 = arith.constant 0 : i32
        %parallel_loop3A_160 = tpu.memref_slice %arg5[%parallel_loop3A_157, %parallel_loop3A_158, %parallel_loop3A_159] : memref<4x64x128xf32, #tpu.memory_space<vmem>> -> memref<1x64x128xf32, #tpu.memory_space<vmem>>
        %parallel_loop3A_161 = tpu.memref_squeeze %parallel_loop3A_160 : memref<1x64x128xf32, #tpu.memory_space<vmem>> -> memref<64x128xf32, #tpu.memory_space<vmem>>
        %parallel_loop3A_162 = tpu.vector_load_idx %parallel_loop3A_161[%parallel_loop3A_156, %add3A_78] : memref<64x128xf32, #tpu.memory_space<vmem>>[vector<16xi32>, vector<16xi32>], vector<16xf32>,
        %parallel_loop3A_163 = arith.constant 2 : i32
        %parallel_loop3A_164 = vector.broadcast %parallel_loop3A_163 : i32 to vector<16xi32>
        %parallel_loop3A_165 = arith.muli %parallel_loop3A_164, %parallel_loop3A_153 : vector<16xi32>
        %parallel_loop3A_166 = arith.constant 1 : i32
        %parallel_loop3A_167 = vector.broadcast %parallel_loop3A_166 : i32 to vector<16xi32>
        %parallel_loop3A_168 = arith.addi %parallel_loop3A_165, %parallel_loop3A_167 : vector<16xi32>
        %parallel_loop3A_169 = arith.constant 0 : i32
        %parallel_loop3A_170 = arith.constant 0 : i32
        %parallel_loop3A_171 = arith.constant 0 : i32
        %parallel_loop3A_172 = tpu.memref_slice %arg5[%parallel_loop3A_169, %parallel_loop3A_170, %parallel_loop3A_171] : memref<4x64x128xf32, #tpu.memory_space<vmem>> -> memref<1x64x128xf32, #tpu.memory_space<vmem>>
        %parallel_loop3A_173 = tpu.memref_squeeze %parallel_loop3A_172 : memref<1x64x128xf32, #tpu.memory_space<vmem>> -> memref<64x128xf32, #tpu.memory_space<vmem>>
        %parallel_loop3A_174 = tpu.vector_load_idx %parallel_loop3A_173[%parallel_loop3A_168, %add3A_78] : memref<64x128xf32, #tpu.memory_space<vmem>>[vector<16xi32>, vector<16xi32>], vector<16xf32>,
        %parallel_loop3A_175 = tpu.pack_subelements %parallel_loop3A_162, %parallel_loop3A_174 {pack_format = #tpu.pack_format<interleaved>, positions = array<i32: 0, 1>} : vector<16xf32>, vector<16xf32> -> vector<32xbf16>
        %parallel_loop3A_176 = vector.bitcast %parallel_loop3A_175 : vector<32xbf16> to vector<16xi32>
        %parallel_loop3A_177 = arith.addi %mul3A_81, %parallel_loop3A_153 : vector<16xi32>
        %parallel_loop3A_178 = arith.constant 7 : i32
        %parallel_loop3A_179 = vector.broadcast %parallel_loop3A_178 : i32 to vector<16xi32>
        %parallel_loop3A_180 = arith.shrui %parallel_loop3A_177, %parallel_loop3A_179 : vector<16xi32>
        %parallel_loop3A_181 = arith.constant 127 : i32
        %parallel_loop3A_182 = vector.broadcast %parallel_loop3A_181 : i32 to vector<16xi32>
        %parallel_loop3A_183 = arith.andi %parallel_loop3A_177, %parallel_loop3A_182 : vector<16xi32>
        %parallel_loop3A_184 = arith.constant 0 : i32
        %parallel_loop3A_185 = arith.constant 0 : i32
        %parallel_loop3A_186 = arith.constant 0 : i32
        %parallel_loop3A_187 = tpu.memref_slice %arg6[%parallel_loop3A_184, %parallel_loop3A_185, %parallel_loop3A_186] : memref<2x32x128xi32, #tpu.memory_space<vmem>> -> memref<1x32x128xi32, #tpu.memory_space<vmem>>
        %parallel_loop3A_188 = tpu.memref_squeeze %parallel_loop3A_187 : memref<1x32x128xi32, #tpu.memory_space<vmem>> -> memref<32x128xi32, #tpu.memory_space<vmem>>
        tpu.vector_store_idx %parallel_loop3A_188[%parallel_loop3A_180, %parallel_loop3A_183], %parallel_loop3A_176 : memref<32x128xi32, #tpu.memory_space<vmem>>[vector<16xi32>, vector<16xi32>], vector<16xi32>,
      } {sc.loop_unroll_factor = 4 : i64, sc.parallel_access}
      %add3A_84 = arith.constant 16 : i32
      %add3A_85 = vector.broadcast %add3A_84 : i32 to vector<16xi32>
      %add3A_86 = arith.addi %iota3A, %add3A_85 : vector<16xi32>
      %mul3A_87 = arith.constant 32 : i32
      %mul3A_88 = vector.broadcast %mul3A_87 : i32 to vector<16xi32>
      %mul3A_89 = arith.muli %add3A_86, %mul3A_88 : vector<16xi32>
      %parallel_loop3A_90 = arith.constant 0 : i32
      %parallel_loop3A_91 = arith.constant 32 : i32
      %parallel_loop3A_92 = arith.constant 1 : i32
      scf.for %parallel_loop3A_148 = %parallel_loop3A_90 to %parallel_loop3A_91 step %parallel_loop3A_92  : i32 {
        %parallel_loop3A_149 = vector.broadcast %parallel_loop3A_148 : i32 to vector<16xi32>
        %parallel_loop3A_150 = arith.addi %parallel_loop3A_149, %iota3A : vector<16xi32>
        %parallel_loop3A_151 = arith.constant 31 : i32
        %parallel_loop3A_152 = vector.broadcast %parallel_loop3A_151 : i32 to vector<16xi32>
        %parallel_loop3A_153 = arith.andi %parallel_loop3A_150, %parallel_loop3A_152 : vector<16xi32>
        %parallel_loop3A_154 = arith.constant 2 : i32
        %parallel_loop3A_155 = vector.broadcast %parallel_loop3A_154 : i32 to vector<16xi32>
        %parallel_loop3A_156 = arith.muli %parallel_loop3A_155, %parallel_loop3A_153 : vector<16xi32>
        %parallel_loop3A_157 = arith.constant 0 : i32
        %parallel_loop3A_158 = arith.constant 0 : i32
        %parallel_loop3A_159 = arith.constant 0 : i32
        %parallel_loop3A_160 = tpu.memref_slice %arg5[%parallel_loop3A_157, %parallel_loop3A_158, %parallel_loop3A_159] : memref<4x64x128xf32, #tpu.memory_space<vmem>> -> memref<1x64x128xf32, #tpu.memory_space<vmem>>
        %parallel_loop3A_161 = tpu.memref_squeeze %parallel_loop3A_160 : memref<1x64x128xf32, #tpu.memory_space<vmem>> -> memref<64x128xf32, #tpu.memory_space<vmem>>
        %parallel_loop3A_162 = tpu.vector_load_idx %parallel_loop3A_161[%parallel_loop3A_156, %add3A_86] : memref<64x128xf32, #tpu.memory_space<vmem>>[vector<16xi32>, vector<16xi32>], vector<16xf32>,
        %parallel_loop3A_163 = arith.constant 2 : i32
        %parallel_loop3A_164 = vector.broadcast %parallel_loop3A_163 : i32 to vector<16xi32>
        %parallel_loop3A_165 = arith.muli %parallel_loop3A_164, %parallel_loop3A_153 : vector<16xi32>
        %parallel_loop3A_166 = arith.constant 1 : i32
        %parallel_loop3A_167 = vector.broadcast %parallel_loop3A_166 : i32 to vector<16xi32>
        %parallel_loop3A_168 = arith.addi %parallel_loop3A_165, %parallel_loop3A_167 : vector<16xi32>
        %parallel_loop3A_169 = arith.constant 0 : i32
        %parallel_loop3A_170 = arith.constant 0 : i32
        %parallel_loop3A_171 = arith.constant 0 : i32
        %parallel_loop3A_172 = tpu.memref_slice %arg5[%parallel_loop3A_169, %parallel_loop3A_170, %parallel_loop3A_171] : memref<4x64x128xf32, #tpu.memory_space<vmem>> -> memref<1x64x128xf32, #tpu.memory_space<vmem>>
        %parallel_loop3A_173 = tpu.memref_squeeze %parallel_loop3A_172 : memref<1x64x128xf32, #tpu.memory_space<vmem>> -> memref<64x128xf32, #tpu.memory_space<vmem>>
        %parallel_loop3A_174 = tpu.vector_load_idx %parallel_loop3A_173[%parallel_loop3A_168, %add3A_86] : memref<64x128xf32, #tpu.memory_space<vmem>>[vector<16xi32>, vector<16xi32>], vector<16xf32>,
        %parallel_loop3A_175 = tpu.pack_subelements %parallel_loop3A_162, %parallel_loop3A_174 {pack_format = #tpu.pack_format<interleaved>, positions = array<i32: 0, 1>} : vector<16xf32>, vector<16xf32> -> vector<32xbf16>
        %parallel_loop3A_176 = vector.bitcast %parallel_loop3A_175 : vector<32xbf16> to vector<16xi32>
        %parallel_loop3A_177 = arith.addi %mul3A_89, %parallel_loop3A_153 : vector<16xi32>
        %parallel_loop3A_178 = arith.constant 7 : i32
        %parallel_loop3A_179 = vector.broadcast %parallel_loop3A_178 : i32 to vector<16xi32>
        %parallel_loop3A_180 = arith.shrui %parallel_loop3A_177, %parallel_loop3A_179 : vector<16xi32>
        %parallel_loop3A_181 = arith.constant 127 : i32
        %parallel_loop3A_182 = vector.broadcast %parallel_loop3A_181 : i32 to vector<16xi32>
        %parallel_loop3A_183 = arith.andi %parallel_loop3A_177, %parallel_loop3A_182 : vector<16xi32>
        %parallel_loop3A_184 = arith.constant 0 : i32
        %parallel_loop3A_185 = arith.constant 0 : i32
        %parallel_loop3A_186 = arith.constant 0 : i32
        %parallel_loop3A_187 = tpu.memref_slice %arg6[%parallel_loop3A_184, %parallel_loop3A_185, %parallel_loop3A_186] : memref<2x32x128xi32, #tpu.memory_space<vmem>> -> memref<1x32x128xi32, #tpu.memory_space<vmem>>
        %parallel_loop3A_188 = tpu.memref_squeeze %parallel_loop3A_187 : memref<1x32x128xi32, #tpu.memory_space<vmem>> -> memref<32x128xi32, #tpu.memory_space<vmem>>
        tpu.vector_store_idx %parallel_loop3A_188[%parallel_loop3A_180, %parallel_loop3A_183], %parallel_loop3A_176 : memref<32x128xi32, #tpu.memory_space<vmem>>[vector<16xi32>, vector<16xi32>], vector<16xi32>,
      } {sc.loop_unroll_factor = 4 : i64, sc.parallel_access}
      %add3A_93 = arith.constant 32 : i32
      %add3A_94 = vector.broadcast %add3A_93 : i32 to vector<16xi32>
      %add3A_95 = arith.addi %iota3A, %add3A_94 : vector<16xi32>
      %mul3A_96 = arith.constant 32 : i32
      %mul3A_97 = vector.broadcast %mul3A_96 : i32 to vector<16xi32>
      %mul3A_98 = arith.muli %add3A_95, %mul3A_97 : vector<16xi32>
      %parallel_loop3A_99 = arith.constant 0 : i32
      %parallel_loop3A_100 = arith.constant 32 : i32
      %parallel_loop3A_101 = arith.constant 1 : i32
      scf.for %parallel_loop3A_148 = %parallel_loop3A_99 to %parallel_loop3A_100 step %parallel_loop3A_101  : i32 {
        %parallel_loop3A_149 = vector.broadcast %parallel_loop3A_148 : i32 to vector<16xi32>
        %parallel_loop3A_150 = arith.addi %parallel_loop3A_149, %iota3A : vector<16xi32>
        %parallel_loop3A_151 = arith.constant 31 : i32
        %parallel_loop3A_152 = vector.broadcast %parallel_loop3A_151 : i32 to vector<16xi32>
        %parallel_loop3A_153 = arith.andi %parallel_loop3A_150, %parallel_loop3A_152 : vector<16xi32>
        %parallel_loop3A_154 = arith.constant 2 : i32
        %parallel_loop3A_155 = vector.broadcast %parallel_loop3A_154 : i32 to vector<16xi32>
        %parallel_loop3A_156 = arith.muli %parallel_loop3A_155, %parallel_loop3A_153 : vector<16xi32>
        %parallel_loop3A_157 = arith.constant 0 : i32
        %parallel_loop3A_158 = arith.constant 0 : i32
        %parallel_loop3A_159 = arith.constant 0 : i32
        %parallel_loop3A_160 = tpu.memref_slice %arg5[%parallel_loop3A_157, %parallel_loop3A_158, %parallel_loop3A_159] : memref<4x64x128xf32, #tpu.memory_space<vmem>> -> memref<1x64x128xf32, #tpu.memory_space<vmem>>
        %parallel_loop3A_161 = tpu.memref_squeeze %parallel_loop3A_160 : memref<1x64x128xf32, #tpu.memory_space<vmem>> -> memref<64x128xf32, #tpu.memory_space<vmem>>
        %parallel_loop3A_162 = tpu.vector_load_idx %parallel_loop3A_161[%parallel_loop3A_156, %add3A_95] : memref<64x128xf32, #tpu.memory_space<vmem>>[vector<16xi32>, vector<16xi32>], vector<16xf32>,
        %parallel_loop3A_163 = arith.constant 2 : i32
        %parallel_loop3A_164 = vector.broadcast %parallel_loop3A_163 : i32 to vector<16xi32>
        %parallel_loop3A_165 = arith.muli %parallel_loop3A_164, %parallel_loop3A_153 : vector<16xi32>
        %parallel_loop3A_166 = arith.constant 1 : i32
        %parallel_loop3A_167 = vector.broadcast %parallel_loop3A_166 : i32 to vector<16xi32>
        %parallel_loop3A_168 = arith.addi %parallel_loop3A_165, %parallel_loop3A_167 : vector<16xi32>
        %parallel_loop3A_169 = arith.constant 0 : i32
        %parallel_loop3A_170 = arith.constant 0 : i32
        %parallel_loop3A_171 = arith.constant 0 : i32
        %parallel_loop3A_172 = tpu.memref_slice %arg5[%parallel_loop3A_169, %parallel_loop3A_170, %parallel_loop3A_171] : memref<4x64x128xf32, #tpu.memory_space<vmem>> -> memref<1x64x128xf32, #tpu.memory_space<vmem>>
        %parallel_loop3A_173 = tpu.memref_squeeze %parallel_loop3A_172 : memref<1x64x128xf32, #tpu.memory_space<vmem>> -> memref<64x128xf32, #tpu.memory_space<vmem>>
        %parallel_loop3A_174 = tpu.vector_load_idx %parallel_loop3A_173[%parallel_loop3A_168, %add3A_95] : memref<64x128xf32, #tpu.memory_space<vmem>>[vector<16xi32>, vector<16xi32>], vector<16xf32>,
        %parallel_loop3A_175 = tpu.pack_subelements %parallel_loop3A_162, %parallel_loop3A_174 {pack_format = #tpu.pack_format<interleaved>, positions = array<i32: 0, 1>} : vector<16xf32>, vector<16xf32> -> vector<32xbf16>
        %parallel_loop3A_176 = vector.bitcast %parallel_loop3A_175 : vector<32xbf16> to vector<16xi32>
        %parallel_loop3A_177 = arith.addi %mul3A_98, %parallel_loop3A_153 : vector<16xi32>
        %parallel_loop3A_178 = arith.constant 7 : i32
        %parallel_loop3A_179 = vector.broadcast %parallel_loop3A_178 : i32 to vector<16xi32>
        %parallel_loop3A_180 = arith.shrui %parallel_loop3A_177, %parallel_loop3A_179 : vector<16xi32>
        %parallel_loop3A_181 = arith.constant 127 : i32
        %parallel_loop3A_182 = vector.broadcast %parallel_loop3A_181 : i32 to vector<16xi32>
        %parallel_loop3A_183 = arith.andi %parallel_loop3A_177, %parallel_loop3A_182 : vector<16xi32>
        %parallel_loop3A_184 = arith.constant 0 : i32
        %parallel_loop3A_185 = arith.constant 0 : i32
        %parallel_loop3A_186 = arith.constant 0 : i32
        %parallel_loop3A_187 = tpu.memref_slice %arg6[%parallel_loop3A_184, %parallel_loop3A_185, %parallel_loop3A_186] : memref<2x32x128xi32, #tpu.memory_space<vmem>> -> memref<1x32x128xi32, #tpu.memory_space<vmem>>
        %parallel_loop3A_188 = tpu.memref_squeeze %parallel_loop3A_187 : memref<1x32x128xi32, #tpu.memory_space<vmem>> -> memref<32x128xi32, #tpu.memory_space<vmem>>
        tpu.vector_store_idx %parallel_loop3A_188[%parallel_loop3A_180, %parallel_loop3A_183], %parallel_loop3A_176 : memref<32x128xi32, #tpu.memory_space<vmem>>[vector<16xi32>, vector<16xi32>], vector<16xi32>,
      } {sc.loop_unroll_factor = 4 : i64, sc.parallel_access}
      %add3A_102 = arith.constant 48 : i32
      %add3A_103 = vector.broadcast %add3A_102 : i32 to vector<16xi32>
      %add3A_104 = arith.addi %iota3A, %add3A_103 : vector<16xi32>
      %mul3A_105 = arith.constant 32 : i32
      %mul3A_106 = vector.broadcast %mul3A_105 : i32 to vector<16xi32>
      %mul3A_107 = arith.muli %add3A_104, %mul3A_106 : vector<16xi32>
      %parallel_loop3A_108 = arith.constant 0 : i32
      %parallel_loop3A_109 = arith.constant 32 : i32
      %parallel_loop3A_110 = arith.constant 1 : i32
      scf.for %parallel_loop3A_148 = %parallel_loop3A_108 to %parallel_loop3A_109 step %parallel_loop3A_110  : i32 {
        %parallel_loop3A_149 = vector.broadcast %parallel_loop3A_148 : i32 to vector<16xi32>
        %parallel_loop3A_150 = arith.addi %parallel_loop3A_149, %iota3A : vector<16xi32>
        %parallel_loop3A_151 = arith.constant 31 : i32
        %parallel_loop3A_152 = vector.broadcast %parallel_loop3A_151 : i32 to vector<16xi32>
        %parallel_loop3A_153 = arith.andi %parallel_loop3A_150, %parallel_loop3A_152 : vector<16xi32>
        %parallel_loop3A_154 = arith.constant 2 : i32
        %parallel_loop3A_155 = vector.broadcast %parallel_loop3A_154 : i32 to vector<16xi32>
        %parallel_loop3A_156 = arith.muli %parallel_loop3A_155, %parallel_loop3A_153 : vector<16xi32>
        %parallel_loop3A_157 = arith.constant 0 : i32
        %parallel_loop3A_158 = arith.constant 0 : i32
        %parallel_loop3A_159 = arith.constant 0 : i32
        %parallel_loop3A_160 = tpu.memref_slice %arg5[%parallel_loop3A_157, %parallel_loop3A_158, %parallel_loop3A_159] : memref<4x64x128xf32, #tpu.memory_space<vmem>> -> memref<1x64x128xf32, #tpu.memory_space<vmem>>
        %parallel_loop3A_161 = tpu.memref_squeeze %parallel_loop3A_160 : memref<1x64x128xf32, #tpu.memory_space<vmem>> -> memref<64x128xf32, #tpu.memory_space<vmem>>
        %parallel_loop3A_162 = tpu.vector_load_idx %parallel_loop3A_161[%parallel_loop3A_156, %add3A_104] : memref<64x128xf32, #tpu.memory_space<vmem>>[vector<16xi32>, vector<16xi32>], vector<16xf32>,
        %parallel_loop3A_163 = arith.constant 2 : i32
        %parallel_loop3A_164 = vector.broadcast %parallel_loop3A_163 : i32 to vector<16xi32>
        %parallel_loop3A_165 = arith.muli %parallel_loop3A_164, %parallel_loop3A_153 : vector<16xi32>
        %parallel_loop3A_166 = arith.constant 1 : i32
        %parallel_loop3A_167 = vector.broadcast %parallel_loop3A_166 : i32 to vector<16xi32>
        %parallel_loop3A_168 = arith.addi %parallel_loop3A_165, %parallel_loop3A_167 : vector<16xi32>
        %parallel_loop3A_169 = arith.constant 0 : i32
        %parallel_loop3A_170 = arith.constant 0 : i32
        %parallel_loop3A_171 = arith.constant 0 : i32
        %parallel_loop3A_172 = tpu.memref_slice %arg5[%parallel_loop3A_169, %parallel_loop3A_170, %parallel_loop3A_171] : memref<4x64x128xf32, #tpu.memory_space<vmem>> -> memref<1x64x128xf32, #tpu.memory_space<vmem>>
        %parallel_loop3A_173 = tpu.memref_squeeze %parallel_loop3A_172 : memref<1x64x128xf32, #tpu.memory_space<vmem>> -> memref<64x128xf32, #tpu.memory_space<vmem>>
        %parallel_loop3A_174 = tpu.vector_load_idx %parallel_loop3A_173[%parallel_loop3A_168, %add3A_104] : memref<64x128xf32, #tpu.memory_space<vmem>>[vector<16xi32>, vector<16xi32>], vector<16xf32>,
        %parallel_loop3A_175 = tpu.pack_subelements %parallel_loop3A_162, %parallel_loop3A_174 {pack_format = #tpu.pack_format<interleaved>, positions = array<i32: 0, 1>} : vector<16xf32>, vector<16xf32> -> vector<32xbf16>
        %parallel_loop3A_176 = vector.bitcast %parallel_loop3A_175 : vector<32xbf16> to vector<16xi32>
        %parallel_loop3A_177 = arith.addi %mul3A_107, %parallel_loop3A_153 : vector<16xi32>
        %parallel_loop3A_178 = arith.constant 7 : i32
        %parallel_loop3A_179 = vector.broadcast %parallel_loop3A_178 : i32 to vector<16xi32>
        %parallel_loop3A_180 = arith.shrui %parallel_loop3A_177, %parallel_loop3A_179 : vector<16xi32>
        %parallel_loop3A_181 = arith.constant 127 : i32
        %parallel_loop3A_182 = vector.broadcast %parallel_loop3A_181 : i32 to vector<16xi32>
        %parallel_loop3A_183 = arith.andi %parallel_loop3A_177, %parallel_loop3A_182 : vector<16xi32>
        %parallel_loop3A_184 = arith.constant 0 : i32
        %parallel_loop3A_185 = arith.constant 0 : i32
        %parallel_loop3A_186 = arith.constant 0 : i32
        %parallel_loop3A_187 = tpu.memref_slice %arg6[%parallel_loop3A_184, %parallel_loop3A_185, %parallel_loop3A_186] : memref<2x32x128xi32, #tpu.memory_space<vmem>> -> memref<1x32x128xi32, #tpu.memory_space<vmem>>
        %parallel_loop3A_188 = tpu.memref_squeeze %parallel_loop3A_187 : memref<1x32x128xi32, #tpu.memory_space<vmem>> -> memref<32x128xi32, #tpu.memory_space<vmem>>
        tpu.vector_store_idx %parallel_loop3A_188[%parallel_loop3A_180, %parallel_loop3A_183], %parallel_loop3A_176 : memref<32x128xi32, #tpu.memory_space<vmem>>[vector<16xi32>, vector<16xi32>], vector<16xi32>,
      } {sc.loop_unroll_factor = 4 : i64, sc.parallel_access}
      %add3A_111 = arith.constant 64 : i32
      %add3A_112 = vector.broadcast %add3A_111 : i32 to vector<16xi32>
      %add3A_113 = arith.addi %iota3A, %add3A_112 : vector<16xi32>
      %mul3A_114 = arith.constant 32 : i32
      %mul3A_115 = vector.broadcast %mul3A_114 : i32 to vector<16xi32>
      %mul3A_116 = arith.muli %add3A_113, %mul3A_115 : vector<16xi32>
      %parallel_loop3A_117 = arith.constant 0 : i32
      %parallel_loop3A_118 = arith.constant 32 : i32
      %parallel_loop3A_119 = arith.constant 1 : i32
      scf.for %parallel_loop3A_148 = %parallel_loop3A_117 to %parallel_loop3A_118 step %parallel_loop3A_119  : i32 {
        %parallel_loop3A_149 = vector.broadcast %parallel_loop3A_148 : i32 to vector<16xi32>
        %parallel_loop3A_150 = arith.addi %parallel_loop3A_149, %iota3A : vector<16xi32>
        %parallel_loop3A_151 = arith.constant 31 : i32
        %parallel_loop3A_152 = vector.broadcast %parallel_loop3A_151 : i32 to vector<16xi32>
        %parallel_loop3A_153 = arith.andi %parallel_loop3A_150, %parallel_loop3A_152 : vector<16xi32>
        %parallel_loop3A_154 = arith.constant 2 : i32
        %parallel_loop3A_155 = vector.broadcast %parallel_loop3A_154 : i32 to vector<16xi32>
        %parallel_loop3A_156 = arith.muli %parallel_loop3A_155, %parallel_loop3A_153 : vector<16xi32>
        %parallel_loop3A_157 = arith.constant 0 : i32
        %parallel_loop3A_158 = arith.constant 0 : i32
        %parallel_loop3A_159 = arith.constant 0 : i32
        %parallel_loop3A_160 = tpu.memref_slice %arg5[%parallel_loop3A_157, %parallel_loop3A_158, %parallel_loop3A_159] : memref<4x64x128xf32, #tpu.memory_space<vmem>> -> memref<1x64x128xf32, #tpu.memory_space<vmem>>
        %parallel_loop3A_161 = tpu.memref_squeeze %parallel_loop3A_160 : memref<1x64x128xf32, #tpu.memory_space<vmem>> -> memref<64x128xf32, #tpu.memory_space<vmem>>
        %parallel_loop3A_162 = tpu.vector_load_idx %parallel_loop3A_161[%parallel_loop3A_156, %add3A_113] : memref<64x128xf32, #tpu.memory_space<vmem>>[vector<16xi32>, vector<16xi32>], vector<16xf32>,
        %parallel_loop3A_163 = arith.constant 2 : i32
        %parallel_loop3A_164 = vector.broadcast %parallel_loop3A_163 : i32 to vector<16xi32>
        %parallel_loop3A_165 = arith.muli %parallel_loop3A_164, %parallel_loop3A_153 : vector<16xi32>
        %parallel_loop3A_166 = arith.constant 1 : i32
        %parallel_loop3A_167 = vector.broadcast %parallel_loop3A_166 : i32 to vector<16xi32>
        %parallel_loop3A_168 = arith.addi %parallel_loop3A_165, %parallel_loop3A_167 : vector<16xi32>
        %parallel_loop3A_169 = arith.constant 0 : i32
        %parallel_loop3A_170 = arith.constant 0 : i32
        %parallel_loop3A_171 = arith.constant 0 : i32
        %parallel_loop3A_172 = tpu.memref_slice %arg5[%parallel_loop3A_169, %parallel_loop3A_170, %parallel_loop3A_171] : memref<4x64x128xf32, #tpu.memory_space<vmem>> -> memref<1x64x128xf32, #tpu.memory_space<vmem>>
        %parallel_loop3A_173 = tpu.memref_squeeze %parallel_loop3A_172 : memref<1x64x128xf32, #tpu.memory_space<vmem>> -> memref<64x128xf32, #tpu.memory_space<vmem>>
        %parallel_loop3A_174 = tpu.vector_load_idx %parallel_loop3A_173[%parallel_loop3A_168, %add3A_113] : memref<64x128xf32, #tpu.memory_space<vmem>>[vector<16xi32>, vector<16xi32>], vector<16xf32>,
        %parallel_loop3A_175 = tpu.pack_subelements %parallel_loop3A_162, %parallel_loop3A_174 {pack_format = #tpu.pack_format<interleaved>, positions = array<i32: 0, 1>} : vector<16xf32>, vector<16xf32> -> vector<32xbf16>
        %parallel_loop3A_176 = vector.bitcast %parallel_loop3A_175 : vector<32xbf16> to vector<16xi32>
        %parallel_loop3A_177 = arith.addi %mul3A_116, %parallel_loop3A_153 : vector<16xi32>
        %parallel_loop3A_178 = arith.constant 7 : i32
        %parallel_loop3A_179 = vector.broadcast %parallel_loop3A_178 : i32 to vector<16xi32>
        %parallel_loop3A_180 = arith.shrui %parallel_loop3A_177, %parallel_loop3A_179 : vector<16xi32>
        %parallel_loop3A_181 = arith.constant 127 : i32
        %parallel_loop3A_182 = vector.broadcast %parallel_loop3A_181 : i32 to vector<16xi32>
        %parallel_loop3A_183 = arith.andi %parallel_loop3A_177, %parallel_loop3A_182 : vector<16xi32>
        %parallel_loop3A_184 = arith.constant 0 : i32
        %parallel_loop3A_185 = arith.constant 0 : i32
        %parallel_loop3A_186 = arith.constant 0 : i32
        %parallel_loop3A_187 = tpu.memref_slice %arg6[%parallel_loop3A_184, %parallel_loop3A_185, %parallel_loop3A_186] : memref<2x32x128xi32, #tpu.memory_space<vmem>> -> memref<1x32x128xi32, #tpu.memory_space<vmem>>
        %parallel_loop3A_188 = tpu.memref_squeeze %parallel_loop3A_187 : memref<1x32x128xi32, #tpu.memory_space<vmem>> -> memref<32x128xi32, #tpu.memory_space<vmem>>
        tpu.vector_store_idx %parallel_loop3A_188[%parallel_loop3A_180, %parallel_loop3A_183], %parallel_loop3A_176 : memref<32x128xi32, #tpu.memory_space<vmem>>[vector<16xi32>, vector<16xi32>], vector<16xi32>,
      } {sc.loop_unroll_factor = 4 : i64, sc.parallel_access}
      %add3A_120 = arith.constant 80 : i32
      %add3A_121 = vector.broadcast %add3A_120 : i32 to vector<16xi32>
      %add3A_122 = arith.addi %iota3A, %add3A_121 : vector<16xi32>
      %mul3A_123 = arith.constant 32 : i32
      %mul3A_124 = vector.broadcast %mul3A_123 : i32 to vector<16xi32>
      %mul3A_125 = arith.muli %add3A_122, %mul3A_124 : vector<16xi32>
      %parallel_loop3A_126 = arith.constant 0 : i32
      %parallel_loop3A_127 = arith.constant 32 : i32
      %parallel_loop3A_128 = arith.constant 1 : i32
      scf.for %parallel_loop3A_148 = %parallel_loop3A_126 to %parallel_loop3A_127 step %parallel_loop3A_128  : i32 {
        %parallel_loop3A_149 = vector.broadcast %parallel_loop3A_148 : i32 to vector<16xi32>
        %parallel_loop3A_150 = arith.addi %parallel_loop3A_149, %iota3A : vector<16xi32>
        %parallel_loop3A_151 = arith.constant 31 : i32
        %parallel_loop3A_152 = vector.broadcast %parallel_loop3A_151 : i32 to vector<16xi32>
        %parallel_loop3A_153 = arith.andi %parallel_loop3A_150, %parallel_loop3A_152 : vector<16xi32>
        %parallel_loop3A_154 = arith.constant 2 : i32
        %parallel_loop3A_155 = vector.broadcast %parallel_loop3A_154 : i32 to vector<16xi32>
        %parallel_loop3A_156 = arith.muli %parallel_loop3A_155, %parallel_loop3A_153 : vector<16xi32>
        %parallel_loop3A_157 = arith.constant 0 : i32
        %parallel_loop3A_158 = arith.constant 0 : i32
        %parallel_loop3A_159 = arith.constant 0 : i32
        %parallel_loop3A_160 = tpu.memref_slice %arg5[%parallel_loop3A_157, %parallel_loop3A_158, %parallel_loop3A_159] : memref<4x64x128xf32, #tpu.memory_space<vmem>> -> memref<1x64x128xf32, #tpu.memory_space<vmem>>
        %parallel_loop3A_161 = tpu.memref_squeeze %parallel_loop3A_160 : memref<1x64x128xf32, #tpu.memory_space<vmem>> -> memref<64x128xf32, #tpu.memory_space<vmem>>
        %parallel_loop3A_162 = tpu.vector_load_idx %parallel_loop3A_161[%parallel_loop3A_156, %add3A_122] : memref<64x128xf32, #tpu.memory_space<vmem>>[vector<16xi32>, vector<16xi32>], vector<16xf32>,
        %parallel_loop3A_163 = arith.constant 2 : i32
        %parallel_loop3A_164 = vector.broadcast %parallel_loop3A_163 : i32 to vector<16xi32>
        %parallel_loop3A_165 = arith.muli %parallel_loop3A_164, %parallel_loop3A_153 : vector<16xi32>
        %parallel_loop3A_166 = arith.constant 1 : i32
        %parallel_loop3A_167 = vector.broadcast %parallel_loop3A_166 : i32 to vector<16xi32>
        %parallel_loop3A_168 = arith.addi %parallel_loop3A_165, %parallel_loop3A_167 : vector<16xi32>
        %parallel_loop3A_169 = arith.constant 0 : i32
        %parallel_loop3A_170 = arith.constant 0 : i32
        %parallel_loop3A_171 = arith.constant 0 : i32
        %parallel_loop3A_172 = tpu.memref_slice %arg5[%parallel_loop3A_169, %parallel_loop3A_170, %parallel_loop3A_171] : memref<4x64x128xf32, #tpu.memory_space<vmem>> -> memref<1x64x128xf32, #tpu.memory_space<vmem>>
        %parallel_loop3A_173 = tpu.memref_squeeze %parallel_loop3A_172 : memref<1x64x128xf32, #tpu.memory_space<vmem>> -> memref<64x128xf32, #tpu.memory_space<vmem>>
        %parallel_loop3A_174 = tpu.vector_load_idx %parallel_loop3A_173[%parallel_loop3A_168, %add3A_122] : memref<64x128xf32, #tpu.memory_space<vmem>>[vector<16xi32>, vector<16xi32>], vector<16xf32>,
        %parallel_loop3A_175 = tpu.pack_subelements %parallel_loop3A_162, %parallel_loop3A_174 {pack_format = #tpu.pack_format<interleaved>, positions = array<i32: 0, 1>} : vector<16xf32>, vector<16xf32> -> vector<32xbf16>
        %parallel_loop3A_176 = vector.bitcast %parallel_loop3A_175 : vector<32xbf16> to vector<16xi32>
        %parallel_loop3A_177 = arith.addi %mul3A_125, %parallel_loop3A_153 : vector<16xi32>
        %parallel_loop3A_178 = arith.constant 7 : i32
        %parallel_loop3A_179 = vector.broadcast %parallel_loop3A_178 : i32 to vector<16xi32>
        %parallel_loop3A_180 = arith.shrui %parallel_loop3A_177, %parallel_loop3A_179 : vector<16xi32>
        %parallel_loop3A_181 = arith.constant 127 : i32
        %parallel_loop3A_182 = vector.broadcast %parallel_loop3A_181 : i32 to vector<16xi32>
        %parallel_loop3A_183 = arith.andi %parallel_loop3A_177, %parallel_loop3A_182 : vector<16xi32>
        %parallel_loop3A_184 = arith.constant 0 : i32
        %parallel_loop3A_185 = arith.constant 0 : i32
        %parallel_loop3A_186 = arith.constant 0 : i32
        %parallel_loop3A_187 = tpu.memref_slice %arg6[%parallel_loop3A_184, %parallel_loop3A_185, %parallel_loop3A_186] : memref<2x32x128xi32, #tpu.memory_space<vmem>> -> memref<1x32x128xi32, #tpu.memory_space<vmem>>
        %parallel_loop3A_188 = tpu.memref_squeeze %parallel_loop3A_187 : memref<1x32x128xi32, #tpu.memory_space<vmem>> -> memref<32x128xi32, #tpu.memory_space<vmem>>
        tpu.vector_store_idx %parallel_loop3A_188[%parallel_loop3A_180, %parallel_loop3A_183], %parallel_loop3A_176 : memref<32x128xi32, #tpu.memory_space<vmem>>[vector<16xi32>, vector<16xi32>], vector<16xi32>,
      } {sc.loop_unroll_factor = 4 : i64, sc.parallel_access}
      %add3A_129 = arith.constant 96 : i32
      %add3A_130 = vector.broadcast %add3A_129 : i32 to vector<16xi32>
      %add3A_131 = arith.addi %iota3A, %add3A_130 : vector<16xi32>
      %mul3A_132 = arith.constant 32 : i32
      %mul3A_133 = vector.broadcast %mul3A_132 : i32 to vector<16xi32>
      %mul3A_134 = arith.muli %add3A_131, %mul3A_133 : vector<16xi32>
      %parallel_loop3A_135 = arith.constant 0 : i32
      %parallel_loop3A_136 = arith.constant 32 : i32
      %parallel_loop3A_137 = arith.constant 1 : i32
      scf.for %parallel_loop3A_148 = %parallel_loop3A_135 to %parallel_loop3A_136 step %parallel_loop3A_137  : i32 {
        %parallel_loop3A_149 = vector.broadcast %parallel_loop3A_148 : i32 to vector<16xi32>
        %parallel_loop3A_150 = arith.addi %parallel_loop3A_149, %iota3A : vector<16xi32>
        %parallel_loop3A_151 = arith.constant 31 : i32
        %parallel_loop3A_152 = vector.broadcast %parallel_loop3A_151 : i32 to vector<16xi32>
        %parallel_loop3A_153 = arith.andi %parallel_loop3A_150, %parallel_loop3A_152 : vector<16xi32>
        %parallel_loop3A_154 = arith.constant 2 : i32
        %parallel_loop3A_155 = vector.broadcast %parallel_loop3A_154 : i32 to vector<16xi32>
        %parallel_loop3A_156 = arith.muli %parallel_loop3A_155, %parallel_loop3A_153 : vector<16xi32>
        %parallel_loop3A_157 = arith.constant 0 : i32
        %parallel_loop3A_158 = arith.constant 0 : i32
        %parallel_loop3A_159 = arith.constant 0 : i32
        %parallel_loop3A_160 = tpu.memref_slice %arg5[%parallel_loop3A_157, %parallel_loop3A_158, %parallel_loop3A_159] : memref<4x64x128xf32, #tpu.memory_space<vmem>> -> memref<1x64x128xf32, #tpu.memory_space<vmem>>
        %parallel_loop3A_161 = tpu.memref_squeeze %parallel_loop3A_160 : memref<1x64x128xf32, #tpu.memory_space<vmem>> -> memref<64x128xf32, #tpu.memory_space<vmem>>
        %parallel_loop3A_162 = tpu.vector_load_idx %parallel_loop3A_161[%parallel_loop3A_156, %add3A_131] : memref<64x128xf32, #tpu.memory_space<vmem>>[vector<16xi32>, vector<16xi32>], vector<16xf32>,
        %parallel_loop3A_163 = arith.constant 2 : i32
        %parallel_loop3A_164 = vector.broadcast %parallel_loop3A_163 : i32 to vector<16xi32>
        %parallel_loop3A_165 = arith.muli %parallel_loop3A_164, %parallel_loop3A_153 : vector<16xi32>
        %parallel_loop3A_166 = arith.constant 1 : i32
        %parallel_loop3A_167 = vector.broadcast %parallel_loop3A_166 : i32 to vector<16xi32>
        %parallel_loop3A_168 = arith.addi %parallel_loop3A_165, %parallel_loop3A_167 : vector<16xi32>
        %parallel_loop3A_169 = arith.constant 0 : i32
        %parallel_loop3A_170 = arith.constant 0 : i32
        %parallel_loop3A_171 = arith.constant 0 : i32
        %parallel_loop3A_172 = tpu.memref_slice %arg5[%parallel_loop3A_169, %parallel_loop3A_170, %parallel_loop3A_171] : memref<4x64x128xf32, #tpu.memory_space<vmem>> -> memref<1x64x128xf32, #tpu.memory_space<vmem>>
        %parallel_loop3A_173 = tpu.memref_squeeze %parallel_loop3A_172 : memref<1x64x128xf32, #tpu.memory_space<vmem>> -> memref<64x128xf32, #tpu.memory_space<vmem>>
        %parallel_loop3A_174 = tpu.vector_load_idx %parallel_loop3A_173[%parallel_loop3A_168, %add3A_131] : memref<64x128xf32, #tpu.memory_space<vmem>>[vector<16xi32>, vector<16xi32>], vector<16xf32>,
        %parallel_loop3A_175 = tpu.pack_subelements %parallel_loop3A_162, %parallel_loop3A_174 {pack_format = #tpu.pack_format<interleaved>, positions = array<i32: 0, 1>} : vector<16xf32>, vector<16xf32> -> vector<32xbf16>
        %parallel_loop3A_176 = vector.bitcast %parallel_loop3A_175 : vector<32xbf16> to vector<16xi32>
        %parallel_loop3A_177 = arith.addi %mul3A_134, %parallel_loop3A_153 : vector<16xi32>
        %parallel_loop3A_178 = arith.constant 7 : i32
        %parallel_loop3A_179 = vector.broadcast %parallel_loop3A_178 : i32 to vector<16xi32>
        %parallel_loop3A_180 = arith.shrui %parallel_loop3A_177, %parallel_loop3A_179 : vector<16xi32>
        %parallel_loop3A_181 = arith.constant 127 : i32
        %parallel_loop3A_182 = vector.broadcast %parallel_loop3A_181 : i32 to vector<16xi32>
        %parallel_loop3A_183 = arith.andi %parallel_loop3A_177, %parallel_loop3A_182 : vector<16xi32>
        %parallel_loop3A_184 = arith.constant 0 : i32
        %parallel_loop3A_185 = arith.constant 0 : i32
        %parallel_loop3A_186 = arith.constant 0 : i32
        %parallel_loop3A_187 = tpu.memref_slice %arg6[%parallel_loop3A_184, %parallel_loop3A_185, %parallel_loop3A_186] : memref<2x32x128xi32, #tpu.memory_space<vmem>> -> memref<1x32x128xi32, #tpu.memory_space<vmem>>
        %parallel_loop3A_188 = tpu.memref_squeeze %parallel_loop3A_187 : memref<1x32x128xi32, #tpu.memory_space<vmem>> -> memref<32x128xi32, #tpu.memory_space<vmem>>
        tpu.vector_store_idx %parallel_loop3A_188[%parallel_loop3A_180, %parallel_loop3A_183], %parallel_loop3A_176 : memref<32x128xi32, #tpu.memory_space<vmem>>[vector<16xi32>, vector<16xi32>], vector<16xi32>,
      } {sc.loop_unroll_factor = 4 : i64, sc.parallel_access}
      %add3A_138 = arith.constant 112 : i32
      %add3A_139 = vector.broadcast %add3A_138 : i32 to vector<16xi32>
      %add3A_140 = arith.addi %iota3A, %add3A_139 : vector<16xi32>
      %mul3A_141 = arith.constant 32 : i32
      %mul3A_142 = vector.broadcast %mul3A_141 : i32 to vector<16xi32>
      %mul3A_143 = arith.muli %add3A_140, %mul3A_142 : vector<16xi32>
      %parallel_loop3A_144 = arith.constant 0 : i32
      %parallel_loop3A_145 = arith.constant 32 : i32
      %parallel_loop3A_146 = arith.constant 1 : i32
      scf.for %parallel_loop3A_148 = %parallel_loop3A_144 to %parallel_loop3A_145 step %parallel_loop3A_146  : i32 {
        %parallel_loop3A_149 = vector.broadcast %parallel_loop3A_148 : i32 to vector<16xi32>
        %parallel_loop3A_150 = arith.addi %parallel_loop3A_149, %iota3A : vector<16xi32>
        %parallel_loop3A_151 = arith.constant 31 : i32
        %parallel_loop3A_152 = vector.broadcast %parallel_loop3A_151 : i32 to vector<16xi32>
        %parallel_loop3A_153 = arith.andi %parallel_loop3A_150, %parallel_loop3A_152 : vector<16xi32>
        %parallel_loop3A_154 = arith.constant 2 : i32
        %parallel_loop3A_155 = vector.broadcast %parallel_loop3A_154 : i32 to vector<16xi32>
        %parallel_loop3A_156 = arith.muli %parallel_loop3A_155, %parallel_loop3A_153 : vector<16xi32>
        %parallel_loop3A_157 = arith.constant 0 : i32
        %parallel_loop3A_158 = arith.constant 0 : i32
        %parallel_loop3A_159 = arith.constant 0 : i32
        %parallel_loop3A_160 = tpu.memref_slice %arg5[%parallel_loop3A_157, %parallel_loop3A_158, %parallel_loop3A_159] : memref<4x64x128xf32, #tpu.memory_space<vmem>> -> memref<1x64x128xf32, #tpu.memory_space<vmem>>
        %parallel_loop3A_161 = tpu.memref_squeeze %parallel_loop3A_160 : memref<1x64x128xf32, #tpu.memory_space<vmem>> -> memref<64x128xf32, #tpu.memory_space<vmem>>
        %parallel_loop3A_162 = tpu.vector_load_idx %parallel_loop3A_161[%parallel_loop3A_156, %add3A_140] : memref<64x128xf32, #tpu.memory_space<vmem>>[vector<16xi32>, vector<16xi32>], vector<16xf32>,
        %parallel_loop3A_163 = arith.constant 2 : i32
        %parallel_loop3A_164 = vector.broadcast %parallel_loop3A_163 : i32 to vector<16xi32>
        %parallel_loop3A_165 = arith.muli %parallel_loop3A_164, %parallel_loop3A_153 : vector<16xi32>
        %parallel_loop3A_166 = arith.constant 1 : i32
        %parallel_loop3A_167 = vector.broadcast %parallel_loop3A_166 : i32 to vector<16xi32>
        %parallel_loop3A_168 = arith.addi %parallel_loop3A_165, %parallel_loop3A_167 : vector<16xi32>
        %parallel_loop3A_169 = arith.constant 0 : i32
        %parallel_loop3A_170 = arith.constant 0 : i32
        %parallel_loop3A_171 = arith.constant 0 : i32
        %parallel_loop3A_172 = tpu.memref_slice %arg5[%parallel_loop3A_169, %parallel_loop3A_170, %parallel_loop3A_171] : memref<4x64x128xf32, #tpu.memory_space<vmem>> -> memref<1x64x128xf32, #tpu.memory_space<vmem>>
        %parallel_loop3A_173 = tpu.memref_squeeze %parallel_loop3A_172 : memref<1x64x128xf32, #tpu.memory_space<vmem>> -> memref<64x128xf32, #tpu.memory_space<vmem>>
        %parallel_loop3A_174 = tpu.vector_load_idx %parallel_loop3A_173[%parallel_loop3A_168, %add3A_140] : memref<64x128xf32, #tpu.memory_space<vmem>>[vector<16xi32>, vector<16xi32>], vector<16xf32>,
        %parallel_loop3A_175 = tpu.pack_subelements %parallel_loop3A_162, %parallel_loop3A_174 {pack_format = #tpu.pack_format<interleaved>, positions = array<i32: 0, 1>} : vector<16xf32>, vector<16xf32> -> vector<32xbf16>
        %parallel_loop3A_176 = vector.bitcast %parallel_loop3A_175 : vector<32xbf16> to vector<16xi32>
        %parallel_loop3A_177 = arith.addi %mul3A_143, %parallel_loop3A_153 : vector<16xi32>
        %parallel_loop3A_178 = arith.constant 7 : i32
        %parallel_loop3A_179 = vector.broadcast %parallel_loop3A_178 : i32 to vector<16xi32>
        %parallel_loop3A_180 = arith.shrui %parallel_loop3A_177, %parallel_loop3A_179 : vector<16xi32>
        %parallel_loop3A_181 = arith.constant 127 : i32
        %parallel_loop3A_182 = vector.broadcast %parallel_loop3A_181 : i32 to vector<16xi32>
        %parallel_loop3A_183 = arith.andi %parallel_loop3A_177, %parallel_loop3A_182 : vector<16xi32>
        %parallel_loop3A_184 = arith.constant 0 : i32
        %parallel_loop3A_185 = arith.constant 0 : i32
        %parallel_loop3A_186 = arith.constant 0 : i32
        %parallel_loop3A_187 = tpu.memref_slice %arg6[%parallel_loop3A_184, %parallel_loop3A_185, %parallel_loop3A_186] : memref<2x32x128xi32, #tpu.memory_space<vmem>> -> memref<1x32x128xi32, #tpu.memory_space<vmem>>
        %parallel_loop3A_188 = tpu.memref_squeeze %parallel_loop3A_187 : memref<1x32x128xi32, #tpu.memory_space<vmem>> -> memref<32x128xi32, #tpu.memory_space<vmem>>
        tpu.vector_store_idx %parallel_loop3A_188[%parallel_loop3A_180, %parallel_loop3A_183], %parallel_loop3A_176 : memref<32x128xi32, #tpu.memory_space<vmem>>[vector<16xi32>, vector<16xi32>], vector<16xi32>,
      } {sc.loop_unroll_factor = 4 : i64, sc.parallel_access}
      %run_scoped3A_147 = arith.constant 0 : i32
      "tpu.region"() ({
        %run_scoped3A_148 = tpu.sem_alloc : memref<!tpu.dma_semaphore, #tpu.memory_space<semaphore_mem>>
        %dma_start3A_149 = arith.constant 0 : i32
        %dma_start3A_150 = arith.constant 0 : i32
        %dma_start3A_151 = tpu.memref_slice %arg6[%run_scoped3A_147, %dma_start3A_149, %dma_start3A_150] : memref<2x32x128xi32, #tpu.memory_space<vmem>> -> memref<1x16x128xi32, #tpu.memory_space<vmem>>
        %dma_start3A_152 = tpu.memref_squeeze %dma_start3A_151 : memref<1x16x128xi32, #tpu.memory_space<vmem>> -> memref<16x128xi32, #tpu.memory_space<vmem>>
        %dma_start3A_153 = arith.constant 249984 : i32
        %dma_start3A_154 = arith.constant 0 : i32
        %dma_start3A_155 = tpu.memref_slice %arg4[%dma_start3A_153, %dma_start3A_154] : memref<250000x128xi32, #tpu.memory_space<hbm>> -> memref<16x128xi32, #tpu.memory_space<hbm>>
        %dma_start3A_156 = arith.constant 249984 : i32
        %dma_start3A_157 = arith.constant 0 : i32
        %dma_start3A_158 = tpu.memref_slice %arg4[%dma_start3A_156, %dma_start3A_157] : memref<250000x128xi32, #tpu.memory_space<hbm>> -> memref<16x128xi32, #tpu.memory_space<hbm>>
        %dma_start3A_159 = arith.constant 0 : i32
        %dma_start3A_160 = arith.constant 0 : i32
        %dma_start3A_161 = tpu.memref_slice %arg6[%run_scoped3A_147, %dma_start3A_159, %dma_start3A_160] : memref<2x32x128xi32, #tpu.memory_space<vmem>> -> memref<1x16x128xi32, #tpu.memory_space<vmem>>
        %dma_start3A_162 = tpu.memref_squeeze %dma_start3A_161 : memref<1x16x128xi32, #tpu.memory_space<vmem>> -> memref<16x128xi32, #tpu.memory_space<vmem>>
        tpu.enqueue_dma source(%dma_start3A_162 : memref<16x128xi32, #tpu.memory_space<vmem>>) target(%dma_start3A_158 : memref<16x128xi32, #tpu.memory_space<hbm>>) target_semaphore(%run_scoped3A_148 : memref<!tpu.dma_semaphore, #tpu.memory_space<semaphore_mem>>)
        %dma_wait3A_163 = arith.constant 0 : i32
        %dma_wait3A_164 = arith.constant 0 : i32
        %dma_wait3A_165 = tpu.memref_slice %arg6[%run_scoped3A_147, %dma_wait3A_163, %dma_wait3A_164] : memref<2x32x128xi32, #tpu.memory_space<vmem>> -> memref<1x16x128xi32, #tpu.memory_space<vmem>>
        %dma_wait3A_166 = tpu.memref_squeeze %dma_wait3A_165 : memref<1x16x128xi32, #tpu.memory_space<vmem>> -> memref<16x128xi32, #tpu.memory_space<vmem>>
        %dma_wait3A_167 = arith.constant 249984 : i32
        %dma_wait3A_168 = arith.constant 0 : i32
        %dma_wait3A_169 = tpu.memref_slice %arg4[%dma_wait3A_167, %dma_wait3A_168] : memref<250000x128xi32, #tpu.memory_space<hbm>> -> memref<16x128xi32, #tpu.memory_space<hbm>>
        %dma_wait3A_170 = arith.constant 249984 : i32
        %dma_wait3A_171 = arith.constant 0 : i32
        %dma_wait3A_172 = tpu.memref_slice %arg4[%dma_wait3A_170, %dma_wait3A_171] : memref<250000x128xi32, #tpu.memory_space<hbm>> -> memref<16x128xi32, #tpu.memory_space<hbm>>
        %dma_wait3A_173 = arith.constant 0 : i32
        %dma_wait3A_174 = arith.constant 0 : i32
        %dma_wait3A_175 = tpu.memref_slice %arg6[%run_scoped3A_147, %dma_wait3A_173, %dma_wait3A_174] : memref<2x32x128xi32, #tpu.memory_space<vmem>> -> memref<1x16x128xi32, #tpu.memory_space<vmem>>
        %dma_wait3A_176 = tpu.memref_squeeze %dma_wait3A_175 : memref<1x16x128xi32, #tpu.memory_space<vmem>> -> memref<16x128xi32, #tpu.memory_space<vmem>>
        tpu.wait_dma2 semaphore(%run_scoped3A_148 : memref<!tpu.dma_semaphore, #tpu.memory_space<semaphore_mem>>) src(%dma_wait3A_176 : memref<16x128xi32, #tpu.memory_space<vmem>>) dst(%dma_wait3A_172 : memref<16x128xi32, #tpu.memory_space<hbm>>)
        tpu.yield
      }) : () -> ()
    } else {
    }
    return
  }
}

#map = affine_map<(d0, d1) -> (0)>
#map1 = affine_map<(d0, d1) -> (0, 0)>
#map2 = affine_map<(d0, d1) -> (0, 0, 0, 0, 0)>
module attributes {stable_mosaic.version = 14 : i64} {
  func.func @_lookup_body(%arg0: i32, %arg1: i32, %arg2: memref<819200xi32, #tpu.memory_space<hbm>>, %arg3: memref<1000000x32xi32, #tpu.memory_space<hbm>>, %arg4: memref<200x8x32x8x128xf32, #tpu.memory_space<hbm>>, %arg5: memref<25600xi32, #tpu.memory_space<vmem>>, %arg6: memref<4x128x32xi32, #tpu.memory_space<vmem>>, %arg7: memref<2x8x8x128xf32, #tpu.memory_space<vmem>>, %arg8: memref<4x!tpu.dma_semaphore, #tpu.memory_space<semaphore_mem>>, %arg9: memref<2x!tpu.dma_semaphore, #tpu.memory_space<semaphore_mem>>) attributes {dimension_semantics = [#tpu.dimension_semantics<core_parallel>, #tpu.dimension_semantics<subcore_parallel>], iteration_bounds = array<i64: 2, 16>, scalar_prefetch = 0 : i64, scratch_operands = 5 : i64, tpu.core_type = #tpu.core_type<sc_vector_subcore>, window_params = [{transform_indices = #map}, {transform_indices = #map1}, {transform_indices = #map2}]} {
    %mul3A = arith.constant 2 : i32
    %mul3A_0 = arith.muli %arg1, %mul3A : i32
    %add3A = arith.addi %mul3A_0, %arg0 : i32
    %iota3A = tpu.iota {dimensions = array<i32: 0>} : vector<16xi32>
    %mul3A_1 = arith.constant 200 : i32
    %mul3A_2 = arith.muli %add3A, %mul3A_1 : i32
    %mul3A_3 = arith.constant 128 : i32
    %mul3A_4 = arith.muli %mul3A_2, %mul3A_3 : i32
    %multiple_of3A = tpu.assume_multiple %mul3A_4, 128 : i32
    "tpu.region"() ({
      %run_scoped3A = tpu.sem_alloc : memref<!tpu.dma_semaphore, #tpu.memory_space<semaphore_mem>>
      %dma_start3A_101 = tpu.memref_slice %arg2[%multiple_of3A] : memref<819200xi32, #tpu.memory_space<hbm>> -> memref<25600xi32, #tpu.memory_space<hbm>>
      %dma_start3A_102 = tpu.memref_slice %arg2[%multiple_of3A] : memref<819200xi32, #tpu.memory_space<hbm>> -> memref<25600xi32, #tpu.memory_space<hbm>>
      tpu.enqueue_dma source(%dma_start3A_102 : memref<25600xi32, #tpu.memory_space<hbm>>) target(%arg5 : memref<25600xi32, #tpu.memory_space<vmem>>) target_semaphore(%run_scoped3A : memref<!tpu.dma_semaphore, #tpu.memory_space<semaphore_mem>>)
      %dma_wait3A_103 = tpu.memref_slice %arg2[%multiple_of3A] : memref<819200xi32, #tpu.memory_space<hbm>> -> memref<25600xi32, #tpu.memory_space<hbm>>
      %dma_wait3A_104 = tpu.memref_slice %arg2[%multiple_of3A] : memref<819200xi32, #tpu.memory_space<hbm>> -> memref<25600xi32, #tpu.memory_space<hbm>>
      tpu.wait_dma2 semaphore(%run_scoped3A : memref<!tpu.dma_semaphore, #tpu.memory_space<semaphore_mem>>) src(%dma_wait3A_104 : memref<25600xi32, #tpu.memory_space<hbm>>) dst(%arg5 : memref<25600xi32, #tpu.memory_space<vmem>>)
      tpu.yield
    }) : () -> ()
    %multiple_of3A_5 = arith.constant 0 : i32
    %multiple_of3A_6 = tpu.assume_multiple %multiple_of3A_5, 128 : i32
    %dma_start3A = arith.constant 0 : i32
    %dma_start3A_7 = arith.constant 0 : i32
    %dma_start3A_8 = arith.constant 0 : i32
    %dma_start3A_9 = arith.constant 0 : i32
    %dma_start3A_10 = tpu.memref_slice %arg6[%dma_start3A, %dma_start3A_8, %dma_start3A_9] : memref<4x128x32xi32, #tpu.memory_space<vmem>> -> memref<1x128x32xi32, #tpu.memory_space<vmem>>
    %dma_start3A_11 = tpu.memref_squeeze %dma_start3A_10 : memref<1x128x32xi32, #tpu.memory_space<vmem>> -> memref<128x32xi32, #tpu.memory_space<vmem>>
    %dma_start3A_12 = tpu.memref_slice %arg5[%multiple_of3A_6] : memref<25600xi32, #tpu.memory_space<vmem>> -> memref<128xi32, #tpu.memory_space<vmem>>
    %dma_start3A_13 = arith.constant 0 : i32
    %dma_start3A_14 = arith.constant 0 : i32
    %dma_start3A_15 = tpu.memref_slice %arg3[%dma_start3A_13, %dma_start3A_14] : memref<1000000x32xi32, #tpu.memory_space<hbm>> -> memref<1000000x32xi32, #tpu.memory_space<hbm>>
    %dma_start3A_16 = tpu.memref_slice %arg8[%dma_start3A_7] : memref<4x!tpu.dma_semaphore, #tpu.memory_space<semaphore_mem>> -> memref<1x!tpu.dma_semaphore, #tpu.memory_space<semaphore_mem>>
    %dma_start3A_17 = tpu.memref_squeeze %dma_start3A_16 : memref<1x!tpu.dma_semaphore, #tpu.memory_space<semaphore_mem>> -> memref<!tpu.dma_semaphore, #tpu.memory_space<semaphore_mem>>
    tpu.enqueue_indirect_dma source(%dma_start3A_15 : memref<1000000x32xi32, #tpu.memory_space<hbm>>) target(%dma_start3A_11 : memref<128x32xi32, #tpu.memory_space<vmem>>) offsets(%dma_start3A_12 : memref<128xi32, #tpu.memory_space<vmem>>) semaphore(%dma_start3A_17 : memref<!tpu.dma_semaphore, #tpu.memory_space<semaphore_mem>>)
    %multiple_of3A_18 = arith.constant 128 : i32
    %multiple_of3A_19 = tpu.assume_multiple %multiple_of3A_18, 128 : i32
    %dma_start3A_20 = arith.constant 1 : i32
    %dma_start3A_21 = arith.constant 1 : i32
    %dma_start3A_22 = arith.constant 0 : i32
    %dma_start3A_23 = arith.constant 0 : i32
    %dma_start3A_24 = tpu.memref_slice %arg6[%dma_start3A_20, %dma_start3A_22, %dma_start3A_23] : memref<4x128x32xi32, #tpu.memory_space<vmem>> -> memref<1x128x32xi32, #tpu.memory_space<vmem>>
    %dma_start3A_25 = tpu.memref_squeeze %dma_start3A_24 : memref<1x128x32xi32, #tpu.memory_space<vmem>> -> memref<128x32xi32, #tpu.memory_space<vmem>>
    %dma_start3A_26 = tpu.memref_slice %arg5[%multiple_of3A_19] : memref<25600xi32, #tpu.memory_space<vmem>> -> memref<128xi32, #tpu.memory_space<vmem>>
    %dma_start3A_27 = arith.constant 0 : i32
    %dma_start3A_28 = arith.constant 0 : i32
    %dma_start3A_29 = tpu.memref_slice %arg3[%dma_start3A_27, %dma_start3A_28] : memref<1000000x32xi32, #tpu.memory_space<hbm>> -> memref<1000000x32xi32, #tpu.memory_space<hbm>>
    %dma_start3A_30 = tpu.memref_slice %arg8[%dma_start3A_21] : memref<4x!tpu.dma_semaphore, #tpu.memory_space<semaphore_mem>> -> memref<1x!tpu.dma_semaphore, #tpu.memory_space<semaphore_mem>>
    %dma_start3A_31 = tpu.memref_squeeze %dma_start3A_30 : memref<1x!tpu.dma_semaphore, #tpu.memory_space<semaphore_mem>> -> memref<!tpu.dma_semaphore, #tpu.memory_space<semaphore_mem>>
    tpu.enqueue_indirect_dma source(%dma_start3A_29 : memref<1000000x32xi32, #tpu.memory_space<hbm>>) target(%dma_start3A_25 : memref<128x32xi32, #tpu.memory_space<vmem>>) offsets(%dma_start3A_26 : memref<128xi32, #tpu.memory_space<vmem>>) semaphore(%dma_start3A_31 : memref<!tpu.dma_semaphore, #tpu.memory_space<semaphore_mem>>)
    %multiple_of3A_32 = arith.constant 256 : i32
    %multiple_of3A_33 = tpu.assume_multiple %multiple_of3A_32, 128 : i32
    %dma_start3A_34 = arith.constant 2 : i32
    %dma_start3A_35 = arith.constant 2 : i32
    %dma_start3A_36 = arith.constant 0 : i32
    %dma_start3A_37 = arith.constant 0 : i32
    %dma_start3A_38 = tpu.memref_slice %arg6[%dma_start3A_34, %dma_start3A_36, %dma_start3A_37] : memref<4x128x32xi32, #tpu.memory_space<vmem>> -> memref<1x128x32xi32, #tpu.memory_space<vmem>>
    %dma_start3A_39 = tpu.memref_squeeze %dma_start3A_38 : memref<1x128x32xi32, #tpu.memory_space<vmem>> -> memref<128x32xi32, #tpu.memory_space<vmem>>
    %dma_start3A_40 = tpu.memref_slice %arg5[%multiple_of3A_33] : memref<25600xi32, #tpu.memory_space<vmem>> -> memref<128xi32, #tpu.memory_space<vmem>>
    %dma_start3A_41 = arith.constant 0 : i32
    %dma_start3A_42 = arith.constant 0 : i32
    %dma_start3A_43 = tpu.memref_slice %arg3[%dma_start3A_41, %dma_start3A_42] : memref<1000000x32xi32, #tpu.memory_space<hbm>> -> memref<1000000x32xi32, #tpu.memory_space<hbm>>
    %dma_start3A_44 = tpu.memref_slice %arg8[%dma_start3A_35] : memref<4x!tpu.dma_semaphore, #tpu.memory_space<semaphore_mem>> -> memref<1x!tpu.dma_semaphore, #tpu.memory_space<semaphore_mem>>
    %dma_start3A_45 = tpu.memref_squeeze %dma_start3A_44 : memref<1x!tpu.dma_semaphore, #tpu.memory_space<semaphore_mem>> -> memref<!tpu.dma_semaphore, #tpu.memory_space<semaphore_mem>>
    tpu.enqueue_indirect_dma source(%dma_start3A_43 : memref<1000000x32xi32, #tpu.memory_space<hbm>>) target(%dma_start3A_39 : memref<128x32xi32, #tpu.memory_space<vmem>>) offsets(%dma_start3A_40 : memref<128xi32, #tpu.memory_space<vmem>>) semaphore(%dma_start3A_45 : memref<!tpu.dma_semaphore, #tpu.memory_space<semaphore_mem>>)
    %scan3A = arith.constant 0 : i32
    %scan3A_46 = arith.constant 200 : i32
    %scan3A_47 = arith.addi %scan3A, %scan3A_46 : i32
    %scan3A_48 = arith.constant 1 : i32
    scf.for %scan3A_101 = %scan3A to %scan3A_47 step %scan3A_48  : i32 {
      %jit3A = arith.constant 4 : i32
      %eq3A = arith.constant 0 : i32
      %eq3A_102 = arith.cmpi eq, %jit3A, %eq3A : i32
      %jit3A_103 = arith.constant 1 : i32
      %select_n3A = arith.select %eq3A_102, %jit3A_103, %jit3A : i32
      %rem3A = arith.remsi %scan3A_101, %select_n3A : i32
      %ne3A = arith.constant 0 : i32
      %ne3A_104 = arith.cmpi ne, %rem3A, %ne3A : i32
      %lt3A = arith.constant 0 : i32
      %lt3A_105 = arith.cmpi slt, %rem3A, %lt3A : i32
      %lt3A_106 = arith.constant 0 : i32
      %lt3A_107 = arith.cmpi slt, %select_n3A, %lt3A_106 : i32
      %ne3A_108 = arith.xori %lt3A_105, %lt3A_107 : i1
      %and3A = arith.andi %ne3A_108, %ne3A_104 : i1
      %add3A_109 = arith.addi %rem3A, %select_n3A : i32
      %select_n3A_110 = arith.select %and3A, %add3A_109, %rem3A : i32
      %and3A_111 = arith.constant 1 : i32
      %and3A_112 = arith.andi %scan3A_101, %and3A_111 : i32
      %add3A_113 = arith.constant 3 : i32
      %add3A_114 = arith.addi %scan3A_101, %add3A_113 : i32
      %lt3A_115 = arith.constant 200 : i32
      %lt3A_116 = arith.cmpi slt, %add3A_114, %lt3A_115 : i32
      %convert_element_type3A = arith.extui %lt3A_116 : i1 to i32
      %cond3A = arith.constant 0 : i32
      %cond3A_117 = arith.cmpi ne, %convert_element_type3A, %cond3A : i32
      scf.if %cond3A_117 {
        %add3A_245 = arith.constant 3 : i32
        %add3A_246 = arith.addi %scan3A_101, %add3A_245 : i32
        %add3A_247 = arith.constant 3 : i32
        %add3A_248 = arith.addi %scan3A_101, %add3A_247 : i32
        %jit3A_249 = arith.constant 4 : i32
        %eq3A_250 = arith.constant 0 : i32
        %eq3A_251 = arith.cmpi eq, %jit3A_249, %eq3A_250 : i32
        %jit3A_252 = arith.constant 1 : i32
        %select_n3A_253 = arith.select %eq3A_251, %jit3A_252, %jit3A_249 : i32
        %rem3A_254 = arith.remsi %add3A_248, %select_n3A_253 : i32
        %ne3A_255 = arith.constant 0 : i32
        %ne3A_256 = arith.cmpi ne, %rem3A_254, %ne3A_255 : i32
        %lt3A_257 = arith.constant 0 : i32
        %lt3A_258 = arith.cmpi slt, %rem3A_254, %lt3A_257 : i32
        %lt3A_259 = arith.constant 0 : i32
        %lt3A_260 = arith.cmpi slt, %select_n3A_253, %lt3A_259 : i32
        %ne3A_261 = arith.xori %lt3A_258, %lt3A_260 : i1
        %and3A_262 = arith.andi %ne3A_261, %ne3A_256 : i1
        %add3A_263 = arith.addi %rem3A_254, %select_n3A_253 : i32
        %select_n3A_264 = arith.select %and3A_262, %add3A_263, %rem3A_254 : i32
        %mul3A_265 = arith.constant 128 : i32
        %mul3A_266 = arith.muli %add3A_246, %mul3A_265 : i32
        %multiple_of3A_267 = tpu.assume_multiple %mul3A_266, 128 : i32
        %dma_start3A_268 = arith.constant 0 : i32
        %dma_start3A_269 = arith.constant 0 : i32
        %dma_start3A_270 = tpu.memref_slice %arg6[%select_n3A_264, %dma_start3A_268, %dma_start3A_269] : memref<4x128x32xi32, #tpu.memory_space<vmem>> -> memref<1x128x32xi32, #tpu.memory_space<vmem>>
        %dma_start3A_271 = tpu.memref_squeeze %dma_start3A_270 : memref<1x128x32xi32, #tpu.memory_space<vmem>> -> memref<128x32xi32, #tpu.memory_space<vmem>>
        %dma_start3A_272 = tpu.memref_slice %arg5[%multiple_of3A_267] : memref<25600xi32, #tpu.memory_space<vmem>> -> memref<128xi32, #tpu.memory_space<vmem>>
        %dma_start3A_273 = arith.constant 0 : i32
        %dma_start3A_274 = arith.constant 0 : i32
        %dma_start3A_275 = tpu.memref_slice %arg3[%dma_start3A_273, %dma_start3A_274] : memref<1000000x32xi32, #tpu.memory_space<hbm>> -> memref<1000000x32xi32, #tpu.memory_space<hbm>>
        %dma_start3A_276 = tpu.memref_slice %arg8[%select_n3A_264] : memref<4x!tpu.dma_semaphore, #tpu.memory_space<semaphore_mem>> -> memref<1x!tpu.dma_semaphore, #tpu.memory_space<semaphore_mem>>
        %dma_start3A_277 = tpu.memref_squeeze %dma_start3A_276 : memref<1x!tpu.dma_semaphore, #tpu.memory_space<semaphore_mem>> -> memref<!tpu.dma_semaphore, #tpu.memory_space<semaphore_mem>>
        tpu.enqueue_indirect_dma source(%dma_start3A_275 : memref<1000000x32xi32, #tpu.memory_space<hbm>>) target(%dma_start3A_271 : memref<128x32xi32, #tpu.memory_space<vmem>>) offsets(%dma_start3A_272 : memref<128xi32, #tpu.memory_space<vmem>>) semaphore(%dma_start3A_277 : memref<!tpu.dma_semaphore, #tpu.memory_space<semaphore_mem>>)
      } else {
      }
      %dma_wait3A_118 = arith.constant 0 : i32
      %dma_wait3A_119 = arith.constant 0 : i32
      %dma_wait3A_120 = tpu.memref_slice %arg6[%select_n3A_110, %dma_wait3A_118, %dma_wait3A_119] : memref<4x128x32xi32, #tpu.memory_space<vmem>> -> memref<1x128x32xi32, #tpu.memory_space<vmem>>
      %dma_wait3A_121 = tpu.memref_squeeze %dma_wait3A_120 : memref<1x128x32xi32, #tpu.memory_space<vmem>> -> memref<128x32xi32, #tpu.memory_space<vmem>>
      %dma_wait3A_122 = arith.constant 0 : i32
      %dma_wait3A_123 = arith.constant 0 : i32
      %dma_wait3A_124 = tpu.memref_slice %arg3[%dma_wait3A_122, %dma_wait3A_123] : memref<1000000x32xi32, #tpu.memory_space<hbm>> -> memref<128x32xi32, #tpu.memory_space<hbm>>
      %dma_wait3A_125 = tpu.memref_slice %arg8[%select_n3A_110] : memref<4x!tpu.dma_semaphore, #tpu.memory_space<semaphore_mem>> -> memref<1x!tpu.dma_semaphore, #tpu.memory_space<semaphore_mem>>
      %dma_wait3A_126 = tpu.memref_squeeze %dma_wait3A_125 : memref<1x!tpu.dma_semaphore, #tpu.memory_space<semaphore_mem>> -> memref<!tpu.dma_semaphore, #tpu.memory_space<semaphore_mem>>
      %dma_wait3A_127 = arith.constant 0 : i32
      %dma_wait3A_128 = arith.constant 0 : i32
      %dma_wait3A_129 = tpu.memref_slice %arg6[%select_n3A_110, %dma_wait3A_127, %dma_wait3A_128] : memref<4x128x32xi32, #tpu.memory_space<vmem>> -> memref<1x128x32xi32, #tpu.memory_space<vmem>>
      %dma_wait3A_130 = tpu.memref_squeeze %dma_wait3A_129 : memref<1x128x32xi32, #tpu.memory_space<vmem>> -> memref<128x32xi32, #tpu.memory_space<vmem>>
      %dma_wait3A_131 = arith.constant 0 : i32
      %dma_wait3A_132 = arith.constant 0 : i32
      %dma_wait3A_133 = tpu.memref_slice %arg3[%dma_wait3A_131, %dma_wait3A_132] : memref<1000000x32xi32, #tpu.memory_space<hbm>> -> memref<128x32xi32, #tpu.memory_space<hbm>>
      tpu.wait_dma2 semaphore(%dma_wait3A_126 : memref<!tpu.dma_semaphore, #tpu.memory_space<semaphore_mem>>) src(%dma_wait3A_133 : memref<128x32xi32, #tpu.memory_space<hbm>>) dst(%dma_wait3A_130 : memref<128x32xi32, #tpu.memory_space<vmem>>)
      %ge3A = arith.constant 2 : i32
      %ge3A_134 = arith.cmpi sge, %scan3A_101, %ge3A : i32
      %convert_element_type3A_135 = arith.extui %ge3A_134 : i1 to i32
      %cond3A_136 = arith.constant 0 : i32
      %cond3A_137 = arith.cmpi ne, %convert_element_type3A_135, %cond3A_136 : i32
      scf.if %cond3A_137 {
        %dma_wait3A_245 = arith.constant 0 : i32
        %dma_wait3A_246 = arith.constant 0 : i32
        %dma_wait3A_247 = arith.constant 0 : i32
        %dma_wait3A_248 = arith.constant 0 : i32
        %dma_wait3A_249 = arith.constant 0 : i32
        %dma_wait3A_250 = tpu.memref_slice %arg7[%and3A_112, %dma_wait3A_247, %dma_wait3A_248, %dma_wait3A_249] : memref<2x8x8x128xf32, #tpu.memory_space<vmem>> -> memref<1x8x8x128xf32, #tpu.memory_space<vmem>>
        %dma_wait3A_251 = tpu.memref_squeeze %dma_wait3A_250 : memref<1x8x8x128xf32, #tpu.memory_space<vmem>> -> memref<8x8x128xf32, #tpu.memory_space<vmem>>
        %dma_wait3A_252 = arith.constant 0 : i32
        %dma_wait3A_253 = arith.constant 0 : i32
        %dma_wait3A_254 = arith.constant 0 : i32
        %dma_wait3A_255 = tpu.memref_slice %arg4[%dma_wait3A_245, %dma_wait3A_252, %dma_wait3A_246, %dma_wait3A_253, %dma_wait3A_254] : memref<200x8x32x8x128xf32, #tpu.memory_space<hbm>> -> memref<1x8x1x8x128xf32, #tpu.memory_space<hbm>>
        %dma_wait3A_256 = tpu.memref_squeeze %dma_wait3A_255 : memref<1x8x1x8x128xf32, #tpu.memory_space<hbm>> -> memref<8x8x128xf32, #tpu.memory_space<hbm>>
        %dma_wait3A_257 = tpu.memref_slice %arg9[%and3A_112] : memref<2x!tpu.dma_semaphore, #tpu.memory_space<semaphore_mem>> -> memref<1x!tpu.dma_semaphore, #tpu.memory_space<semaphore_mem>>
        %dma_wait3A_258 = tpu.memref_squeeze %dma_wait3A_257 : memref<1x!tpu.dma_semaphore, #tpu.memory_space<semaphore_mem>> -> memref<!tpu.dma_semaphore, #tpu.memory_space<semaphore_mem>>
        %dma_wait3A_259 = arith.constant 0 : i32
        %dma_wait3A_260 = arith.constant 0 : i32
        %dma_wait3A_261 = arith.constant 0 : i32
        %dma_wait3A_262 = tpu.memref_slice %arg7[%and3A_112, %dma_wait3A_259, %dma_wait3A_260, %dma_wait3A_261] : memref<2x8x8x128xf32, #tpu.memory_space<vmem>> -> memref<1x8x8x128xf32, #tpu.memory_space<vmem>>
        %dma_wait3A_263 = tpu.memref_squeeze %dma_wait3A_262 : memref<1x8x8x128xf32, #tpu.memory_space<vmem>> -> memref<8x8x128xf32, #tpu.memory_space<vmem>>
        %dma_wait3A_264 = arith.constant 0 : i32
        %dma_wait3A_265 = arith.constant 0 : i32
        %dma_wait3A_266 = arith.constant 0 : i32
        %dma_wait3A_267 = tpu.memref_slice %arg4[%dma_wait3A_245, %dma_wait3A_264, %dma_wait3A_246, %dma_wait3A_265, %dma_wait3A_266] : memref<200x8x32x8x128xf32, #tpu.memory_space<hbm>> -> memref<1x8x1x8x128xf32, #tpu.memory_space<hbm>>
        %dma_wait3A_268 = tpu.memref_squeeze %dma_wait3A_267 : memref<1x8x1x8x128xf32, #tpu.memory_space<hbm>> -> memref<8x8x128xf32, #tpu.memory_space<hbm>>
        tpu.wait_dma2 semaphore(%dma_wait3A_258 : memref<!tpu.dma_semaphore, #tpu.memory_space<semaphore_mem>>) src(%dma_wait3A_268 : memref<8x8x128xf32, #tpu.memory_space<hbm>>) dst(%dma_wait3A_263 : memref<8x8x128xf32, #tpu.memory_space<vmem>>)
      } else {
      }
      %add3A_138 = arith.constant 0 : i32
      %add3A_139 = vector.broadcast %add3A_138 : i32 to vector<16xi32>
      %add3A_140 = arith.addi %iota3A, %add3A_139 : vector<16xi32>
      %parallel_loop3A = arith.constant 0 : i32
      %parallel_loop3A_141 = arith.constant 32 : i32
      %parallel_loop3A_142 = arith.constant 1 : i32
      scf.for %parallel_loop3A_245 = %parallel_loop3A to %parallel_loop3A_141 step %parallel_loop3A_142  : i32 {
        %parallel_loop3A_246 = vector.broadcast %parallel_loop3A_245 : i32 to vector<16xi32>
        %parallel_loop3A_247 = arith.addi %parallel_loop3A_246, %iota3A : vector<16xi32>
        %parallel_loop3A_248 = arith.constant 31 : i32
        %parallel_loop3A_249 = vector.broadcast %parallel_loop3A_248 : i32 to vector<16xi32>
        %parallel_loop3A_250 = arith.andi %parallel_loop3A_247, %parallel_loop3A_249 : vector<16xi32>
        %parallel_loop3A_251 = arith.constant 0 : i32
        %parallel_loop3A_252 = arith.constant 0 : i32
        %parallel_loop3A_253 = tpu.memref_slice %arg6[%select_n3A_110, %parallel_loop3A_251, %parallel_loop3A_252] : memref<4x128x32xi32, #tpu.memory_space<vmem>> -> memref<1x128x32xi32, #tpu.memory_space<vmem>>
        %parallel_loop3A_254 = tpu.memref_squeeze %parallel_loop3A_253 : memref<1x128x32xi32, #tpu.memory_space<vmem>> -> memref<128x32xi32, #tpu.memory_space<vmem>>
        %parallel_loop3A_255 = tpu.vector_load_idx %parallel_loop3A_254[%add3A_140, %parallel_loop3A_250] : memref<128x32xi32, #tpu.memory_space<vmem>>[vector<16xi32>, vector<16xi32>], vector<16xi32>,
        %parallel_loop3A_256 = vector.bitcast %parallel_loop3A_255 : vector<16xi32> to vector<32xbf16>
        %parallel_loop3A_257 = tpu.unpack_subelements %parallel_loop3A_256, 0 {pack_format = #tpu.pack_format<interleaved>} : vector<32xbf16> -> vector<16xf32>
        %parallel_loop3A_258 = tpu.unpack_subelements %parallel_loop3A_256, 1 {pack_format = #tpu.pack_format<interleaved>} : vector<32xbf16> -> vector<16xf32>
        %parallel_loop3A_259 = arith.constant 2 : i32
        %parallel_loop3A_260 = vector.broadcast %parallel_loop3A_259 : i32 to vector<16xi32>
        %parallel_loop3A_261 = arith.muli %parallel_loop3A_260, %parallel_loop3A_250 : vector<16xi32>
        %parallel_loop3A_262 = arith.constant 3 : i32
        %parallel_loop3A_263 = vector.broadcast %parallel_loop3A_262 : i32 to vector<16xi32>
        %parallel_loop3A_264 = arith.shrui %parallel_loop3A_261, %parallel_loop3A_263 : vector<16xi32>
        %parallel_loop3A_265 = arith.constant 7 : i32
        %parallel_loop3A_266 = vector.broadcast %parallel_loop3A_265 : i32 to vector<16xi32>
        %parallel_loop3A_267 = arith.andi %parallel_loop3A_261, %parallel_loop3A_266 : vector<16xi32>
        %parallel_loop3A_268 = arith.constant 8.000000e+00 : f32
        %parallel_loop3A_269 = vector.broadcast %parallel_loop3A_268 : f32 to vector<16xf32>
        %parallel_loop3A_270 = arith.mulf %parallel_loop3A_257, %parallel_loop3A_269 : vector<16xf32>
        %parallel_loop3A_271 = arith.constant 0 : i32
        %parallel_loop3A_272 = arith.constant 0 : i32
        %parallel_loop3A_273 = arith.constant 0 : i32
        %parallel_loop3A_274 = tpu.memref_slice %arg7[%and3A_112, %parallel_loop3A_271, %parallel_loop3A_272, %parallel_loop3A_273] : memref<2x8x8x128xf32, #tpu.memory_space<vmem>> -> memref<1x8x8x128xf32, #tpu.memory_space<vmem>>
        %parallel_loop3A_275 = tpu.memref_squeeze %parallel_loop3A_274 : memref<1x8x8x128xf32, #tpu.memory_space<vmem>> -> memref<8x8x128xf32, #tpu.memory_space<vmem>>
        tpu.vector_store_idx %parallel_loop3A_275[%parallel_loop3A_264, %parallel_loop3A_267, %add3A_140], %parallel_loop3A_270 : memref<8x8x128xf32, #tpu.memory_space<vmem>>[vector<16xi32>, vector<16xi32>, vector<16xi32>], vector<16xf32>,
        %parallel_loop3A_276 = arith.constant 1 : i32
        %parallel_loop3A_277 = vector.broadcast %parallel_loop3A_276 : i32 to vector<16xi32>
        %parallel_loop3A_278 = arith.ori %parallel_loop3A_261, %parallel_loop3A_277 : vector<16xi32>
        %parallel_loop3A_279 = arith.constant 3 : i32
        %parallel_loop3A_280 = vector.broadcast %parallel_loop3A_279 : i32 to vector<16xi32>
        %parallel_loop3A_281 = arith.shrui %parallel_loop3A_278, %parallel_loop3A_280 : vector<16xi32>
        %parallel_loop3A_282 = arith.constant 7 : i32
        %parallel_loop3A_283 = vector.broadcast %parallel_loop3A_282 : i32 to vector<16xi32>
        %parallel_loop3A_284 = arith.andi %parallel_loop3A_278, %parallel_loop3A_283 : vector<16xi32>
        %parallel_loop3A_285 = arith.constant 8.000000e+00 : f32
        %parallel_loop3A_286 = vector.broadcast %parallel_loop3A_285 : f32 to vector<16xf32>
        %parallel_loop3A_287 = arith.mulf %parallel_loop3A_258, %parallel_loop3A_286 : vector<16xf32>
        %parallel_loop3A_288 = arith.constant 0 : i32
        %parallel_loop3A_289 = arith.constant 0 : i32
        %parallel_loop3A_290 = arith.constant 0 : i32
        %parallel_loop3A_291 = tpu.memref_slice %arg7[%and3A_112, %parallel_loop3A_288, %parallel_loop3A_289, %parallel_loop3A_290] : memref<2x8x8x128xf32, #tpu.memory_space<vmem>> -> memref<1x8x8x128xf32, #tpu.memory_space<vmem>>
        %parallel_loop3A_292 = tpu.memref_squeeze %parallel_loop3A_291 : memref<1x8x8x128xf32, #tpu.memory_space<vmem>> -> memref<8x8x128xf32, #tpu.memory_space<vmem>>
        tpu.vector_store_idx %parallel_loop3A_292[%parallel_loop3A_281, %parallel_loop3A_284, %add3A_140], %parallel_loop3A_287 : memref<8x8x128xf32, #tpu.memory_space<vmem>>[vector<16xi32>, vector<16xi32>, vector<16xi32>], vector<16xf32>,
      } {sc.loop_unroll_factor = 4 : i64, sc.parallel_access}
      %add3A_143 = arith.constant 16 : i32
      %add3A_144 = vector.broadcast %add3A_143 : i32 to vector<16xi32>
      %add3A_145 = arith.addi %iota3A, %add3A_144 : vector<16xi32>
      %parallel_loop3A_146 = arith.constant 0 : i32
      %parallel_loop3A_147 = arith.constant 32 : i32
      %parallel_loop3A_148 = arith.constant 1 : i32
      scf.for %parallel_loop3A_245 = %parallel_loop3A_146 to %parallel_loop3A_147 step %parallel_loop3A_148  : i32 {
        %parallel_loop3A_246 = vector.broadcast %parallel_loop3A_245 : i32 to vector<16xi32>
        %parallel_loop3A_247 = arith.addi %parallel_loop3A_246, %iota3A : vector<16xi32>
        %parallel_loop3A_248 = arith.constant 31 : i32
        %parallel_loop3A_249 = vector.broadcast %parallel_loop3A_248 : i32 to vector<16xi32>
        %parallel_loop3A_250 = arith.andi %parallel_loop3A_247, %parallel_loop3A_249 : vector<16xi32>
        %parallel_loop3A_251 = arith.constant 0 : i32
        %parallel_loop3A_252 = arith.constant 0 : i32
        %parallel_loop3A_253 = tpu.memref_slice %arg6[%select_n3A_110, %parallel_loop3A_251, %parallel_loop3A_252] : memref<4x128x32xi32, #tpu.memory_space<vmem>> -> memref<1x128x32xi32, #tpu.memory_space<vmem>>
        %parallel_loop3A_254 = tpu.memref_squeeze %parallel_loop3A_253 : memref<1x128x32xi32, #tpu.memory_space<vmem>> -> memref<128x32xi32, #tpu.memory_space<vmem>>
        %parallel_loop3A_255 = tpu.vector_load_idx %parallel_loop3A_254[%add3A_145, %parallel_loop3A_250] : memref<128x32xi32, #tpu.memory_space<vmem>>[vector<16xi32>, vector<16xi32>], vector<16xi32>,
        %parallel_loop3A_256 = vector.bitcast %parallel_loop3A_255 : vector<16xi32> to vector<32xbf16>
        %parallel_loop3A_257 = tpu.unpack_subelements %parallel_loop3A_256, 0 {pack_format = #tpu.pack_format<interleaved>} : vector<32xbf16> -> vector<16xf32>
        %parallel_loop3A_258 = tpu.unpack_subelements %parallel_loop3A_256, 1 {pack_format = #tpu.pack_format<interleaved>} : vector<32xbf16> -> vector<16xf32>
        %parallel_loop3A_259 = arith.constant 2 : i32
        %parallel_loop3A_260 = vector.broadcast %parallel_loop3A_259 : i32 to vector<16xi32>
        %parallel_loop3A_261 = arith.muli %parallel_loop3A_260, %parallel_loop3A_250 : vector<16xi32>
        %parallel_loop3A_262 = arith.constant 3 : i32
        %parallel_loop3A_263 = vector.broadcast %parallel_loop3A_262 : i32 to vector<16xi32>
        %parallel_loop3A_264 = arith.shrui %parallel_loop3A_261, %parallel_loop3A_263 : vector<16xi32>
        %parallel_loop3A_265 = arith.constant 7 : i32
        %parallel_loop3A_266 = vector.broadcast %parallel_loop3A_265 : i32 to vector<16xi32>
        %parallel_loop3A_267 = arith.andi %parallel_loop3A_261, %parallel_loop3A_266 : vector<16xi32>
        %parallel_loop3A_268 = arith.constant 8.000000e+00 : f32
        %parallel_loop3A_269 = vector.broadcast %parallel_loop3A_268 : f32 to vector<16xf32>
        %parallel_loop3A_270 = arith.mulf %parallel_loop3A_257, %parallel_loop3A_269 : vector<16xf32>
        %parallel_loop3A_271 = arith.constant 0 : i32
        %parallel_loop3A_272 = arith.constant 0 : i32
        %parallel_loop3A_273 = arith.constant 0 : i32
        %parallel_loop3A_274 = tpu.memref_slice %arg7[%and3A_112, %parallel_loop3A_271, %parallel_loop3A_272, %parallel_loop3A_273] : memref<2x8x8x128xf32, #tpu.memory_space<vmem>> -> memref<1x8x8x128xf32, #tpu.memory_space<vmem>>
        %parallel_loop3A_275 = tpu.memref_squeeze %parallel_loop3A_274 : memref<1x8x8x128xf32, #tpu.memory_space<vmem>> -> memref<8x8x128xf32, #tpu.memory_space<vmem>>
        tpu.vector_store_idx %parallel_loop3A_275[%parallel_loop3A_264, %parallel_loop3A_267, %add3A_145], %parallel_loop3A_270 : memref<8x8x128xf32, #tpu.memory_space<vmem>>[vector<16xi32>, vector<16xi32>, vector<16xi32>], vector<16xf32>,
        %parallel_loop3A_276 = arith.constant 1 : i32
        %parallel_loop3A_277 = vector.broadcast %parallel_loop3A_276 : i32 to vector<16xi32>
        %parallel_loop3A_278 = arith.ori %parallel_loop3A_261, %parallel_loop3A_277 : vector<16xi32>
        %parallel_loop3A_279 = arith.constant 3 : i32
        %parallel_loop3A_280 = vector.broadcast %parallel_loop3A_279 : i32 to vector<16xi32>
        %parallel_loop3A_281 = arith.shrui %parallel_loop3A_278, %parallel_loop3A_280 : vector<16xi32>
        %parallel_loop3A_282 = arith.constant 7 : i32
        %parallel_loop3A_283 = vector.broadcast %parallel_loop3A_282 : i32 to vector<16xi32>
        %parallel_loop3A_284 = arith.andi %parallel_loop3A_278, %parallel_loop3A_283 : vector<16xi32>
        %parallel_loop3A_285 = arith.constant 8.000000e+00 : f32
        %parallel_loop3A_286 = vector.broadcast %parallel_loop3A_285 : f32 to vector<16xf32>
        %parallel_loop3A_287 = arith.mulf %parallel_loop3A_258, %parallel_loop3A_286 : vector<16xf32>
        %parallel_loop3A_288 = arith.constant 0 : i32
        %parallel_loop3A_289 = arith.constant 0 : i32
        %parallel_loop3A_290 = arith.constant 0 : i32
        %parallel_loop3A_291 = tpu.memref_slice %arg7[%and3A_112, %parallel_loop3A_288, %parallel_loop3A_289, %parallel_loop3A_290] : memref<2x8x8x128xf32, #tpu.memory_space<vmem>> -> memref<1x8x8x128xf32, #tpu.memory_space<vmem>>
        %parallel_loop3A_292 = tpu.memref_squeeze %parallel_loop3A_291 : memref<1x8x8x128xf32, #tpu.memory_space<vmem>> -> memref<8x8x128xf32, #tpu.memory_space<vmem>>
        tpu.vector_store_idx %parallel_loop3A_292[%parallel_loop3A_281, %parallel_loop3A_284, %add3A_145], %parallel_loop3A_287 : memref<8x8x128xf32, #tpu.memory_space<vmem>>[vector<16xi32>, vector<16xi32>, vector<16xi32>], vector<16xf32>,
      } {sc.loop_unroll_factor = 4 : i64, sc.parallel_access}
      %add3A_149 = arith.constant 32 : i32
      %add3A_150 = vector.broadcast %add3A_149 : i32 to vector<16xi32>
      %add3A_151 = arith.addi %iota3A, %add3A_150 : vector<16xi32>
      %parallel_loop3A_152 = arith.constant 0 : i32
      %parallel_loop3A_153 = arith.constant 32 : i32
      %parallel_loop3A_154 = arith.constant 1 : i32
      scf.for %parallel_loop3A_245 = %parallel_loop3A_152 to %parallel_loop3A_153 step %parallel_loop3A_154  : i32 {
        %parallel_loop3A_246 = vector.broadcast %parallel_loop3A_245 : i32 to vector<16xi32>
        %parallel_loop3A_247 = arith.addi %parallel_loop3A_246, %iota3A : vector<16xi32>
        %parallel_loop3A_248 = arith.constant 31 : i32
        %parallel_loop3A_249 = vector.broadcast %parallel_loop3A_248 : i32 to vector<16xi32>
        %parallel_loop3A_250 = arith.andi %parallel_loop3A_247, %parallel_loop3A_249 : vector<16xi32>
        %parallel_loop3A_251 = arith.constant 0 : i32
        %parallel_loop3A_252 = arith.constant 0 : i32
        %parallel_loop3A_253 = tpu.memref_slice %arg6[%select_n3A_110, %parallel_loop3A_251, %parallel_loop3A_252] : memref<4x128x32xi32, #tpu.memory_space<vmem>> -> memref<1x128x32xi32, #tpu.memory_space<vmem>>
        %parallel_loop3A_254 = tpu.memref_squeeze %parallel_loop3A_253 : memref<1x128x32xi32, #tpu.memory_space<vmem>> -> memref<128x32xi32, #tpu.memory_space<vmem>>
        %parallel_loop3A_255 = tpu.vector_load_idx %parallel_loop3A_254[%add3A_151, %parallel_loop3A_250] : memref<128x32xi32, #tpu.memory_space<vmem>>[vector<16xi32>, vector<16xi32>], vector<16xi32>,
        %parallel_loop3A_256 = vector.bitcast %parallel_loop3A_255 : vector<16xi32> to vector<32xbf16>
        %parallel_loop3A_257 = tpu.unpack_subelements %parallel_loop3A_256, 0 {pack_format = #tpu.pack_format<interleaved>} : vector<32xbf16> -> vector<16xf32>
        %parallel_loop3A_258 = tpu.unpack_subelements %parallel_loop3A_256, 1 {pack_format = #tpu.pack_format<interleaved>} : vector<32xbf16> -> vector<16xf32>
        %parallel_loop3A_259 = arith.constant 2 : i32
        %parallel_loop3A_260 = vector.broadcast %parallel_loop3A_259 : i32 to vector<16xi32>
        %parallel_loop3A_261 = arith.muli %parallel_loop3A_260, %parallel_loop3A_250 : vector<16xi32>
        %parallel_loop3A_262 = arith.constant 3 : i32
        %parallel_loop3A_263 = vector.broadcast %parallel_loop3A_262 : i32 to vector<16xi32>
        %parallel_loop3A_264 = arith.shrui %parallel_loop3A_261, %parallel_loop3A_263 : vector<16xi32>
        %parallel_loop3A_265 = arith.constant 7 : i32
        %parallel_loop3A_266 = vector.broadcast %parallel_loop3A_265 : i32 to vector<16xi32>
        %parallel_loop3A_267 = arith.andi %parallel_loop3A_261, %parallel_loop3A_266 : vector<16xi32>
        %parallel_loop3A_268 = arith.constant 8.000000e+00 : f32
        %parallel_loop3A_269 = vector.broadcast %parallel_loop3A_268 : f32 to vector<16xf32>
        %parallel_loop3A_270 = arith.mulf %parallel_loop3A_257, %parallel_loop3A_269 : vector<16xf32>
        %parallel_loop3A_271 = arith.constant 0 : i32
        %parallel_loop3A_272 = arith.constant 0 : i32
        %parallel_loop3A_273 = arith.constant 0 : i32
        %parallel_loop3A_274 = tpu.memref_slice %arg7[%and3A_112, %parallel_loop3A_271, %parallel_loop3A_272, %parallel_loop3A_273] : memref<2x8x8x128xf32, #tpu.memory_space<vmem>> -> memref<1x8x8x128xf32, #tpu.memory_space<vmem>>
        %parallel_loop3A_275 = tpu.memref_squeeze %parallel_loop3A_274 : memref<1x8x8x128xf32, #tpu.memory_space<vmem>> -> memref<8x8x128xf32, #tpu.memory_space<vmem>>
        tpu.vector_store_idx %parallel_loop3A_275[%parallel_loop3A_264, %parallel_loop3A_267, %add3A_151], %parallel_loop3A_270 : memref<8x8x128xf32, #tpu.memory_space<vmem>>[vector<16xi32>, vector<16xi32>, vector<16xi32>], vector<16xf32>,
        %parallel_loop3A_276 = arith.constant 1 : i32
        %parallel_loop3A_277 = vector.broadcast %parallel_loop3A_276 : i32 to vector<16xi32>
        %parallel_loop3A_278 = arith.ori %parallel_loop3A_261, %parallel_loop3A_277 : vector<16xi32>
        %parallel_loop3A_279 = arith.constant 3 : i32
        %parallel_loop3A_280 = vector.broadcast %parallel_loop3A_279 : i32 to vector<16xi32>
        %parallel_loop3A_281 = arith.shrui %parallel_loop3A_278, %parallel_loop3A_280 : vector<16xi32>
        %parallel_loop3A_282 = arith.constant 7 : i32
        %parallel_loop3A_283 = vector.broadcast %parallel_loop3A_282 : i32 to vector<16xi32>
        %parallel_loop3A_284 = arith.andi %parallel_loop3A_278, %parallel_loop3A_283 : vector<16xi32>
        %parallel_loop3A_285 = arith.constant 8.000000e+00 : f32
        %parallel_loop3A_286 = vector.broadcast %parallel_loop3A_285 : f32 to vector<16xf32>
        %parallel_loop3A_287 = arith.mulf %parallel_loop3A_258, %parallel_loop3A_286 : vector<16xf32>
        %parallel_loop3A_288 = arith.constant 0 : i32
        %parallel_loop3A_289 = arith.constant 0 : i32
        %parallel_loop3A_290 = arith.constant 0 : i32
        %parallel_loop3A_291 = tpu.memref_slice %arg7[%and3A_112, %parallel_loop3A_288, %parallel_loop3A_289, %parallel_loop3A_290] : memref<2x8x8x128xf32, #tpu.memory_space<vmem>> -> memref<1x8x8x128xf32, #tpu.memory_space<vmem>>
        %parallel_loop3A_292 = tpu.memref_squeeze %parallel_loop3A_291 : memref<1x8x8x128xf32, #tpu.memory_space<vmem>> -> memref<8x8x128xf32, #tpu.memory_space<vmem>>
        tpu.vector_store_idx %parallel_loop3A_292[%parallel_loop3A_281, %parallel_loop3A_284, %add3A_151], %parallel_loop3A_287 : memref<8x8x128xf32, #tpu.memory_space<vmem>>[vector<16xi32>, vector<16xi32>, vector<16xi32>], vector<16xf32>,
      } {sc.loop_unroll_factor = 4 : i64, sc.parallel_access}
      %add3A_155 = arith.constant 48 : i32
      %add3A_156 = vector.broadcast %add3A_155 : i32 to vector<16xi32>
      %add3A_157 = arith.addi %iota3A, %add3A_156 : vector<16xi32>
      %parallel_loop3A_158 = arith.constant 0 : i32
      %parallel_loop3A_159 = arith.constant 32 : i32
      %parallel_loop3A_160 = arith.constant 1 : i32
      scf.for %parallel_loop3A_245 = %parallel_loop3A_158 to %parallel_loop3A_159 step %parallel_loop3A_160  : i32 {
        %parallel_loop3A_246 = vector.broadcast %parallel_loop3A_245 : i32 to vector<16xi32>
        %parallel_loop3A_247 = arith.addi %parallel_loop3A_246, %iota3A : vector<16xi32>
        %parallel_loop3A_248 = arith.constant 31 : i32
        %parallel_loop3A_249 = vector.broadcast %parallel_loop3A_248 : i32 to vector<16xi32>
        %parallel_loop3A_250 = arith.andi %parallel_loop3A_247, %parallel_loop3A_249 : vector<16xi32>
        %parallel_loop3A_251 = arith.constant 0 : i32
        %parallel_loop3A_252 = arith.constant 0 : i32
        %parallel_loop3A_253 = tpu.memref_slice %arg6[%select_n3A_110, %parallel_loop3A_251, %parallel_loop3A_252] : memref<4x128x32xi32, #tpu.memory_space<vmem>> -> memref<1x128x32xi32, #tpu.memory_space<vmem>>
        %parallel_loop3A_254 = tpu.memref_squeeze %parallel_loop3A_253 : memref<1x128x32xi32, #tpu.memory_space<vmem>> -> memref<128x32xi32, #tpu.memory_space<vmem>>
        %parallel_loop3A_255 = tpu.vector_load_idx %parallel_loop3A_254[%add3A_157, %parallel_loop3A_250] : memref<128x32xi32, #tpu.memory_space<vmem>>[vector<16xi32>, vector<16xi32>], vector<16xi32>,
        %parallel_loop3A_256 = vector.bitcast %parallel_loop3A_255 : vector<16xi32> to vector<32xbf16>
        %parallel_loop3A_257 = tpu.unpack_subelements %parallel_loop3A_256, 0 {pack_format = #tpu.pack_format<interleaved>} : vector<32xbf16> -> vector<16xf32>
        %parallel_loop3A_258 = tpu.unpack_subelements %parallel_loop3A_256, 1 {pack_format = #tpu.pack_format<interleaved>} : vector<32xbf16> -> vector<16xf32>
        %parallel_loop3A_259 = arith.constant 2 : i32
        %parallel_loop3A_260 = vector.broadcast %parallel_loop3A_259 : i32 to vector<16xi32>
        %parallel_loop3A_261 = arith.muli %parallel_loop3A_260, %parallel_loop3A_250 : vector<16xi32>
        %parallel_loop3A_262 = arith.constant 3 : i32
        %parallel_loop3A_263 = vector.broadcast %parallel_loop3A_262 : i32 to vector<16xi32>
        %parallel_loop3A_264 = arith.shrui %parallel_loop3A_261, %parallel_loop3A_263 : vector<16xi32>
        %parallel_loop3A_265 = arith.constant 7 : i32
        %parallel_loop3A_266 = vector.broadcast %parallel_loop3A_265 : i32 to vector<16xi32>
        %parallel_loop3A_267 = arith.andi %parallel_loop3A_261, %parallel_loop3A_266 : vector<16xi32>
        %parallel_loop3A_268 = arith.constant 8.000000e+00 : f32
        %parallel_loop3A_269 = vector.broadcast %parallel_loop3A_268 : f32 to vector<16xf32>
        %parallel_loop3A_270 = arith.mulf %parallel_loop3A_257, %parallel_loop3A_269 : vector<16xf32>
        %parallel_loop3A_271 = arith.constant 0 : i32
        %parallel_loop3A_272 = arith.constant 0 : i32
        %parallel_loop3A_273 = arith.constant 0 : i32
        %parallel_loop3A_274 = tpu.memref_slice %arg7[%and3A_112, %parallel_loop3A_271, %parallel_loop3A_272, %parallel_loop3A_273] : memref<2x8x8x128xf32, #tpu.memory_space<vmem>> -> memref<1x8x8x128xf32, #tpu.memory_space<vmem>>
        %parallel_loop3A_275 = tpu.memref_squeeze %parallel_loop3A_274 : memref<1x8x8x128xf32, #tpu.memory_space<vmem>> -> memref<8x8x128xf32, #tpu.memory_space<vmem>>
        tpu.vector_store_idx %parallel_loop3A_275[%parallel_loop3A_264, %parallel_loop3A_267, %add3A_157], %parallel_loop3A_270 : memref<8x8x128xf32, #tpu.memory_space<vmem>>[vector<16xi32>, vector<16xi32>, vector<16xi32>], vector<16xf32>,
        %parallel_loop3A_276 = arith.constant 1 : i32
        %parallel_loop3A_277 = vector.broadcast %parallel_loop3A_276 : i32 to vector<16xi32>
        %parallel_loop3A_278 = arith.ori %parallel_loop3A_261, %parallel_loop3A_277 : vector<16xi32>
        %parallel_loop3A_279 = arith.constant 3 : i32
        %parallel_loop3A_280 = vector.broadcast %parallel_loop3A_279 : i32 to vector<16xi32>
        %parallel_loop3A_281 = arith.shrui %parallel_loop3A_278, %parallel_loop3A_280 : vector<16xi32>
        %parallel_loop3A_282 = arith.constant 7 : i32
        %parallel_loop3A_283 = vector.broadcast %parallel_loop3A_282 : i32 to vector<16xi32>
        %parallel_loop3A_284 = arith.andi %parallel_loop3A_278, %parallel_loop3A_283 : vector<16xi32>
        %parallel_loop3A_285 = arith.constant 8.000000e+00 : f32
        %parallel_loop3A_286 = vector.broadcast %parallel_loop3A_285 : f32 to vector<16xf32>
        %parallel_loop3A_287 = arith.mulf %parallel_loop3A_258, %parallel_loop3A_286 : vector<16xf32>
        %parallel_loop3A_288 = arith.constant 0 : i32
        %parallel_loop3A_289 = arith.constant 0 : i32
        %parallel_loop3A_290 = arith.constant 0 : i32
        %parallel_loop3A_291 = tpu.memref_slice %arg7[%and3A_112, %parallel_loop3A_288, %parallel_loop3A_289, %parallel_loop3A_290] : memref<2x8x8x128xf32, #tpu.memory_space<vmem>> -> memref<1x8x8x128xf32, #tpu.memory_space<vmem>>
        %parallel_loop3A_292 = tpu.memref_squeeze %parallel_loop3A_291 : memref<1x8x8x128xf32, #tpu.memory_space<vmem>> -> memref<8x8x128xf32, #tpu.memory_space<vmem>>
        tpu.vector_store_idx %parallel_loop3A_292[%parallel_loop3A_281, %parallel_loop3A_284, %add3A_157], %parallel_loop3A_287 : memref<8x8x128xf32, #tpu.memory_space<vmem>>[vector<16xi32>, vector<16xi32>, vector<16xi32>], vector<16xf32>,
      } {sc.loop_unroll_factor = 4 : i64, sc.parallel_access}
      %add3A_161 = arith.constant 64 : i32
      %add3A_162 = vector.broadcast %add3A_161 : i32 to vector<16xi32>
      %add3A_163 = arith.addi %iota3A, %add3A_162 : vector<16xi32>
      %parallel_loop3A_164 = arith.constant 0 : i32
      %parallel_loop3A_165 = arith.constant 32 : i32
      %parallel_loop3A_166 = arith.constant 1 : i32
      scf.for %parallel_loop3A_245 = %parallel_loop3A_164 to %parallel_loop3A_165 step %parallel_loop3A_166  : i32 {
        %parallel_loop3A_246 = vector.broadcast %parallel_loop3A_245 : i32 to vector<16xi32>
        %parallel_loop3A_247 = arith.addi %parallel_loop3A_246, %iota3A : vector<16xi32>
        %parallel_loop3A_248 = arith.constant 31 : i32
        %parallel_loop3A_249 = vector.broadcast %parallel_loop3A_248 : i32 to vector<16xi32>
        %parallel_loop3A_250 = arith.andi %parallel_loop3A_247, %parallel_loop3A_249 : vector<16xi32>
        %parallel_loop3A_251 = arith.constant 0 : i32
        %parallel_loop3A_252 = arith.constant 0 : i32
        %parallel_loop3A_253 = tpu.memref_slice %arg6[%select_n3A_110, %parallel_loop3A_251, %parallel_loop3A_252] : memref<4x128x32xi32, #tpu.memory_space<vmem>> -> memref<1x128x32xi32, #tpu.memory_space<vmem>>
        %parallel_loop3A_254 = tpu.memref_squeeze %parallel_loop3A_253 : memref<1x128x32xi32, #tpu.memory_space<vmem>> -> memref<128x32xi32, #tpu.memory_space<vmem>>
        %parallel_loop3A_255 = tpu.vector_load_idx %parallel_loop3A_254[%add3A_163, %parallel_loop3A_250] : memref<128x32xi32, #tpu.memory_space<vmem>>[vector<16xi32>, vector<16xi32>], vector<16xi32>,
        %parallel_loop3A_256 = vector.bitcast %parallel_loop3A_255 : vector<16xi32> to vector<32xbf16>
        %parallel_loop3A_257 = tpu.unpack_subelements %parallel_loop3A_256, 0 {pack_format = #tpu.pack_format<interleaved>} : vector<32xbf16> -> vector<16xf32>
        %parallel_loop3A_258 = tpu.unpack_subelements %parallel_loop3A_256, 1 {pack_format = #tpu.pack_format<interleaved>} : vector<32xbf16> -> vector<16xf32>
        %parallel_loop3A_259 = arith.constant 2 : i32
        %parallel_loop3A_260 = vector.broadcast %parallel_loop3A_259 : i32 to vector<16xi32>
        %parallel_loop3A_261 = arith.muli %parallel_loop3A_260, %parallel_loop3A_250 : vector<16xi32>
        %parallel_loop3A_262 = arith.constant 3 : i32
        %parallel_loop3A_263 = vector.broadcast %parallel_loop3A_262 : i32 to vector<16xi32>
        %parallel_loop3A_264 = arith.shrui %parallel_loop3A_261, %parallel_loop3A_263 : vector<16xi32>
        %parallel_loop3A_265 = arith.constant 7 : i32
        %parallel_loop3A_266 = vector.broadcast %parallel_loop3A_265 : i32 to vector<16xi32>
        %parallel_loop3A_267 = arith.andi %parallel_loop3A_261, %parallel_loop3A_266 : vector<16xi32>
        %parallel_loop3A_268 = arith.constant 8.000000e+00 : f32
        %parallel_loop3A_269 = vector.broadcast %parallel_loop3A_268 : f32 to vector<16xf32>
        %parallel_loop3A_270 = arith.mulf %parallel_loop3A_257, %parallel_loop3A_269 : vector<16xf32>
        %parallel_loop3A_271 = arith.constant 0 : i32
        %parallel_loop3A_272 = arith.constant 0 : i32
        %parallel_loop3A_273 = arith.constant 0 : i32
        %parallel_loop3A_274 = tpu.memref_slice %arg7[%and3A_112, %parallel_loop3A_271, %parallel_loop3A_272, %parallel_loop3A_273] : memref<2x8x8x128xf32, #tpu.memory_space<vmem>> -> memref<1x8x8x128xf32, #tpu.memory_space<vmem>>
        %parallel_loop3A_275 = tpu.memref_squeeze %parallel_loop3A_274 : memref<1x8x8x128xf32, #tpu.memory_space<vmem>> -> memref<8x8x128xf32, #tpu.memory_space<vmem>>
        tpu.vector_store_idx %parallel_loop3A_275[%parallel_loop3A_264, %parallel_loop3A_267, %add3A_163], %parallel_loop3A_270 : memref<8x8x128xf32, #tpu.memory_space<vmem>>[vector<16xi32>, vector<16xi32>, vector<16xi32>], vector<16xf32>,
        %parallel_loop3A_276 = arith.constant 1 : i32
        %parallel_loop3A_277 = vector.broadcast %parallel_loop3A_276 : i32 to vector<16xi32>
        %parallel_loop3A_278 = arith.ori %parallel_loop3A_261, %parallel_loop3A_277 : vector<16xi32>
        %parallel_loop3A_279 = arith.constant 3 : i32
        %parallel_loop3A_280 = vector.broadcast %parallel_loop3A_279 : i32 to vector<16xi32>
        %parallel_loop3A_281 = arith.shrui %parallel_loop3A_278, %parallel_loop3A_280 : vector<16xi32>
        %parallel_loop3A_282 = arith.constant 7 : i32
        %parallel_loop3A_283 = vector.broadcast %parallel_loop3A_282 : i32 to vector<16xi32>
        %parallel_loop3A_284 = arith.andi %parallel_loop3A_278, %parallel_loop3A_283 : vector<16xi32>
        %parallel_loop3A_285 = arith.constant 8.000000e+00 : f32
        %parallel_loop3A_286 = vector.broadcast %parallel_loop3A_285 : f32 to vector<16xf32>
        %parallel_loop3A_287 = arith.mulf %parallel_loop3A_258, %parallel_loop3A_286 : vector<16xf32>
        %parallel_loop3A_288 = arith.constant 0 : i32
        %parallel_loop3A_289 = arith.constant 0 : i32
        %parallel_loop3A_290 = arith.constant 0 : i32
        %parallel_loop3A_291 = tpu.memref_slice %arg7[%and3A_112, %parallel_loop3A_288, %parallel_loop3A_289, %parallel_loop3A_290] : memref<2x8x8x128xf32, #tpu.memory_space<vmem>> -> memref<1x8x8x128xf32, #tpu.memory_space<vmem>>
        %parallel_loop3A_292 = tpu.memref_squeeze %parallel_loop3A_291 : memref<1x8x8x128xf32, #tpu.memory_space<vmem>> -> memref<8x8x128xf32, #tpu.memory_space<vmem>>
        tpu.vector_store_idx %parallel_loop3A_292[%parallel_loop3A_281, %parallel_loop3A_284, %add3A_163], %parallel_loop3A_287 : memref<8x8x128xf32, #tpu.memory_space<vmem>>[vector<16xi32>, vector<16xi32>, vector<16xi32>], vector<16xf32>,
      } {sc.loop_unroll_factor = 4 : i64, sc.parallel_access}
      %add3A_167 = arith.constant 80 : i32
      %add3A_168 = vector.broadcast %add3A_167 : i32 to vector<16xi32>
      %add3A_169 = arith.addi %iota3A, %add3A_168 : vector<16xi32>
      %parallel_loop3A_170 = arith.constant 0 : i32
      %parallel_loop3A_171 = arith.constant 32 : i32
      %parallel_loop3A_172 = arith.constant 1 : i32
      scf.for %parallel_loop3A_245 = %parallel_loop3A_170 to %parallel_loop3A_171 step %parallel_loop3A_172  : i32 {
        %parallel_loop3A_246 = vector.broadcast %parallel_loop3A_245 : i32 to vector<16xi32>
        %parallel_loop3A_247 = arith.addi %parallel_loop3A_246, %iota3A : vector<16xi32>
        %parallel_loop3A_248 = arith.constant 31 : i32
        %parallel_loop3A_249 = vector.broadcast %parallel_loop3A_248 : i32 to vector<16xi32>
        %parallel_loop3A_250 = arith.andi %parallel_loop3A_247, %parallel_loop3A_249 : vector<16xi32>
        %parallel_loop3A_251 = arith.constant 0 : i32
        %parallel_loop3A_252 = arith.constant 0 : i32
        %parallel_loop3A_253 = tpu.memref_slice %arg6[%select_n3A_110, %parallel_loop3A_251, %parallel_loop3A_252] : memref<4x128x32xi32, #tpu.memory_space<vmem>> -> memref<1x128x32xi32, #tpu.memory_space<vmem>>
        %parallel_loop3A_254 = tpu.memref_squeeze %parallel_loop3A_253 : memref<1x128x32xi32, #tpu.memory_space<vmem>> -> memref<128x32xi32, #tpu.memory_space<vmem>>
        %parallel_loop3A_255 = tpu.vector_load_idx %parallel_loop3A_254[%add3A_169, %parallel_loop3A_250] : memref<128x32xi32, #tpu.memory_space<vmem>>[vector<16xi32>, vector<16xi32>], vector<16xi32>,
        %parallel_loop3A_256 = vector.bitcast %parallel_loop3A_255 : vector<16xi32> to vector<32xbf16>
        %parallel_loop3A_257 = tpu.unpack_subelements %parallel_loop3A_256, 0 {pack_format = #tpu.pack_format<interleaved>} : vector<32xbf16> -> vector<16xf32>
        %parallel_loop3A_258 = tpu.unpack_subelements %parallel_loop3A_256, 1 {pack_format = #tpu.pack_format<interleaved>} : vector<32xbf16> -> vector<16xf32>
        %parallel_loop3A_259 = arith.constant 2 : i32
        %parallel_loop3A_260 = vector.broadcast %parallel_loop3A_259 : i32 to vector<16xi32>
        %parallel_loop3A_261 = arith.muli %parallel_loop3A_260, %parallel_loop3A_250 : vector<16xi32>
        %parallel_loop3A_262 = arith.constant 3 : i32
        %parallel_loop3A_263 = vector.broadcast %parallel_loop3A_262 : i32 to vector<16xi32>
        %parallel_loop3A_264 = arith.shrui %parallel_loop3A_261, %parallel_loop3A_263 : vector<16xi32>
        %parallel_loop3A_265 = arith.constant 7 : i32
        %parallel_loop3A_266 = vector.broadcast %parallel_loop3A_265 : i32 to vector<16xi32>
        %parallel_loop3A_267 = arith.andi %parallel_loop3A_261, %parallel_loop3A_266 : vector<16xi32>
        %parallel_loop3A_268 = arith.constant 8.000000e+00 : f32
        %parallel_loop3A_269 = vector.broadcast %parallel_loop3A_268 : f32 to vector<16xf32>
        %parallel_loop3A_270 = arith.mulf %parallel_loop3A_257, %parallel_loop3A_269 : vector<16xf32>
        %parallel_loop3A_271 = arith.constant 0 : i32
        %parallel_loop3A_272 = arith.constant 0 : i32
        %parallel_loop3A_273 = arith.constant 0 : i32
        %parallel_loop3A_274 = tpu.memref_slice %arg7[%and3A_112, %parallel_loop3A_271, %parallel_loop3A_272, %parallel_loop3A_273] : memref<2x8x8x128xf32, #tpu.memory_space<vmem>> -> memref<1x8x8x128xf32, #tpu.memory_space<vmem>>
        %parallel_loop3A_275 = tpu.memref_squeeze %parallel_loop3A_274 : memref<1x8x8x128xf32, #tpu.memory_space<vmem>> -> memref<8x8x128xf32, #tpu.memory_space<vmem>>
        tpu.vector_store_idx %parallel_loop3A_275[%parallel_loop3A_264, %parallel_loop3A_267, %add3A_169], %parallel_loop3A_270 : memref<8x8x128xf32, #tpu.memory_space<vmem>>[vector<16xi32>, vector<16xi32>, vector<16xi32>], vector<16xf32>,
        %parallel_loop3A_276 = arith.constant 1 : i32
        %parallel_loop3A_277 = vector.broadcast %parallel_loop3A_276 : i32 to vector<16xi32>
        %parallel_loop3A_278 = arith.ori %parallel_loop3A_261, %parallel_loop3A_277 : vector<16xi32>
        %parallel_loop3A_279 = arith.constant 3 : i32
        %parallel_loop3A_280 = vector.broadcast %parallel_loop3A_279 : i32 to vector<16xi32>
        %parallel_loop3A_281 = arith.shrui %parallel_loop3A_278, %parallel_loop3A_280 : vector<16xi32>
        %parallel_loop3A_282 = arith.constant 7 : i32
        %parallel_loop3A_283 = vector.broadcast %parallel_loop3A_282 : i32 to vector<16xi32>
        %parallel_loop3A_284 = arith.andi %parallel_loop3A_278, %parallel_loop3A_283 : vector<16xi32>
        %parallel_loop3A_285 = arith.constant 8.000000e+00 : f32
        %parallel_loop3A_286 = vector.broadcast %parallel_loop3A_285 : f32 to vector<16xf32>
        %parallel_loop3A_287 = arith.mulf %parallel_loop3A_258, %parallel_loop3A_286 : vector<16xf32>
        %parallel_loop3A_288 = arith.constant 0 : i32
        %parallel_loop3A_289 = arith.constant 0 : i32
        %parallel_loop3A_290 = arith.constant 0 : i32
        %parallel_loop3A_291 = tpu.memref_slice %arg7[%and3A_112, %parallel_loop3A_288, %parallel_loop3A_289, %parallel_loop3A_290] : memref<2x8x8x128xf32, #tpu.memory_space<vmem>> -> memref<1x8x8x128xf32, #tpu.memory_space<vmem>>
        %parallel_loop3A_292 = tpu.memref_squeeze %parallel_loop3A_291 : memref<1x8x8x128xf32, #tpu.memory_space<vmem>> -> memref<8x8x128xf32, #tpu.memory_space<vmem>>
        tpu.vector_store_idx %parallel_loop3A_292[%parallel_loop3A_281, %parallel_loop3A_284, %add3A_169], %parallel_loop3A_287 : memref<8x8x128xf32, #tpu.memory_space<vmem>>[vector<16xi32>, vector<16xi32>, vector<16xi32>], vector<16xf32>,
      } {sc.loop_unroll_factor = 4 : i64, sc.parallel_access}
      %add3A_173 = arith.constant 96 : i32
      %add3A_174 = vector.broadcast %add3A_173 : i32 to vector<16xi32>
      %add3A_175 = arith.addi %iota3A, %add3A_174 : vector<16xi32>
      %parallel_loop3A_176 = arith.constant 0 : i32
      %parallel_loop3A_177 = arith.constant 32 : i32
      %parallel_loop3A_178 = arith.constant 1 : i32
      scf.for %parallel_loop3A_245 = %parallel_loop3A_176 to %parallel_loop3A_177 step %parallel_loop3A_178  : i32 {
        %parallel_loop3A_246 = vector.broadcast %parallel_loop3A_245 : i32 to vector<16xi32>
        %parallel_loop3A_247 = arith.addi %parallel_loop3A_246, %iota3A : vector<16xi32>
        %parallel_loop3A_248 = arith.constant 31 : i32
        %parallel_loop3A_249 = vector.broadcast %parallel_loop3A_248 : i32 to vector<16xi32>
        %parallel_loop3A_250 = arith.andi %parallel_loop3A_247, %parallel_loop3A_249 : vector<16xi32>
        %parallel_loop3A_251 = arith.constant 0 : i32
        %parallel_loop3A_252 = arith.constant 0 : i32
        %parallel_loop3A_253 = tpu.memref_slice %arg6[%select_n3A_110, %parallel_loop3A_251, %parallel_loop3A_252] : memref<4x128x32xi32, #tpu.memory_space<vmem>> -> memref<1x128x32xi32, #tpu.memory_space<vmem>>
        %parallel_loop3A_254 = tpu.memref_squeeze %parallel_loop3A_253 : memref<1x128x32xi32, #tpu.memory_space<vmem>> -> memref<128x32xi32, #tpu.memory_space<vmem>>
        %parallel_loop3A_255 = tpu.vector_load_idx %parallel_loop3A_254[%add3A_175, %parallel_loop3A_250] : memref<128x32xi32, #tpu.memory_space<vmem>>[vector<16xi32>, vector<16xi32>], vector<16xi32>,
        %parallel_loop3A_256 = vector.bitcast %parallel_loop3A_255 : vector<16xi32> to vector<32xbf16>
        %parallel_loop3A_257 = tpu.unpack_subelements %parallel_loop3A_256, 0 {pack_format = #tpu.pack_format<interleaved>} : vector<32xbf16> -> vector<16xf32>
        %parallel_loop3A_258 = tpu.unpack_subelements %parallel_loop3A_256, 1 {pack_format = #tpu.pack_format<interleaved>} : vector<32xbf16> -> vector<16xf32>
        %parallel_loop3A_259 = arith.constant 2 : i32
        %parallel_loop3A_260 = vector.broadcast %parallel_loop3A_259 : i32 to vector<16xi32>
        %parallel_loop3A_261 = arith.muli %parallel_loop3A_260, %parallel_loop3A_250 : vector<16xi32>
        %parallel_loop3A_262 = arith.constant 3 : i32
        %parallel_loop3A_263 = vector.broadcast %parallel_loop3A_262 : i32 to vector<16xi32>
        %parallel_loop3A_264 = arith.shrui %parallel_loop3A_261, %parallel_loop3A_263 : vector<16xi32>
        %parallel_loop3A_265 = arith.constant 7 : i32
        %parallel_loop3A_266 = vector.broadcast %parallel_loop3A_265 : i32 to vector<16xi32>
        %parallel_loop3A_267 = arith.andi %parallel_loop3A_261, %parallel_loop3A_266 : vector<16xi32>
        %parallel_loop3A_268 = arith.constant 8.000000e+00 : f32
        %parallel_loop3A_269 = vector.broadcast %parallel_loop3A_268 : f32 to vector<16xf32>
        %parallel_loop3A_270 = arith.mulf %parallel_loop3A_257, %parallel_loop3A_269 : vector<16xf32>
        %parallel_loop3A_271 = arith.constant 0 : i32
        %parallel_loop3A_272 = arith.constant 0 : i32
        %parallel_loop3A_273 = arith.constant 0 : i32
        %parallel_loop3A_274 = tpu.memref_slice %arg7[%and3A_112, %parallel_loop3A_271, %parallel_loop3A_272, %parallel_loop3A_273] : memref<2x8x8x128xf32, #tpu.memory_space<vmem>> -> memref<1x8x8x128xf32, #tpu.memory_space<vmem>>
        %parallel_loop3A_275 = tpu.memref_squeeze %parallel_loop3A_274 : memref<1x8x8x128xf32, #tpu.memory_space<vmem>> -> memref<8x8x128xf32, #tpu.memory_space<vmem>>
        tpu.vector_store_idx %parallel_loop3A_275[%parallel_loop3A_264, %parallel_loop3A_267, %add3A_175], %parallel_loop3A_270 : memref<8x8x128xf32, #tpu.memory_space<vmem>>[vector<16xi32>, vector<16xi32>, vector<16xi32>], vector<16xf32>,
        %parallel_loop3A_276 = arith.constant 1 : i32
        %parallel_loop3A_277 = vector.broadcast %parallel_loop3A_276 : i32 to vector<16xi32>
        %parallel_loop3A_278 = arith.ori %parallel_loop3A_261, %parallel_loop3A_277 : vector<16xi32>
        %parallel_loop3A_279 = arith.constant 3 : i32
        %parallel_loop3A_280 = vector.broadcast %parallel_loop3A_279 : i32 to vector<16xi32>
        %parallel_loop3A_281 = arith.shrui %parallel_loop3A_278, %parallel_loop3A_280 : vector<16xi32>
        %parallel_loop3A_282 = arith.constant 7 : i32
        %parallel_loop3A_283 = vector.broadcast %parallel_loop3A_282 : i32 to vector<16xi32>
        %parallel_loop3A_284 = arith.andi %parallel_loop3A_278, %parallel_loop3A_283 : vector<16xi32>
        %parallel_loop3A_285 = arith.constant 8.000000e+00 : f32
        %parallel_loop3A_286 = vector.broadcast %parallel_loop3A_285 : f32 to vector<16xf32>
        %parallel_loop3A_287 = arith.mulf %parallel_loop3A_258, %parallel_loop3A_286 : vector<16xf32>
        %parallel_loop3A_288 = arith.constant 0 : i32
        %parallel_loop3A_289 = arith.constant 0 : i32
        %parallel_loop3A_290 = arith.constant 0 : i32
        %parallel_loop3A_291 = tpu.memref_slice %arg7[%and3A_112, %parallel_loop3A_288, %parallel_loop3A_289, %parallel_loop3A_290] : memref<2x8x8x128xf32, #tpu.memory_space<vmem>> -> memref<1x8x8x128xf32, #tpu.memory_space<vmem>>
        %parallel_loop3A_292 = tpu.memref_squeeze %parallel_loop3A_291 : memref<1x8x8x128xf32, #tpu.memory_space<vmem>> -> memref<8x8x128xf32, #tpu.memory_space<vmem>>
        tpu.vector_store_idx %parallel_loop3A_292[%parallel_loop3A_281, %parallel_loop3A_284, %add3A_175], %parallel_loop3A_287 : memref<8x8x128xf32, #tpu.memory_space<vmem>>[vector<16xi32>, vector<16xi32>, vector<16xi32>], vector<16xf32>,
      } {sc.loop_unroll_factor = 4 : i64, sc.parallel_access}
      %add3A_179 = arith.constant 112 : i32
      %add3A_180 = vector.broadcast %add3A_179 : i32 to vector<16xi32>
      %add3A_181 = arith.addi %iota3A, %add3A_180 : vector<16xi32>
      %parallel_loop3A_182 = arith.constant 0 : i32
      %parallel_loop3A_183 = arith.constant 32 : i32
      %parallel_loop3A_184 = arith.constant 1 : i32
      scf.for %parallel_loop3A_245 = %parallel_loop3A_182 to %parallel_loop3A_183 step %parallel_loop3A_184  : i32 {
        %parallel_loop3A_246 = vector.broadcast %parallel_loop3A_245 : i32 to vector<16xi32>
        %parallel_loop3A_247 = arith.addi %parallel_loop3A_246, %iota3A : vector<16xi32>
        %parallel_loop3A_248 = arith.constant 31 : i32
        %parallel_loop3A_249 = vector.broadcast %parallel_loop3A_248 : i32 to vector<16xi32>
        %parallel_loop3A_250 = arith.andi %parallel_loop3A_247, %parallel_loop3A_249 : vector<16xi32>
        %parallel_loop3A_251 = arith.constant 0 : i32
        %parallel_loop3A_252 = arith.constant 0 : i32
        %parallel_loop3A_253 = tpu.memref_slice %arg6[%select_n3A_110, %parallel_loop3A_251, %parallel_loop3A_252] : memref<4x128x32xi32, #tpu.memory_space<vmem>> -> memref<1x128x32xi32, #tpu.memory_space<vmem>>
        %parallel_loop3A_254 = tpu.memref_squeeze %parallel_loop3A_253 : memref<1x128x32xi32, #tpu.memory_space<vmem>> -> memref<128x32xi32, #tpu.memory_space<vmem>>
        %parallel_loop3A_255 = tpu.vector_load_idx %parallel_loop3A_254[%add3A_181, %parallel_loop3A_250] : memref<128x32xi32, #tpu.memory_space<vmem>>[vector<16xi32>, vector<16xi32>], vector<16xi32>,
        %parallel_loop3A_256 = vector.bitcast %parallel_loop3A_255 : vector<16xi32> to vector<32xbf16>
        %parallel_loop3A_257 = tpu.unpack_subelements %parallel_loop3A_256, 0 {pack_format = #tpu.pack_format<interleaved>} : vector<32xbf16> -> vector<16xf32>
        %parallel_loop3A_258 = tpu.unpack_subelements %parallel_loop3A_256, 1 {pack_format = #tpu.pack_format<interleaved>} : vector<32xbf16> -> vector<16xf32>
        %parallel_loop3A_259 = arith.constant 2 : i32
        %parallel_loop3A_260 = vector.broadcast %parallel_loop3A_259 : i32 to vector<16xi32>
        %parallel_loop3A_261 = arith.muli %parallel_loop3A_260, %parallel_loop3A_250 : vector<16xi32>
        %parallel_loop3A_262 = arith.constant 3 : i32
        %parallel_loop3A_263 = vector.broadcast %parallel_loop3A_262 : i32 to vector<16xi32>
        %parallel_loop3A_264 = arith.shrui %parallel_loop3A_261, %parallel_loop3A_263 : vector<16xi32>
        %parallel_loop3A_265 = arith.constant 7 : i32
        %parallel_loop3A_266 = vector.broadcast %parallel_loop3A_265 : i32 to vector<16xi32>
        %parallel_loop3A_267 = arith.andi %parallel_loop3A_261, %parallel_loop3A_266 : vector<16xi32>
        %parallel_loop3A_268 = arith.constant 8.000000e+00 : f32
        %parallel_loop3A_269 = vector.broadcast %parallel_loop3A_268 : f32 to vector<16xf32>
        %parallel_loop3A_270 = arith.mulf %parallel_loop3A_257, %parallel_loop3A_269 : vector<16xf32>
        %parallel_loop3A_271 = arith.constant 0 : i32
        %parallel_loop3A_272 = arith.constant 0 : i32
        %parallel_loop3A_273 = arith.constant 0 : i32
        %parallel_loop3A_274 = tpu.memref_slice %arg7[%and3A_112, %parallel_loop3A_271, %parallel_loop3A_272, %parallel_loop3A_273] : memref<2x8x8x128xf32, #tpu.memory_space<vmem>> -> memref<1x8x8x128xf32, #tpu.memory_space<vmem>>
        %parallel_loop3A_275 = tpu.memref_squeeze %parallel_loop3A_274 : memref<1x8x8x128xf32, #tpu.memory_space<vmem>> -> memref<8x8x128xf32, #tpu.memory_space<vmem>>
        tpu.vector_store_idx %parallel_loop3A_275[%parallel_loop3A_264, %parallel_loop3A_267, %add3A_181], %parallel_loop3A_270 : memref<8x8x128xf32, #tpu.memory_space<vmem>>[vector<16xi32>, vector<16xi32>, vector<16xi32>], vector<16xf32>,
        %parallel_loop3A_276 = arith.constant 1 : i32
        %parallel_loop3A_277 = vector.broadcast %parallel_loop3A_276 : i32 to vector<16xi32>
        %parallel_loop3A_278 = arith.ori %parallel_loop3A_261, %parallel_loop3A_277 : vector<16xi32>
        %parallel_loop3A_279 = arith.constant 3 : i32
        %parallel_loop3A_280 = vector.broadcast %parallel_loop3A_279 : i32 to vector<16xi32>
        %parallel_loop3A_281 = arith.shrui %parallel_loop3A_278, %parallel_loop3A_280 : vector<16xi32>
        %parallel_loop3A_282 = arith.constant 7 : i32
        %parallel_loop3A_283 = vector.broadcast %parallel_loop3A_282 : i32 to vector<16xi32>
        %parallel_loop3A_284 = arith.andi %parallel_loop3A_278, %parallel_loop3A_283 : vector<16xi32>
        %parallel_loop3A_285 = arith.constant 8.000000e+00 : f32
        %parallel_loop3A_286 = vector.broadcast %parallel_loop3A_285 : f32 to vector<16xf32>
        %parallel_loop3A_287 = arith.mulf %parallel_loop3A_258, %parallel_loop3A_286 : vector<16xf32>
        %parallel_loop3A_288 = arith.constant 0 : i32
        %parallel_loop3A_289 = arith.constant 0 : i32
        %parallel_loop3A_290 = arith.constant 0 : i32
        %parallel_loop3A_291 = tpu.memref_slice %arg7[%and3A_112, %parallel_loop3A_288, %parallel_loop3A_289, %parallel_loop3A_290] : memref<2x8x8x128xf32, #tpu.memory_space<vmem>> -> memref<1x8x8x128xf32, #tpu.memory_space<vmem>>
        %parallel_loop3A_292 = tpu.memref_squeeze %parallel_loop3A_291 : memref<1x8x8x128xf32, #tpu.memory_space<vmem>> -> memref<8x8x128xf32, #tpu.memory_space<vmem>>
        tpu.vector_store_idx %parallel_loop3A_292[%parallel_loop3A_281, %parallel_loop3A_284, %add3A_181], %parallel_loop3A_287 : memref<8x8x128xf32, #tpu.memory_space<vmem>>[vector<16xi32>, vector<16xi32>, vector<16xi32>], vector<16xf32>,
      } {sc.loop_unroll_factor = 4 : i64, sc.parallel_access}
      %add3A_185 = arith.addi %mul3A_2, %scan3A_101 : i32
      %jit3A_186 = arith.constant 32 : i32
      %div3A = arith.divsi %add3A_185, %jit3A_186 : i32
      %sign3A = arith.constant 0 : i32
      %sign3A_187 = arith.cmpi sgt, %add3A_185, %sign3A : i32
      %sign3A_188 = arith.extui %sign3A_187 : i1 to i32
      %sign3A_189 = arith.constant 0 : i32
      %sign3A_190 = arith.cmpi slt, %add3A_185, %sign3A_189 : i32
      %sign3A_191 = arith.extui %sign3A_190 : i1 to i32
      %sign3A_192 = arith.subi %sign3A_188, %sign3A_191 : i32
      %sign3A_193 = arith.constant 0 : i32
      %sign3A_194 = arith.cmpi sgt, %jit3A_186, %sign3A_193 : i32
      %sign3A_195 = arith.extui %sign3A_194 : i1 to i32
      %sign3A_196 = arith.constant 0 : i32
      %sign3A_197 = arith.cmpi slt, %jit3A_186, %sign3A_196 : i32
      %sign3A_198 = arith.extui %sign3A_197 : i1 to i32
      %sign3A_199 = arith.subi %sign3A_195, %sign3A_198 : i32
      %ne3A_200 = arith.cmpi ne, %sign3A_192, %sign3A_199 : i32
      %rem3A_201 = arith.remsi %add3A_185, %jit3A_186 : i32
      %ne3A_202 = arith.constant 0 : i32
      %ne3A_203 = arith.cmpi ne, %rem3A_201, %ne3A_202 : i32
      %and3A_204 = arith.andi %ne3A_200, %ne3A_203 : i1
      %sub3A = arith.constant 1 : i32
      %sub3A_205 = arith.subi %div3A, %sub3A : i32
      %select_n3A_206 = arith.select %and3A_204, %sub3A_205, %div3A : i32
      %jit3A_207 = arith.constant 32 : i32
      %eq3A_208 = arith.constant 0 : i32
      %eq3A_209 = arith.cmpi eq, %jit3A_207, %eq3A_208 : i32
      %jit3A_210 = arith.constant 1 : i32
      %select_n3A_211 = arith.select %eq3A_209, %jit3A_210, %jit3A_207 : i32
      %rem3A_212 = arith.remsi %add3A_185, %select_n3A_211 : i32
      %ne3A_213 = arith.constant 0 : i32
      %ne3A_214 = arith.cmpi ne, %rem3A_212, %ne3A_213 : i32
      %lt3A_215 = arith.constant 0 : i32
      %lt3A_216 = arith.cmpi slt, %rem3A_212, %lt3A_215 : i32
      %lt3A_217 = arith.constant 0 : i32
      %lt3A_218 = arith.cmpi slt, %select_n3A_211, %lt3A_217 : i32
      %ne3A_219 = arith.xori %lt3A_216, %lt3A_218 : i1
      %and3A_220 = arith.andi %ne3A_219, %ne3A_214 : i1
      %add3A_221 = arith.addi %rem3A_212, %select_n3A_211 : i32
      %select_n3A_222 = arith.select %and3A_220, %add3A_221, %rem3A_212 : i32
      %dma_start3A_223 = arith.constant 0 : i32
      %dma_start3A_224 = arith.constant 0 : i32
      %dma_start3A_225 = arith.constant 0 : i32
      %dma_start3A_226 = tpu.memref_slice %arg7[%and3A_112, %dma_start3A_223, %dma_start3A_224, %dma_start3A_225] : memref<2x8x8x128xf32, #tpu.memory_space<vmem>> -> memref<1x8x8x128xf32, #tpu.memory_space<vmem>>
      %dma_start3A_227 = tpu.memref_squeeze %dma_start3A_226 : memref<1x8x8x128xf32, #tpu.memory_space<vmem>> -> memref<8x8x128xf32, #tpu.memory_space<vmem>>
      %dma_start3A_228 = arith.constant 0 : i32
      %dma_start3A_229 = arith.constant 0 : i32
      %dma_start3A_230 = arith.constant 0 : i32
      %dma_start3A_231 = tpu.memref_slice %arg4[%select_n3A_206, %dma_start3A_228, %select_n3A_222, %dma_start3A_229, %dma_start3A_230] : memref<200x8x32x8x128xf32, #tpu.memory_space<hbm>> -> memref<1x8x1x8x128xf32, #tpu.memory_space<hbm>>
      %dma_start3A_232 = tpu.memref_squeeze %dma_start3A_231 : memref<1x8x1x8x128xf32, #tpu.memory_space<hbm>> -> memref<8x8x128xf32, #tpu.memory_space<hbm>>
      %dma_start3A_233 = tpu.memref_slice %arg9[%and3A_112] : memref<2x!tpu.dma_semaphore, #tpu.memory_space<semaphore_mem>> -> memref<1x!tpu.dma_semaphore, #tpu.memory_space<semaphore_mem>>
      %dma_start3A_234 = tpu.memref_squeeze %dma_start3A_233 : memref<1x!tpu.dma_semaphore, #tpu.memory_space<semaphore_mem>> -> memref<!tpu.dma_semaphore, #tpu.memory_space<semaphore_mem>>
      %dma_start3A_235 = arith.constant 0 : i32
      %dma_start3A_236 = arith.constant 0 : i32
      %dma_start3A_237 = arith.constant 0 : i32
      %dma_start3A_238 = tpu.memref_slice %arg4[%select_n3A_206, %dma_start3A_235, %select_n3A_222, %dma_start3A_236, %dma_start3A_237] : memref<200x8x32x8x128xf32, #tpu.memory_space<hbm>> -> memref<1x8x1x8x128xf32, #tpu.memory_space<hbm>>
      %dma_start3A_239 = tpu.memref_squeeze %dma_start3A_238 : memref<1x8x1x8x128xf32, #tpu.memory_space<hbm>> -> memref<8x8x128xf32, #tpu.memory_space<hbm>>
      %dma_start3A_240 = arith.constant 0 : i32
      %dma_start3A_241 = arith.constant 0 : i32
      %dma_start3A_242 = arith.constant 0 : i32
      %dma_start3A_243 = tpu.memref_slice %arg7[%and3A_112, %dma_start3A_240, %dma_start3A_241, %dma_start3A_242] : memref<2x8x8x128xf32, #tpu.memory_space<vmem>> -> memref<1x8x8x128xf32, #tpu.memory_space<vmem>>
      %dma_start3A_244 = tpu.memref_squeeze %dma_start3A_243 : memref<1x8x8x128xf32, #tpu.memory_space<vmem>> -> memref<8x8x128xf32, #tpu.memory_space<vmem>>
      tpu.enqueue_dma source(%dma_start3A_244 : memref<8x8x128xf32, #tpu.memory_space<vmem>>) target(%dma_start3A_239 : memref<8x8x128xf32, #tpu.memory_space<hbm>>) target_semaphore(%dma_start3A_234 : memref<!tpu.dma_semaphore, #tpu.memory_space<semaphore_mem>>)
    }
    %scan3A_49 = arith.constant 200 : i32
    %dma_wait3A = arith.constant 0 : i32
    %dma_wait3A_50 = arith.constant 0 : i32
    %dma_wait3A_51 = arith.constant 0 : i32
    %dma_wait3A_52 = arith.constant 0 : i32
    %dma_wait3A_53 = arith.constant 0 : i32
    %dma_wait3A_54 = arith.constant 0 : i32
    %dma_wait3A_55 = arith.constant 0 : i32
    %dma_wait3A_56 = tpu.memref_slice %arg7[%dma_wait3A_51, %dma_wait3A_53, %dma_wait3A_54, %dma_wait3A_55] : memref<2x8x8x128xf32, #tpu.memory_space<vmem>> -> memref<1x8x8x128xf32, #tpu.memory_space<vmem>>
    %dma_wait3A_57 = tpu.memref_squeeze %dma_wait3A_56 : memref<1x8x8x128xf32, #tpu.memory_space<vmem>> -> memref<8x8x128xf32, #tpu.memory_space<vmem>>
    %dma_wait3A_58 = arith.constant 0 : i32
    %dma_wait3A_59 = arith.constant 0 : i32
    %dma_wait3A_60 = arith.constant 0 : i32
    %dma_wait3A_61 = tpu.memref_slice %arg4[%dma_wait3A, %dma_wait3A_58, %dma_wait3A_50, %dma_wait3A_59, %dma_wait3A_60] : memref<200x8x32x8x128xf32, #tpu.memory_space<hbm>> -> memref<1x8x1x8x128xf32, #tpu.memory_space<hbm>>
    %dma_wait3A_62 = tpu.memref_squeeze %dma_wait3A_61 : memref<1x8x1x8x128xf32, #tpu.memory_space<hbm>> -> memref<8x8x128xf32, #tpu.memory_space<hbm>>
    %dma_wait3A_63 = tpu.memref_slice %arg9[%dma_wait3A_52] : memref<2x!tpu.dma_semaphore, #tpu.memory_space<semaphore_mem>> -> memref<1x!tpu.dma_semaphore, #tpu.memory_space<semaphore_mem>>
    %dma_wait3A_64 = tpu.memref_squeeze %dma_wait3A_63 : memref<1x!tpu.dma_semaphore, #tpu.memory_space<semaphore_mem>> -> memref<!tpu.dma_semaphore, #tpu.memory_space<semaphore_mem>>
    %dma_wait3A_65 = arith.constant 0 : i32
    %dma_wait3A_66 = arith.constant 0 : i32
    %dma_wait3A_67 = arith.constant 0 : i32
    %dma_wait3A_68 = tpu.memref_slice %arg7[%dma_wait3A_51, %dma_wait3A_65, %dma_wait3A_66, %dma_wait3A_67] : memref<2x8x8x128xf32, #tpu.memory_space<vmem>> -> memref<1x8x8x128xf32, #tpu.memory_space<vmem>>
    %dma_wait3A_69 = tpu.memref_squeeze %dma_wait3A_68 : memref<1x8x8x128xf32, #tpu.memory_space<vmem>> -> memref<8x8x128xf32, #tpu.memory_space<vmem>>
    %dma_wait3A_70 = arith.constant 0 : i32
    %dma_wait3A_71 = arith.constant 0 : i32
    %dma_wait3A_72 = arith.constant 0 : i32
    %dma_wait3A_73 = tpu.memref_slice %arg4[%dma_wait3A, %dma_wait3A_70, %dma_wait3A_50, %dma_wait3A_71, %dma_wait3A_72] : memref<200x8x32x8x128xf32, #tpu.memory_space<hbm>> -> memref<1x8x1x8x128xf32, #tpu.memory_space<hbm>>
    %dma_wait3A_74 = tpu.memref_squeeze %dma_wait3A_73 : memref<1x8x1x8x128xf32, #tpu.memory_space<hbm>> -> memref<8x8x128xf32, #tpu.memory_space<hbm>>
    tpu.wait_dma2 semaphore(%dma_wait3A_64 : memref<!tpu.dma_semaphore, #tpu.memory_space<semaphore_mem>>) src(%dma_wait3A_74 : memref<8x8x128xf32, #tpu.memory_space<hbm>>) dst(%dma_wait3A_69 : memref<8x8x128xf32, #tpu.memory_space<vmem>>)
    %dma_wait3A_75 = arith.constant 0 : i32
    %dma_wait3A_76 = arith.constant 0 : i32
    %dma_wait3A_77 = arith.constant 1 : i32
    %dma_wait3A_78 = arith.constant 1 : i32
    %dma_wait3A_79 = arith.constant 0 : i32
    %dma_wait3A_80 = arith.constant 0 : i32
    %dma_wait3A_81 = arith.constant 0 : i32
    %dma_wait3A_82 = tpu.memref_slice %arg7[%dma_wait3A_77, %dma_wait3A_79, %dma_wait3A_80, %dma_wait3A_81] : memref<2x8x8x128xf32, #tpu.memory_space<vmem>> -> memref<1x8x8x128xf32, #tpu.memory_space<vmem>>
    %dma_wait3A_83 = tpu.memref_squeeze %dma_wait3A_82 : memref<1x8x8x128xf32, #tpu.memory_space<vmem>> -> memref<8x8x128xf32, #tpu.memory_space<vmem>>
    %dma_wait3A_84 = arith.constant 0 : i32
    %dma_wait3A_85 = arith.constant 0 : i32
    %dma_wait3A_86 = arith.constant 0 : i32
    %dma_wait3A_87 = tpu.memref_slice %arg4[%dma_wait3A_75, %dma_wait3A_84, %dma_wait3A_76, %dma_wait3A_85, %dma_wait3A_86] : memref<200x8x32x8x128xf32, #tpu.memory_space<hbm>> -> memref<1x8x1x8x128xf32, #tpu.memory_space<hbm>>
    %dma_wait3A_88 = tpu.memref_squeeze %dma_wait3A_87 : memref<1x8x1x8x128xf32, #tpu.memory_space<hbm>> -> memref<8x8x128xf32, #tpu.memory_space<hbm>>
    %dma_wait3A_89 = tpu.memref_slice %arg9[%dma_wait3A_78] : memref<2x!tpu.dma_semaphore, #tpu.memory_space<semaphore_mem>> -> memref<1x!tpu.dma_semaphore, #tpu.memory_space<semaphore_mem>>
    %dma_wait3A_90 = tpu.memref_squeeze %dma_wait3A_89 : memref<1x!tpu.dma_semaphore, #tpu.memory_space<semaphore_mem>> -> memref<!tpu.dma_semaphore, #tpu.memory_space<semaphore_mem>>
    %dma_wait3A_91 = arith.constant 0 : i32
    %dma_wait3A_92 = arith.constant 0 : i32
    %dma_wait3A_93 = arith.constant 0 : i32
    %dma_wait3A_94 = tpu.memref_slice %arg7[%dma_wait3A_77, %dma_wait3A_91, %dma_wait3A_92, %dma_wait3A_93] : memref<2x8x8x128xf32, #tpu.memory_space<vmem>> -> memref<1x8x8x128xf32, #tpu.memory_space<vmem>>
    %dma_wait3A_95 = tpu.memref_squeeze %dma_wait3A_94 : memref<1x8x8x128xf32, #tpu.memory_space<vmem>> -> memref<8x8x128xf32, #tpu.memory_space<vmem>>
    %dma_wait3A_96 = arith.constant 0 : i32
    %dma_wait3A_97 = arith.constant 0 : i32
    %dma_wait3A_98 = arith.constant 0 : i32
    %dma_wait3A_99 = tpu.memref_slice %arg4[%dma_wait3A_75, %dma_wait3A_96, %dma_wait3A_76, %dma_wait3A_97, %dma_wait3A_98] : memref<200x8x32x8x128xf32, #tpu.memory_space<hbm>> -> memref<1x8x1x8x128xf32, #tpu.memory_space<hbm>>
    %dma_wait3A_100 = tpu.memref_squeeze %dma_wait3A_99 : memref<1x8x1x8x128xf32, #tpu.memory_space<hbm>> -> memref<8x8x128xf32, #tpu.memory_space<hbm>>
    tpu.wait_dma2 semaphore(%dma_wait3A_90 : memref<!tpu.dma_semaphore, #tpu.memory_space<semaphore_mem>>) src(%dma_wait3A_100 : memref<8x8x128xf32, #tpu.memory_space<hbm>>) dst(%dma_wait3A_95 : memref<8x8x128xf32, #tpu.memory_space<vmem>>)
    return
  }
}

</mosaic_0001>

<sc_bundles>
// kernel: _embed.4.cloned.1.call-start
scs
__scs_entry_jumppad:
0x0: {  	(pc) =	sbr.rel $0x88, $3  }
0x1: {  	(tag) =	ssettag $0x0;
	lr =	simm.s32 $0x1  }
0x2: {  	[smem:$0x3F9E] =	sst lr;
	_ =	strace $0xD0000000  }
0x3: {  	_ = 	snop  }
0x4: {  	_ = 	snop  }
0x5: {  	_ = 	snop  }
0x6: {  	_ = 	snop  }
0x7: {  	_ = 	snop  }
__scs_overlays_trampoline_lowered:
0x8: {  	[smem:$0x3FAD] =	sst s0  }
0x9: {  	[smem:$0x3FAE] =	sst s1  }
0xa: {  	[smem:$0x3FAF] =	sst s2  }
0xb: {  	[smem:$0x3FB0] =	sst s3  }
0xc: {  	[smem:$0x3FB1] =	sst s4  }
0xd: {  	[smem:$0x3FB2] =	sst s5  }
0xe: {  	[smem:$0x3FB3] =	sst s6  }
0xf: {  	[smem:$0x3FB4] =	sst s7  }
0x10: {  	[smem:$0x3FB5] =	sst s8  }
0x11: {  	[smem:$0x3FB6] =	sst s9;
	s0 =	simm.s32 @!p0 $0x0  }
0x12: {  	s1 =	sld [smem:$0x3F9C];
	s0 =	simm.s32 @p0 $0x1  }
0x13: {  	[smem:$0x3FB7] =	sst s0;
	s0 =	simm.s32 @!p1 $0x0  }
0x14: {  	s2 =	sld [smem:$0x3F9B];
	s0 =	simm.s32 @p1 $0x1  }
0x15: {  	[smem:$0x3FB8] =	sst s0;
	s0 =	simm.s32 @!p2 $0x0  }
0x16: {  	s3 =	sld [smem:$0x3FDB];
	s0 =	simm.s32 @p2 $0x1  }
0x17: {  	s4 =	simm.s32 $0x1BF5;
	[smem:$0x3FBA] =	sst s0  }
0x18: {  	s0 =	sld [smem:$0x3F9D];
	_ =	swait.ge [sflag:s4], $0x0  }
0x19: {  	s7 =	sld [smem:$0x3F9E]  }
0x1a: {  	s8 =	sadd.s32 $0xFFFFE003, lr  }
0x1b: {  	s9 =	sadd.s32 $0xFFFFFEF7, lr;
	s5 =	simm.s32 $0xFFFFFFFF;
	p2 =	slt.u32 s8, $0xFFFFF086  }
0x1c: {  	p1 =	slt.u32 s9, $0xF7A;
	s5 =	simm.s32 @!p2 $0x0  }
0x1d: {  	s5 =	simm.s32 @p1 $0x1;
	p0 =	seq.s32 s7, s2  }
0x1e: {  	s7 =	smul.u32 @!p0 $0xF7A, s2;
	p2 =	seq.s32 @!p0 s5, $0x0  }
0x1f: {  	s9 =	smul.u32 $0xF7A, s1;
	s8 =	simm.s32 @!p0 $0x1BF5;
	p2 =	por !p2, p0  }
0x20: {  	[sflag:s8] =	ssyncset.s32 @!p0 $0xFFFFF086;
	s6 =	sadd.s32 @!p0 s3, s7;
	s7 =	simm.s32 @!p0 $0x108  }
0x21: {  	s3 =	sadd.s32 s3, s9;
	s6 =	sadd.s32 @!p0 $0x88, s6;
	s7 =	simm.s32 @p2 $0x1082  }
0x22: {  	[simem:s7], [sflag:s8] =	dma.local @!p0 [hbm:s6], $0xF7A  }
0x23: {  	s9 =	sor.u32 $0xD0000000, s2;
	s6 =	simm.s32 $0x108;
	_ =	swait.ge @!p0 [sflag:s8], $0x0  }
0x24: {  	s3 =	sadd.s32 $0x88, s3;
	s6 =	simm.s32 @!p1 $0x1082;
	[sflag:s4] =	ssyncset.s32 $0xFFFFF086  }
0x25: {  	[simem:s6], [sflag:s4] =	dma.local [hbm:s3], $0xF7A  }
0x26: {  	[smem:$0x3F9E] =	sst s1;
	(tag) =	ssettag s2;
	_ =	strace s9  }
0x27: {  	s1 =	sld [smem:$0x3FAE]  }
0x28: {  	s2 =	sld [smem:$0x3FAF]  }
0x29: {  	s4 =	sld [smem:$0x3FB1]  }
0x2a: {  	p0 =	seq.s32 s5, $0x0;
	s5 =	sld [smem:$0x3FB2]  }
0x2b: {  	s6 =	sld [smem:$0x3FB3]  }
0x2c: {  	s7 =	sld [smem:$0x3FB4]  }
0x2d: {  	s3 =	simm.s32 $0x108;
	s8 =	sld [smem:$0x3FB5]  }
0x2e: {  	s3 =	simm.s32 @!p0 $0x1082;
	s9 =	sld [smem:$0x3FB6]  }
0x2f: {  	lr =	sadd.s32 s0, s3;
	s0 =	sld [smem:$0x3FAD]  }
0x30: {  	s3 =	sld [smem:$0x3FB0]  }
0x31: {  	[smem:$0x3FB9] =	sst s10  }
0x32: {  	s10 =	sld [smem:$0x3FB7];
	_ =	sdelay $0x3  }
0x33: {  	p0 =	seq.s32 s10, $0x1;
	s10 =	sld [smem:$0x3FB9];
	_ =	sdelay $0x3  }
0x34: {  	[smem:$0x3FB9] =	sst s10  }
0x35: {  	s10 =	sld [smem:$0x3FB8];
	_ =	sdelay $0x3  }
0x36: {  	p1 =	seq.s32 s10, $0x1;
	s10 =	sld [smem:$0x3FB9];
	_ =	sdelay $0x3  }
0x37: {  	[smem:$0x3FB9] =	sst s10  }
0x38: {  	s10 =	sld [smem:$0x3FBA]  }
0x39: {  	_ = 	snop;
	(pc) =	sbr.ind lr, $3  }
0x3a: {  	_ = 	snop  }
0x3b: {  	_ = 	snop  }
0x3c: {  	p2 =	seq.s32 s10, $0x1;
	s10 =	sld [smem:$0x3FB9]  }
0x3d: {  	_ =	shalt  }
0x3e: {  	_ =	shalt  }
0x3f: {  	_ =	shalt  }
0x40: {  	_ =	shalt  }
0x41: {  	_ =	shalt  }
0x42: {  	_ =	shalt  }
0x43: {  	_ =	shalt  }
0x44: {  	_ =	shalt  }
0x45: {  	_ =	shalt  }
0x46: {  	_ =	shalt  }
0x47: {  	_ =	shalt  }
0x48: {  	_ =	shalt  }
0x49: {  	_ =	shalt  }
0x4a: {  	_ =	shalt  }
0x4b: {  	_ =	shalt  }
0x4c: {  	_ =	shalt  }
0x4d: {  	_ =	shalt  }
0x4e: {  	_ =	shalt  }
0x4f: {  	_ =	shalt  }
0x50: {  	_ =	shalt  }
0x51: {  	_ =	shalt  }
0x52: {  	_ =	shalt  }
0x53: {  	_ =	shalt  }
0x54: {  	_ =	shalt  }
0x55: {  	_ =	shalt  }
0x56: {  	_ =	shalt  }
0x57: {  	_ =	shalt  }
0x58: {  	_ =	shalt  }
0x59: {  	_ =	shalt  }
0x5a: {  	_ =	shalt  }
0x5b: {  	_ =	shalt  }
0x5c: {  	_ =	shalt  }
0x5d: {  	_ =	shalt  }
0x5e: {  	_ =	shalt  }
0x5f: {  	_ =	shalt  }
0x60: {  	_ =	shalt  }
0x61: {  	_ =	shalt  }
0x62: {  	_ =	shalt  }
0x63: {  	_ =	shalt  }
0x64: {  	_ =	shalt  }
0x65: {  	_ =	shalt  }
0x66: {  	_ =	shalt  }
0x67: {  	_ =	shalt  }
0x68: {  	_ =	shalt  }
0x69: {  	_ =	shalt  }
0x6a: {  	_ =	shalt  }
0x6b: {  	_ =	shalt  }
0x6c: {  	_ =	shalt  }
0x6d: {  	_ =	shalt  }
0x6e: {  	_ =	shalt  }
0x6f: {  	_ =	shalt  }
0x70: {  	_ =	shalt  }
0x71: {  	_ =	shalt  }
0x72: {  	_ =	shalt  }
0x73: {  	_ =	shalt  }
0x74: {  	_ =	shalt  }
0x75: {  	_ =	shalt  }
0x76: {  	_ =	shalt  }
0x77: {  	_ =	shalt  }
0x78: {  	_ =	shalt  }
0x79: {  	_ =	shalt  }
0x7a: {  	_ =	shalt  }
0x7b: {  	_ =	shalt  }
0x7c: {  	_ =	shalt  }
0x7d: {  	_ =	shalt  }
0x7e: {  	_ =	shalt  }
0x7f: {  	_ =	shalt  }
0x80: {  	_ =	shalt  }
0x81: {  	_ =	shalt  }
0x82: {  	_ =	shalt  }
0x83: {  	_ =	shalt  }
0x84: {  	_ =	shalt  }
0x85: {  	_ =	shalt  }
0x86: {  	_ =	shalt  }
0x87: {  	_ =	shalt  }
.Lfunc_end0:
.L_simem_size_0:
called_computation_lowered:
.L_overlay_start_0:
0x88: {  	s2 =	sld [smem:$0x3FD9]  }
0x89: {  	s3 =	sld [smem:$0x3FFE];
	_ =	sdelay $0x1  }
0x8a: {  	s1 =	srdreg.scid  }
0x8b: {  	s0 =	sand.u32 $0x1, s1  }
0x8c: {  	s17 =	sshll.u32 s0, $0xA;
	s2 =	sadd.s32 s3, s2  }
0x8d: {  	s2 =	sadd.s32 s2, s17  }
0x8e: {  	[smem:$0x3FC5] =	sst s2  }
0x8f: {  	_ = 	snop  }
0x90: {  	s2 =	sld [smem:$0x3FC8]  }
0x91: {  	s18 =	sld [smem:$0x3FC7];
	(tm) =	ssettm $0x1  }
0x92: {  	s4 =	sld [smem:$0x3FFB];
	_ =	sdelay $0x3  }
0x93: {  	_ =	strace s4  }
0x94: {  	s4 =	sld [smem:$0x3FFC];
	_ =	sdelay $0x3  }
0x95: {  	_ =	strace s4  }
0x96: {  	s4 =	sld [smem:$0x3FFD];
	_ =	sdelay $0x3  }
0x97: {  	_ =	strace s4  }
0x98: {  	_ =	strace $0x8FFFFFFF  }
0x99: {  	s19 =	sld [smem:$0x3FDB];
	_ =	sdelay $0x1  }
0x9a: {  	s5 =	simm.s32 $_scs_section_size  }
0x9b: {  	s6 =	simm.s32 $_size__tile_overlayer_lowered;
	s7 =	simm.s32 $_tile_overlayer_lowered  }
0x9c: {  	s22 =	simm.s32 $0x1BFF;
	s21 =	sshll.u32 s7, $0x1;
	s4 =	sadd.s32 s5, s19  }
0x9d: {  	s8 =	simm.s32 $0x0;
	s20 =	sshll.u32 s6, $0x1;
	s6 =	sadd.s32 s21, s4  }
0x9e: {  	[timem:s8], [sflag:s22] =	dma.local [hbm:s6], s20  }
0x9f: {  	_ =	swait.ge [sflag:s22], s20  }
0xa0: {  	s5 =	ssub.s32 $0x0, s20;
	[sflag:s22] =	ssyncset.done $0x0  }
0xa1: {  	[sflag:s22] =	ssyncadd.s32 s5;
	_ =	sdelay $0x1  }
0xa2: {  	s23 =	simm.s32 $0x1B8B  }
0xa3: {  	_ =	swait.ge [sflag:s23], $0x1  }
0xa4: {  	[sflag:s23] =	ssyncset.done $0x0  }
0xa5: {  	s25 =	simm.s32 $0x1B8E;
	s24 =	sld [smem:$0x3FFE];
	[sflag:s23] =	ssyncadd.s32 $0xFFFFFFFF  }
0xa6: {  	s26 =	simm.s32 $execute0_lowered;
	[smem:$0x3FD2] =	sst s25  }
0xa7: {  	s6 =	sshll.u32 s26, $0x1;
	_ =	strace $0x80000046;
	[dreg:$0x1] =	wrdreg $0xFFFFFFFF  }
0xa8: {  	s28 =	simm.s32 $_size_execute0_lowered;
	s4 =	sadd.s32 s4, s6;
	[dreg:$0x0] =	wrdreg $0x0  }
0xa9: {  	s6 =	sshll.u32 s28, $0x1;
	[dreg:$0x2] =	wrdreg s4  }
0xaa: {  	[dreg:$0x3] =	wrdreg s6  }
0xab: {  	[dreg:$0x4] =	wrdreg $0xC0  }
0xac: {  	_ =	task [dreg:s8], $0x5FFFF  }
0xad: {  	[dreg:$0x1] =	wrdreg $0xFFFFFFFF  }
0xae: {  	[dreg:$0x0] =	wrdreg $0x60  }
0xaf: {  	[dreg:$0x2] =	wrdreg s2  }
0xb0: {  	[dreg:$0x3] =	wrdreg s18  }
0xb1: {  	[dreg:$0x4] =	wrdreg s24  }
0xb2: {  	[dreg:$0x5] =	wrdreg $0x9  }
0xb3: {  	_ =	task.clear_ibuf [dreg:s8], $0x6FFFF;
	_ =	strace $0x90000046  }
0xb4: {  	s29 =	simm.s32 $0x9;
	_ =	strace $0x80000048  }
0xb5: {  	_ =	swait.ge [sflag:s29], $0x1  }
0xb6: {  	[sflag:s29] =	ssyncadd.s32 $0xFFFFFFFF  }
0xb7: {  	_ =	strace $0x90000048  }
0xb8: {  	_ =	sfence  }
0xb9: {  	s30 =	sld [smem:$0x0];
	_ =	sdelay $0x2  }
0xba: {  	s31 =	sshll.u32 s1, $0xD;
	s1 =	sshrl.u32 s1, $0x2  }
0xbb: {  	s3 =	sand.u32 $0x4000, s31;
	s1 =	sadd.s32 s1, s30  }
0xbc: {  	s0 =	sor.u32 s3, s0;
	s1 =	sshll.u32 s1, $0x11  }
0xbd: {  	s0 =	sor.u32 s1, s0  }
0xbe: {  	s0 =	sadd.s32 $0x8F2B, s0  }
0xbf: {  	[sflag:s0] =	ssyncadd.remote.s32 $0x1  }
0xc0: {  	_ =	sfence.sel $0xFFFF  }
0xc1: {  	[dreg:$0x0] =	wrdreg $0xFFFFFFFF;
	(pc) =	sbr.abs _section_cstart, $3  }
0xc2: {  	[dreg:$0x1] =	wrdreg $0xFFFFFFFF  }
0xc3: {  	_ =	task.clear_ibuf [dreg:s8], $0x2FFFF;
	_ =	strace $0x9FFFFFFF  }
0xc4: {  	(tm) =	ssettm $0x7FFFFFFF  }
0xc5: {  	_ =	shalt  }
tec
execute0_lowered:
.L_overlay_start_1:
0x0: {  	(tag) =	ssettag $0x1  }
0x1: {  	s1 =	rddreg [dreg:$0x0]  }
0x2: {  	s2 =	rddreg [dreg:$0x1]  }
0x3: {  	s12 =	rddreg [dreg:$0x2];
	s3 =	srdreg.scid  }
0x4: {  	s4 =	simm.s32 $0x0;
	s14 =	simm.s32 $0x7A1400;
	s15 =	simm.s32 $0x400  }
0x5: {  	s16 =	simm.s32 $0x2000;
	s17 =	simm.s32 $0x4000;
	s19 =	simm.s32 $0x6  }
0x6: {  	s20 =	simm.s32 $0x7;
	s21 =	simm.s32 $0x8000;
	s22 =	simm.s32 $0x0  }
0x7: {  	s6 =	sand.u32 $0x1, s3;
	[smem:$0x7FF] =	sst s4;
	s3 =	stileid.u32  }
0x8: {  	v0 =	vlaneseq.u32;
	s5 =	sadd.s32 $0x800, s12;
	s12 =	sadd.s32 $0x3D1000, s12;
	s7 =	ssub.s32 $0x2, s6  }
0x9: {  	v1 =	vmul.u32 $0x20, v0;
	v2 =	vor.u32 $0x80, v0;
	_ =	strace $0x80000047;
	s9 =	sshll.u32 s3, $0x1;
	p0 =	slt.u32 s3, $0x2  }
.Ltmp0:
0xa: {  	v3 =	vor.u32 $0x10, v0;
	v4 =	vor.u32 $0x90, v0;
	v6 =	vor.u32 $0x20, v0;
	s8 =	sshrl.u32 s7, $0x1;
	s18 =	sor.u32 s6, s9;
	(pc) =	sbr.rel .LBB2_1-.Ltmp0, $4  }
0xb: {  	v7 =	vor.u32 $0xA0, v0;
	v9 =	vor.u32 $0x30, v0;
	v10 =	vor.u32 $0xB0, v0;
	s6 =	simm.s32 $0xF5;
	s13 =	ssub.s32 s7, s8;
	s31 =	sshll.u32 s18, $0x7  }
0xc: {  	v12 =	vor.u32 $0x40, v0;
	v13 =	vor.u32 $0xC0, v0;
	v15 =	vor.u32 $0x50, v0;
	s6 =	simm.s32 @!p0 $0xF4;
	s8 =	sshll.u32 s18, $0xA;
	s11 =	sshll.u32 s18, $0xC  }
0xd: {  	v16 =	vor.u32 $0xD0, v0;
	v5 =	vor.u32 $0x200, v1;
	v8 =	vor.u32 $0x400, v1;
	p0 =	sne.s32 s18, $0x1F;
	s18 =	simm.s32 $0x5;
	s7 =	sadd.s32 s1, s31  }
0xe: {  	v11 =	vor.u32 $0x600, v1;
	v14 =	vor.u32 $0x800, v1;
	v17 =	vor.u32 $0xA00, v1;
	s13 =	smax.u32 s13, $0x1;
	s9 =	sadd.s32 $0x1000, s7;
	s10 =	sadd.s32 $0x2000, s7  }
.LBB2_86:
0xf: {  	_ = 	snop  }
.LBB2_91:
0x10: {  	_ =	sdelay $0x3  }
0x11: {  	v23 =	vld.idx.msk [tilespmem:v36+s4+$0x0], $0xffff  }
0x12: {  	v33 =	vld.idx.msk [tilespmem:v33+s4+$0x0], $0xffff  }
0x13: {  	v32 =	vld.idx.msk [tilespmem:v32+s4+$0x0], $0xffff  }
0x14: {  	v30 =	vld.idx.msk [tilespmem:v30+s4+$0x0], $0xffff  }
0x15: {  	v24 =	vor.u32 v22, v24;
	v28 =	vld.idx.msk [tilespmem:v28+s4+$0x0], $0xffff  }
0x16: {  	[tilespmem:v27+s21+$0x0] =	vst.idx.msk @p1 $0xffff, v44;
	v27 =	vpack.i.f32.bf16 @p1 v37, v29;
	v21 =	vld.idx.msk [tilespmem:v21+s4+$0x0], $0xffff  }
0x17: {  	v25 =	vor.u32 v22, v25;
	[tilespmem:v19+s21+$0x0] =	vst.idx.msk @p1 $0xffff, v27;
	v19 =	vld.idx.msk [tilespmem:v43+s4+$0x0], $0xffff  }
0x18: {  	[tilespmem:v41+s21+$0x0] =	vst.idx.msk @p1 $0xffff, v42;
	v61 =	vor.u32 v22, v26;
	v27 =	vpack.i.f32.bf16 @p1 v35, v39  }
0x19: {  	[tilespmem:v31+s21+$0x0] =	vst.idx.msk @p1 $0xffff, v27;
	v20 =	vpack.i.f32.bf16 v33, v20  }
0x1a: {  	v62 =	vpack.i.f32.bf16 v28, v23;
	[tilespmem:v24+s21+$0x0] =	vst.idx.msk $0xffff, v20  }
0x1b: {  	v63 =	vpack.i.f32.bf16 v32, v30;
	[tilespmem:v18+s21+$0x0] =	vst.idx.msk $0xffff, v62  }
0x1c: {  	[tilespmem:v25+s21+$0x0] =	vst.idx.msk $0xffff, v63;
	v18 =	vpack.i.f32.bf16 v21, v19  }
0x1d: {  	[tilespmem:v61+s21+$0x0] =	vst.idx.msk $0xffff, v18  }
0x1e: {  	[hbm4b:s12+s4] =	stream.linear.scatter [tilespmem:s21], [sflag:$0x7], $0x800, $0x38;
	[tilespmem:$0xA000] =	vst v63  }
0x1f: {  	_ =	swait.ge [sflag:s20], $0x800  }
0x20: {  	[sflag:s20] =	ssyncset.done $0x0  }
0x21: {  	[sflag:s20] =	ssyncadd.s32 $0xFFFFF800  }
.LBB2_92:
0x22: {  	s22 =	sadd.s32 $0x1, s22  }
0x23: {  	p1 =	sne.s32 s22, s13  }
.Ltmp1:
0x24: {  	_ = 	snop;
	(pc) =	sbr.rel @!p1 .LBB2_93-.Ltmp1, $1  }
0x25: {  	_ =	sdelay $0x3  }
.LBB2_1:
0x26: {  	[tilespmem:s4], [sflag:$0x1] =	stream.strided.gather [hbm4b:s7+s15], $0x2000, s14, s15, $0x38;
	[tilespmem:$0xA000] =	vst v63  }
0x27: {  	_ = 	snop  }
0x28: {  	[tilespmem:s16], [sflag:$0x2] =	stream.strided.gather [hbm4b:s9+s15], $0x2000, s14, s15, $0x38;
	[tilespmem:$0xA000] =	vst v63  }
0x29: {  	s23 =	simm.s32 $0x0  }
0x2a: {  	[tilespmem:s17], [sflag:$0x3] =	stream.strided.gather [hbm4b:s10+s15], $0x2000, s14, s15, $0x38;
	[tilespmem:$0xA000] =	vst v63  }
.LBB2_2:
0x2b: {  	s24 =	sadd.s32 $0x3, s23  }
0x2c: {  	p1 =	sge.u32 s24, s6  }
0x2d: {  	s25 =	sshll.u32 @!p1 s24, $0xF  }
0x2e: {  	s24 =	sand.u32 @!p1 $0x3, s24;
	s25 =	sor.u32 @!p1 s8, s25  }
0x2f: {  	s28 =	simm.s32 @!p1 $0x400;
	s29 =	simm.s32 @!p1 $0x7A1400;
	s25 =	sshrl.u32 @!p1 s25, $0x3  }
0x30: {  	s26 =	sshll.u32 @!p1 s24, $0xD;
	s24 =	sadd.s32 @!p1 $0x1, s24;
	s25 =	sadd.s32 @!p1 s1, s25  }
0x31: {  	[tilespmem:s26], [sflag:s24] =	stream.strided.gather @!p1 [hbm4b:s25+s28], $0x2000, s29, s28, $0x38;
	[tilespmem:$0xA000] =	vst v63  }
0x32: {  	s26 =	simm.s32 $0x1  }
0x33: {  	s0 =	sand.u32 $0x3, s23;
	v18 =	vadd.s32 s26, v0  }
0x34: {  	s30 =	simm.s32 $0x2;
	s29 =	sadd.s32 $0x1, s0;
	s28 =	simm.s32 $0x3;
	v20 =	vand.u32 $0x1F, v18  }
0x35: {  	_ =	swait.ge [sflag:s29], $0x2000;
	v21 =	vadd.s32 s28, v0;
	v18 =	vadd.s32 s30, v0;
	v24 =	vshll.u32 v20, $0x8  }
0x36: {  	s24 =	sand.u32 $0x1, s23;
	p1 =	slt.u32 s23, $0x2;
	[sflag:s29] =	ssyncset.done $0x0;
	v22 =	vand.u32 $0x1F, v21;
	v19 =	vand.u32 $0x1F, v18;
	v18 =	vor.u32 v0, v24  }
0x37: {  	s31 =	simm.s32 $0x5;
	s26 =	sadd.s32 @!p1 $0x5, s24;
	[sflag:s29] =	ssyncadd.s32 $0xFFFFE000;
	v26 =	vshll.u32 v22, $0x8;
	v23 =	vor.u32 v2, v24  }
0x38: {  	v30 =	vadd.s32 s31, v0;
	v25 =	vshll.u32 v19, $0x8;
	_ =	swait.ge @!p1 [sflag:s26], $0x1000;
	v31 =	vor.u32 v0, v26  }
0x39: {  	v37 =	vand.u32 $0x1F, v30;
	s28 =	simm.s32 $0x0;
	v28 =	vor.u32 v2, v25;
	[sflag:s26] =	ssyncset.done @!p1 $0x0  }
0x3a: {  	v39 =	vshll.u32 v37, $0x8;
	s25 =	sshll.u32 s0, $0xD;
	v21 =	vadd.s32 s28, v0;
	v34 =	vor.u32 v0, v25;
	[sflag:s26] =	ssyncadd.s32 @!p1 $0xFFFFF000  }
0x3b: {  	v50 =	vor.u32 v0, v39;
	s0 =	simm.s32 $0x7;
	v21 =	vand.u32 $0x1F, v21;
	v36 =	vor.u32 v2, v26;
	v40 =	vld.idx.msk [tilespmem:v18+s25+$0x0], $0xffff  }
0x3c: {  	v45 =	vor.u32 v2, v39;
	v29 =	vadd.s32 s0, v0;
	v27 =	vshll.u32 v21, $0x8;
	v43 =	vld.idx.msk [tilespmem:v23+s25+$0x0], $0xffff  }
0x3d: {  	v32 =	vor.u32 v1, v22;
	v33 =	vor.u32 v1, v20;
	v38 =	vor.u32 v2, v27;
	v35 =	vld.idx.msk [tilespmem:v31+s25+$0x0], $0xffff  }
0x3e: {  	s28 =	simm.s32 $0x6;
	s30 =	simm.s32 $0x4;
	v49 =	vor.u32 v1, v19;
	v42 =	vor.u32 v0, v27;
	v23 =	vand.u32 $0x1F, v29;
	v52 =	vld.idx.msk [tilespmem:v28+s25+$0x0], $0xffff  }
0x3f: {  	v18 =	vadd.s32 s28, v0;
	v31 =	vadd.s32 s30, v0;
	v29 =	vshll.u32 v23, $0x8;
	v54 =	vld.idx.msk [tilespmem:v34+s25+$0x0], $0xffff  }
0x40: {  	v47 =	vld.idx.msk [tilespmem:v36+s25+$0x0], $0xffff;
	v36 =	vor.u32 v1, v21;
	v18 =	vand.u32 $0x1F, v18;
	v51 =	vor.u32 v0, v29  }
0x41: {  	v34 =	vand.u32 $0x1F, v31;
	v28 =	vshll.u32 v18, $0x8;
	v39 =	vor.u32 v2, v29  }
0x42: {  	v41 =	vld.idx.msk [tilespmem:v38+s25+$0x0], $0xffff;
	v46 =	vshll.u32 v34, $0x8;
	v44 =	vor.u32 v2, v28;
	v48 =	vor.u32 v0, v28  }
0x43: {  	s31 =	sshll.u32 s24, $0xC;
	v38 =	vor.u32 v0, v46;
	v53 =	vpack.i.f32.bf16 v43, v40;
	v40 =	vor.u32 v2, v46;
	v46 =	vld.idx.msk [tilespmem:v42+s25+$0x0], $0xffff  }
0x44: {  	s26 =	sor.u32 $0x8000, s31;
	s28 =	simm.s32 $0x8;
	v42 =	vld.idx.msk [tilespmem:v50+s25+$0x0], $0xffff;
	v50 =	vor.u32 v1, v23;
	v43 =	vmov v18;
	v52 =	vpack.i.f32.bf16 v52, v54  }
.LBB2_3:
0x45: {  	s29 =	sadd.s32 $0x1, s28;
	s30 =	sadd.s32 $0x2, s28;
	s31 =	sadd.s32 $0x3, s28;
	[tilespmem:v33+s26+$0x0] =	vst.idx.msk $0xffff, v53;
	v33 =	vor.u32 v1, v37;
	v47 =	vpack.i.f32.bf16 v47, v35;
	v35 =	vld.idx.msk [tilespmem:v51+s25+$0x0], $0xffff  }
0x46: {  	p1 =	slt.u32 s28, $0x1C;
	v37 =	vadd.s32 s29, v0;
	v51 =	vadd.s32 s30, v0;
	v53 =	vadd.s32 s31, v0;
	v54 =	vld.idx.msk [tilespmem:v45+s25+$0x0], $0xffff;
	s29 =	smov.u32 s28;
	s28 =	sadd.s32 $0x4, s28  }
0x47: {  	v37 =	vand.u32 $0x1F, v37;
	v55 =	vand.u32 $0x1F, v51;
	v56 =	vand.u32 $0x1F, v53;
	v57 =	vld.idx.msk [tilespmem:v44+s25+$0x0], $0xffff;
	[tilespmem:v32+s26+$0x0] =	vst.idx.msk $0xffff, v47;
	v32 =	vmovc v50  }
0x48: {  	v44 =	vshll.u32 v37, $0x8;
	v50 =	vshll.u32 v55, $0x8;
	v53 =	vshll.u32 v56, $0x8;
	v58 =	vld.idx.msk [tilespmem:v48+s25+$0x0], $0xffff;
	[tilespmem:v49+s26+$0x0] =	vst.idx.msk $0xffff, v52  }
0x49: {  	v52 =	vor.u32 v0, v44;
	v45 =	vor.u32 v2, v44;
	v47 =	vld.idx.msk [tilespmem:v39+s25+$0x0], $0xffff;
	v39 =	vpack.i.f32.bf16 v41, v46  }
.Ltmp2:
0x4a: {  	v41 =	vadd.s32 s29, v0;
	v44 =	vor.u32 v2, v50;
	v51 =	vor.u32 v0, v53;
	[tilespmem:v36+s26+$0x0] =	vst.idx.msk $0xffff, v39;
	(pc) =	sbr.rel @p1 .LBB2_3-.Ltmp2, $4  }
0x4b: {  	v39 =	vor.u32 v2, v53;
	v36 =	vor.u32 v1, v34;
	v34 =	vand.u32 $0x1F, v41  }
0x4c: {  	v48 =	vor.u32 v0, v50;
	v49 =	vshll.u32 v34, $0x8;
	v53 =	vpack.i.f32.bf16 v54, v42;
	v41 =	vld.idx.msk [tilespmem:v40+s25+$0x0], $0xffff  }
0x4d: {  	v40 =	vor.u32 v2, v49;
	v46 =	vld.idx.msk [tilespmem:v38+s25+$0x0], $0xffff;
	v38 =	vor.u32 v0, v49;
	v49 =	vor.u32 v1, v43  }
0x4e: {  	v50 =	vor.u32 v1, v56;
	v43 =	vmov v55;
	v42 =	vld.idx.msk [tilespmem:v52+s25+$0x0], $0xffff;
	v52 =	vpack.i.f32.bf16 v57, v58  }
0x4f: {  	_ =	sdelay $0x3  }
0x50: {  	v51 =	vld.idx.msk [tilespmem:v51+s25+$0x0], $0xffff  }
0x51: {  	v45 =	vld.idx.msk [tilespmem:v45+s25+$0x0], $0xffff  }
0x52: {  	v44 =	vld.idx.msk [tilespmem:v44+s25+$0x0], $0xffff  }
0x53: {  	v48 =	vld.idx.msk [tilespmem:v48+s25+$0x0], $0xffff  }
0x54: {  	v37 =	vor.u32 v1, v37;
	v39 =	vld.idx.msk [tilespmem:v39+s25+$0x0], $0xffff  }
0x55: {  	[tilespmem:v33+s26+$0x0] =	vst.idx.msk $0xffff, v53;
	v63 =	vld.idx.msk [tilespmem:v40+s25+$0x0], $0xffff  }
0x56: {  	v62 =	vpack.i.f32.bf16 v47, v35;
	v40 =	vld.idx.msk [tilespmem:v38+s25+$0x0], $0xffff;
	v47 =	vor.u32 v1, v43;
	[tilespmem:v49+s26+$0x0] =	vst.idx.msk $0xffff, v52  }
0x57: {  	v34 =	vor.u32 v1, v34;
	[tilespmem:v32+s26+$0x0] =	vst.idx.msk $0xffff, v62;
	v49 =	vpack.i.f32.bf16 v41, v46  }
0x58: {  	v53 =	vor.u32 v3, v24;
	[tilespmem:v36+s26+$0x0] =	vst.idx.msk $0xffff, v49;
	v52 =	vpack.i.f32.bf16 v45, v42  }
0x59: {  	v24 =	vor.u32 v4, v24;
	v54 =	vpack.i.f32.bf16 v39, v51;
	[tilespmem:v37+s26+$0x0] =	vst.idx.msk $0xffff, v52  }
0x5a: {  	v56 =	vor.u32 v4, v25;
	v55 =	vpack.i.f32.bf16 v44, v48;
	[tilespmem:v50+s26+$0x0] =	vst.idx.msk $0xffff, v54  }
0x5b: {  	v25 =	vor.u32 v3, v25;
	v32 =	vpack.i.f32.bf16 v63, v40;
	[tilespmem:v47+s26+$0x0] =	vst.idx.msk $0xffff, v55  }
0x5c: {  	v57 =	vor.u32 v3, v26;
	[tilespmem:v34+s26+$0x0] =	vst.idx.msk $0xffff, v32  }
0x5d: {  	v26 =	vor.u32 v4, v26;
	v34 =	vld.idx.msk [tilespmem:v53+s25+$0x0], $0xffff  }
0x5e: {  	v59 =	vld.idx.msk [tilespmem:v24+s25+$0x0], $0xffff  }
0x5f: {  	v58 =	vor.u32 v4, v27;
	v30 =	vand.u32 $0x1F, v30;
	v61 =	vld.idx.msk [tilespmem:v56+s25+$0x0], $0xffff  }
0x60: {  	v60 =	vor.u32 v3, v27;
	v27 =	vshll.u32 v30, $0x8;
	v62 =	vld.idx.msk [tilespmem:v25+s25+$0x0], $0xffff  }
0x61: {  	v22 =	vor.u32 v5, v22;
	v63 =	vor.u32 v3, v27;
	v25 =	vld.idx.msk [tilespmem:v57+s25+$0x0], $0xffff  }
0x62: {  	v38 =	vor.u32 v3, v29;
	v33 =	vor.u32 v4, v27;
	v24 =	vor.u32 v5, v20;
	v35 =	vld.idx.msk [tilespmem:v26+s25+$0x0], $0xffff  }
0x63: {  	v27 =	vor.u32 v4, v29;
	v32 =	vor.u32 v4, v28;
	v26 =	vand.u32 $0x1F, v31  }
0x64: {  	v37 =	vor.u32 v3, v28;
	v20 =	vor.u32 v5, v21;
	v29 =	vld.idx.msk [tilespmem:v58+s25+$0x0], $0xffff;
	v31 =	vshll.u32 v26, $0x8  }
0x65: {  	v36 =	vld.idx.msk [tilespmem:v60+s25+$0x0], $0xffff;
	v21 =	vor.u32 v3, v31;
	v39 =	vpack.i.f32.bf16 v59, v34;
	v34 =	vor.u32 v5, v19  }
0x66: {  	s28 =	simm.s32 $0x8;
	v28 =	vor.u32 v4, v31;
	v31 =	vor.u32 v5, v23;
	v19 =	vld.idx.msk [tilespmem:v63+s25+$0x0], $0xffff;
	v23 =	vpack.i.f32.bf16 v61, v62  }
.LBB2_5:
0x67: {  	s29 =	sadd.s32 $0x1, s28;
	s30 =	sadd.s32 $0x2, s28;
	s31 =	sadd.s32 $0x3, s28;
	[tilespmem:v24+s26+$0x0] =	vst.idx.msk $0xffff, v39;
	v24 =	vor.u32 v5, v30;
	v35 =	vpack.i.f32.bf16 v35, v25;
	v25 =	vld.idx.msk [tilespmem:v38+s25+$0x0], $0xffff  }
0x68: {  	p1 =	slt.u32 s28, $0x1C;
	v30 =	vadd.s32 s29, v0;
	v38 =	vadd.s32 s30, v0;
	v39 =	vadd.s32 s31, v0;
	v40 =	vld.idx.msk [tilespmem:v33+s25+$0x0], $0xffff;
	s29 =	smov.u32 s28;
	s28 =	sadd.s32 $0x4, s28  }
0x69: {  	v30 =	vand.u32 $0x1F, v30;
	v41 =	vand.u32 $0x1F, v38;
	v42 =	vand.u32 $0x1F, v39;
	v43 =	vld.idx.msk [tilespmem:v32+s25+$0x0], $0xffff;
	[tilespmem:v22+s26+$0x0] =	vst.idx.msk $0xffff, v35;
	v22 =	vmovc v31  }
0x6a: {  	v31 =	vshll.u32 v30, $0x8;
	v39 =	vshll.u32 v41, $0x8;
	v44 =	vshll.u32 v42, $0x8;
	v45 =	vld.idx.msk [tilespmem:v37+s25+$0x0], $0xffff;
	[tilespmem:v34+s26+$0x0] =	vst.idx.msk $0xffff, v23  }
0x6b: {  	v23 =	vor.u32 v3, v31;
	v33 =	vor.u32 v4, v31;
	v35 =	vld.idx.msk [tilespmem:v27+s25+$0x0], $0xffff;
	v27 =	vpack.i.f32.bf16 v29, v36  }
.Ltmp3:
0x6c: {  	v29 =	vadd.s32 s29, v0;
	v32 =	vor.u32 v4, v39;
	v38 =	vor.u32 v3, v44;
	[tilespmem:v20+s26+$0x0] =	vst.idx.msk $0xffff, v27;
	(pc) =	sbr.rel @p1 .LBB2_5-.Ltmp3, $4  }
0x6d: {  	v27 =	vor.u32 v4, v44;
	v20 =	vor.u32 v5, v26;
	v26 =	vand.u32 $0x1F, v29  }
0x6e: {  	v37 =	vor.u32 v3, v39;
	v31 =	vshll.u32 v26, $0x8;
	v39 =	vpack.i.f32.bf16 v40, v19;
	v29 =	vld.idx.msk [tilespmem:v28+s25+$0x0], $0xffff  }
0x6f: {  	v34 =	vor.u32 v5, v18;
	v28 =	vor.u32 v4, v31;
	v36 =	vld.idx.msk [tilespmem:v21+s25+$0x0], $0xffff;
	v21 =	vor.u32 v3, v31  }
0x70: {  	v18 =	vmov v41;
	v31 =	vor.u32 v5, v42;
	v19 =	vld.idx.msk [tilespmem:v23+s25+$0x0], $0xffff;
	v23 =	vpack.i.f32.bf16 v43, v45  }
0x71: {  	_ =	sdelay $0x3  }
0x72: {  	v38 =	vld.idx.msk [tilespmem:v38+s25+$0x0], $0xffff  }
0x73: {  	v33 =	vld.idx.msk [tilespmem:v33+s25+$0x0], $0xffff  }
0x74: {  	v32 =	vld.idx.msk [tilespmem:v32+s25+$0x0], $0xffff  }
0x75: {  	v37 =	vld.idx.msk [tilespmem:v37+s25+$0x0], $0xffff  }
0x76: {  	v27 =	vld.idx.msk [tilespmem:v27+s25+$0x0], $0xffff  }
0x77: {  	v28 =	vld.idx.msk [tilespmem:v28+s25+$0x0], $0xffff  }
0x78: {  	v30 =	vor.u32 v5, v30;
	v21 =	vld.idx.msk [tilespmem:v21+s25+$0x0], $0xffff  }
0x79: {  	v25 =	vpack.i.f32.bf16 v35, v25;
	s28 =	simm.s32 $0x1;
	[tilespmem:v24+s26+$0x0] =	vst.idx.msk $0xffff, v39;
	v26 =	vor.u32 v5, v26  }
0x7a: {  	s29 =	simm.s32 $0x3;
	[tilespmem:v22+s26+$0x0] =	vst.idx.msk $0xffff, v25;
	v29 =	vpack.i.f32.bf16 v29, v36;
	v24 =	vpack.i.f32.bf16 v33, v19;
	v19 =	vadd.s32 s28, v0  }
0x7b: {  	v25 =	vor.u32 v5, v18;
	[tilespmem:v20+s26+$0x0] =	vst.idx.msk $0xffff, v29;
	v20 =	vadd.s32 s29, v0;
	v18 =	vand.u32 $0x1F, v19  }
0x7c: {  	v32 =	vpack.i.f32.bf16 v32, v37;
	v27 =	vpack.i.f32.bf16 v27, v38;
	v22 =	vshll.u32 v18, $0x8  }
0x7d: {  	p2 =	por $0x1, $0x1;
	s28 =	simm.s32 $0x2;
	v28 =	vpack.i.f32.bf16 v28, v21;
	v21 =	vand.u32 $0x1F, v20;
	[tilespmem:v30+s26+$0x0] =	vst.idx.msk $0xffff, v24;
	v63 =	vor.u32 v6, v22  }
.Ltmp4:
0x7e: {  	v19 =	vadd.s32 s28, v0;
	s28 =	simm.s32 $0x0;
	v24 =	vshll.u32 v21, $0x8;
	[tilespmem:v26+s26+$0x0] =	vst.idx.msk $0xffff, v28;
	v26 =	vor.u32 v8, v21;
	(pc) =	sbr.rel @!p2 .LBB2_7-.Ltmp4, $4  }
0x7f: {  	[tilespmem:v34+s26+$0x0] =	vst.idx.msk $0xffff, v23;
	v19 =	vand.u32 $0x1F, v19;
	v20 =	vadd.s32 s28, v0;
	v39 =	vor.u32 v6, v24  }
0x80: {  	[tilespmem:v31+s26+$0x0] =	vst.idx.msk $0xffff, v27;
	v29 =	vor.u32 v7, v24;
	v23 =	vshll.u32 v19, $0x8;
	v20 =	vand.u32 $0x1F, v20  }
0x81: {  	[tilespmem:v25+s26+$0x0] =	vst.idx.msk $0xffff, v32;
	v33 =	vor.u32 v7, v22;
	v32 =	vor.u32 v7, v23;
	v25 =	vshll.u32 v20, $0x8  }
0x82: {  	p1 =	por $0x0, $0x0;
	s28 =	simm.s32 $0x4;
	v34 =	vor.u32 v6, v23;
	v45 =	vor.u32 v6, v25;
	v28 =	vor.u32 v7, v25;
	v27 =	vld.idx.msk [tilespmem:v63+s25+$0x0], $0xffff  }
0x83: {  	_ =	sdelay $0x2  }
0x84: {  	s29 =	simm.s32 $0x5  }
0x85: {  	s31 =	simm.s32 $0x7;
	v30 =	vor.u32 v8, v18;
	v42 =	vld.idx.msk [tilespmem:v33+s25+$0x0], $0xffff;
	v35 =	vadd.s32 s29, v0  }
0x86: {  	s30 =	simm.s32 $0x6;
	v41 =	vld.idx.msk [tilespmem:v29+s25+$0x0], $0xffff;
	v29 =	vadd.s32 s28, v0;
	v38 =	vadd.s32 s31, v0;
	v36 =	vand.u32 $0x1F, v35  }
0x87: {  	v48 =	vld.idx.msk [tilespmem:v32+s25+$0x0], $0xffff;
	v37 =	vadd.s32 s30, v0;
	v46 =	vand.u32 $0x1F, v38;
	v63 =	vshll.u32 v36, $0x8  }
0x88: {  	v49 =	vld.idx.msk [tilespmem:v34+s25+$0x0], $0xffff;
	p4 =	por $0x1, $0x1;
	v35 =	vand.u32 $0x1F, v37;
	v38 =	vshll.u32 v46, $0x8;
	v50 =	vor.u32 v6, v63  }
.Ltmp5:
0x89: {  	v31 =	vld.idx.msk [tilespmem:v39+s25+$0x0], $0xffff;
	v37 =	vand.u32 $0x1F, v29;
	v40 =	vshll.u32 v35, $0x8;
	v39 =	vor.u32 v6, v38;
	(pc) =	sbr.rel @!p4 .LBB2_9-.Ltmp5, $4  }
0x8a: {  	v44 =	vshll.u32 v37, $0x8;
	v33 =	vor.u32 v7, v63;
	v32 =	vor.u32 v7, v40  }
0x8b: {  	v29 =	vor.u32 v7, v38;
	v34 =	vor.u32 v6, v40;
	v40 =	vld.idx.msk [tilespmem:v28+s25+$0x0], $0xffff;
	v43 =	vor.u32 v6, v44  }
0x8c: {  	v28 =	vor.u32 v7, v44;
	v44 =	vor.u32 v8, v19;
	v47 =	vpack.i.f32.bf16 v42, v27;
	v42 =	vld.idx.msk [tilespmem:v45+s25+$0x0], $0xffff  }
0x8d: {  	p3 =	por $0x1, $0x1;
	s29 =	simm.s32 $0x8;
	v38 =	vor.u32 v8, v20;
	v45 =	vor.u32 v8, v46;
	v46 =	vpack.i.f32.bf16 v48, v49;
	v27 =	vld.idx.msk [tilespmem:v50+s25+$0x0], $0xffff  }
.LBB2_10:
0x8e: {  	s30 =	sadd.s32 $0x1, s29;
	s31 =	sadd.s32 $0x2, s29;
	s0 =	sadd.s32 $0x3, s29;
	[tilespmem:v30+s26+$0x0] =	vst.idx.msk $0xffff, v47;
	v30 =	vor.u32 v8, v36;
	v41 =	vpack.i.f32.bf16 v41, v31;
	v31 =	vld.idx.msk [tilespmem:v39+s25+$0x0], $0xffff  }
0x8f: {  	p4 =	slt.u32 s29, $0x1C;
	v36 =	vadd.s32 s30, v0;
	v39 =	vadd.s32 s31, v0;
	v47 =	vadd.s32 s0, v0;
	v48 =	vld.idx.msk [tilespmem:v33+s25+$0x0], $0xffff;
	s0 =	smov.u32 s29;
	s29 =	sadd.s32 $0x4, s29  }
0x90: {  	v36 =	vand.u32 $0x1F, v36;
	v49 =	vand.u32 $0x1F, v39;
	v50 =	vand.u32 $0x1F, v47;
	v51 =	vld.idx.msk [tilespmem:v32+s25+$0x0], $0xffff;
	[tilespmem:v26+s26+$0x0] =	vst.idx.msk $0xffff, v41;
	v26 =	vmovc v45  }
0x91: {  	v32 =	vshll.u32 v36, $0x8;
	v45 =	vshll.u32 v49, $0x8;
	v47 =	vshll.u32 v50, $0x8;
	v52 =	vld.idx.msk [tilespmem:v34+s25+$0x0], $0xffff;
	[tilespmem:v44+s26+$0x0] =	vst.idx.msk $0xffff, v46  }
0x92: {  	v46 =	vor.u32 v6, v32;
	v33 =	vor.u32 v7, v32;
	v41 =	vld.idx.msk [tilespmem:v29+s25+$0x0], $0xffff;
	v29 =	vpack.i.f32.bf16 v40, v42  }
.Ltmp6:
0x93: {  	v34 =	vadd.s32 s0, v0;
	v32 =	vor.u32 v7, v45;
	v39 =	vor.u32 v6, v47;
	[tilespmem:v38+s26+$0x0] =	vst.idx.msk $0xffff, v29;
	(pc) =	sbr.rel @p4 .LBB2_10-.Ltmp6, $4  }
0x94: {  	v29 =	vor.u32 v7, v47;
	v38 =	vor.u32 v8, v37;
	v37 =	vand.u32 $0x1F, v34  }
0x95: {  	v34 =	vor.u32 v6, v45;
	v44 =	vshll.u32 v37, $0x8;
	v47 =	vpack.i.f32.bf16 v48, v27;
	v40 =	vld.idx.msk [tilespmem:v28+s25+$0x0], $0xffff  }
0x96: {  	v28 =	vor.u32 v7, v44;
	v42 =	vld.idx.msk [tilespmem:v43+s25+$0x0], $0xffff;
	v43 =	vor.u32 v6, v44;
	v44 =	vor.u32 v8, v35  }
0x97: {  	v45 =	vor.u32 v8, v50;
	v35 =	vmov v49;
	v27 =	vld.idx.msk [tilespmem:v46+s25+$0x0], $0xffff;
	v46 =	vpack.i.f32.bf16 v51, v52  }
0x98: {  	v48 =	vmov v26;
	v26 =	vmov v45;
	v45 =	vmov v43  }
.LBB2_12:
0x99: {  	_ =	sdelay $0x3  }
0x9a: {  	v39 =	vld.idx.msk [tilespmem:v39+s25+$0x0], $0xffff  }
0x9b: {  	v33 =	vld.idx.msk [tilespmem:v33+s25+$0x0], $0xffff  }
0x9c: {  	v32 =	vld.idx.msk [tilespmem:v32+s25+$0x0], $0xffff  }
0x9d: {  	v34 =	vld.idx.msk [tilespmem:v34+s25+$0x0], $0xffff  }
0x9e: {  	v29 =	vld.idx.msk [tilespmem:v29+s25+$0x0], $0xffff  }
0x9f: {  	v36 =	vor.u32 v8, v36;
	[tilespmem:v30+s26+$0x0] =	vst.idx.msk @p3 $0xffff, v47;
	v30 =	vpack.i.f32.bf16 @p3 v41, v31;
	v28 =	vld.idx.msk [tilespmem:v28+s25+$0x0], $0xffff  }
0xa0: {  	[tilespmem:v48+s26+$0x0] =	vst.idx.msk @p3 $0xffff, v30;
	v30 =	vld.idx.msk [tilespmem:v45+s25+$0x0], $0xffff  }
0xa1: {  	v37 =	vor.u32 v8, v37  }
0xa2: {  	v31 =	vor.u32 v8, v35;
	[tilespmem:v44+s26+$0x0] =	vst.idx.msk @p3 $0xffff, v46;
	v35 =	vpack.i.f32.bf16 @p3 v40, v42  }
0xa3: {  	v63 =	vor.u32 v9, v22;
	[tilespmem:v38+s26+$0x0] =	vst.idx.msk @p3 $0xffff, v35;
	v27 =	vpack.i.f32.bf16 v33, v27  }
.Ltmp7:
0xa4: {  	[tilespmem:v36+s26+$0x0] =	vst.idx.msk $0xffff, v27;
	v27 =	vpack.i.f32.bf16 v29, v39;
	v29 =	vpack.i.f32.bf16 v32, v34;
	(pc) =	sbr.rel @!p2 .LBB2_13-.Ltmp7, $4  }
0xa5: {  	v32 =	vor.u32 v9, v24;
	[tilespmem:v26+s26+$0x0] =	vst.idx.msk $0xffff, v27;
	v26 =	vpack.i.f32.bf16 v28, v30  }
0xa6: {  	[tilespmem:v37+s26+$0x0] =	vst.idx.msk $0xffff, v26;
	v26 =	vor.u32 v10, v24;
	v24 =	vor.u32 v11, v21  }
0xa7: {  	v40 =	vor.u32 v9, v25;
	[tilespmem:v31+s26+$0x0] =	vst.idx.msk $0xffff, v29;
	v29 =	vor.u32 v10, v22  }
0xa8: {  	v27 =	vor.u32 v10, v23;
	v30 =	vor.u32 v9, v23;
	v23 =	vor.u32 v10, v25;
	v22 =	vld.idx.msk [tilespmem:v63+s25+$0x0], $0xffff  }
0xa9: {  	_ =	sdelay $0x2  }
0xaa: {  	s0 =	simm.s32 $0x5  }
0xab: {  	s30 =	simm.s32 $0x7;
	v21 =	vor.u32 v11, v18;
	v36 =	vld.idx.msk [tilespmem:v29+s25+$0x0], $0xffff;
	v18 =	vadd.s32 s0, v0  }
0xac: {  	s29 =	simm.s32 $0x6;
	v33 =	vld.idx.msk [tilespmem:v26+s25+$0x0], $0xffff;
	v26 =	vadd.s32 s28, v0;
	v63 =	vadd.s32 s30, v0;
	v18 =	vand.u32 $0x1F, v18  }
0xad: {  	v42 =	vld.idx.msk [tilespmem:v27+s25+$0x0], $0xffff;
	v28 =	vadd.s32 s29, v0;
	v39 =	vand.u32 $0x1F, v63;
	v27 =	vshll.u32 v18, $0x8  }
0xae: {  	v43 =	vld.idx.msk [tilespmem:v30+s25+$0x0], $0xffff;
	p2 =	por $0x1, $0x1;
	v31 =	vand.u32 $0x1F, v28;
	v28 =	vshll.u32 v39, $0x8;
	v44 =	vor.u32 v9, v27  }
.Ltmp8:
0xaf: {  	v25 =	vld.idx.msk [tilespmem:v32+s25+$0x0], $0xffff;
	v35 =	vand.u32 $0x1F, v26;
	v34 =	vshll.u32 v31, $0x8;
	v32 =	vor.u32 v9, v28;
	(pc) =	sbr.rel @!p2 .LBB2_15-.Ltmp8, $4  }
0xb0: {  	v29 =	vor.u32 v10, v27;
	v27 =	vor.u32 v10, v34;
	v26 =	vor.u32 v10, v28  }
0xb1: {  	v38 =	vld.idx.msk [tilespmem:v40+s25+$0x0], $0xffff;
	v28 =	vor.u32 v11, v20;
	v20 =	vshll.u32 v35, $0x8;
	v30 =	vor.u32 v9, v34  }
0xb2: {  	v34 =	vld.idx.msk [tilespmem:v23+s25+$0x0], $0xffff;
	v41 =	vpack.i.f32.bf16 v36, v22;
	v37 =	vor.u32 v9, v20;
	v36 =	vor.u32 v11, v19  }
0xb3: {  	s28 =	simm.s32 $0x8;
	p1 =	por $0x1, $0x1;
	v23 =	vor.u32 v10, v20;
	v19 =	vor.u32 v11, v39;
	v39 =	vpack.i.f32.bf16 v42, v43;
	v22 =	vld.idx.msk [tilespmem:v44+s25+$0x0], $0xffff  }
.LBB2_16:
0xb4: {  	s0 =	sadd.s32 $0x1, s28;
	s29 =	sadd.s32 $0x2, s28;
	s30 =	sadd.s32 $0x3, s28;
	[tilespmem:v21+s26+$0x0] =	vst.idx.msk $0xffff, v41;
	v21 =	vor.u32 v11, v18;
	v20 =	vpack.i.f32.bf16 v33, v25;
	v25 =	vld.idx.msk [tilespmem:v32+s25+$0x0], $0xffff  }
0xb5: {  	p2 =	slt.u32 s28, $0x1C;
	v18 =	vadd.s32 s0, v0;
	v32 =	vadd.s32 s29, v0;
	v33 =	vadd.s32 s30, v0;
	v40 =	vld.idx.msk [tilespmem:v29+s25+$0x0], $0xffff;
	s0 =	smov.u32 s28;
	s28 =	sadd.s32 $0x4, s28  }
0xb6: {  	v18 =	vand.u32 $0x1F, v18;
	v42 =	vand.u32 $0x1F, v32;
	v43 =	vand.u32 $0x1F, v33;
	v44 =	vld.idx.msk [tilespmem:v27+s25+$0x0], $0xffff;
	[tilespmem:v24+s26+$0x0] =	vst.idx.msk $0xffff, v20;
	v24 =	vmovc v19  }
0xb7: {  	v19 =	vshll.u32 v18, $0x8;
	v20 =	vshll.u32 v42, $0x8;
	v41 =	vshll.u32 v43, $0x8;
	v45 =	vld.idx.msk [tilespmem:v30+s25+$0x0], $0xffff;
	[tilespmem:v36+s26+$0x0] =	vst.idx.msk $0xffff, v39  }
0xb8: {  	v39 =	vor.u32 v9, v19;
	v29 =	vor.u32 v10, v19;
	v33 =	vld.idx.msk [tilespmem:v26+s25+$0x0], $0xffff;
	v19 =	vpack.i.f32.bf16 v34, v38  }
.Ltmp9:
0xb9: {  	v30 =	vadd.s32 s0, v0;
	v27 =	vor.u32 v10, v20;
	v32 =	vor.u32 v9, v41;
	[tilespmem:v28+s26+$0x0] =	vst.idx.msk $0xffff, v19;
	(pc) =	sbr.rel @p2 .LBB2_16-.Ltmp9, $4  }
0xba: {  	v26 =	vor.u32 v10, v41;
	v28 =	vor.u32 v11, v35;
	v35 =	vand.u32 $0x1F, v30  }
0xbb: {  	v30 =	vor.u32 v9, v20;
	v19 =	vshll.u32 v35, $0x8;
	v41 =	vpack.i.f32.bf16 v40, v22;
	v34 =	vld.idx.msk [tilespmem:v23+s25+$0x0], $0xffff  }
0xbc: {  	v36 =	vor.u32 v11, v31;
	v23 =	vor.u32 v10, v19;
	v38 =	vld.idx.msk [tilespmem:v37+s25+$0x0], $0xffff;
	v37 =	vor.u32 v9, v19  }
0xbd: {  	v31 =	vmov v42;
	v19 =	vor.u32 v11, v43;
	v22 =	vld.idx.msk [tilespmem:v39+s25+$0x0], $0xffff;
	v39 =	vpack.i.f32.bf16 v44, v45  }
0xbe: {  	v42 =	vmovc v24;
	v24 =	vmovc v19;
	v20 =	vmov v35;
	v40 =	vmov v37;
	v19 =	vmov v31  }
.LBB2_18:
0xbf: {  	_ =	sdelay $0x3  }
0xc0: {  	v31 =	vld.idx.msk [tilespmem:v32+s25+$0x0], $0xffff  }
0xc1: {  	v29 =	vld.idx.msk [tilespmem:v29+s25+$0x0], $0xffff  }
0xc2: {  	v27 =	vld.idx.msk [tilespmem:v27+s25+$0x0], $0xffff  }
0xc3: {  	v30 =	vld.idx.msk [tilespmem:v30+s25+$0x0], $0xffff  }
0xc4: {  	v26 =	vld.idx.msk [tilespmem:v26+s25+$0x0], $0xffff  }
0xc5: {  	v23 =	vld.idx.msk [tilespmem:v23+s25+$0x0], $0xffff;
	v61 =	vor.u32 v11, v18;
	s0 =	simm.s32 $0x1  }
0xc6: {  	v18 =	vpack.i.f32.bf16 @p1 v33, v25;
	v62 =	vld.idx.msk [tilespmem:v40+s25+$0x0], $0xffff;
	[tilespmem:v21+s26+$0x0] =	vst.idx.msk @p1 $0xffff, v41;
	s28 =	simm.s32 $0x3;
	v21 =	vadd.s32 s0, v0  }
0xc7: {  	v63 =	vor.u32 v11, v20;
	[tilespmem:v42+s26+$0x0] =	vst.idx.msk @p1 $0xffff, v18;
	v18 =	vand.u32 $0x1F, v21;
	v21 =	vadd.s32 s28, v0  }
0xc8: {  	v25 =	vpack.i.f32.bf16 @p1 v34, v38;
	v21 =	vand.u32 $0x1F, v21;
	v20 =	vpack.i.f32.bf16 v29, v22  }
0xc9: {  	s30 =	simm.s32 $0x2;
	[tilespmem:v36+s26+$0x0] =	vst.idx.msk @p1 $0xffff, v39;
	v29 =	vor.u32 v11, v19;
	v27 =	vpack.i.f32.bf16 v27, v30;
	v22 =	vshll.u32 v18, $0x8  }
0xca: {  	p2 =	por $0x1, $0x1;
	[tilespmem:v28+s26+$0x0] =	vst.idx.msk @p1 $0xffff, v25;
	v26 =	vpack.i.f32.bf16 v26, v31;
	v19 =	vadd.s32 s30, v0;
	v30 =	vor.u32 v12, v22  }
.Ltmp10:
0xcb: {  	s31 =	simm.s32 $0x0;
	v25 =	vpack.i.f32.bf16 v23, v62;
	v19 =	vand.u32 $0x1F, v19;
	[tilespmem:v24+s26+$0x0] =	vst.idx.msk $0xffff, v26;
	v24 =	vshll.u32 v21, $0x8;
	(pc) =	sbr.rel @!p2 .LBB2_19-.Ltmp10, $4  }
0xcc: {  	[tilespmem:v61+s26+$0x0] =	vst.idx.msk $0xffff, v20;
	v33 =	vor.u32 v13, v22;
	v20 =	vadd.s32 s31, v0;
	v26 =	vor.u32 v14, v21  }
0xcd: {  	[tilespmem:v63+s26+$0x0] =	vst.idx.msk $0xffff, v25;
	v23 =	vshll.u32 v19, $0x8;
	v39 =	vor.u32 v12, v24;
	v20 =	vand.u32 $0x1F, v20  }
0xce: {  	v32 =	vor.u32 v13, v23;
	v25 =	vshll.u32 v20, $0x8;
	v34 =	vor.u32 v12, v23;
	[tilespmem:v29+s26+$0x0] =	vst.idx.msk $0xffff, v27  }
0xcf: {  	s28 =	simm.s32 $0x4;
	p1 =	por $0x0, $0x0;
	v45 =	vor.u32 v12, v25;
	v28 =	vor.u32 v13, v25;
	v29 =	vor.u32 v13, v24;
	v27 =	vld.idx.msk [tilespmem:v30+s25+$0x0], $0xffff  }
0xd0: {  	_ =	sdelay $0x2  }
0xd1: {  	s0 =	simm.s32 $0x5  }
0xd2: {  	s30 =	simm.s32 $0x7;
	v30 =	vor.u32 v14, v18;
	v42 =	vld.idx.msk [tilespmem:v33+s25+$0x0], $0xffff;
	v35 =	vadd.s32 s0, v0  }
0xd3: {  	s29 =	simm.s32 $0x6;
	v41 =	vld.idx.msk [tilespmem:v29+s25+$0x0], $0xffff;
	v29 =	vadd.s32 s28, v0;
	v38 =	vadd.s32 s30, v0;
	v36 =	vand.u32 $0x1F, v35  }
0xd4: {  	v48 =	vld.idx.msk [tilespmem:v32+s25+$0x0], $0xffff;
	v37 =	vadd.s32 s29, v0;
	v46 =	vand.u32 $0x1F, v38;
	v63 =	vshll.u32 v36, $0x8  }
0xd5: {  	v49 =	vld.idx.msk [tilespmem:v34+s25+$0x0], $0xffff;
	p4 =	por $0x1, $0x1;
	v35 =	vand.u32 $0x1F, v37;
	v38 =	vshll.u32 v46, $0x8;
	v50 =	vor.u32 v12, v63  }
.Ltmp11:
0xd6: {  	v31 =	vld.idx.msk [tilespmem:v39+s25+$0x0], $0xffff;
	v37 =	vand.u32 $0x1F, v29;
	v40 =	vshll.u32 v35, $0x8;
	v39 =	vor.u32 v12, v38;
	(pc) =	sbr.rel @!p4 .LBB2_21-.Ltmp11, $4  }
0xd7: {  	v44 =	vshll.u32 v37, $0x8;
	v33 =	vor.u32 v13, v63;
	v32 =	vor.u32 v13, v40  }
0xd8: {  	v29 =	vor.u32 v13, v38;
	v34 =	vor.u32 v12, v40;
	v40 =	vld.idx.msk [tilespmem:v28+s25+$0x0], $0xffff;
	v43 =	vor.u32 v12, v44  }
0xd9: {  	v28 =	vor.u32 v13, v44;
	v44 =	vor.u32 v14, v19;
	v47 =	vpack.i.f32.bf16 v42, v27;
	v42 =	vld.idx.msk [tilespmem:v45+s25+$0x0], $0xffff  }
0xda: {  	p3 =	por $0x1, $0x1;
	s29 =	simm.s32 $0x8;
	v38 =	vor.u32 v14, v20;
	v45 =	vor.u32 v14, v46;
	v46 =	vpack.i.f32.bf16 v48, v49;
	v27 =	vld.idx.msk [tilespmem:v50+s25+$0x0], $0xffff  }
.LBB2_22:
0xdb: {  	s0 =	sadd.s32 $0x1, s29;
	s30 =	sadd.s32 $0x2, s29;
	s31 =	sadd.s32 $0x3, s29;
	[tilespmem:v30+s26+$0x0] =	vst.idx.msk $0xffff, v47;
	v30 =	vor.u32 v14, v36;
	v41 =	vpack.i.f32.bf16 v41, v31;
	v31 =	vld.idx.msk [tilespmem:v39+s25+$0x0], $0xffff  }
0xdc: {  	p4 =	slt.u32 s29, $0x1C;
	v36 =	vadd.s32 s0, v0;
	v39 =	vadd.s32 s30, v0;
	v47 =	vadd.s32 s31, v0;
	v48 =	vld.idx.msk [tilespmem:v33+s25+$0x0], $0xffff;
	s0 =	smov.u32 s29;
	s29 =	sadd.s32 $0x4, s29  }
0xdd: {  	v36 =	vand.u32 $0x1F, v36;
	v49 =	vand.u32 $0x1F, v39;
	v50 =	vand.u32 $0x1F, v47;
	v51 =	vld.idx.msk [tilespmem:v32+s25+$0x0], $0xffff;
	[tilespmem:v26+s26+$0x0] =	vst.idx.msk $0xffff, v41;
	v26 =	vmovc v45  }
0xde: {  	v32 =	vshll.u32 v36, $0x8;
	v45 =	vshll.u32 v49, $0x8;
	v47 =	vshll.u32 v50, $0x8;
	v52 =	vld.idx.msk [tilespmem:v34+s25+$0x0], $0xffff;
	[tilespmem:v44+s26+$0x0] =	vst.idx.msk $0xffff, v46  }
0xdf: {  	v46 =	vor.u32 v12, v32;
	v33 =	vor.u32 v13, v32;
	v41 =	vld.idx.msk [tilespmem:v29+s25+$0x0], $0xffff;
	v29 =	vpack.i.f32.bf16 v40, v42  }
.Ltmp12:
0xe0: {  	v34 =	vadd.s32 s0, v0;
	v32 =	vor.u32 v13, v45;
	v39 =	vor.u32 v12, v47;
	[tilespmem:v38+s26+$0x0] =	vst.idx.msk $0xffff, v29;
	(pc) =	sbr.rel @p4 .LBB2_22-.Ltmp12, $4  }
0xe1: {  	v29 =	vor.u32 v13, v47;
	v38 =	vor.u32 v14, v37;
	v37 =	vand.u32 $0x1F, v34  }
0xe2: {  	v34 =	vor.u32 v12, v45;
	v44 =	vshll.u32 v37, $0x8;
	v47 =	vpack.i.f32.bf16 v48, v27;
	v40 =	vld.idx.msk [tilespmem:v28+s25+$0x0], $0xffff  }
0xe3: {  	v28 =	vor.u32 v13, v44;
	v42 =	vld.idx.msk [tilespmem:v43+s25+$0x0], $0xffff;
	v43 =	vor.u32 v12, v44;
	v44 =	vor.u32 v14, v35  }
0xe4: {  	v45 =	vor.u32 v14, v50;
	v35 =	vmov v49;
	v27 =	vld.idx.msk [tilespmem:v46+s25+$0x0], $0xffff;
	v46 =	vpack.i.f32.bf16 v51, v52  }
0xe5: {  	v48 =	vmov v26;
	v26 =	vmov v45;
	v45 =	vmov v43  }
.LBB2_24:
0xe6: {  	_ =	sdelay $0x3  }
0xe7: {  	v39 =	vld.idx.msk [tilespmem:v39+s25+$0x0], $0xffff  }
0xe8: {  	v33 =	vld.idx.msk [tilespmem:v33+s25+$0x0], $0xffff  }
0xe9: {  	v32 =	vld.idx.msk [tilespmem:v32+s25+$0x0], $0xffff  }
0xea: {  	v34 =	vld.idx.msk [tilespmem:v34+s25+$0x0], $0xffff  }
0xeb: {  	v36 =	vor.u32 v14, v36;
	v29 =	vld.idx.msk [tilespmem:v29+s25+$0x0], $0xffff  }
0xec: {  	[tilespmem:v30+s26+$0x0] =	vst.idx.msk @p3 $0xffff, v47;
	v30 =	vpack.i.f32.bf16 @p3 v41, v31;
	v28 =	vld.idx.msk [tilespmem:v28+s25+$0x0], $0xffff  }
0xed: {  	v31 =	vor.u32 v14, v35;
	[tilespmem:v48+s26+$0x0] =	vst.idx.msk @p3 $0xffff, v30;
	v30 =	vld.idx.msk [tilespmem:v45+s25+$0x0], $0xffff  }
0xee: {  	[tilespmem:v44+s26+$0x0] =	vst.idx.msk @p3 $0xffff, v46;
	v37 =	vor.u32 v14, v37;
	v35 =	vpack.i.f32.bf16 @p3 v40, v42  }
0xef: {  	v63 =	vor.u32 v15, v22;
	[tilespmem:v38+s26+$0x0] =	vst.idx.msk @p3 $0xffff, v35;
	v27 =	vpack.i.f32.bf16 v33, v27  }
.Ltmp13:
0xf0: {  	v21 =	vor.u32 v17, v21;
	[tilespmem:v36+s26+$0x0] =	vst.idx.msk $0xffff, v27;
	v27 =	vpack.i.f32.bf16 v29, v39;
	(pc) =	sbr.rel @!p2 .LBB2_25-.Ltmp13, $4  }
0xf1: {  	v40 =	vor.u32 v15, v25;
	v29 =	vpack.i.f32.bf16 v32, v34;
	[tilespmem:v26+s26+$0x0] =	vst.idx.msk $0xffff, v27  }
0xf2: {  	v33 =	vor.u32 v15, v24;
	[tilespmem:v31+s26+$0x0] =	vst.idx.msk $0xffff, v29;
	v26 =	vpack.i.f32.bf16 v28, v30  }
0xf3: {  	v28 =	vor.u32 v16, v22;
	v27 =	vor.u32 v16, v23;
	[tilespmem:v37+s26+$0x0] =	vst.idx.msk $0xffff, v26  }
0xf4: {  	v29 =	vor.u32 v15, v23;
	v23 =	vor.u32 v16, v25;
	v26 =	vor.u32 v16, v24;
	v22 =	vld.idx.msk [tilespmem:v63+s25+$0x0], $0xffff  }
0xf5: {  	_ =	sdelay $0x2  }
0xf6: {  	s0 =	simm.s32 $0x5  }
0xf7: {  	s30 =	simm.s32 $0x7;
	v24 =	vor.u32 v17, v18;
	v36 =	vld.idx.msk [tilespmem:v28+s25+$0x0], $0xffff;
	v18 =	vadd.s32 s0, v0  }
0xf8: {  	s29 =	simm.s32 $0x6;
	v34 =	vld.idx.msk [tilespmem:v26+s25+$0x0], $0xffff;
	v26 =	vadd.s32 s28, v0;
	v32 =	vadd.s32 s30, v0;
	v18 =	vand.u32 $0x1F, v18  }
0xf9: {  	v42 =	vld.idx.msk [tilespmem:v27+s25+$0x0], $0xffff;
	v30 =	vadd.s32 s29, v0;
	v39 =	vand.u32 $0x1F, v32;
	v27 =	vshll.u32 v18, $0x8  }
0xfa: {  	v43 =	vld.idx.msk [tilespmem:v29+s25+$0x0], $0xffff;
	p2 =	por $0x1, $0x1;
	v31 =	vand.u32 $0x1F, v30;
	v30 =	vshll.u32 v39, $0x8;
	v44 =	vor.u32 v15, v27  }
.Ltmp14:
0xfb: {  	v25 =	vld.idx.msk [tilespmem:v33+s25+$0x0], $0xffff;
	v38 =	vor.u32 v17, v19;
	v35 =	vand.u32 $0x1F, v26;
	v33 =	vor.u32 v15, v30;
	(pc) =	sbr.rel @!p2 .LBB2_27-.Ltmp14, $4  }
0xfc: {  	v63 =	vshll.u32 v31, $0x8;
	v19 =	vor.u32 v17, v39;
	v28 =	vor.u32 v16, v27  }
0xfd: {  	v32 =	vld.idx.msk [tilespmem:v23+s25+$0x0], $0xffff;
	v27 =	vor.u32 v16, v63;
	v26 =	vor.u32 v16, v30;
	v30 =	vor.u32 v17, v20  }
0xfe: {  	v20 =	vshll.u32 v35, $0x8;
	v29 =	vor.u32 v15, v63;
	v41 =	vpack.i.f32.bf16 v36, v22;
	v36 =	vld.idx.msk [tilespmem:v40+s25+$0x0], $0xffff  }
0xff: {  	s28 =	simm.s32 $0x8;
	p1 =	por $0x1, $0x1;
	v37 =	vor.u32 v15, v20;
	v23 =	vor.u32 v16, v20;
	v39 =	vpack.i.f32.bf16 v42, v43;
	v22 =	vld.idx.msk [tilespmem:v44+s25+$0x0], $0xffff  }
.LBB2_28:
0x100: {  	s0 =	sadd.s32 $0x1, s28;
	s29 =	sadd.s32 $0x2, s28;
	s30 =	sadd.s32 $0x3, s28;
	[tilespmem:v24+s26+$0x0] =	vst.idx.msk $0xffff, v41;
	v24 =	vor.u32 v17, v18;
	v20 =	vpack.i.f32.bf16 v34, v25;
	v25 =	vld.idx.msk [tilespmem:v33+s25+$0x0], $0xffff  }
0x101: {  	p2 =	slt.u32 s28, $0x1C;
	v18 =	vadd.s32 s0, v0;
	v33 =	vadd.s32 s29, v0;
	v34 =	vadd.s32 s30, v0;
	v40 =	vld.idx.msk [tilespmem:v28+s25+$0x0], $0xffff;
	s0 =	smov.u32 s28;
	s28 =	sadd.s32 $0x4, s28  }
0x102: {  	v18 =	vand.u32 $0x1F, v18;
	v42 =	vand.u32 $0x1F, v33;
	v43 =	vand.u32 $0x1F, v34;
	v44 =	vld.idx.msk [tilespmem:v27+s25+$0x0], $0xffff;
	[tilespmem:v21+s26+$0x0] =	vst.idx.msk $0xffff, v20;
	v21 =	vmovc v19  }
0x103: {  	v19 =	vshll.u32 v18, $0x8;
	v20 =	vshll.u32 v42, $0x8;
	v41 =	vshll.u32 v43, $0x8;
	v45 =	vld.idx.msk [tilespmem:v29+s25+$0x0], $0xffff;
	[tilespmem:v38+s26+$0x0] =	vst.idx.msk $0xffff, v39  }
0x104: {  	v39 =	vor.u32 v15, v19;
	v28 =	vor.u32 v16, v19;
	v34 =	vld.idx.msk [tilespmem:v26+s25+$0x0], $0xffff;
	v19 =	vpack.i.f32.bf16 v32, v36  }
.Ltmp15:
0x105: {  	v29 =	vadd.s32 s0, v0;
	v27 =	vor.u32 v16, v20;
	v33 =	vor.u32 v15, v41;
	[tilespmem:v30+s26+$0x0] =	vst.idx.msk $0xffff, v19;
	(pc) =	sbr.rel @p2 .LBB2_28-.Ltmp15, $4  }
0x106: {  	v26 =	vor.u32 v16, v41;
	v30 =	vor.u32 v17, v35;
	v35 =	vand.u32 $0x1F, v29  }
0x107: {  	v29 =	vor.u32 v15, v20;
	v19 =	vshll.u32 v35, $0x8;
	v41 =	vpack.i.f32.bf16 v40, v22;
	v32 =	vld.idx.msk [tilespmem:v23+s25+$0x0], $0xffff  }
0x108: {  	v38 =	vor.u32 v17, v31;
	v23 =	vor.u32 v16, v19;
	v36 =	vld.idx.msk [tilespmem:v37+s25+$0x0], $0xffff;
	v37 =	vor.u32 v15, v19  }
0x109: {  	v31 =	vmov v42;
	v19 =	vor.u32 v17, v43;
	v22 =	vld.idx.msk [tilespmem:v39+s25+$0x0], $0xffff;
	v39 =	vpack.i.f32.bf16 v44, v45  }
0x10a: {  	v42 =	vmovc v21;
	v21 =	vmovc v19;
	v20 =	vmov v35;
	v40 =	vmov v37;
	v19 =	vmov v31  }
.LBB2_30:
0x10b: {  	_ =	sdelay $0x3  }
0x10c: {  	v31 =	vld.idx.msk [tilespmem:v33+s25+$0x0], $0xffff  }
0x10d: {  	v28 =	vld.idx.msk [tilespmem:v28+s25+$0x0], $0xffff  }
0x10e: {  	v27 =	vld.idx.msk [tilespmem:v27+s25+$0x0], $0xffff  }
0x10f: {  	v29 =	vld.idx.msk [tilespmem:v29+s25+$0x0], $0xffff  }
0x110: {  	v26 =	vld.idx.msk [tilespmem:v26+s25+$0x0], $0xffff  }
0x111: {  	v23 =	vld.idx.msk [tilespmem:v23+s25+$0x0], $0xffff  }
0x112: {  	v18 =	vor.u32 v17, v18;
	[tilespmem:v24+s26+$0x0] =	vst.idx.msk @p1 $0xffff, v41;
	v24 =	vpack.i.f32.bf16 @p1 v34, v25;
	v25 =	vld.idx.msk [tilespmem:v40+s25+$0x0], $0xffff;
	_ =	sdelay $0x1  }
0x113: {  	v19 =	vor.u32 v17, v19  }
0x114: {  	v20 =	vor.u32 v17, v20;
	[tilespmem:v42+s26+$0x0] =	vst.idx.msk @p1 $0xffff, v24;
	v24 =	vpack.i.f32.bf16 @p1 v32, v36  }
0x115: {  	s0 =	simm.s32 $0x0;
	p2 =	por $0x1, $0x1;
	[tilespmem:v30+s26+$0x0] =	vst.idx.msk @p1 $0xffff, v24;
	v22 =	vpack.i.f32.bf16 v28, v22;
	v27 =	vpack.i.f32.bf16 v27, v29  }
.Ltmp16:
0x116: {  	s28 =	simm.s32 $0x1;
	s30 =	simm.s32 $0x2;
	v24 =	vpack.i.f32.bf16 v26, v31;
	[tilespmem:v18+s26+$0x0] =	vst.idx.msk $0xffff, v22;
	v18 =	vpack.i.f32.bf16 v23, v25;
	(pc) =	sbr.rel @!p2 .LBB2_37-.Ltmp16, $4  }
0x117: {  	v22 =	vadd.s32 s0, v0;
	v23 =	vadd.s32 s28, v0;
	[tilespmem:v21+s26+$0x0] =	vst.idx.msk $0xffff, v24;
	v21 =	vadd.s32 s30, v0  }
0x118: {  	[tilespmem:v38+s26+$0x0] =	vst.idx.msk @p1 $0xffff, v39;
	s31 =	simm.s32 $0x3;
	v25 =	vand.u32 $0x1F, v22;
	v24 =	vand.u32 $0x1F, v23;
	v26 =	vand.u32 $0x1F, v21  }
0x119: {  	p3 =	por $0x0, $0x0;
	v23 =	vadd.s32 s31, v0;
	[tilespmem:v20+s26+$0x0] =	vst.idx.msk $0xffff, v18;
	v18 =	vor.u32 $0x60, v0;
	v22 =	vshll.u32 v24, $0x8  }
0x11a: {  	p4 =	por $0x0, $0x0;
	p1 =	por $0x0, $0x0;
	[tilespmem:v19+s26+$0x0] =	vst.idx.msk $0xffff, v27;
	s28 =	simm.s32 $0x4;
	v43 =	vmovc v23;
	v19 =	vmovc v25;
	v27 =	vmov v26;
	v40 =	vmov v24;
	v39 =	vmov v22  }
0x11b: {  	v29 =	vand.u32 $0x1F, v23  }
0x11c: {  	v34 =	vor.u32 v18, v22;
	v19 =	vshll.u32 v29, $0x8  }
0x11d: {  	v21 =	vor.u32 $0xE0, v0;
	v20 =	vor.u32 v18, v19  }
0x11e: {  	v28 =	vshll.u32 v25, $0x8;
	v27 =	vor.u32 v21, v19  }
0x11f: {  	s0 =	simm.s32 $0x5;
	p4 =	por $0x1, $0x1;
	v36 =	vor.u32 v21, v22;
	v30 =	vor.u32 v18, v28  }
.Ltmp17:
0x120: {  	s31 =	simm.s32 $0x7;
	v28 =	vor.u32 v21, v28;
	v35 =	vadd.s32 s0, v0;
	v19 =	vshll.u32 v26, $0x8;
	(pc) =	sbr.rel @!p4 .LBB2_32-.Ltmp17, $4  }
0x121: {  	s29 =	simm.s32 $0x6;
	v43 =	vadd.s32 s31, v0;
	v40 =	vand.u32 $0x1F, v35;
	v33 =	vor.u32 v18, v19;
	v34 =	vld.idx.msk [tilespmem:v34+s25+$0x0], $0xffff  }
0x122: {  	v32 =	vor.u32 v21, v19;
	v19 =	vadd.s32 s28, v0;
	v31 =	vld.idx.msk [tilespmem:v20+s25+$0x0], $0xffff;
	v20 =	vadd.s32 s29, v0  }
0x123: {  	v39 =	vshll.u32 v40, $0x8;
	v35 =	vld.idx.msk [tilespmem:v27+s25+$0x0], $0xffff;
	v27 =	vand.u32 $0x1F, v20;
	v20 =	vor.u32 $0xC00, v1  }
0x124: {  	p3 =	por $0x1, $0x1;
	v19 =	vand.u32 $0x1F, v19;
	v37 =	vld.idx.msk [tilespmem:v36+s25+$0x0], $0xffff;
	s29 =	simm.s32 $0x8;
	v36 =	vor.u32 v20, v24;
	v38 =	vor.u32 v20, v29  }
0x125: {  	_ =	sdelay $0x3  }
0x126: {  	v44 =	vand.u32 $0x1F, v43;
	v41 =	vld.idx.msk [tilespmem:v33+s25+$0x0], $0xffff  }
0x127: {  	v29 =	vor.u32 v20, v25;
	v42 =	vld.idx.msk [tilespmem:v32+s25+$0x0], $0xffff;
	v49 =	vor.u32 v18, v39;
	v57 =	vshll.u32 v44, $0x8  }
0x128: {  	v45 =	vor.u32 v20, v26;
	v59 =	vshll.u32 v27, $0x8;
	v48 =	vld.idx.msk [tilespmem:v30+s25+$0x0], $0xffff;
	v58 =	vor.u32 v18, v57  }
0x129: {  	v50 =	vor.u32 v21, v39;
	v51 =	vld.idx.msk [tilespmem:v28+s25+$0x0], $0xffff;
	v28 =	vshll.u32 v19, $0x8;
	v46 =	vor.u32 v21, v57  }
0x12a: {  	v60 =	vadd.s32 s29, v0;
	p5 =	por $0x1, $0x1;
	v33 =	vor.u32 v18, v59;
	v32 =	vor.u32 v21, v59  }
.Ltmp18:
0x12b: {  	s0 =	simm.s32 $0x9;
	s29 =	simm.s32 $0xA;
	v30 =	vor.u32 v18, v28;
	v28 =	vor.u32 v21, v28;
	v34 =	vpack.i.f32.bf16 v37, v34;
	(pc) =	sbr.rel @!p5 .LBB2_34-.Ltmp18, $4  }
0x12c: {  	s31 =	simm.s32 $0xB;
	v61 =	vadd.s32 s0, v0;
	v62 =	vadd.s32 s29, v0;
	v31 =	vpack.i.f32.bf16 v35, v31;
	[tilespmem:v36+s26+$0x0] =	vst.idx.msk $0xffff, v34;
	v34 =	vld.idx.msk [tilespmem:v49+s25+$0x0], $0xffff  }
0x12d: {  	v47 =	vand.u32 $0x1F, v60;
	v43 =	vadd.s32 s31, v0;
	[tilespmem:v38+s26+$0x0] =	vst.idx.msk $0xffff, v31;
	v38 =	vor.u32 v20, v44;
	v31 =	vld.idx.msk [tilespmem:v58+s25+$0x0], $0xffff  }
0x12e: {  	v63 =	vpack.i.f32.bf16 v42, v41;
	v41 =	vand.u32 $0x1F, v61;
	v42 =	vpack.i.f32.bf16 v51, v48;
	v35 =	vld.idx.msk [tilespmem:v46+s25+$0x0], $0xffff  }
0x12f: {  	p4 =	por $0x1, $0x1;
	s29 =	simm.s32 $0xC;
	v37 =	vld.idx.msk [tilespmem:v50+s25+$0x0], $0xffff;
	v36 =	vor.u32 v20, v40;
	[tilespmem:v45+s26+$0x0] =	vst.idx.msk $0xffff, v63;
	v39 =	vshll.u32 v41, $0x8;
	v46 =	vand.u32 $0x1F, v62  }
.LBB2_35:
0x130: {  	p5 =	slt.u32 s29, $0x1C;
	v40 =	vand.u32 $0x1F, v43;
	v43 =	vor.u32 v20, v19;
	v44 =	vld.idx.msk [tilespmem:v33+s25+$0x0], $0xffff;
	v45 =	vor.u32 v20, v27;
	v19 =	vmovc v47  }
0x131: {  	v47 =	vshll.u32 v46, $0x8;
	v33 =	vshll.u32 v40, $0x8;
	v48 =	vld.idx.msk [tilespmem:v32+s25+$0x0], $0xffff;
	[tilespmem:v29+s26+$0x0] =	vst.idx.msk $0xffff, v42;
	v29 =	vmov v43  }
0x132: {  	v27 =	vmov v46;
	v42 =	vor.u32 v18, v39;
	v43 =	vor.u32 v18, v33;
	v49 =	vld.idx.msk [tilespmem:v30+s25+$0x0], $0xffff  }
0x133: {  	v50 =	vor.u32 v21, v39;
	v39 =	vor.u32 v21, v33;
	v51 =	vld.idx.msk [tilespmem:v28+s25+$0x0], $0xffff;
	v28 =	vpack.i.f32.bf16 v35, v31  }
0x134: {  	v32 =	vor.u32 v21, v47;
	v33 =	vor.u32 v18, v47;
	v31 =	vshll.u32 v19, $0x8;
	[tilespmem:v38+s26+$0x0] =	vst.idx.msk $0xffff, v28  }
0x135: {  	v30 =	vor.u32 v18, v31;
	v28 =	vor.u32 v21, v31;
	v31 =	vpack.i.f32.bf16 v37, v34  }
.Ltmp19:
0x136: {  	s0 =	sadd.s32 $0x1, s29;
	s30 =	sadd.s32 $0x2, s29;
	v34 =	vadd.s32 s29, v0;
	[tilespmem:v36+s26+$0x0] =	vst.idx.msk $0xffff, v31;
	(pc) =	sbr.rel @p5 .LBB2_35-.Ltmp19, $4  }
0x137: {  	v35 =	vadd.s32 s0, v0;
	v36 =	vadd.s32 s30, v0;
	v37 =	vpack.i.f32.bf16 v48, v44;
	v31 =	vld.idx.msk [tilespmem:v43+s25+$0x0], $0xffff  }
0x138: {  	v47 =	vand.u32 $0x1F, v34;
	v44 =	vand.u32 $0x1F, v35;
	v46 =	vand.u32 $0x1F, v36;
	v35 =	vld.idx.msk [tilespmem:v39+s25+$0x0], $0xffff;
	[tilespmem:v45+s26+$0x0] =	vst.idx.msk $0xffff, v37  }
0x139: {  	s0 =	sadd.s32 $0x3, s29;
	v39 =	vshll.u32 v44, $0x8;
	v34 =	vld.idx.msk [tilespmem:v42+s25+$0x0], $0xffff;
	v42 =	vpack.i.f32.bf16 v51, v49  }
0x13a: {  	s29 =	sadd.s32 $0x4, s29;
	v38 =	vor.u32 v20, v40;
	v43 =	vadd.s32 s0, v0;
	v36 =	vor.u32 v20, v41;
	v41 =	vmovc v44;
	v37 =	vld.idx.msk [tilespmem:v50+s25+$0x0], $0xffff  }
0x13b: {  	v44 =	vmovc v19;
	v45 =	vmovc v27;
	v19 =	vmov v47;
	v27 =	vmov v46;
	v40 =	vmov v41  }
.LBB2_37:
0x13c: {  	_ =	sdelay $0x2  }
0x13d: {  	v21 =	vor.u32 $0xE0, v0;
	v47 =	vor.u32 v18, v39  }
0x13e: {  	v33 =	vld.idx.msk @p3 [tilespmem:v33+s25+$0x0], $0xffff;
	v48 =	vshll.u32 v27, $0x8;
	v54 =	vor.u32 v21, v39  }
0x13f: {  	v32 =	vld.idx.msk @p3 [tilespmem:v32+s25+$0x0], $0xffff;
	v49 =	vor.u32 v18, v48  }
0x140: {  	v41 =	vand.u32 $0x1F, v43;
	v30 =	vld.idx.msk @p3 [tilespmem:v30+s25+$0x0], $0xffff;
	v50 =	vshll.u32 v19, $0x8;
	v48 =	vor.u32 v21, v48  }
0x141: {  	v28 =	vld.idx.msk @p3 [tilespmem:v28+s25+$0x0], $0xffff;
	v43 =	vshll.u32 v41, $0x8;
	v51 =	vor.u32 v18, v50  }
0x142: {  	v46 =	vor.u32 v18, v43;
	v47 =	vld.idx.msk [tilespmem:v47+s25+$0x0], $0xffff  }
0x143: {  	v43 =	vor.u32 v21, v43;
	v39 =	vld.idx.msk [tilespmem:v54+s25+$0x0], $0xffff  }
0x144: {  	v44 =	vor.u32 @p3 v20, v44;
	v50 =	vor.u32 v21, v50;
	v55 =	vld.idx.msk [tilespmem:v49+s25+$0x0], $0xffff  }
0x145: {  	[tilespmem:v29+s26+$0x0] =	vst.idx.msk @p4 $0xffff, v42;
	v29 =	vor.u32 @p3 v20, v45;
	v42 =	vmov @p3 v44;
	v57 =	vld.idx.msk [tilespmem:v48+s25+$0x0], $0xffff  }
0x146: {  	v20 =	vor.u32 $0xC00, v1;
	v31 =	vpack.i.f32.bf16 @p3 v35, v31;
	v35 =	vpsel p3, v42, v0;
	v59 =	vld.idx.msk [tilespmem:v51+s25+$0x0], $0xffff  }
0x147: {  	v56 =	vor.u32 v20, v41;
	v58 =	vor.u32 v20, v40;
	v46 =	vld.idx.msk [tilespmem:v46+s25+$0x0], $0xffff  }
0x148: {  	v27 =	vor.u32 v20, v27;
	[tilespmem:v38+s26+$0x0] =	vst.idx.msk @p3 $0xffff, v31;
	v31 =	vpack.i.f32.bf16 @p3 v37, v34;
	v43 =	vld.idx.msk [tilespmem:v43+s25+$0x0], $0xffff  }
0x149: {  	[tilespmem:v36+s26+$0x0] =	vst.idx.msk @p3 $0xffff, v31;
	v32 =	vpack.i.f32.bf16 @p3 v32, v33;
	v28 =	vpack.i.f32.bf16 @p3 v28, v30;
	v60 =	vld.idx.msk [tilespmem:v50+s25+$0x0], $0xffff  }
0x14a: {  	v19 =	vor.u32 v20, v19;
	[tilespmem:v29+s26+$0x0] =	vst.idx.msk @p3 $0xffff, v32;
	v28 =	vpsel p3, v28, v0  }
.Ltmp20:
0x14b: {  	[tilespmem:v35+s26+$0x0] =	vst.idx.msk @p3 $0xffff, v28;
	v62 =	vpack.i.f32.bf16 v39, v47;
	(pc) =	sbr.rel @!p2 .LBB2_38-.Ltmp20, $4  }
0x14c: {  	v63 =	vpack.i.f32.bf16 v57, v55;
	[tilespmem:v58+s26+$0x0] =	vst.idx.msk $0xffff, v62  }
0x14d: {  	v61 =	vpack.i.f32.bf16 v43, v46;
	[tilespmem:v27+s26+$0x0] =	vst.idx.msk $0xffff, v63  }
0x14e: {  	v27 =	vpack.i.f32.bf16 v60, v59;
	[tilespmem:v56+s26+$0x0] =	vst.idx.msk $0xffff, v61  }
0x14f: {  	[tilespmem:v19+s26+$0x0] =	vst.idx.msk $0xffff, v27;
	v19 =	vor.u32 $0x70, v0  }
0x150: {  	v30 =	vand.u32 $0x1F, v23  }
0x151: {  	v35 =	vor.u32 v19, v22;
	v23 =	vshll.u32 v30, $0x8  }
0x152: {  	v32 =	vor.u32 $0xF0, v0;
	v27 =	vor.u32 v19, v23  }
0x153: {  	v37 =	vor.u32 v32, v22  }
0x154: {  	v28 =	vshll.u32 v26, $0x8;
	s0 =	simm.s32 $0x5;
	p3 =	por $0x1, $0x1;
	v22 =	vshll.u32 v25, $0x8;
	v23 =	vor.u32 v32, v23  }
.Ltmp21:
0x155: {  	v34 =	vor.u32 v19, v28;
	v33 =	vor.u32 v32, v28;
	v36 =	vadd.s32 s0, v0;
	(pc) =	sbr.rel @!p3 .LBB2_40-.Ltmp21, $4  }
0x156: {  	v29 =	vor.u32 v19, v22;
	v28 =	vor.u32 v32, v22;
	v22 =	vadd.s32 s28, v0;
	s28 =	simm.s32 $0x6;
	v35 =	vld.idx.msk [tilespmem:v35+s25+$0x0], $0xffff  }
0x157: {  	v43 =	vand.u32 $0x1F, v36;
	v38 =	vand.u32 $0x1F, v22;
	v31 =	vld.idx.msk [tilespmem:v27+s25+$0x0], $0xffff;
	v27 =	vadd.s32 s28, v0  }
0x158: {  	s31 =	simm.s32 $0x7;
	v22 =	vshll.u32 v43, $0x8;
	v39 =	vld.idx.msk [tilespmem:v37+s25+$0x0], $0xffff;
	v40 =	vand.u32 $0x1F, v27;
	v27 =	vor.u32 $0xE00, v1  }
0x159: {  	p2 =	por $0x1, $0x1;
	v36 =	vld.idx.msk [tilespmem:v23+s25+$0x0], $0xffff;
	v23 =	vadd.s32 s31, v0;
	s28 =	simm.s32 $0x8;
	v37 =	vor.u32 v27, v24;
	v41 =	vor.u32 v27, v30  }
0x15a: {  	_ =	sdelay $0x2  }
0x15b: {  	v44 =	vand.u32 $0x1F, v23;
	v48 =	vor.u32 v19, v22  }
0x15c: {  	v23 =	vld.idx.msk [tilespmem:v34+s25+$0x0], $0xffff;
	v30 =	vor.u32 v27, v25;
	v49 =	vor.u32 v32, v22;
	v24 =	vshll.u32 v44, $0x8  }
0x15d: {  	v25 =	vld.idx.msk [tilespmem:v33+s25+$0x0], $0xffff;
	v45 =	vor.u32 v27, v26;
	v26 =	vshll.u32 v40, $0x8;
	v42 =	vor.u32 v19, v24  }
0x15e: {  	v46 =	vld.idx.msk [tilespmem:v29+s25+$0x0], $0xffff;
	s0 =	simm.s32 $0x9;
	v34 =	vor.u32 v19, v26;
	v33 =	vor.u32 v32, v26;
	v47 =	vor.u32 v32, v24  }
0x15f: {  	v50 =	vld.idx.msk [tilespmem:v28+s25+$0x0], $0xffff;
	p3 =	por $0x1, $0x1;
	v26 =	vadd.s32 s0, v0;
	v24 =	vshll.u32 v38, $0x8;
	v22 =	vpack.i.f32.bf16 v36, v31  }
.Ltmp22:
0x160: {  	v29 =	vor.u32 v19, v24;
	[tilespmem:v41+s26+$0x0] =	vst.idx.msk $0xffff, v22;
	v22 =	vpack.i.f32.bf16 v39, v35;
	v35 =	vld.idx.msk [tilespmem:v48+s25+$0x0], $0xffff;
	(pc) =	sbr.rel @!p3 .LBB2_42-.Ltmp22, $4  }
0x161: {  	v28 =	vor.u32 v32, v24;
	v24 =	vadd.s32 s28, v0;
	s28 =	simm.s32 $0xA;
	v39 =	vld.idx.msk [tilespmem:v49+s25+$0x0], $0xffff;
	v41 =	vor.u32 v27, v44  }
0x162: {  	s31 =	simm.s32 $0xB;
	v63 =	vadd.s32 s28, v0;
	[tilespmem:v37+s26+$0x0] =	vst.idx.msk $0xffff, v22;
	v22 =	vpack.i.f32.bf16 v25, v23;
	v25 =	vand.u32 $0x1F, v24;
	v31 =	vld.idx.msk [tilespmem:v42+s25+$0x0], $0xffff  }
0x163: {  	v24 =	vand.u32 $0x1F, v26;
	v26 =	vand.u32 $0x1F, v63;
	v23 =	vadd.s32 s31, v0;
	v36 =	vld.idx.msk [tilespmem:v47+s25+$0x0], $0xffff  }
0x164: {  	p1 =	por $0x1, $0x1;
	s28 =	simm.s32 $0xC;
	v37 =	vor.u32 v27, v43;
	[tilespmem:v45+s26+$0x0] =	vst.idx.msk $0xffff, v22;
	v22 =	vshll.u32 v24, $0x8;
	v42 =	vpack.i.f32.bf16 v50, v46  }
.LBB2_43:
0x165: {  	p3 =	slt.u32 s28, $0x1C;
	v43 =	vand.u32 $0x1F, v23;
	v23 =	vor.u32 v27, v38;
	v44 =	vld.idx.msk [tilespmem:v34+s25+$0x0], $0xffff;
	v45 =	vor.u32 v27, v40;
	v38 =	vmovc v25  }
0x166: {  	v25 =	vshll.u32 v26, $0x8;
	v34 =	vshll.u32 v43, $0x8;
	v46 =	vld.idx.msk [tilespmem:v33+s25+$0x0], $0xffff;
	[tilespmem:v30+s26+$0x0] =	vst.idx.msk $0xffff, v42;
	v30 =	vmov v23  }
0x167: {  	v40 =	vmov v26;
	v23 =	vor.u32 v19, v22;
	v42 =	vor.u32 v19, v34;
	v47 =	vld.idx.msk [tilespmem:v29+s25+$0x0], $0xffff  }
0x168: {  	v48 =	vor.u32 v32, v22;
	v22 =	vor.u32 v32, v34;
	v26 =	vpack.i.f32.bf16 v36, v31;
	v49 =	vld.idx.msk [tilespmem:v28+s25+$0x0], $0xffff  }
0x169: {  	v33 =	vor.u32 v32, v25;
	v34 =	vor.u32 v19, v25;
	v28 =	vshll.u32 v38, $0x8;
	[tilespmem:v41+s26+$0x0] =	vst.idx.msk $0xffff, v26  }
0x16a: {  	v29 =	vor.u32 v19, v28;
	v28 =	vor.u32 v32, v28;
	v25 =	vpack.i.f32.bf16 v39, v35  }
.Ltmp23:
0x16b: {  	s0 =	sadd.s32 $0x1, s28;
	s29 =	sadd.s32 $0x2, s28;
	v26 =	vadd.s32 s28, v0;
	[tilespmem:v37+s26+$0x0] =	vst.idx.msk $0xffff, v25;
	(pc) =	sbr.rel @p3 .LBB2_43-.Ltmp23, $4  }
0x16c: {  	v36 =	vadd.s32 s29, v0;
	v35 =	vadd.s32 s0, v0;
	v37 =	vpack.i.f32.bf16 v46, v44;
	v31 =	vld.idx.msk [tilespmem:v42+s25+$0x0], $0xffff  }
0x16d: {  	v25 =	vand.u32 $0x1F, v26;
	v44 =	vand.u32 $0x1F, v35;
	v26 =	vand.u32 $0x1F, v36;
	v36 =	vld.idx.msk [tilespmem:v22+s25+$0x0], $0xffff;
	[tilespmem:v45+s26+$0x0] =	vst.idx.msk $0xffff, v37  }
0x16e: {  	s0 =	sadd.s32 $0x3, s28;
	v22 =	vshll.u32 v44, $0x8;
	v42 =	vpack.i.f32.bf16 v49, v47;
	v35 =	vld.idx.msk [tilespmem:v23+s25+$0x0], $0xffff  }
0x16f: {  	s28 =	sadd.s32 $0x4, s28;
	v41 =	vor.u32 v27, v43;
	v37 =	vor.u32 v27, v24;
	v24 =	vmovc v44;
	v23 =	vadd.s32 s0, v0;
	v39 =	vld.idx.msk [tilespmem:v48+s25+$0x0], $0xffff  }
0x170: {  	v32 =	vmov v38;
	v44 =	vmov v40  }
.LBB2_45:
0x171: {  	_ =	sdelay $0x2  }
0x172: {  	v38 =	vand.u32 $0x1F, v23;
	v23 =	vor.u32 $0xF0, v0;
	v45 =	vor.u32 v19, v22  }
0x173: {  	v34 =	vld.idx.msk @p2 [tilespmem:v34+s25+$0x0], $0xffff;
	v46 =	vshll.u32 v26, $0x8;
	v22 =	vor.u32 v23, v22  }
0x174: {  	v33 =	vld.idx.msk @p2 [tilespmem:v33+s25+$0x0], $0xffff;
	v47 =	vor.u32 v19, v46  }
0x175: {  	v29 =	vld.idx.msk @p2 [tilespmem:v29+s25+$0x0], $0xffff;
	v48 =	vshll.u32 v25, $0x8;
	v46 =	vor.u32 v23, v46  }
0x176: {  	v28 =	vld.idx.msk @p2 [tilespmem:v28+s25+$0x0], $0xffff;
	v49 =	vor.u32 v19, v48  }
0x177: {  	v40 =	vshll.u32 v38, $0x8;
	v48 =	vor.u32 v23, v48;
	v45 =	vld.idx.msk [tilespmem:v45+s25+$0x0], $0xffff  }
0x178: {  	v43 =	vor.u32 v19, v40;
	v52 =	vld.idx.msk [tilespmem:v22+s25+$0x0], $0xffff  }
0x179: {  	v32 =	vor.u32 @p2 v27, v32;
	v40 =	vor.u32 v23, v40;
	v53 =	vld.idx.msk [tilespmem:v47+s25+$0x0], $0xffff  }
0x17a: {  	[tilespmem:v30+s26+$0x0] =	vst.idx.msk @p1 $0xffff, v42;
	v27 =	vor.u32 @p2 v27, v44;
	v30 =	vmov @p2 v32;
	v55 =	vld.idx.msk [tilespmem:v46+s25+$0x0], $0xffff  }
0x17b: {  	v31 =	vpack.i.f32.bf16 @p2 v36, v31;
	v30 =	vpsel p2, v30, v0;
	v22 =	vor.u32 $0xE00, v1;
	v56 =	vld.idx.msk [tilespmem:v49+s25+$0x0], $0xffff  }
0x17c: {  	[tilespmem:v41+s26+$0x0] =	vst.idx.msk @p2 $0xffff, v31;
	v31 =	vpack.i.f32.bf16 @p2 v39, v35;
	v58 =	vld.idx.msk [tilespmem:v48+s25+$0x0], $0xffff;
	v24 =	vor.u32 v22, v24  }
0x17d: {  	[tilespmem:v37+s26+$0x0] =	vst.idx.msk @p2 $0xffff, v31;
	v43 =	vld.idx.msk [tilespmem:v43+s25+$0x0], $0xffff;
	v57 =	vor.u32 v22, v26  }
0x17e: {  	v33 =	vpack.i.f32.bf16 @p2 v33, v34;
	v28 =	vpack.i.f32.bf16 @p2 v28, v29;
	v40 =	vld.idx.msk [tilespmem:v40+s25+$0x0], $0xffff;
	v59 =	vor.u32 v22, v25  }
0x17f: {  	s0 =	sshll.u32 s23, $0x11;
	s23 =	sadd.s32 $0x1, s23;
	[tilespmem:v27+s26+$0x0] =	vst.idx.msk @p2 $0xffff, v33;
	v27 =	vpsel p2, v28, v0;
	v54 =	vor.u32 v22, v38  }
0x180: {  	p1 =	sne.s32 s23, s6;
	[tilespmem:v30+s26+$0x0] =	vst.idx.msk @p2 $0xffff, v27;
	v61 =	vpack.i.f32.bf16 v52, v45  }
.Ltmp24:
0x181: {  	v62 =	vpack.i.f32.bf16 v55, v53;
	[tilespmem:v24+s26+$0x0] =	vst.idx.msk $0xffff, v61;
	(pc) =	sbr.rel @p1 .LBB2_2-.Ltmp24, $4  }
.Ltmp25:
0x182: {  	s0 =	sor.u32 s11, s0;
	v63 =	vpack.i.f32.bf16 v58, v56;
	[tilespmem:v57+s26+$0x0] =	vst.idx.msk $0xffff, v62;
	(pc) =	sbr.rel @!p1 .LBB2_46-.Ltmp25, $4  }
0x183: {  	s0 =	sshrl.u32 s0, $0x3;
	v60 =	vpack.i.f32.bf16 v40, v43;
	[tilespmem:v59+s26+$0x0] =	vst.idx.msk $0xffff, v63  }
0x184: {  	s24 =	sadd.s32 $0x5, s24;
	s0 =	sadd.s32 s5, s0;
	[tilespmem:v54+s26+$0x0] =	vst.idx.msk $0xffff, v60  }
0x185: {  	[hbm4b:s0+s4] =	stream.linear.scatter [tilespmem:s26], [sflag:s24], $0x1000, $0x38;
	[tilespmem:$0xA000] =	vst v63  }
0x186: {  	_ = 	snop  }
.LBB2_7:
.Ltmp26:
0x187: {  	(pc) =	sbr.rel .LBB2_12-.Ltmp26, $2  }
0x188: {  	_ =	sdelay $0x2  }
0x189: {  	v36 =	vmov v18;
	v37 =	vmov v20;
	v35 =	vmov v19;
	p3 =	por $0x0, $0x0  }
.LBB2_13:
.Ltmp27:
0x18a: {  	(pc) =	sbr.rel .LBB2_18-.Ltmp27, $2  }
0x18b: {  	_ =	sdelay $0x2  }
0x18c: {  	_ = 	snop  }
.LBB2_19:
.Ltmp28:
0x18d: {  	(pc) =	sbr.rel .LBB2_24-.Ltmp28, $2  }
0x18e: {  	_ =	sdelay $0x2  }
0x18f: {  	v36 =	vmov v18;
	v37 =	vmov v20;
	v35 =	vmov v19;
	p3 =	por $0x0, $0x0  }
.LBB2_25:
.Ltmp29:
0x190: {  	(pc) =	sbr.rel .LBB2_30-.Ltmp29, $2  }
0x191: {  	_ =	sdelay $0x2  }
0x192: {  	_ = 	snop  }
.LBB2_38:
.Ltmp30:
0x193: {  	(pc) =	sbr.rel .LBB2_45-.Ltmp30, $2  }
0x194: {  	_ =	sdelay $0x2  }
0x195: {  	p2 =	por $0x0, $0x0  }
.LBB2_9:
.Ltmp31:
0x196: {  	(pc) =	sbr.rel .LBB2_12-.Ltmp31, $2  }
0x197: {  	_ =	sdelay $0x2  }
0x198: {  	v48 =	vmov v26;
	v26 =	vmov v45;
	v45 =	vmov v43  }
.LBB2_15:
.Ltmp32:
0x199: {  	(pc) =	sbr.rel .LBB2_18-.Ltmp32, $2  }
0x19a: {  	_ =	sdelay $0x2  }
0x19b: {  	v42 =	vmovc v24;
	v24 =	vmovc v19;
	v20 =	vmov v35;
	v40 =	vmov v37;
	v19 =	vmov v31  }
.LBB2_21:
.Ltmp33:
0x19c: {  	(pc) =	sbr.rel .LBB2_24-.Ltmp33, $2  }
0x19d: {  	_ =	sdelay $0x2  }
0x19e: {  	v48 =	vmov v26;
	v26 =	vmov v45;
	v45 =	vmov v43  }
.LBB2_27:
.Ltmp34:
0x19f: {  	(pc) =	sbr.rel .LBB2_30-.Ltmp34, $2  }
0x1a0: {  	_ =	sdelay $0x2  }
0x1a1: {  	v42 =	vmovc v21;
	v21 =	vmovc v19;
	v20 =	vmov v35;
	v40 =	vmov v37;
	v19 =	vmov v31  }
.LBB2_32:
.Ltmp35:
0x1a2: {  	(pc) =	sbr.rel .LBB2_37-.Ltmp35, $2  }
0x1a3: {  	_ =	sdelay $0x2  }
0x1a4: {  	v44 =	vmov v25;
	v45 =	vmov v26;
	p4 =	por $0x0, $0x0  }
.LBB2_40:
.Ltmp36:
0x1a5: {  	(pc) =	sbr.rel .LBB2_45-.Ltmp36, $2  }
0x1a6: {  	_ =	sdelay $0x2  }
0x1a7: {  	v32 =	vmovc v25;
	v44 =	vmovc v26;
	v25 =	vmov v38;
	v26 =	vmov v40;
	v24 =	vmov v43  }
.LBB2_34:
.Ltmp37:
0x1a8: {  	(pc) =	sbr.rel .LBB2_37-.Ltmp37, $2  }
0x1a9: {  	_ =	sdelay $0x2  }
0x1aa: {  	v44 =	vmovc v19;
	v45 =	vmovc v27;
	v19 =	vmov v47;
	v27 =	vmov v46;
	v40 =	vmov v41  }
.LBB2_42:
.Ltmp38:
0x1ab: {  	(pc) =	sbr.rel .LBB2_45-.Ltmp38, $2  }
0x1ac: {  	_ =	sdelay $0x2  }
0x1ad: {  	v32 =	vmov v38;
	v44 =	vmov v40  }
.LBB2_46:
0x1ae: {  	_ =	swait.ge [sflag:s18], $0x1000  }
.Ltmp39:
0x1af: {  	[sflag:s18] =	ssyncset.done $0x0;
	(pc) =	sbr.rel @p0 .LBB2_92-.Ltmp39, $4  }
0x1b0: {  	[sflag:s18] =	ssyncadd.s32 $0xFFFFF000  }
0x1b1: {  	_ =	swait.ge [sflag:s19], $0x1000  }
0x1b2: {  	[sflag:s19] =	ssyncset.done $0x0  }
0x1b3: {  	[sflag:s19] =	ssyncadd.s32 $0xFFFFF000  }
0x1b4: {  	s0 =	simm.s32 $0x1  }
0x1b5: {  	v24 =	vadd.s32 s0, v0  }
0x1b6: {  	s29 =	simm.s32 $0x2;
	v24 =	vand.u32 $0x1F, v24  }
0x1b7: {  	s23 =	simm.s32 $0x3;
	v25 =	vadd.s32 s29, v0;
	v27 =	vshll.u32 v24, $0x8  }
0x1b8: {  	v26 =	vadd.s32 s23, v0;
	s23 =	simm.s32 $0x0;
	v39 =	vand.u32 $0x1F, v25;
	v28 =	vor.u32 v0, v27  }
0x1b9: {  	v26 =	vand.u32 $0x1F, v26;
	[tilespmem:s23], [sflag:$0x7] =	stream.linear.gather [hbm4b:s2+s23], $0x2000, $0x38;
	v30 =	vshll.u32 v39, $0x8;
	v27 =	vor.u32 v2, v27;
	[tilespmem:$0xA000] =	vst v63  }
0x1ba: {  	v25 =	vadd.s32 s23, v0;
	_ =	swait.ge [sflag:s20], $0x2000;
	v29 =	vshll.u32 v26, $0x8;
	v35 =	vor.u32 v0, v30  }
0x1bb: {  	v25 =	vand.u32 $0x1F, v25;
	[sflag:s20] =	ssyncset.done $0x0;
	v34 =	vor.u32 v0, v29  }
0x1bc: {  	s25 =	simm.s32 $0x7;
	v33 =	vor.u32 v2, v30;
	v31 =	vshll.u32 v25, $0x8;
	[sflag:s20] =	ssyncadd.s32 $0xFFFFE000  }
0x1bd: {  	s30 =	simm.s32 $0x5;
	v40 =	vadd.s32 s25, v0;
	v37 =	vor.u32 v2, v29;
	v44 =	vor.u32 v0, v31;
	v47 =	vld.idx.msk [tilespmem:v28+s23+$0x0], $0xffff  }
0x1be: {  	v38 =	vor.u32 v2, v31;
	v31 =	vor.u32 v1, v24;
	v24 =	vadd.s32 s30, v0;
	v48 =	vld.idx.msk [tilespmem:v27+s23+$0x0], $0xffff  }
0x1bf: {  	s24 =	simm.s32 $0x6;
	v30 =	vor.u32 v1, v26;
	v36 =	vand.u32 $0x1F, v24;
	v24 =	vand.u32 $0x1F, v40;
	v52 =	vld.idx.msk [tilespmem:v35+s23+$0x0], $0xffff  }
0x1c0: {  	v28 =	vadd.s32 s24, v0;
	v27 =	vshll.u32 v36, $0x8;
	v35 =	vld.idx.msk [tilespmem:v34+s23+$0x0], $0xffff;
	v34 =	vor.u32 v1, v25  }
0x1c1: {  	s31 =	simm.s32 $0x4;
	v49 =	vld.idx.msk [tilespmem:v33+s23+$0x0], $0xffff;
	v32 =	vand.u32 $0x1F, v28;
	v28 =	vshll.u32 v24, $0x8;
	v53 =	vor.u32 v0, v27  }
0x1c2: {  	v45 =	vld.idx.msk [tilespmem:v37+s23+$0x0], $0xffff;
	v43 =	vor.u32 v2, v27;
	v27 =	vadd.s32 s31, v0;
	v50 =	vor.u32 v0, v28  }
0x1c3: {  	v41 =	vshll.u32 v32, $0x8;
	v33 =	vand.u32 $0x1F, v27;
	v40 =	vor.u32 v2, v28  }
0x1c4: {  	v44 =	vld.idx.msk [tilespmem:v44+s23+$0x0], $0xffff;
	v42 =	vor.u32 v2, v41;
	v54 =	vshll.u32 v33, $0x8;
	v46 =	vor.u32 v0, v41  }
0x1c5: {  	v41 =	vld.idx.msk [tilespmem:v38+s23+$0x0], $0xffff;
	v37 =	vor.u32 v0, v54;
	v51 =	vpack.i.f32.bf16 v48, v47;
	v48 =	vor.u32 v1, v39  }
0x1c6: {  	s24 =	simm.s32 $0x8;
	v38 =	vor.u32 v2, v54;
	v47 =	vor.u32 v1, v24;
	v49 =	vpack.i.f32.bf16 v49, v52;
	v39 =	vld.idx.msk [tilespmem:v53+s23+$0x0], $0xffff  }
.LBB2_48:
0x1c7: {  	s0 =	sadd.s32 $0x1, s24;
	s25 =	sadd.s32 $0x2, s24;
	s26 =	sadd.s32 $0x3, s24;
	[tilespmem:v31+s21+$0x0] =	vst.idx.msk $0xffff, v51;
	v31 =	vor.u32 v1, v36;
	v45 =	vpack.i.f32.bf16 v45, v35;
	v35 =	vld.idx.msk [tilespmem:v50+s23+$0x0], $0xffff  }
0x1c8: {  	p1 =	slt.u32 s24, $0x1C;
	v36 =	vadd.s32 s0, v0;
	v50 =	vadd.s32 s25, v0;
	v51 =	vadd.s32 s26, v0;
	v52 =	vld.idx.msk [tilespmem:v43+s23+$0x0], $0xffff;
	s0 =	smov.u32 s24;
	s24 =	sadd.s32 $0x4, s24  }
0x1c9: {  	v36 =	vand.u32 $0x1F, v36;
	v53 =	vand.u32 $0x1F, v50;
	v54 =	vand.u32 $0x1F, v51;
	v55 =	vld.idx.msk [tilespmem:v42+s23+$0x0], $0xffff;
	[tilespmem:v30+s21+$0x0] =	vst.idx.msk $0xffff, v45;
	v30 =	vmovc v47  }
0x1ca: {  	v42 =	vshll.u32 v36, $0x8;
	v47 =	vshll.u32 v53, $0x8;
	v51 =	vshll.u32 v54, $0x8;
	v56 =	vld.idx.msk [tilespmem:v46+s23+$0x0], $0xffff;
	[tilespmem:v48+s21+$0x0] =	vst.idx.msk $0xffff, v49  }
0x1cb: {  	v49 =	vor.u32 v0, v42;
	v43 =	vor.u32 v2, v42;
	v45 =	vld.idx.msk [tilespmem:v40+s23+$0x0], $0xffff;
	v40 =	vpack.i.f32.bf16 v41, v44  }
.Ltmp40:
0x1cc: {  	v41 =	vadd.s32 s0, v0;
	v42 =	vor.u32 v2, v47;
	v50 =	vor.u32 v0, v51;
	[tilespmem:v34+s21+$0x0] =	vst.idx.msk $0xffff, v40;
	(pc) =	sbr.rel @p1 .LBB2_48-.Ltmp40, $4  }
0x1cd: {  	v40 =	vor.u32 v2, v51;
	v34 =	vor.u32 v1, v33;
	v33 =	vand.u32 $0x1F, v41  }
0x1ce: {  	v46 =	vor.u32 v0, v47;
	v48 =	vshll.u32 v33, $0x8;
	v51 =	vpack.i.f32.bf16 v52, v39;
	v41 =	vld.idx.msk [tilespmem:v38+s23+$0x0], $0xffff  }
0x1cf: {  	v38 =	vor.u32 v2, v48;
	v44 =	vld.idx.msk [tilespmem:v37+s23+$0x0], $0xffff;
	v37 =	vor.u32 v0, v48;
	v48 =	vor.u32 v1, v32  }
0x1d0: {  	v47 =	vor.u32 v1, v54;
	v32 =	vmov v53;
	v39 =	vld.idx.msk [tilespmem:v49+s23+$0x0], $0xffff;
	v49 =	vpack.i.f32.bf16 v55, v56  }
0x1d1: {  	_ =	sdelay $0x3  }
0x1d2: {  	v50 =	vld.idx.msk [tilespmem:v50+s23+$0x0], $0xffff  }
0x1d3: {  	v43 =	vld.idx.msk [tilespmem:v43+s23+$0x0], $0xffff  }
0x1d4: {  	v42 =	vld.idx.msk [tilespmem:v42+s23+$0x0], $0xffff  }
0x1d5: {  	v40 =	vld.idx.msk [tilespmem:v40+s23+$0x0], $0xffff  }
0x1d6: {  	v36 =	vor.u32 v1, v36;
	v46 =	vld.idx.msk [tilespmem:v46+s23+$0x0], $0xffff;
	s0 =	simm.s32 $0x1  }
0x1d7: {  	[tilespmem:v31+s21+$0x0] =	vst.idx.msk $0xffff, v51;
	v31 =	vpack.i.f32.bf16 v45, v35;
	v60 =	vld.idx.msk [tilespmem:v38+s23+$0x0], $0xffff;
	v62 =	vadd.s32 s0, v0  }
0x1d8: {  	v32 =	vor.u32 v1, v32;
	[tilespmem:v30+s21+$0x0] =	vst.idx.msk $0xffff, v31;
	v31 =	vld.idx.msk [tilespmem:v37+s23+$0x0], $0xffff;
	v63 =	vand.u32 $0x1F, v62  }
0x1d9: {  	[tilespmem:v48+s21+$0x0] =	vst.idx.msk $0xffff, v49;
	v33 =	vor.u32 v1, v33;
	v30 =	vpack.i.f32.bf16 v41, v44;
	v45 =	vshll.u32 v63, $0x8  }
0x1da: {  	s29 =	simm.s32 $0x2;
	[tilespmem:v34+s21+$0x0] =	vst.idx.msk $0xffff, v30;
	v48 =	vor.u32 v3, v45;
	v61 =	vpack.i.f32.bf16 v43, v39  }
0x1db: {  	v44 =	vadd.s32 s29, v0;
	v49 =	vor.u32 v4, v45;
	v30 =	vpack.i.f32.bf16 v40, v50;
	[tilespmem:v36+s21+$0x0] =	vst.idx.msk $0xffff, v61  }
0x1dc: {  	v43 =	vor.u32 v3, v29;
	v46 =	vpack.i.f32.bf16 v42, v46;
	[tilespmem:v47+s21+$0x0] =	vst.idx.msk $0xffff, v30;
	v30 =	vand.u32 $0x1F, v44  }
0x1dd: {  	v29 =	vor.u32 v4, v29;
	[tilespmem:v32+s21+$0x0] =	vst.idx.msk $0xffff, v46;
	v31 =	vpack.i.f32.bf16 v60, v31;
	v50 =	vshll.u32 v30, $0x8  }
0x1de: {  	s23 =	simm.s32 $0x0;
	[tilespmem:v33+s21+$0x0] =	vst.idx.msk $0xffff, v31;
	v31 =	vor.u32 v3, v50  }
0x1df: {  	v51 =	vshll.u32 v25, $0x8;
	v35 =	vor.u32 v4, v50;
	v36 =	vld.idx.msk [tilespmem:v48+s23+$0x0], $0xffff  }
0x1e0: {  	v53 =	vor.u32 v3, v51;
	v32 =	vld.idx.msk [tilespmem:v49+s23+$0x0], $0xffff  }
0x1e1: {  	s30 =	simm.s32 $0x5;
	v33 =	vor.u32 v4, v51;
	v52 =	vld.idx.msk [tilespmem:v43+s23+$0x0], $0xffff  }
0x1e2: {  	v54 =	vor.u32 v5, v26;
	v56 =	vor.u32 v3, v28;
	v26 =	vadd.s32 s30, v0;
	v39 =	vld.idx.msk [tilespmem:v29+s23+$0x0], $0xffff  }
0x1e3: {  	s24 =	simm.s32 $0x6;
	v58 =	vor.u32 v4, v28;
	v26 =	vand.u32 $0x1F, v26;
	v34 =	vor.u32 v5, v63;
	v55 =	vld.idx.msk [tilespmem:v31+s23+$0x0], $0xffff  }
0x1e4: {  	v27 =	vand.u32 $0x1F, v27;
	v29 =	vadd.s32 s24, v0;
	v57 =	vld.idx.msk [tilespmem:v35+s23+$0x0], $0xffff;
	v31 =	vshll.u32 v26, $0x8  }
0x1e5: {  	v60 =	vor.u32 v5, v30;
	v28 =	vand.u32 $0x1F, v29;
	v29 =	vld.idx.msk [tilespmem:v53+s23+$0x0], $0xffff;
	v59 =	vor.u32 v3, v31  }
0x1e6: {  	v63 =	vshll.u32 v27, $0x8;
	v30 =	vld.idx.msk [tilespmem:v33+s23+$0x0], $0xffff;
	v62 =	vshll.u32 v28, $0x8;
	v38 =	vor.u32 v4, v31  }
0x1e7: {  	v35 =	vor.u32 v3, v62;
	v31 =	vor.u32 v5, v25;
	v32 =	vpack.i.f32.bf16 v32, v36  }
0x1e8: {  	v36 =	vor.u32 v4, v62;
	v25 =	vld.idx.msk [tilespmem:v56+s23+$0x0], $0xffff;
	v61 =	vpack.i.f32.bf16 v39, v52;
	[tilespmem:v34+s21+$0x0] =	vst.idx.msk $0xffff, v32  }
0x1e9: {  	s31 =	simm.s32 $0xB;
	v37 =	vor.u32 v3, v63;
	s24 =	simm.s32 $0x8;
	v32 =	vld.idx.msk [tilespmem:v58+s23+$0x0], $0xffff;
	[tilespmem:v54+s21+$0x0] =	vst.idx.msk $0xffff, v61;
	v41 =	vpack.i.f32.bf16 v57, v55  }
0x1ea: {  	s25 =	simm.s32 $0xC;
	v40 =	vadd.s32 s31, v0;
	v34 =	vadd.s32 s24, v0;
	v39 =	vor.u32 v4, v63;
	v33 =	vld.idx.msk [tilespmem:v59+s23+$0x0], $0xffff;
	[tilespmem:v60+s21+$0x0] =	vst.idx.msk $0xffff, v41  }
.LBB2_50:
0x1eb: {  	p1 =	slt.u32 s25, $0x1C;
	s0 =	sadd.s32 $0x1, s24;
	s24 =	sadd.s32 $0x2, s24;
	v41 =	vld.idx.msk [tilespmem:v38+s23+$0x0], $0xffff;
	v42 =	vor.u32 v5, v24;
	v24 =	vand.u32 $0x1F, v40;
	v29 =	vpack.i.f32.bf16 v30, v29  }
0x1ec: {  	v30 =	vadd.s32 s0, v0;
	v38 =	vadd.s32 s24, v0;
	v40 =	vshll.u32 v24, $0x8;
	v43 =	vld.idx.msk [tilespmem:v35+s23+$0x0], $0xffff;
	[tilespmem:v31+s21+$0x0] =	vst.idx.msk $0xffff, v29;
	s24 =	smov.u32 s25  }
0x1ed: {  	v45 =	vor.u32 v5, v26;
	v44 =	vor.u32 v3, v40;
	v26 =	vand.u32 $0x1F, v30;
	v46 =	vld.idx.msk [tilespmem:v36+s23+$0x0], $0xffff  }
0x1ee: {  	v35 =	vand.u32 $0x1F, v38;
	v40 =	vor.u32 v4, v40;
	v31 =	vshll.u32 v26, $0x8;
	v29 =	vld.idx.msk [tilespmem:v37+s23+$0x0], $0xffff  }
0x1ef: {  	v48 =	vor.u32 v5, v28;
	v25 =	vpack.i.f32.bf16 v32, v25;
	v47 =	vor.u32 v3, v31;
	v30 =	vld.idx.msk [tilespmem:v39+s23+$0x0], $0xffff  }
.Ltmp41:
0x1f0: {  	v32 =	vand.u32 $0x1F, v34;
	v34 =	vshll.u32 v35, $0x8;
	v28 =	vmovc v35;
	v38 =	vor.u32 v4, v31;
	[tilespmem:v42+s21+$0x0] =	vst.idx.msk $0xffff, v25;
	(pc) =	sbr.rel @p1 .LBB2_50-.Ltmp41, $4  }
0x1f1: {  	v35 =	vor.u32 v3, v34;
	v31 =	vor.u32 v5, v27;
	v27 =	vmovc v32;
	v33 =	vpack.i.f32.bf16 v41, v33  }
0x1f2: {  	v36 =	vor.u32 v4, v34;
	v39 =	vshll.u32 v27, $0x8;
	v25 =	vld.idx.msk [tilespmem:v44+s23+$0x0], $0xffff;
	[tilespmem:v45+s21+$0x0] =	vst.idx.msk $0xffff, v33  }
0x1f3: {  	s0 =	sadd.s32 $0x3, s25;
	v37 =	vor.u32 v3, v39;
	v41 =	vpack.i.f32.bf16 v46, v43;
	v32 =	vld.idx.msk [tilespmem:v40+s23+$0x0], $0xffff  }
0x1f4: {  	s25 =	sadd.s32 $0x4, s25;
	v34 =	vadd.s32 s24, v0;
	v39 =	vor.u32 v4, v39;
	v40 =	vadd.s32 s0, v0;
	v33 =	vld.idx.msk [tilespmem:v47+s23+$0x0], $0xffff;
	[tilespmem:v48+s21+$0x0] =	vst.idx.msk $0xffff, v41  }
0x1f5: {  	_ =	sdelay $0x1  }
0x1f6: {  	v40 =	vand.u32 $0x1F, v40  }
0x1f7: {  	s28 =	sadd.s32 $0x2, s24;
	v42 =	vshll.u32 v40, $0x8  }
0x1f8: {  	v38 =	vld.idx.msk [tilespmem:v38+s23+$0x0], $0xffff;
	v34 =	vand.u32 $0x1F, v34;
	v44 =	vadd.s32 s28, v0;
	v43 =	vor.u32 v3, v42  }
0x1f9: {  	v35 =	vld.idx.msk [tilespmem:v35+s23+$0x0], $0xffff;
	v49 =	vshll.u32 v34, $0x8;
	v42 =	vor.u32 v4, v42;
	v44 =	vand.u32 $0x1F, v44  }
0x1fa: {  	s0 =	sadd.s32 $0x1, s24;
	v36 =	vld.idx.msk [tilespmem:v36+s23+$0x0], $0xffff;
	v50 =	vor.u32 v3, v49;
	v47 =	vshll.u32 v44, $0x8  }
0x1fb: {  	v37 =	vld.idx.msk [tilespmem:v37+s23+$0x0], $0xffff;
	v41 =	vadd.s32 s0, v0;
	v48 =	vor.u32 v3, v47  }
0x1fc: {  	v39 =	vld.idx.msk [tilespmem:v39+s23+$0x0], $0xffff;
	s24 =	simm.s32 $0x0;
	v41 =	vand.u32 $0x1F, v41;
	v47 =	vor.u32 v4, v47  }
0x1fd: {  	v49 =	vor.u32 v4, v49;
	v45 =	vshll.u32 v41, $0x8;
	v43 =	vld.idx.msk [tilespmem:v43+s24+$0x0], $0xffff  }
0x1fe: {  	v24 =	vor.u32 v5, v24;
	v46 =	vor.u32 v3, v45;
	v42 =	vld.idx.msk [tilespmem:v42+s24+$0x0], $0xffff  }
0x1ff: {  	v29 =	vpack.i.f32.bf16 v30, v29;
	v26 =	vor.u32 v5, v26;
	v45 =	vor.u32 v4, v45;
	v55 =	vld.idx.msk [tilespmem:v50+s24+$0x0], $0xffff  }
0x200: {  	v28 =	vor.u32 v5, v28;
	v27 =	vor.u32 v5, v27;
	[tilespmem:v31+s21+$0x0] =	vst.idx.msk $0xffff, v29;
	v30 =	vld.idx.msk [tilespmem:v48+s24+$0x0], $0xffff  }
0x201: {  	v57 =	vor.u32 v5, v40;
	v34 =	vor.u32 v5, v34;
	v25 =	vpack.i.f32.bf16 v32, v25;
	v31 =	vld.idx.msk [tilespmem:v47+s24+$0x0], $0xffff  }
0x202: {  	s29 =	simm.s32 $0x1;
	v58 =	vor.u32 v5, v41;
	v60 =	vor.u32 v5, v44;
	v29 =	vpack.i.f32.bf16 v38, v33;
	v59 =	vld.idx.msk [tilespmem:v49+s24+$0x0], $0xffff  }
0x203: {  	v54 =	vpack.i.f32.bf16 v36, v35;
	[tilespmem:v24+s21+$0x0] =	vst.idx.msk $0xffff, v25;
	v25 =	vadd.s32 s29, v0;
	v46 =	vld.idx.msk [tilespmem:v46+s24+$0x0], $0xffff  }
0x204: {  	s30 =	simm.s32 $0x2;
	s31 =	simm.s32 $0x3;
	v56 =	vpack.i.f32.bf16 v39, v37;
	[tilespmem:v26+s21+$0x0] =	vst.idx.msk $0xffff, v29;
	v29 =	vand.u32 $0x1F, v25;
	v45 =	vld.idx.msk [tilespmem:v45+s24+$0x0], $0xffff  }
0x205: {  	[tilespmem:v28+s21+$0x0] =	vst.idx.msk $0xffff, v54;
	v25 =	vadd.s32 s30, v0;
	v26 =	vadd.s32 s31, v0;
	v24 =	vpack.i.f32.bf16 v42, v43  }
0x206: {  	[tilespmem:v27+s21+$0x0] =	vst.idx.msk $0xffff, v56;
	v42 =	vand.u32 $0x1F, v25;
	v28 =	vpack.i.f32.bf16 v31, v30;
	v30 =	vshll.u32 v29, $0x8  }
0x207: {  	p2 =	por $0x1, $0x1;
	v25 =	vand.u32 $0x1F, v26;
	[tilespmem:v57+s21+$0x0] =	vst.idx.msk $0xffff, v24;
	v24 =	vadd.s32 s24, v0;
	v62 =	vor.u32 v6, v30  }
.Ltmp42:
0x208: {  	v63 =	vshll.u32 v42, $0x8;
	v31 =	vpack.i.f32.bf16 v59, v55;
	v48 =	vand.u32 $0x1F, v24;
	[tilespmem:v60+s21+$0x0] =	vst.idx.msk $0xffff, v28;
	(pc) =	sbr.rel @!p2 .LBB2_52-.Ltmp42, $4  }
0x209: {  	v27 =	vshll.u32 v25, $0x8;
	v61 =	vpack.i.f32.bf16 v45, v46;
	[tilespmem:v34+s21+$0x0] =	vst.idx.msk $0xffff, v31;
	v28 =	vshll.u32 v48, $0x8  }
0x20a: {  	v49 =	vor.u32 v6, v28;
	v31 =	vor.u32 v7, v28;
	v28 =	vor.u32 v8, v25  }
0x20b: {  	v35 =	vor.u32 v7, v63;
	v40 =	vor.u32 v6, v27;
	[tilespmem:v58+s21+$0x0] =	vst.idx.msk $0xffff, v61  }
0x20c: {  	s23 =	simm.s32 $0x4;
	p1 =	por $0x0, $0x0;
	v32 =	vor.u32 v7, v27;
	v37 =	vor.u32 v6, v63;
	v36 =	vor.u32 v7, v30;
	v30 =	vld.idx.msk [tilespmem:v62+s24+$0x0], $0xffff  }
0x20d: {  	_ =	sdelay $0x2  }
0x20e: {  	s0 =	simm.s32 $0x5  }
0x20f: {  	s26 =	simm.s32 $0x7;
	v33 =	vor.u32 v8, v29;
	v34 =	vld.idx.msk [tilespmem:v40+s24+$0x0], $0xffff;
	v29 =	vadd.s32 s0, v0  }
0x210: {  	s25 =	simm.s32 $0x6;
	v45 =	vld.idx.msk [tilespmem:v36+s24+$0x0], $0xffff;
	v63 =	vadd.s32 s23, v0;
	v60 =	vadd.s32 s26, v0;
	v29 =	vand.u32 $0x1F, v29  }
0x211: {  	v52 =	vld.idx.msk [tilespmem:v35+s24+$0x0], $0xffff;
	v38 =	vadd.s32 s25, v0;
	v50 =	vand.u32 $0x1F, v60;
	v61 =	vshll.u32 v29, $0x8  }
0x212: {  	v53 =	vld.idx.msk [tilespmem:v37+s24+$0x0], $0xffff;
	p4 =	por $0x1, $0x1;
	v44 =	vand.u32 $0x1F, v63;
	v62 =	vshll.u32 v50, $0x8;
	v54 =	vor.u32 v6, v61  }
.Ltmp43:
0x213: {  	v43 =	vld.idx.msk [tilespmem:v32+s24+$0x0], $0xffff;
	v39 =	vand.u32 $0x1F, v38;
	v38 =	vor.u32 v8, v48;
	v40 =	vor.u32 v6, v62;
	(pc) =	sbr.rel @!p4 .LBB2_54-.Ltmp43, $4  }
0x214: {  	v47 =	vshll.u32 v44, $0x8;
	v41 =	vshll.u32 v39, $0x8;
	v36 =	vor.u32 v7, v61  }
0x215: {  	v46 =	vor.u32 v6, v47;
	v35 =	vor.u32 v7, v41;
	v37 =	vor.u32 v6, v41;
	v41 =	vld.idx.msk [tilespmem:v31+s24+$0x0], $0xffff  }
0x216: {  	v31 =	vor.u32 v7, v47;
	v47 =	vor.u32 v8, v42;
	v51 =	vpack.i.f32.bf16 v45, v30;
	v45 =	vld.idx.msk [tilespmem:v49+s24+$0x0], $0xffff  }
0x217: {  	p3 =	por $0x1, $0x1;
	s25 =	simm.s32 $0x8;
	v32 =	vor.u32 v7, v62;
	v42 =	vor.u32 v8, v50;
	v50 =	vpack.i.f32.bf16 v52, v53;
	v30 =	vld.idx.msk [tilespmem:v54+s24+$0x0], $0xffff  }
.LBB2_55:
0x218: {  	s0 =	sadd.s32 $0x1, s25;
	s26 =	sadd.s32 $0x2, s25;
	s28 =	sadd.s32 $0x3, s25;
	[tilespmem:v33+s21+$0x0] =	vst.idx.msk $0xffff, v51;
	v33 =	vor.u32 v8, v29;
	v43 =	vpack.i.f32.bf16 v43, v34;
	v34 =	vld.idx.msk [tilespmem:v40+s24+$0x0], $0xffff  }
0x219: {  	p4 =	slt.u32 s25, $0x1C;
	v29 =	vadd.s32 s0, v0;
	v40 =	vadd.s32 s26, v0;
	v48 =	vadd.s32 s28, v0;
	v49 =	vld.idx.msk [tilespmem:v36+s24+$0x0], $0xffff;
	s0 =	smov.u32 s25;
	s25 =	sadd.s32 $0x4, s25  }
0x21a: {  	v29 =	vand.u32 $0x1F, v29;
	v52 =	vand.u32 $0x1F, v40;
	v48 =	vand.u32 $0x1F, v48;
	v53 =	vld.idx.msk [tilespmem:v35+s24+$0x0], $0xffff;
	[tilespmem:v28+s21+$0x0] =	vst.idx.msk $0xffff, v43;
	v28 =	vmovc v42  }
0x21b: {  	v35 =	vshll.u32 v29, $0x8;
	v42 =	vshll.u32 v52, $0x8;
	v51 =	vshll.u32 v48, $0x8;
	v54 =	vld.idx.msk [tilespmem:v37+s24+$0x0], $0xffff;
	[tilespmem:v47+s21+$0x0] =	vst.idx.msk $0xffff, v50  }
0x21c: {  	v50 =	vor.u32 v6, v35;
	v36 =	vor.u32 v7, v35;
	v43 =	vld.idx.msk [tilespmem:v32+s24+$0x0], $0xffff;
	v32 =	vpack.i.f32.bf16 v41, v45  }
.Ltmp44:
0x21d: {  	v37 =	vadd.s32 s0, v0;
	v35 =	vor.u32 v7, v42;
	v40 =	vor.u32 v6, v51;
	[tilespmem:v38+s21+$0x0] =	vst.idx.msk $0xffff, v32;
	(pc) =	sbr.rel @p4 .LBB2_55-.Ltmp44, $4  }
0x21e: {  	v32 =	vor.u32 v7, v51;
	v38 =	vor.u32 v8, v44;
	v44 =	vand.u32 $0x1F, v37  }
0x21f: {  	v37 =	vor.u32 v6, v42;
	v47 =	vshll.u32 v44, $0x8;
	v51 =	vpack.i.f32.bf16 v49, v30;
	v41 =	vld.idx.msk [tilespmem:v31+s24+$0x0], $0xffff  }
0x220: {  	v31 =	vor.u32 v7, v47;
	v45 =	vld.idx.msk [tilespmem:v46+s24+$0x0], $0xffff;
	v46 =	vor.u32 v6, v47;
	v47 =	vor.u32 v8, v39  }
0x221: {  	v42 =	vor.u32 v8, v48;
	v39 =	vmov v52;
	v30 =	vld.idx.msk [tilespmem:v50+s24+$0x0], $0xffff;
	v50 =	vpack.i.f32.bf16 v53, v54  }
0x222: {  	v52 =	vmovc v28;
	v28 =	vmovc v42;
	v48 =	vmov v44;
	v49 =	vmov v46;
	v42 =	vmov v39  }
.LBB2_57:
0x223: {  	_ =	sdelay $0x3  }
0x224: {  	v39 =	vld.idx.msk [tilespmem:v40+s24+$0x0], $0xffff  }
0x225: {  	v36 =	vld.idx.msk [tilespmem:v36+s24+$0x0], $0xffff  }
0x226: {  	v35 =	vld.idx.msk [tilespmem:v35+s24+$0x0], $0xffff  }
0x227: {  	v37 =	vld.idx.msk [tilespmem:v37+s24+$0x0], $0xffff  }
0x228: {  	v29 =	vor.u32 v8, v29;
	v32 =	vld.idx.msk [tilespmem:v32+s24+$0x0], $0xffff  }
0x229: {  	[tilespmem:v33+s21+$0x0] =	vst.idx.msk @p3 $0xffff, v51;
	v31 =	vld.idx.msk [tilespmem:v31+s24+$0x0], $0xffff;
	v61 =	vor.u32 v8, v42  }
0x22a: {  	v33 =	vpack.i.f32.bf16 @p3 v43, v34;
	v60 =	vld.idx.msk [tilespmem:v49+s24+$0x0], $0xffff;
	[tilespmem:v47+s21+$0x0] =	vst.idx.msk @p3 $0xffff, v50  }
0x22b: {  	v62 =	vor.u32 v8, v48;
	[tilespmem:v52+s21+$0x0] =	vst.idx.msk @p3 $0xffff, v33;
	v40 =	vpack.i.f32.bf16 @p3 v41, v45  }
.Ltmp45:
0x22c: {  	[tilespmem:v38+s21+$0x0] =	vst.idx.msk @p3 $0xffff, v40;
	v30 =	vpack.i.f32.bf16 v36, v30;
	(pc) =	sbr.rel @!p2 .LBB2_58-.Ltmp45, $4  }
0x22d: {  	v63 =	vpack.i.f32.bf16 v35, v37;
	[tilespmem:v29+s21+$0x0] =	vst.idx.msk $0xffff, v30  }
0x22e: {  	v29 =	vpack.i.f32.bf16 v32, v39;
	[tilespmem:v61+s21+$0x0] =	vst.idx.msk $0xffff, v63  }
0x22f: {  	[tilespmem:v28+s21+$0x0] =	vst.idx.msk $0xffff, v29;
	v28 =	vpack.i.f32.bf16 v31, v60  }
0x230: {  	[tilespmem:v62+s21+$0x0] =	vst.idx.msk $0xffff, v28  }
0x231: {  	s0 =	simm.s32 $0x1  }
0x232: {  	v26 =	vadd.s32 s0, v0  }
0x233: {  	v29 =	vor.u32 v10, v27;
	v40 =	vand.u32 $0x1F, v26  }
0x234: {  	v26 =	vor.u32 v9, v27;
	v28 =	vshll.u32 v40, $0x8  }
0x235: {  	s30 =	simm.s32 $0x2;
	p3 =	por $0x1, $0x1;
	v30 =	vor.u32 v9, v28  }
.Ltmp46:
0x236: {  	v27 =	vadd.s32 s30, v0;
	(pc) =	sbr.rel @!p3 .LBB2_60-.Ltmp46, $4  }
0x237: {  	v41 =	vand.u32 $0x1F, v24;
	s24 =	simm.s32 $0x0;
	v42 =	vand.u32 $0x1F, v27  }
0x238: {  	v31 =	vshll.u32 v41, $0x8;
	v32 =	vor.u32 v10, v28;
	v24 =	vshll.u32 v42, $0x8;
	v28 =	vld.idx.msk [tilespmem:v29+s24+$0x0], $0xffff  }
0x239: {  	s31 =	simm.s32 $0x7;
	v35 =	vor.u32 v9, v31;
	v38 =	vor.u32 v10, v31;
	v33 =	vor.u32 v9, v24;
	v27 =	vld.idx.msk [tilespmem:v26+s24+$0x0], $0xffff  }
0x23a: {  	s25 =	simm.s32 $0x8;
	p2 =	por $0x1, $0x1;
	v34 =	vor.u32 v10, v24;
	v24 =	vadd.s32 s23, v0;
	v26 =	vadd.s32 s31, v0;
	v29 =	vld.idx.msk [tilespmem:v30+s24+$0x0], $0xffff  }
0x23b: {  	_ =	sdelay $0x2  }
0x23c: {  	s0 =	simm.s32 $0x5;
	v37 =	vand.u32 $0x1F, v26;
	v25 =	vor.u32 v11, v25  }
0x23d: {  	v26 =	vld.idx.msk [tilespmem:v32+s24+$0x0], $0xffff;
	v40 =	vor.u32 v11, v40;
	v30 =	vadd.s32 s0, v0;
	v31 =	vshll.u32 v37, $0x8  }
0x23e: {  	s23 =	simm.s32 $0x6;
	v45 =	vld.idx.msk [tilespmem:v33+s24+$0x0], $0xffff;
	v42 =	vor.u32 v11, v42;
	v39 =	vand.u32 $0x1F, v30;
	v46 =	vor.u32 v9, v31  }
0x23f: {  	v47 =	vld.idx.msk [tilespmem:v34+s24+$0x0], $0xffff;
	v61 =	vadd.s32 s23, v0;
	v48 =	vor.u32 v10, v31;
	v62 =	vshll.u32 v39, $0x8  }
0x240: {  	v44 =	vand.u32 $0x1F, v24;
	p3 =	por $0x1, $0x1;
	v43 =	vand.u32 $0x1F, v61;
	v30 =	vld.idx.msk [tilespmem:v35+s24+$0x0], $0xffff;
	v49 =	vor.u32 v9, v62  }
.Ltmp47:
0x241: {  	v31 =	vld.idx.msk [tilespmem:v38+s24+$0x0], $0xffff;
	v27 =	vpack.i.f32.bf16 v28, v27;
	v28 =	vshll.u32 v43, $0x8;
	v32 =	vor.u32 v10, v62;
	(pc) =	sbr.rel @!p3 .LBB2_62-.Ltmp47, $4  }
0x242: {  	v36 =	vor.u32 v11, v41;
	v33 =	vor.u32 v9, v28;
	v34 =	vor.u32 v10, v28  }
0x243: {  	[tilespmem:v25+s21+$0x0] =	vst.idx.msk $0xffff, v27;
	v24 =	vpack.i.f32.bf16 v26, v29;
	v25 =	vshll.u32 v44, $0x8;
	v27 =	vld.idx.msk [tilespmem:v46+s24+$0x0], $0xffff  }
0x244: {  	s31 =	simm.s32 $0xB;
	v63 =	vpack.i.f32.bf16 v47, v45;
	[tilespmem:v40+s21+$0x0] =	vst.idx.msk $0xffff, v24;
	v35 =	vor.u32 v9, v25;
	v28 =	vld.idx.msk [tilespmem:v48+s24+$0x0], $0xffff  }
0x245: {  	p1 =	por $0x1, $0x1;
	s23 =	simm.s32 $0xC;
	v26 =	vadd.s32 s31, v0;
	v24 =	vadd.s32 s25, v0;
	v38 =	vor.u32 v10, v25;
	[tilespmem:v42+s21+$0x0] =	vst.idx.msk $0xffff, v63;
	v29 =	vld.idx.msk [tilespmem:v49+s24+$0x0], $0xffff  }
.LBB2_63:
0x246: {  	p3 =	slt.u32 s23, $0x1C;
	s0 =	sadd.s32 $0x1, s25;
	s25 =	sadd.s32 $0x2, s25;
	v25 =	vld.idx.msk [tilespmem:v32+s24+$0x0], $0xffff;
	v40 =	vor.u32 v11, v37;
	v37 =	vand.u32 $0x1F, v26;
	v26 =	vpack.i.f32.bf16 v31, v30  }
0x247: {  	v30 =	vadd.s32 s0, v0;
	v31 =	vadd.s32 s25, v0;
	v32 =	vshll.u32 v37, $0x8;
	v41 =	vld.idx.msk [tilespmem:v33+s24+$0x0], $0xffff;
	[tilespmem:v36+s21+$0x0] =	vst.idx.msk $0xffff, v26;
	s25 =	smov.u32 s23  }
0x248: {  	v42 =	vor.u32 v11, v39;
	v26 =	vor.u32 v9, v32;
	v39 =	vand.u32 $0x1F, v30;
	v45 =	vld.idx.msk [tilespmem:v34+s24+$0x0], $0xffff  }
0x249: {  	v34 =	vand.u32 $0x1F, v31;
	v46 =	vor.u32 v10, v32;
	v33 =	vshll.u32 v39, $0x8;
	v30 =	vld.idx.msk [tilespmem:v35+s24+$0x0], $0xffff  }
0x24a: {  	v48 =	vor.u32 v11, v43;
	v27 =	vpack.i.f32.bf16 v28, v27;
	v47 =	vor.u32 v9, v33;
	v31 =	vld.idx.msk [tilespmem:v38+s24+$0x0], $0xffff  }
.Ltmp48:
0x24b: {  	v24 =	vand.u32 $0x1F, v24;
	v28 =	vshll.u32 v34, $0x8;
	v43 =	vmovc v34;
	v32 =	vor.u32 v10, v33;
	[tilespmem:v40+s21+$0x0] =	vst.idx.msk $0xffff, v27;
	(pc) =	sbr.rel @p3 .LBB2_63-.Ltmp48, $4  }
0x24c: {  	v36 =	vor.u32 v11, v44;
	v44 =	vmovc v24;
	s24 =	simm.s32 $0x0;
	v33 =	vor.u32 v9, v28;
	v25 =	vpack.i.f32.bf16 v25, v29  }
0x24d: {  	v34 =	vor.u32 v10, v28;
	v29 =	vshll.u32 v44, $0x8;
	v27 =	vld.idx.msk [tilespmem:v26+s24+$0x0], $0xffff;
	[tilespmem:v42+s21+$0x0] =	vst.idx.msk $0xffff, v25  }
0x24e: {  	s0 =	sadd.s32 $0x3, s23;
	v35 =	vor.u32 v9, v29;
	v25 =	vpack.i.f32.bf16 v45, v41;
	v28 =	vld.idx.msk [tilespmem:v46+s24+$0x0], $0xffff  }
0x24f: {  	s23 =	sadd.s32 $0x4, s23;
	v24 =	vadd.s32 s25, v0;
	v38 =	vor.u32 v10, v29;
	v26 =	vadd.s32 s0, v0;
	v29 =	vld.idx.msk [tilespmem:v47+s24+$0x0], $0xffff;
	[tilespmem:v48+s21+$0x0] =	vst.idx.msk $0xffff, v25  }
0x250: {  	s23 =	smov.u32 s25;
	v25 =	vmovc v37;
	v40 =	vmov v39;
	v42 =	vmov v43;
	v41 =	vmov v44  }
.LBB2_65:
0x251: {  	_ =	sdelay $0x1  }
0x252: {  	v26 =	vand.u32 $0x1F, v26  }
0x253: {  	s0 =	sadd.s32 $0x1, s23;
	v39 =	vshll.u32 v26, $0x8  }
0x254: {  	v32 =	vld.idx.msk @p2 [tilespmem:v32+s24+$0x0], $0xffff;
	v24 =	vand.u32 $0x1F, v24;
	v37 =	vadd.s32 s0, v0;
	v43 =	vor.u32 v9, v39  }
0x255: {  	v33 =	vld.idx.msk @p2 [tilespmem:v33+s24+$0x0], $0xffff;
	v49 =	vshll.u32 v24, $0x8;
	v37 =	vand.u32 $0x1F, v37;
	v39 =	vor.u32 v10, v39  }
0x256: {  	s28 =	sadd.s32 $0x2, s23;
	v34 =	vld.idx.msk @p2 [tilespmem:v34+s24+$0x0], $0xffff;
	v50 =	vor.u32 v9, v49;
	v45 =	vshll.u32 v37, $0x8  }
0x257: {  	v35 =	vld.idx.msk @p2 [tilespmem:v35+s24+$0x0], $0xffff;
	v30 =	vpack.i.f32.bf16 @p1 v31, v30;
	v44 =	vadd.s32 s28, v0;
	v46 =	vor.u32 v9, v45  }
0x258: {  	v38 =	vld.idx.msk @p2 [tilespmem:v38+s24+$0x0], $0xffff;
	s24 =	simm.s32 $0x0;
	v25 =	vor.u32 @p2 v11, v25;
	v44 =	vand.u32 $0x1F, v44;
	v45 =	vor.u32 v10, v45  }
0x259: {  	[tilespmem:v36+s21+$0x0] =	vst.idx.msk @p1 $0xffff, v30;
	v31 =	vor.u32 v10, v49;
	v47 =	vshll.u32 v44, $0x8;
	v43 =	vld.idx.msk [tilespmem:v43+s24+$0x0], $0xffff  }
0x25a: {  	v36 =	vor.u32 @p2 v11, v41;
	v27 =	vpack.i.f32.bf16 @p2 v28, v27;
	v48 =	vor.u32 v9, v47;
	v39 =	vld.idx.msk [tilespmem:v39+s24+$0x0], $0xffff  }
0x25b: {  	v47 =	vor.u32 v10, v47;
	v28 =	vpack.i.f32.bf16 @p2 v32, v29;
	v29 =	vor.u32 @p2 v11, v40;
	v59 =	vld.idx.msk [tilespmem:v50+s24+$0x0], $0xffff  }
0x25c: {  	v36 =	vpsel p2, v36, v0;
	v46 =	vld.idx.msk [tilespmem:v46+s24+$0x0], $0xffff  }
0x25d: {  	v33 =	vpack.i.f32.bf16 @p2 v34, v33;
	v34 =	vor.u32 @p2 v11, v42;
	v30 =	vld.idx.msk [tilespmem:v45+s24+$0x0], $0xffff  }
0x25e: {  	s29 =	simm.s32 $0x1;
	s30 =	simm.s32 $0x2;
	v60 =	vor.u32 v11, v26;
	v37 =	vor.u32 v11, v37;
	v38 =	vpsel p2, v38, v0;
	v31 =	vld.idx.msk [tilespmem:v31+s24+$0x0], $0xffff  }
0x25f: {  	v26 =	vadd.s32 s29, v0;
	v35 =	vpsel p2, v35, v0;
	[tilespmem:v25+s21+$0x0] =	vst.idx.msk @p2 $0xffff, v27;
	v27 =	vadd.s32 s30, v0;
	v57 =	vld.idx.msk [tilespmem:v48+s24+$0x0], $0xffff  }
0x260: {  	v35 =	vpack.i.f32.bf16 @p2 v38, v35;
	v58 =	vld.idx.msk [tilespmem:v47+s24+$0x0], $0xffff;
	[tilespmem:v29+s21+$0x0] =	vst.idx.msk @p2 $0xffff, v28;
	v28 =	vor.u32 v11, v24  }
0x261: {  	v44 =	vor.u32 v11, v44;
	v42 =	vand.u32 $0x1F, v27;
	[tilespmem:v36+s21+$0x0] =	vst.idx.msk @p2 $0xffff, v35;
	v29 =	vand.u32 $0x1F, v26  }
0x262: {  	v63 =	vshll.u32 v42, $0x8;
	[tilespmem:v34+s21+$0x0] =	vst.idx.msk @p2 $0xffff, v33;
	v61 =	vshll.u32 v29, $0x8;
	v24 =	vpack.i.f32.bf16 v30, v46  }
0x263: {  	s31 =	simm.s32 $0x3;
	p2 =	por $0x1, $0x1;
	v25 =	vpack.i.f32.bf16 v39, v43;
	v62 =	vor.u32 v12, v61;
	[tilespmem:v37+s21+$0x0] =	vst.idx.msk $0xffff, v24;
	v24 =	vadd.s32 s24, v0  }
.Ltmp49:
0x264: {  	v26 =	vadd.s32 s31, v0;
	v31 =	vpack.i.f32.bf16 v31, v59;
	[tilespmem:v60+s21+$0x0] =	vst.idx.msk $0xffff, v25;
	v48 =	vand.u32 $0x1F, v24;
	(pc) =	sbr.rel @!p2 .LBB2_66-.Ltmp49, $4  }
0x265: {  	v25 =	vand.u32 $0x1F, v26;
	v30 =	vpack.i.f32.bf16 v58, v57;
	[tilespmem:v28+s21+$0x0] =	vst.idx.msk $0xffff, v31;
	v28 =	vshll.u32 v48, $0x8  }
0x266: {  	v49 =	vor.u32 v12, v28;
	v31 =	vor.u32 v13, v28;
	v28 =	vor.u32 v14, v25  }
0x267: {  	v35 =	vor.u32 v13, v63;
	v36 =	vor.u32 v13, v61;
	v27 =	vshll.u32 v25, $0x8;
	[tilespmem:v44+s21+$0x0] =	vst.idx.msk $0xffff, v30  }
0x268: {  	s23 =	simm.s32 $0x4;
	p1 =	por $0x0, $0x0;
	v40 =	vor.u32 v12, v27;
	v32 =	vor.u32 v13, v27;
	v37 =	vor.u32 v12, v63;
	v30 =	vld.idx.msk [tilespmem:v62+s24+$0x0], $0xffff  }
0x269: {  	_ =	sdelay $0x2  }
0x26a: {  	s0 =	simm.s32 $0x5  }
0x26b: {  	s26 =	simm.s32 $0x7;
	v33 =	vor.u32 v14, v29;
	v34 =	vld.idx.msk [tilespmem:v40+s24+$0x0], $0xffff;
	v29 =	vadd.s32 s0, v0  }
0x26c: {  	s25 =	simm.s32 $0x6;
	v45 =	vld.idx.msk [tilespmem:v36+s24+$0x0], $0xffff;
	v63 =	vadd.s32 s23, v0;
	v60 =	vadd.s32 s26, v0;
	v29 =	vand.u32 $0x1F, v29  }
0x26d: {  	v52 =	vld.idx.msk [tilespmem:v35+s24+$0x0], $0xffff;
	v38 =	vadd.s32 s25, v0;
	v50 =	vand.u32 $0x1F, v60;
	v61 =	vshll.u32 v29, $0x8  }
0x26e: {  	v53 =	vld.idx.msk [tilespmem:v37+s24+$0x0], $0xffff;
	p4 =	por $0x1, $0x1;
	v44 =	vand.u32 $0x1F, v63;
	v62 =	vshll.u32 v50, $0x8;
	v54 =	vor.u32 v12, v61  }
.Ltmp50:
0x26f: {  	v43 =	vld.idx.msk [tilespmem:v32+s24+$0x0], $0xffff;
	v39 =	vand.u32 $0x1F, v38;
	v38 =	vor.u32 v14, v48;
	v40 =	vor.u32 v12, v62;
	(pc) =	sbr.rel @!p4 .LBB2_68-.Ltmp50, $4  }
0x270: {  	v47 =	vshll.u32 v44, $0x8;
	v41 =	vshll.u32 v39, $0x8;
	v36 =	vor.u32 v13, v61  }
0x271: {  	v46 =	vor.u32 v12, v47;
	v35 =	vor.u32 v13, v41;
	v37 =	vor.u32 v12, v41;
	v41 =	vld.idx.msk [tilespmem:v31+s24+$0x0], $0xffff  }
0x272: {  	v31 =	vor.u32 v13, v47;
	v47 =	vor.u32 v14, v42;
	v51 =	vpack.i.f32.bf16 v45, v30;
	v45 =	vld.idx.msk [tilespmem:v49+s24+$0x0], $0xffff  }
0x273: {  	p3 =	por $0x1, $0x1;
	s25 =	simm.s32 $0x8;
	v32 =	vor.u32 v13, v62;
	v42 =	vor.u32 v14, v50;
	v50 =	vpack.i.f32.bf16 v52, v53;
	v30 =	vld.idx.msk [tilespmem:v54+s24+$0x0], $0xffff  }
.LBB2_69:
0x274: {  	s0 =	sadd.s32 $0x1, s25;
	s26 =	sadd.s32 $0x2, s25;
	s28 =	sadd.s32 $0x3, s25;
	[tilespmem:v33+s21+$0x0] =	vst.idx.msk $0xffff, v51;
	v33 =	vor.u32 v14, v29;
	v43 =	vpack.i.f32.bf16 v43, v34;
	v34 =	vld.idx.msk [tilespmem:v40+s24+$0x0], $0xffff  }
0x275: {  	p4 =	slt.u32 s25, $0x1C;
	v29 =	vadd.s32 s0, v0;
	v40 =	vadd.s32 s26, v0;
	v48 =	vadd.s32 s28, v0;
	v49 =	vld.idx.msk [tilespmem:v36+s24+$0x0], $0xffff;
	s0 =	smov.u32 s25;
	s25 =	sadd.s32 $0x4, s25  }
0x276: {  	v29 =	vand.u32 $0x1F, v29;
	v52 =	vand.u32 $0x1F, v40;
	v48 =	vand.u32 $0x1F, v48;
	v53 =	vld.idx.msk [tilespmem:v35+s24+$0x0], $0xffff;
	[tilespmem:v28+s21+$0x0] =	vst.idx.msk $0xffff, v43;
	v28 =	vmovc v42  }
0x277: {  	v35 =	vshll.u32 v29, $0x8;
	v42 =	vshll.u32 v52, $0x8;
	v51 =	vshll.u32 v48, $0x8;
	v54 =	vld.idx.msk [tilespmem:v37+s24+$0x0], $0xffff;
	[tilespmem:v47+s21+$0x0] =	vst.idx.msk $0xffff, v50  }
0x278: {  	v50 =	vor.u32 v12, v35;
	v36 =	vor.u32 v13, v35;
	v43 =	vld.idx.msk [tilespmem:v32+s24+$0x0], $0xffff;
	v32 =	vpack.i.f32.bf16 v41, v45  }
.Ltmp51:
0x279: {  	v37 =	vadd.s32 s0, v0;
	v35 =	vor.u32 v13, v42;
	v40 =	vor.u32 v12, v51;
	[tilespmem:v38+s21+$0x0] =	vst.idx.msk $0xffff, v32;
	(pc) =	sbr.rel @p4 .LBB2_69-.Ltmp51, $4  }
0x27a: {  	v32 =	vor.u32 v13, v51;
	v38 =	vor.u32 v14, v44;
	v44 =	vand.u32 $0x1F, v37  }
0x27b: {  	v37 =	vor.u32 v12, v42;
	v47 =	vshll.u32 v44, $0x8;
	v51 =	vpack.i.f32.bf16 v49, v30;
	v41 =	vld.idx.msk [tilespmem:v31+s24+$0x0], $0xffff  }
0x27c: {  	v31 =	vor.u32 v13, v47;
	v45 =	vld.idx.msk [tilespmem:v46+s24+$0x0], $0xffff;
	v46 =	vor.u32 v12, v47;
	v47 =	vor.u32 v14, v39  }
0x27d: {  	v42 =	vor.u32 v14, v48;
	v39 =	vmov v52;
	v30 =	vld.idx.msk [tilespmem:v50+s24+$0x0], $0xffff;
	v50 =	vpack.i.f32.bf16 v53, v54  }
0x27e: {  	v52 =	vmovc v28;
	v28 =	vmovc v42;
	v48 =	vmov v44;
	v49 =	vmov v46;
	v42 =	vmov v39  }
.LBB2_71:
0x27f: {  	_ =	sdelay $0x3  }
0x280: {  	v39 =	vld.idx.msk [tilespmem:v40+s24+$0x0], $0xffff  }
0x281: {  	v36 =	vld.idx.msk [tilespmem:v36+s24+$0x0], $0xffff  }
0x282: {  	v35 =	vld.idx.msk [tilespmem:v35+s24+$0x0], $0xffff  }
0x283: {  	v37 =	vld.idx.msk [tilespmem:v37+s24+$0x0], $0xffff  }
0x284: {  	v29 =	vor.u32 v14, v29;
	v32 =	vld.idx.msk [tilespmem:v32+s24+$0x0], $0xffff  }
0x285: {  	[tilespmem:v33+s21+$0x0] =	vst.idx.msk @p3 $0xffff, v51;
	v31 =	vld.idx.msk [tilespmem:v31+s24+$0x0], $0xffff;
	v61 =	vor.u32 v14, v42  }
0x286: {  	v33 =	vpack.i.f32.bf16 @p3 v43, v34;
	v60 =	vld.idx.msk [tilespmem:v49+s24+$0x0], $0xffff;
	[tilespmem:v47+s21+$0x0] =	vst.idx.msk @p3 $0xffff, v50  }
0x287: {  	v62 =	vor.u32 v14, v48;
	[tilespmem:v52+s21+$0x0] =	vst.idx.msk @p3 $0xffff, v33;
	v40 =	vpack.i.f32.bf16 @p3 v41, v45  }
.Ltmp52:
0x288: {  	[tilespmem:v38+s21+$0x0] =	vst.idx.msk @p3 $0xffff, v40;
	v30 =	vpack.i.f32.bf16 v36, v30;
	(pc) =	sbr.rel @!p2 .LBB2_72-.Ltmp52, $4  }
0x289: {  	v63 =	vpack.i.f32.bf16 v35, v37;
	[tilespmem:v29+s21+$0x0] =	vst.idx.msk $0xffff, v30  }
0x28a: {  	v29 =	vpack.i.f32.bf16 v32, v39;
	[tilespmem:v61+s21+$0x0] =	vst.idx.msk $0xffff, v63  }
0x28b: {  	[tilespmem:v28+s21+$0x0] =	vst.idx.msk $0xffff, v29;
	v28 =	vpack.i.f32.bf16 v31, v60  }
0x28c: {  	[tilespmem:v62+s21+$0x0] =	vst.idx.msk $0xffff, v28  }
0x28d: {  	s0 =	simm.s32 $0x1  }
0x28e: {  	v26 =	vadd.s32 s0, v0  }
0x28f: {  	v29 =	vor.u32 v16, v27;
	v40 =	vand.u32 $0x1F, v26  }
0x290: {  	v26 =	vor.u32 v15, v27;
	v28 =	vshll.u32 v40, $0x8  }
0x291: {  	s30 =	simm.s32 $0x2;
	p3 =	por $0x1, $0x1;
	v30 =	vor.u32 v15, v28  }
.Ltmp53:
0x292: {  	v27 =	vadd.s32 s30, v0;
	(pc) =	sbr.rel @!p3 .LBB2_74-.Ltmp53, $4  }
0x293: {  	v41 =	vand.u32 $0x1F, v24;
	s24 =	simm.s32 $0x0;
	v42 =	vand.u32 $0x1F, v27  }
0x294: {  	v31 =	vshll.u32 v41, $0x8;
	v32 =	vor.u32 v16, v28;
	v24 =	vshll.u32 v42, $0x8;
	v28 =	vld.idx.msk [tilespmem:v29+s24+$0x0], $0xffff  }
0x295: {  	s31 =	simm.s32 $0x7;
	v35 =	vor.u32 v15, v31;
	v38 =	vor.u32 v16, v31;
	v33 =	vor.u32 v15, v24;
	v27 =	vld.idx.msk [tilespmem:v26+s24+$0x0], $0xffff  }
0x296: {  	s25 =	simm.s32 $0x8;
	p2 =	por $0x1, $0x1;
	v34 =	vor.u32 v16, v24;
	v24 =	vadd.s32 s23, v0;
	v26 =	vadd.s32 s31, v0;
	v29 =	vld.idx.msk [tilespmem:v30+s24+$0x0], $0xffff  }
0x297: {  	_ =	sdelay $0x2  }
0x298: {  	s0 =	simm.s32 $0x5;
	v37 =	vand.u32 $0x1F, v26;
	v25 =	vor.u32 v17, v25  }
0x299: {  	v26 =	vld.idx.msk [tilespmem:v32+s24+$0x0], $0xffff;
	v40 =	vor.u32 v17, v40;
	v30 =	vadd.s32 s0, v0;
	v31 =	vshll.u32 v37, $0x8  }
0x29a: {  	s23 =	simm.s32 $0x6;
	v45 =	vld.idx.msk [tilespmem:v33+s24+$0x0], $0xffff;
	v42 =	vor.u32 v17, v42;
	v39 =	vand.u32 $0x1F, v30;
	v46 =	vor.u32 v15, v31  }
0x29b: {  	v47 =	vld.idx.msk [tilespmem:v34+s24+$0x0], $0xffff;
	v61 =	vadd.s32 s23, v0;
	v48 =	vor.u32 v16, v31;
	v62 =	vshll.u32 v39, $0x8  }
0x29c: {  	v44 =	vand.u32 $0x1F, v24;
	p3 =	por $0x1, $0x1;
	v43 =	vand.u32 $0x1F, v61;
	v30 =	vld.idx.msk [tilespmem:v35+s24+$0x0], $0xffff;
	v49 =	vor.u32 v15, v62  }
.Ltmp54:
0x29d: {  	v31 =	vld.idx.msk [tilespmem:v38+s24+$0x0], $0xffff;
	v27 =	vpack.i.f32.bf16 v28, v27;
	v28 =	vshll.u32 v43, $0x8;
	v32 =	vor.u32 v16, v62;
	(pc) =	sbr.rel @!p3 .LBB2_76-.Ltmp54, $4  }
0x29e: {  	v36 =	vor.u32 v17, v41;
	v33 =	vor.u32 v15, v28;
	v34 =	vor.u32 v16, v28  }
0x29f: {  	[tilespmem:v25+s21+$0x0] =	vst.idx.msk $0xffff, v27;
	v24 =	vpack.i.f32.bf16 v26, v29;
	v25 =	vshll.u32 v44, $0x8;
	v27 =	vld.idx.msk [tilespmem:v46+s24+$0x0], $0xffff  }
0x2a0: {  	s31 =	simm.s32 $0xB;
	v63 =	vpack.i.f32.bf16 v47, v45;
	[tilespmem:v40+s21+$0x0] =	vst.idx.msk $0xffff, v24;
	v35 =	vor.u32 v15, v25;
	v28 =	vld.idx.msk [tilespmem:v48+s24+$0x0], $0xffff  }
0x2a1: {  	p1 =	por $0x1, $0x1;
	s23 =	simm.s32 $0xC;
	v26 =	vadd.s32 s31, v0;
	v24 =	vadd.s32 s25, v0;
	v38 =	vor.u32 v16, v25;
	[tilespmem:v42+s21+$0x0] =	vst.idx.msk $0xffff, v63;
	v29 =	vld.idx.msk [tilespmem:v49+s24+$0x0], $0xffff  }
.LBB2_77:
0x2a2: {  	p3 =	slt.u32 s23, $0x1C;
	s0 =	sadd.s32 $0x1, s25;
	s25 =	sadd.s32 $0x2, s25;
	v25 =	vld.idx.msk [tilespmem:v32+s24+$0x0], $0xffff;
	v40 =	vor.u32 v17, v37;
	v37 =	vand.u32 $0x1F, v26;
	v26 =	vpack.i.f32.bf16 v31, v30  }
0x2a3: {  	v30 =	vadd.s32 s0, v0;
	v31 =	vadd.s32 s25, v0;
	v32 =	vshll.u32 v37, $0x8;
	v41 =	vld.idx.msk [tilespmem:v33+s24+$0x0], $0xffff;
	[tilespmem:v36+s21+$0x0] =	vst.idx.msk $0xffff, v26;
	s25 =	smov.u32 s23  }
0x2a4: {  	v42 =	vor.u32 v17, v39;
	v26 =	vor.u32 v15, v32;
	v39 =	vand.u32 $0x1F, v30;
	v45 =	vld.idx.msk [tilespmem:v34+s24+$0x0], $0xffff  }
0x2a5: {  	v34 =	vand.u32 $0x1F, v31;
	v46 =	vor.u32 v16, v32;
	v33 =	vshll.u32 v39, $0x8;
	v30 =	vld.idx.msk [tilespmem:v35+s24+$0x0], $0xffff  }
0x2a6: {  	v48 =	vor.u32 v17, v43;
	v27 =	vpack.i.f32.bf16 v28, v27;
	v47 =	vor.u32 v15, v33;
	v31 =	vld.idx.msk [tilespmem:v38+s24+$0x0], $0xffff  }
.Ltmp55:
0x2a7: {  	v24 =	vand.u32 $0x1F, v24;
	v28 =	vshll.u32 v34, $0x8;
	v43 =	vmovc v34;
	v32 =	vor.u32 v16, v33;
	[tilespmem:v40+s21+$0x0] =	vst.idx.msk $0xffff, v27;
	(pc) =	sbr.rel @p3 .LBB2_77-.Ltmp55, $4  }
0x2a8: {  	v36 =	vor.u32 v17, v44;
	v44 =	vmovc v24;
	s24 =	simm.s32 $0x0;
	v33 =	vor.u32 v15, v28;
	v25 =	vpack.i.f32.bf16 v25, v29  }
0x2a9: {  	v34 =	vor.u32 v16, v28;
	v29 =	vshll.u32 v44, $0x8;
	v27 =	vld.idx.msk [tilespmem:v26+s24+$0x0], $0xffff;
	[tilespmem:v42+s21+$0x0] =	vst.idx.msk $0xffff, v25  }
0x2aa: {  	s0 =	sadd.s32 $0x3, s23;
	v35 =	vor.u32 v15, v29;
	v25 =	vpack.i.f32.bf16 v45, v41;
	v28 =	vld.idx.msk [tilespmem:v46+s24+$0x0], $0xffff  }
0x2ab: {  	s23 =	sadd.s32 $0x4, s23;
	v24 =	vadd.s32 s25, v0;
	v38 =	vor.u32 v16, v29;
	v26 =	vadd.s32 s0, v0;
	v29 =	vld.idx.msk [tilespmem:v47+s24+$0x0], $0xffff;
	[tilespmem:v48+s21+$0x0] =	vst.idx.msk $0xffff, v25  }
0x2ac: {  	s23 =	smov.u32 s25;
	v25 =	vmovc v37;
	v40 =	vmov v39;
	v42 =	vmov v43;
	v41 =	vmov v44  }
.LBB2_79:
0x2ad: {  	_ =	sdelay $0x1  }
0x2ae: {  	v26 =	vand.u32 $0x1F, v26  }
0x2af: {  	v39 =	vshll.u32 v26, $0x8  }
0x2b0: {  	s0 =	sadd.s32 $0x1, s23;
	v32 =	vld.idx.msk @p2 [tilespmem:v32+s24+$0x0], $0xffff;
	v24 =	vand.u32 $0x1F, v24;
	v43 =	vor.u32 v15, v39  }
0x2b1: {  	v33 =	vld.idx.msk @p2 [tilespmem:v33+s24+$0x0], $0xffff;
	v37 =	vadd.s32 s0, v0;
	v49 =	vshll.u32 v24, $0x8;
	v39 =	vor.u32 v16, v39  }
0x2b2: {  	s28 =	sadd.s32 $0x2, s23;
	v34 =	vld.idx.msk @p2 [tilespmem:v34+s24+$0x0], $0xffff;
	v30 =	vpack.i.f32.bf16 @p1 v31, v30;
	v37 =	vand.u32 $0x1F, v37;
	v50 =	vor.u32 v15, v49  }
0x2b3: {  	v35 =	vld.idx.msk @p2 [tilespmem:v35+s24+$0x0], $0xffff;
	v44 =	vadd.s32 s28, v0;
	v31 =	vor.u32 v16, v49;
	v45 =	vshll.u32 v37, $0x8  }
0x2b4: {  	v38 =	vld.idx.msk @p2 [tilespmem:v38+s24+$0x0], $0xffff;
	s23 =	simm.s32 $0x0;
	v44 =	vand.u32 $0x1F, v44;
	v46 =	vor.u32 v15, v45  }
0x2b5: {  	v25 =	vor.u32 @p2 v17, v25;
	v47 =	vshll.u32 v44, $0x8;
	v45 =	vor.u32 v16, v45;
	v43 =	vld.idx.msk [tilespmem:v43+s23+$0x0], $0xffff  }
0x2b6: {  	[tilespmem:v36+s21+$0x0] =	vst.idx.msk @p1 $0xffff, v30;
	v36 =	vor.u32 @p2 v17, v41;
	v48 =	vor.u32 v15, v47;
	v39 =	vld.idx.msk [tilespmem:v39+s23+$0x0], $0xffff  }
0x2b7: {  	v36 =	vpsel p2, v36, v0;
	v47 =	vor.u32 v16, v47;
	v60 =	vld.idx.msk [tilespmem:v50+s23+$0x0], $0xffff  }
0x2b8: {  	v27 =	vpack.i.f32.bf16 @p2 v28, v27;
	v28 =	vpack.i.f32.bf16 @p2 v32, v29;
	v29 =	vor.u32 @p2 v17, v40;
	v31 =	vld.idx.msk [tilespmem:v31+s23+$0x0], $0xffff  }
0x2b9: {  	v26 =	vor.u32 v17, v26;
	v33 =	vpack.i.f32.bf16 @p2 v34, v33;
	v34 =	vor.u32 @p2 v17, v42;
	v46 =	vld.idx.msk [tilespmem:v46+s23+$0x0], $0xffff  }
0x2ba: {  	s29 =	simm.s32 $0x1;
	v62 =	vor.u32 v17, v24;
	v38 =	vpsel p2, v38, v0;
	v35 =	vpsel p2, v35, v0;
	v30 =	vld.idx.msk [tilespmem:v45+s23+$0x0], $0xffff  }
0x2bb: {  	[tilespmem:v25+s21+$0x0] =	vst.idx.msk @p2 $0xffff, v27;
	v25 =	vadd.s32 s29, v0;
	v35 =	vpack.i.f32.bf16 @p2 v38, v35;
	v58 =	vld.idx.msk [tilespmem:v48+s23+$0x0], $0xffff  }
0x2bc: {  	s30 =	simm.s32 $0x2;
	v37 =	vor.u32 v17, v37;
	v24 =	vand.u32 $0x1F, v25;
	[tilespmem:v36+s21+$0x0] =	vst.idx.msk @p2 $0xffff, v35;
	v59 =	vld.idx.msk [tilespmem:v47+s23+$0x0], $0xffff  }
0x2bd: {  	s31 =	simm.s32 $0x3;
	v61 =	vor.u32 v17, v44;
	v25 =	vadd.s32 s30, v0;
	[tilespmem:v29+s21+$0x0] =	vst.idx.msk @p2 $0xffff, v28;
	v28 =	vshll.u32 v24, $0x8  }
0x2be: {  	v25 =	vand.u32 $0x1F, v25;
	[tilespmem:v34+s21+$0x0] =	vst.idx.msk @p2 $0xffff, v33;
	v29 =	vadd.s32 s31, v0;
	v63 =	vor.u32 v18, v28  }
0x2bf: {  	p2 =	por $0x1, $0x1;
	v27 =	vpack.i.f32.bf16 v39, v43;
	v31 =	vpack.i.f32.bf16 v31, v60;
	v39 =	vor.u32 v21, v28  }
.Ltmp56:
0x2c0: {  	[tilespmem:v26+s21+$0x0] =	vst.idx.msk $0xffff, v27;
	v27 =	vand.u32 $0x1F, v29;
	v29 =	vshll.u32 v25, $0x8;
	v30 =	vpack.i.f32.bf16 v30, v46;
	(pc) =	sbr.rel @!p2 .LBB2_80-.Ltmp56, $4  }
0x2c1: {  	v26 =	vadd.s32 s23, v0;
	v32 =	vpack.i.f32.bf16 v59, v58;
	v38 =	vor.u32 v21, v29;
	[tilespmem:v37+s21+$0x0] =	vst.idx.msk $0xffff, v30  }
0x2c2: {  	v26 =	vand.u32 $0x1F, v26;
	v30 =	vshll.u32 v27, $0x8;
	[tilespmem:v61+s21+$0x0] =	vst.idx.msk $0xffff, v32;
	v32 =	vor.u32 v20, v27  }
0x2c3: {  	[tilespmem:v62+s21+$0x0] =	vst.idx.msk $0xffff, v31;
	v40 =	vor.u32 v18, v29;
	v31 =	vshll.u32 v26, $0x8;
	v45 =	vor.u32 v18, v30  }
0x2c4: {  	s24 =	simm.s32 $0x4;
	p1 =	por $0x0, $0x0;
	v35 =	vor.u32 v21, v30;
	v51 =	vor.u32 v18, v31;
	v34 =	vor.u32 v21, v31;
	v33 =	vld.idx.msk [tilespmem:v63+s23+$0x0], $0xffff  }
0x2c5: {  	_ =	sdelay $0x2  }
0x2c6: {  	s0 =	simm.s32 $0x5  }
0x2c7: {  	s26 =	simm.s32 $0x7;
	v36 =	vor.u32 v20, v24;
	v37 =	vld.idx.msk [tilespmem:v45+s23+$0x0], $0xffff;
	v41 =	vadd.s32 s0, v0  }
0x2c8: {  	s25 =	simm.s32 $0x6;
	v48 =	vld.idx.msk [tilespmem:v39+s23+$0x0], $0xffff;
	v63 =	vadd.s32 s24, v0;
	v44 =	vadd.s32 s26, v0;
	v42 =	vand.u32 $0x1F, v41  }
0x2c9: {  	v54 =	vld.idx.msk [tilespmem:v38+s23+$0x0], $0xffff;
	v43 =	vadd.s32 s25, v0;
	v52 =	vand.u32 $0x1F, v44;
	v62 =	vshll.u32 v42, $0x8  }
0x2ca: {  	v55 =	vld.idx.msk [tilespmem:v40+s23+$0x0], $0xffff;
	p4 =	por $0x1, $0x1;
	v41 =	vand.u32 $0x1F, v43;
	v44 =	vshll.u32 v52, $0x8;
	v56 =	vor.u32 v18, v62  }
.Ltmp57:
0x2cb: {  	v47 =	vld.idx.msk [tilespmem:v35+s23+$0x0], $0xffff;
	v43 =	vand.u32 $0x1F, v63;
	v46 =	vshll.u32 v41, $0x8;
	v45 =	vor.u32 v18, v44;
	(pc) =	sbr.rel @!p4 .LBB2_82-.Ltmp57, $4  }
0x2cc: {  	v50 =	vshll.u32 v43, $0x8;
	v39 =	vor.u32 v21, v62;
	v38 =	vor.u32 v21, v46  }
0x2cd: {  	v35 =	vor.u32 v21, v44;
	v40 =	vor.u32 v18, v46;
	v46 =	vld.idx.msk [tilespmem:v34+s23+$0x0], $0xffff;
	v49 =	vor.u32 v18, v50  }
0x2ce: {  	v34 =	vor.u32 v21, v50;
	v50 =	vor.u32 v20, v25;
	v53 =	vpack.i.f32.bf16 v48, v33;
	v48 =	vld.idx.msk [tilespmem:v51+s23+$0x0], $0xffff  }
0x2cf: {  	p3 =	por $0x1, $0x1;
	s25 =	simm.s32 $0x8;
	v44 =	vor.u32 v20, v26;
	v51 =	vor.u32 v20, v52;
	v52 =	vpack.i.f32.bf16 v54, v55;
	v33 =	vld.idx.msk [tilespmem:v56+s23+$0x0], $0xffff  }
.LBB2_83:
0x2d0: {  	s0 =	sadd.s32 $0x1, s25;
	s26 =	sadd.s32 $0x2, s25;
	s28 =	sadd.s32 $0x3, s25;
	[tilespmem:v36+s21+$0x0] =	vst.idx.msk $0xffff, v53;
	v36 =	vor.u32 v20, v42;
	v47 =	vpack.i.f32.bf16 v47, v37;
	v37 =	vld.idx.msk [tilespmem:v45+s23+$0x0], $0xffff  }
0x2d1: {  	p4 =	slt.u32 s25, $0x1C;
	v42 =	vadd.s32 s0, v0;
	v45 =	vadd.s32 s26, v0;
	v53 =	vadd.s32 s28, v0;
	v54 =	vld.idx.msk [tilespmem:v39+s23+$0x0], $0xffff;
	s0 =	smov.u32 s25;
	s25 =	sadd.s32 $0x4, s25  }
0x2d2: {  	v42 =	vand.u32 $0x1F, v42;
	v55 =	vand.u32 $0x1F, v45;
	v56 =	vand.u32 $0x1F, v53;
	v57 =	vld.idx.msk [tilespmem:v38+s23+$0x0], $0xffff;
	[tilespmem:v32+s21+$0x0] =	vst.idx.msk $0xffff, v47;
	v32 =	vmovc v51  }
0x2d3: {  	v38 =	vshll.u32 v42, $0x8;
	v51 =	vshll.u32 v55, $0x8;
	v53 =	vshll.u32 v56, $0x8;
	v58 =	vld.idx.msk [tilespmem:v40+s23+$0x0], $0xffff;
	[tilespmem:v50+s21+$0x0] =	vst.idx.msk $0xffff, v52  }
0x2d4: {  	v52 =	vor.u32 v18, v38;
	v39 =	vor.u32 v21, v38;
	v47 =	vld.idx.msk [tilespmem:v35+s23+$0x0], $0xffff;
	v35 =	vpack.i.f32.bf16 v46, v48  }
.Ltmp58:
0x2d5: {  	v40 =	vadd.s32 s0, v0;
	v38 =	vor.u32 v21, v51;
	v45 =	vor.u32 v18, v53;
	[tilespmem:v44+s21+$0x0] =	vst.idx.msk $0xffff, v35;
	(pc) =	sbr.rel @p4 .LBB2_83-.Ltmp58, $4  }
0x2d6: {  	v35 =	vor.u32 v21, v53;
	v44 =	vor.u32 v20, v43;
	v43 =	vand.u32 $0x1F, v40  }
0x2d7: {  	v40 =	vor.u32 v18, v51;
	v50 =	vshll.u32 v43, $0x8;
	v53 =	vpack.i.f32.bf16 v54, v33;
	v46 =	vld.idx.msk [tilespmem:v34+s23+$0x0], $0xffff  }
0x2d8: {  	v34 =	vor.u32 v21, v50;
	v48 =	vld.idx.msk [tilespmem:v49+s23+$0x0], $0xffff;
	v49 =	vor.u32 v18, v50;
	v50 =	vor.u32 v20, v41  }
0x2d9: {  	v51 =	vor.u32 v20, v56;
	v41 =	vmov v55;
	v33 =	vld.idx.msk [tilespmem:v52+s23+$0x0], $0xffff;
	v52 =	vpack.i.f32.bf16 v57, v58  }
0x2da: {  	v18 =	vmov v32;
	v32 =	vmov v51;
	v51 =	vmov v49  }
.LBB2_85:
0x2db: {  	_ =	sdelay $0x3  }
0x2dc: {  	v21 =	vld.idx.msk [tilespmem:v45+s23+$0x0], $0xffff  }
0x2dd: {  	v39 =	vld.idx.msk [tilespmem:v39+s23+$0x0], $0xffff  }
0x2de: {  	v38 =	vld.idx.msk [tilespmem:v38+s23+$0x0], $0xffff  }
0x2df: {  	v35 =	vld.idx.msk [tilespmem:v35+s23+$0x0], $0xffff  }
0x2e0: {  	v42 =	vor.u32 v20, v42;
	[tilespmem:v36+s21+$0x0] =	vst.idx.msk @p3 $0xffff, v53;
	v36 =	vpack.i.f32.bf16 @p3 v47, v37;
	v34 =	vld.idx.msk [tilespmem:v34+s23+$0x0], $0xffff  }
0x2e1: {  	[tilespmem:v18+s21+$0x0] =	vst.idx.msk @p3 $0xffff, v36;
	v18 =	vld.idx.msk [tilespmem:v51+s23+$0x0], $0xffff  }
0x2e2: {  	v40 =	vld.idx.msk [tilespmem:v40+s23+$0x0], $0xffff;
	v61 =	vor.u32 v20, v41;
	v20 =	vor.u32 v20, v43  }
0x2e3: {  	[tilespmem:v50+s21+$0x0] =	vst.idx.msk @p3 $0xffff, v52;
	v37 =	vpack.i.f32.bf16 @p3 v46, v48  }
0x2e4: {  	v62 =	vor.u32 v19, v28;
	[tilespmem:v44+s21+$0x0] =	vst.idx.msk @p3 $0xffff, v37;
	v33 =	vpack.i.f32.bf16 v39, v33  }
.Ltmp59:
0x2e5: {  	v43 =	vor.u32 v19, v31;
	v21 =	vpack.i.f32.bf16 v35, v21;
	[tilespmem:v42+s21+$0x0] =	vst.idx.msk $0xffff, v33;
	(pc) =	sbr.rel @!p2 .LBB2_86-.Ltmp59, $4  }
0x2e6: {  	v36 =	vor.u32 v19, v30;
	[tilespmem:v32+s21+$0x0] =	vst.idx.msk $0xffff, v21;
	v18 =	vpack.i.f32.bf16 v34, v18  }
0x2e7: {  	v63 =	vpack.i.f32.bf16 v38, v40;
	[tilespmem:v20+s21+$0x0] =	vst.idx.msk $0xffff, v18;
	v18 =	vor.u32 v22, v27  }
0x2e8: {  	[tilespmem:v61+s21+$0x0] =	vst.idx.msk $0xffff, v63;
	v33 =	vor.u32 v23, v28;
	v32 =	vor.u32 v23, v29  }
0x2e9: {  	v28 =	vor.u32 v23, v30;
	v30 =	vor.u32 v19, v29;
	v21 =	vor.u32 v23, v31;
	v20 =	vld.idx.msk [tilespmem:v62+s4+$0x0], $0xffff  }
0x2ea: {  	_ =	sdelay $0x2  }
0x2eb: {  	s0 =	simm.s32 $0x5  }
0x2ec: {  	s23 =	simm.s32 $0x6;
	s25 =	simm.s32 $0x7;
	v27 =	vor.u32 v22, v24;
	v39 =	vld.idx.msk [tilespmem:v33+s4+$0x0], $0xffff;
	v24 =	vadd.s32 s0, v0  }
0x2ed: {  	v45 =	vld.idx.msk [tilespmem:v32+s4+$0x0], $0xffff;
	v31 =	vadd.s32 s23, v0;
	v35 =	vadd.s32 s25, v0;
	v24 =	vand.u32 $0x1F, v24  }
0x2ee: {  	v46 =	vld.idx.msk [tilespmem:v30+s4+$0x0], $0xffff;
	v34 =	vand.u32 $0x1F, v31;
	v42 =	vand.u32 $0x1F, v35;
	v31 =	vshll.u32 v24, $0x8  }
0x2ef: {  	v37 =	vld.idx.msk [tilespmem:v28+s4+$0x0], $0xffff;
	v28 =	vadd.s32 s24, v0;
	p2 =	por $0x1, $0x1;
	v40 =	vshll.u32 v42, $0x8;
	v47 =	vor.u32 v19, v31  }
.Ltmp60:
0x2f0: {  	v29 =	vld.idx.msk [tilespmem:v36+s4+$0x0], $0xffff;
	v41 =	vor.u32 v22, v25;
	v38 =	vand.u32 $0x1F, v28;
	v36 =	vor.u32 v19, v40;
	(pc) =	sbr.rel @!p2 .LBB2_88-.Ltmp60, $4  }
0x2f1: {  	v63 =	vshll.u32 v34, $0x8;
	v25 =	vor.u32 v22, v42;
	v33 =	vor.u32 v23, v31  }
0x2f2: {  	v35 =	vld.idx.msk [tilespmem:v21+s4+$0x0], $0xffff;
	v32 =	vor.u32 v23, v63;
	v28 =	vor.u32 v23, v40;
	v31 =	vor.u32 v22, v26  }
0x2f3: {  	v26 =	vshll.u32 v38, $0x8;
	v30 =	vor.u32 v19, v63;
	v44 =	vpack.i.f32.bf16 v39, v20;
	v39 =	vld.idx.msk [tilespmem:v43+s4+$0x0], $0xffff  }
0x2f4: {  	p1 =	por $0x1, $0x1;
	s23 =	simm.s32 $0x8;
	v40 =	vor.u32 v19, v26;
	v21 =	vor.u32 v23, v26;
	v42 =	vpack.i.f32.bf16 v45, v46;
	v20 =	vld.idx.msk [tilespmem:v47+s4+$0x0], $0xffff  }
.LBB2_89:
0x2f5: {  	s0 =	sadd.s32 $0x1, s23;
	s24 =	sadd.s32 $0x2, s23;
	s25 =	sadd.s32 $0x3, s23;
	[tilespmem:v27+s21+$0x0] =	vst.idx.msk $0xffff, v44;
	v27 =	vor.u32 v22, v24;
	v26 =	vpack.i.f32.bf16 v37, v29;
	v29 =	vld.idx.msk [tilespmem:v36+s4+$0x0], $0xffff  }
0x2f6: {  	p2 =	slt.u32 s23, $0x1C;
	v24 =	vadd.s32 s0, v0;
	v36 =	vadd.s32 s24, v0;
	v37 =	vadd.s32 s25, v0;
	v43 =	vld.idx.msk [tilespmem:v33+s4+$0x0], $0xffff;
	s0 =	smov.u32 s23;
	s23 =	sadd.s32 $0x4, s23  }
0x2f7: {  	v24 =	vand.u32 $0x1F, v24;
	v45 =	vand.u32 $0x1F, v36;
	v46 =	vand.u32 $0x1F, v37;
	v47 =	vld.idx.msk [tilespmem:v32+s4+$0x0], $0xffff;
	[tilespmem:v18+s21+$0x0] =	vst.idx.msk $0xffff, v26;
	v18 =	vmovc v25  }
0x2f8: {  	v25 =	vshll.u32 v24, $0x8;
	v26 =	vshll.u32 v45, $0x8;
	v44 =	vshll.u32 v46, $0x8;
	v48 =	vld.idx.msk [tilespmem:v30+s4+$0x0], $0xffff;
	[tilespmem:v41+s21+$0x0] =	vst.idx.msk $0xffff, v42  }
0x2f9: {  	v42 =	vor.u32 v19, v25;
	v33 =	vor.u32 v23, v25;
	v37 =	vld.idx.msk [tilespmem:v28+s4+$0x0], $0xffff;
	v25 =	vpack.i.f32.bf16 v35, v39  }
.Ltmp61:
0x2fa: {  	v30 =	vadd.s32 s0, v0;
	v32 =	vor.u32 v23, v26;
	v36 =	vor.u32 v19, v44;
	[tilespmem:v31+s21+$0x0] =	vst.idx.msk $0xffff, v25;
	(pc) =	sbr.rel @p2 .LBB2_89-.Ltmp61, $4  }
0x2fb: {  	v28 =	vor.u32 v23, v44;
	v31 =	vor.u32 v22, v38;
	v38 =	vand.u32 $0x1F, v30  }
0x2fc: {  	v30 =	vor.u32 v19, v26;
	v25 =	vshll.u32 v38, $0x8;
	v44 =	vpack.i.f32.bf16 v43, v20;
	v35 =	vld.idx.msk [tilespmem:v21+s4+$0x0], $0xffff  }
0x2fd: {  	v41 =	vor.u32 v22, v34;
	v21 =	vor.u32 v23, v25;
	v39 =	vld.idx.msk [tilespmem:v40+s4+$0x0], $0xffff;
	v40 =	vor.u32 v19, v25  }
0x2fe: {  	v34 =	vmov v45;
	v25 =	vor.u32 v22, v46;
	v20 =	vld.idx.msk [tilespmem:v42+s4+$0x0], $0xffff;
	v42 =	vpack.i.f32.bf16 v47, v48  }
.Ltmp62:
0x2ff: {  	(pc) =	sbr.rel .LBB2_91-.Ltmp62, $2  }
0x300: {  	_ =	sdelay $0x2  }
0x301: {  	v19 =	vmovc v18;
	v18 =	vmovc v25;
	v26 =	vmov v38;
	v43 =	vmov v40;
	v25 =	vmov v34  }
.LBB2_52:
.Ltmp63:
0x302: {  	(pc) =	sbr.rel .LBB2_57-.Ltmp63, $2  }
0x303: {  	_ =	sdelay $0x2  }
0x304: {  	p3 =	por $0x0, $0x0  }
.LBB2_58:
.Ltmp64:
0x305: {  	(pc) =	sbr.rel .LBB2_65-.Ltmp64, $2  }
0x306: {  	_ =	sdelay $0x2  }
0x307: {  	s23 =	simm.s32 $0x0;
	p2 =	por $0x0, $0x0  }
.LBB2_66:
.Ltmp65:
0x308: {  	(pc) =	sbr.rel .LBB2_71-.Ltmp65, $2  }
0x309: {  	_ =	sdelay $0x2  }
0x30a: {  	p3 =	por $0x0, $0x0  }
.LBB2_72:
.Ltmp66:
0x30b: {  	(pc) =	sbr.rel .LBB2_79-.Ltmp66, $2  }
0x30c: {  	_ =	sdelay $0x2  }
0x30d: {  	s23 =	simm.s32 $0x0;
	p2 =	por $0x0, $0x0  }
.LBB2_80:
.Ltmp67:
0x30e: {  	(pc) =	sbr.rel .LBB2_85-.Ltmp67, $2  }
0x30f: {  	_ =	sdelay $0x2  }
0x310: {  	v42 =	vmov v24;
	v43 =	vmov v26;
	v41 =	vmov v25;
	p3 =	por $0x0, $0x0  }
.LBB2_54:
.Ltmp68:
0x311: {  	(pc) =	sbr.rel .LBB2_57-.Ltmp68, $2  }
0x312: {  	_ =	sdelay $0x2  }
0x313: {  	v52 =	vmovc v28;
	v28 =	vmovc v42;
	v48 =	vmov v44;
	v49 =	vmov v46;
	v42 =	vmov v39  }
.LBB2_60:
.Ltmp69:
0x314: {  	(pc) =	sbr.rel .LBB2_65-.Ltmp69, $2  }
0x315: {  	_ =	sdelay $0x2  }
0x316: {  	_ = 	snop  }
.LBB2_68:
.Ltmp70:
0x317: {  	(pc) =	sbr.rel .LBB2_71-.Ltmp70, $2  }
0x318: {  	_ =	sdelay $0x2  }
0x319: {  	v52 =	vmovc v28;
	v28 =	vmovc v42;
	v48 =	vmov v44;
	v49 =	vmov v46;
	v42 =	vmov v39  }
.LBB2_74:
.Ltmp71:
0x31a: {  	(pc) =	sbr.rel .LBB2_79-.Ltmp71, $2  }
0x31b: {  	_ =	sdelay $0x2  }
0x31c: {  	_ = 	snop  }
.LBB2_82:
.Ltmp72:
0x31d: {  	(pc) =	sbr.rel .LBB2_85-.Ltmp72, $2  }
0x31e: {  	_ =	sdelay $0x2  }
0x31f: {  	v18 =	vmov v32;
	v32 =	vmov v51;
	v51 =	vmov v49  }
.LBB2_88:
.Ltmp73:
0x320: {  	(pc) =	sbr.rel .LBB2_91-.Ltmp73, $2  }
0x321: {  	_ =	sdelay $0x2  }
0x322: {  	v19 =	vmovc v18;
	v18 =	vmovc v25;
	v26 =	vmov v38;
	v43 =	vmov v40;
	v25 =	vmov v34  }
.LBB2_62:
.Ltmp74:
0x323: {  	(pc) =	sbr.rel .LBB2_65-.Ltmp74, $2  }
0x324: {  	_ =	sdelay $0x2  }
0x325: {  	s23 =	simm.s32 $0x8;
	v25 =	vmovc v37;
	v40 =	vmov v39;
	v42 =	vmov v43;
	v41 =	vmov v44  }
.LBB2_76:
.Ltmp75:
0x326: {  	(pc) =	sbr.rel .LBB2_79-.Ltmp75, $2  }
0x327: {  	_ =	sdelay $0x2  }
0x328: {  	s23 =	simm.s32 $0x8;
	v25 =	vmovc v37;
	v40 =	vmov v39;
	v42 =	vmov v43;
	v41 =	vmov v44  }
.LBB2_93:
0x329: {  	_ =	sfence.sel $0x180000  }
0x32a: {  	[bflag:$0x0] =	sbarrier.arrive $0xFFFF  }
0x32b: {  	_ =	strace $0x90000047  }
0x32c: {  	[bflag:$0x2] =	sbarrier.arrive $0xFFFF  }
0x32d: {  	p0 =	sne.s32 s3, $0x0;
	s0 =	rddreg [dreg:$0x3]  }
0x32e: {  	s0 =	sadd.s32 @!p0 $0x100000, s0  }
0x32f: {  	[sflag:s0] =	ssyncadd.tile.s32 @!p0 $0x1;
	_ =	shalt  }
.Lfunc_end2:
_tile_overlayer_lowered:
.L_overlay_start_2:
0x330: {  	(tag) =	ssettag $0x2  }
0x331: {  	s0 =	rddreg [dreg:$0x0];
	s2 =	stileid.u32  }
0x332: {  	s1 =	rddreg [dreg:$0x1];
	p0 =	sne.s32 s2, $0x0  }
0x333: {  	s3 =	rddreg [dreg:$0x2];
	[bflag:$0x3] =	sbarrier.arrive $0xFFFF;
	s2 =	simm.s32 @!p0 $0x1C07  }
0x334: {  	[timem:s3], [sflag:s2] =	dma.local @!p0 [hbm:s0], s1  }
0x335: {  	s0 =	simm.s32 @!p0 $0x7  }
0x336: {  	_ =	swait.ge @!p0 [sflag:s0], s1  }
0x337: {  	s1 =	ssub.s32 @!p0 $0x0, s1;
	[sflag:s0] =	ssyncset.done @!p0 $0x0  }
0x338: {  	[sflag:s0] =	ssyncadd.s32 @!p0 s1  }
0x339: {  	[bflag:$0x3] =	sbarrier.arrive $0xFFFF  }
0x33a: {  	_ =	shalt  }

// kernel: _embed.7.cloned.1.call-start
scs
__scs_entry_jumppad:
0x0: {  	(pc) =	sbr.rel $0x88, $3  }
0x1: {  	(tag) =	ssettag $0x0;
	lr =	simm.s32 $0x1  }
0x2: {  	[smem:$0x3F9E] =	sst lr;
	_ =	strace $0xD0000000  }
0x3: {  	_ = 	snop  }
0x4: {  	_ = 	snop  }
0x5: {  	_ = 	snop  }
0x6: {  	_ = 	snop  }
0x7: {  	_ = 	snop  }
__scs_overlays_trampoline_lowered:
0x8: {  	[smem:$0x3FAD] =	sst s0  }
0x9: {  	[smem:$0x3FAE] =	sst s1  }
0xa: {  	[smem:$0x3FAF] =	sst s2  }
0xb: {  	[smem:$0x3FB0] =	sst s3  }
0xc: {  	[smem:$0x3FB1] =	sst s4  }
0xd: {  	[smem:$0x3FB2] =	sst s5  }
0xe: {  	[smem:$0x3FB3] =	sst s6  }
0xf: {  	[smem:$0x3FB4] =	sst s7  }
0x10: {  	[smem:$0x3FB5] =	sst s8  }
0x11: {  	[smem:$0x3FB6] =	sst s9;
	s0 =	simm.s32 @!p0 $0x0  }
0x12: {  	s1 =	sld [smem:$0x3F9C];
	s0 =	simm.s32 @p0 $0x1  }
0x13: {  	[smem:$0x3FB7] =	sst s0;
	s0 =	simm.s32 @!p1 $0x0  }
0x14: {  	s2 =	sld [smem:$0x3F9B];
	s0 =	simm.s32 @p1 $0x1  }
0x15: {  	[smem:$0x3FB8] =	sst s0;
	s0 =	simm.s32 @!p2 $0x0  }
0x16: {  	s3 =	sld [smem:$0x3FDB];
	s0 =	simm.s32 @p2 $0x1  }
0x17: {  	s4 =	simm.s32 $0x1BF5;
	[smem:$0x3FBA] =	sst s0  }
0x18: {  	s0 =	sld [smem:$0x3F9D];
	_ =	swait.ge [sflag:s4], $0x0  }
0x19: {  	s7 =	sld [smem:$0x3F9E]  }
0x1a: {  	s8 =	sadd.s32 $0xFFFFE003, lr  }
0x1b: {  	s9 =	sadd.s32 $0xFFFFFEF7, lr;
	s5 =	simm.s32 $0xFFFFFFFF;
	p2 =	slt.u32 s8, $0xFFFFF086  }
0x1c: {  	p1 =	slt.u32 s9, $0xF7A;
	s5 =	simm.s32 @!p2 $0x0  }
0x1d: {  	s5 =	simm.s32 @p1 $0x1;
	p0 =	seq.s32 s7, s2  }
0x1e: {  	s7 =	smul.u32 @!p0 $0xF7A, s2;
	p2 =	seq.s32 @!p0 s5, $0x0  }
0x1f: {  	s9 =	smul.u32 $0xF7A, s1;
	s8 =	simm.s32 @!p0 $0x1BF5;
	p2 =	por !p2, p0  }
0x20: {  	[sflag:s8] =	ssyncset.s32 @!p0 $0xFFFFF086;
	s6 =	sadd.s32 @!p0 s3, s7;
	s7 =	simm.s32 @!p0 $0x108  }
0x21: {  	s3 =	sadd.s32 s3, s9;
	s6 =	sadd.s32 @!p0 $0x88, s6;
	s7 =	simm.s32 @p2 $0x1082  }
0x22: {  	[simem:s7], [sflag:s8] =	dma.local @!p0 [hbm:s6], $0xF7A  }
0x23: {  	s9 =	sor.u32 $0xD0000000, s2;
	s6 =	simm.s32 $0x108;
	_ =	swait.ge @!p0 [sflag:s8], $0x0  }
0x24: {  	s3 =	sadd.s32 $0x88, s3;
	s6 =	simm.s32 @!p1 $0x1082;
	[sflag:s4] =	ssyncset.s32 $0xFFFFF086  }
0x25: {  	[simem:s6], [sflag:s4] =	dma.local [hbm:s3], $0xF7A  }
0x26: {  	[smem:$0x3F9E] =	sst s1;
	(tag) =	ssettag s2;
	_ =	strace s9  }
0x27: {  	s1 =	sld [smem:$0x3FAE]  }
0x28: {  	s2 =	sld [smem:$0x3FAF]  }
0x29: {  	s4 =	sld [smem:$0x3FB1]  }
0x2a: {  	p0 =	seq.s32 s5, $0x0;
	s5 =	sld [smem:$0x3FB2]  }
0x2b: {  	s6 =	sld [smem:$0x3FB3]  }
0x2c: {  	s7 =	sld [smem:$0x3FB4]  }
0x2d: {  	s3 =	simm.s32 $0x108;
	s8 =	sld [smem:$0x3FB5]  }
0x2e: {  	s3 =	simm.s32 @!p0 $0x1082;
	s9 =	sld [smem:$0x3FB6]  }
0x2f: {  	lr =	sadd.s32 s0, s3;
	s0 =	sld [smem:$0x3FAD]  }
0x30: {  	s3 =	sld [smem:$0x3FB0]  }
0x31: {  	[smem:$0x3FB9] =	sst s10  }
0x32: {  	s10 =	sld [smem:$0x3FB7];
	_ =	sdelay $0x3  }
0x33: {  	p0 =	seq.s32 s10, $0x1;
	s10 =	sld [smem:$0x3FB9];
	_ =	sdelay $0x3  }
0x34: {  	[smem:$0x3FB9] =	sst s10  }
0x35: {  	s10 =	sld [smem:$0x3FB8];
	_ =	sdelay $0x3  }
0x36: {  	p1 =	seq.s32 s10, $0x1;
	s10 =	sld [smem:$0x3FB9];
	_ =	sdelay $0x3  }
0x37: {  	[smem:$0x3FB9] =	sst s10  }
0x38: {  	s10 =	sld [smem:$0x3FBA]  }
0x39: {  	_ = 	snop;
	(pc) =	sbr.ind lr, $3  }
0x3a: {  	_ = 	snop  }
0x3b: {  	_ = 	snop  }
0x3c: {  	p2 =	seq.s32 s10, $0x1;
	s10 =	sld [smem:$0x3FB9]  }
0x3d: {  	_ =	shalt  }
0x3e: {  	_ =	shalt  }
0x3f: {  	_ =	shalt  }
0x40: {  	_ =	shalt  }
0x41: {  	_ =	shalt  }
0x42: {  	_ =	shalt  }
0x43: {  	_ =	shalt  }
0x44: {  	_ =	shalt  }
0x45: {  	_ =	shalt  }
0x46: {  	_ =	shalt  }
0x47: {  	_ =	shalt  }
0x48: {  	_ =	shalt  }
0x49: {  	_ =	shalt  }
0x4a: {  	_ =	shalt  }
0x4b: {  	_ =	shalt  }
0x4c: {  	_ =	shalt  }
0x4d: {  	_ =	shalt  }
0x4e: {  	_ =	shalt  }
0x4f: {  	_ =	shalt  }
0x50: {  	_ =	shalt  }
0x51: {  	_ =	shalt  }
0x52: {  	_ =	shalt  }
0x53: {  	_ =	shalt  }
0x54: {  	_ =	shalt  }
0x55: {  	_ =	shalt  }
0x56: {  	_ =	shalt  }
0x57: {  	_ =	shalt  }
0x58: {  	_ =	shalt  }
0x59: {  	_ =	shalt  }
0x5a: {  	_ =	shalt  }
0x5b: {  	_ =	shalt  }
0x5c: {  	_ =	shalt  }
0x5d: {  	_ =	shalt  }
0x5e: {  	_ =	shalt  }
0x5f: {  	_ =	shalt  }
0x60: {  	_ =	shalt  }
0x61: {  	_ =	shalt  }
0x62: {  	_ =	shalt  }
0x63: {  	_ =	shalt  }
0x64: {  	_ =	shalt  }
0x65: {  	_ =	shalt  }
0x66: {  	_ =	shalt  }
0x67: {  	_ =	shalt  }
0x68: {  	_ =	shalt  }
0x69: {  	_ =	shalt  }
0x6a: {  	_ =	shalt  }
0x6b: {  	_ =	shalt  }
0x6c: {  	_ =	shalt  }
0x6d: {  	_ =	shalt  }
0x6e: {  	_ =	shalt  }
0x6f: {  	_ =	shalt  }
0x70: {  	_ =	shalt  }
0x71: {  	_ =	shalt  }
0x72: {  	_ =	shalt  }
0x73: {  	_ =	shalt  }
0x74: {  	_ =	shalt  }
0x75: {  	_ =	shalt  }
0x76: {  	_ =	shalt  }
0x77: {  	_ =	shalt  }
0x78: {  	_ =	shalt  }
0x79: {  	_ =	shalt  }
0x7a: {  	_ =	shalt  }
0x7b: {  	_ =	shalt  }
0x7c: {  	_ =	shalt  }
0x7d: {  	_ =	shalt  }
0x7e: {  	_ =	shalt  }
0x7f: {  	_ =	shalt  }
0x80: {  	_ =	shalt  }
0x81: {  	_ =	shalt  }
0x82: {  	_ =	shalt  }
0x83: {  	_ =	shalt  }
0x84: {  	_ =	shalt  }
0x85: {  	_ =	shalt  }
0x86: {  	_ =	shalt  }
0x87: {  	_ =	shalt  }
.Lfunc_end0:
.L_simem_size_0:
called_computation.1_lowered:
.L_overlay_start_0:
0x88: {  	s2 =	sld [smem:$0x3FD9]  }
0x89: {  	s3 =	sld [smem:$0x3FFE];
	_ =	sdelay $0x1  }
0x8a: {  	s1 =	srdreg.scid  }
0x8b: {  	s0 =	sand.u32 $0x1, s1  }
0x8c: {  	s17 =	sshll.u32 s0, $0xA;
	s2 =	sadd.s32 s3, s2  }
0x8d: {  	s2 =	sadd.s32 s2, s17  }
0x8e: {  	[smem:$0x3FC5] =	sst s2  }
0x8f: {  	_ = 	snop  }
0x90: {  	s2 =	sld [smem:$0x3FC9]  }
0x91: {  	s18 =	sld [smem:$0x3FD0];
	(tm) =	ssettm $0x1  }
0x92: {  	s4 =	sld [smem:$0x3FFB];
	_ =	sdelay $0x3  }
0x93: {  	_ =	strace s4  }
0x94: {  	s4 =	sld [smem:$0x3FFC];
	_ =	sdelay $0x3  }
0x95: {  	_ =	strace s4  }
0x96: {  	s4 =	sld [smem:$0x3FFD];
	_ =	sdelay $0x3  }
0x97: {  	_ =	strace s4  }
0x98: {  	_ =	strace $0x8FFFFFFF  }
0x99: {  	s19 =	sld [smem:$0x3FDB];
	_ =	sdelay $0x1  }
0x9a: {  	s5 =	simm.s32 $_scs_section_size  }
0x9b: {  	s6 =	simm.s32 $_size__tile_overlayer_lowered;
	s7 =	simm.s32 $_tile_overlayer_lowered  }
0x9c: {  	s22 =	simm.s32 $0x1BFF;
	s21 =	sshll.u32 s7, $0x1;
	s4 =	sadd.s32 s5, s19  }
0x9d: {  	s8 =	simm.s32 $0x0;
	s20 =	sshll.u32 s6, $0x1;
	s6 =	sadd.s32 s21, s4  }
0x9e: {  	[timem:s8], [sflag:s22] =	dma.local [hbm:s6], s20  }
0x9f: {  	_ =	swait.ge [sflag:s22], s20  }
0xa0: {  	s5 =	ssub.s32 $0x0, s20;
	[sflag:s22] =	ssyncset.done $0x0  }
0xa1: {  	[sflag:s22] =	ssyncadd.s32 s5;
	_ =	sdelay $0x1  }
0xa2: {  	s23 =	simm.s32 $0x1B8B  }
0xa3: {  	_ =	swait.ge [sflag:s23], $0x1  }
0xa4: {  	[sflag:s23] =	ssyncset.done $0x0  }
0xa5: {  	s25 =	simm.s32 $0x1B8E;
	s24 =	sld [smem:$0x3FFE];
	[sflag:s23] =	ssyncadd.s32 $0xFFFFFFFF  }
0xa6: {  	s26 =	simm.s32 $execute0_lowered;
	[smem:$0x3FD2] =	sst s25  }
0xa7: {  	s6 =	sshll.u32 s26, $0x1;
	_ =	strace $0x80000049;
	[dreg:$0x1] =	wrdreg $0xFFFFFFFF  }
0xa8: {  	s28 =	simm.s32 $_size_execute0_lowered;
	s4 =	sadd.s32 s4, s6;
	[dreg:$0x0] =	wrdreg $0x0  }
0xa9: {  	s6 =	sshll.u32 s28, $0x1;
	[dreg:$0x2] =	wrdreg s4  }
0xaa: {  	[dreg:$0x3] =	wrdreg s6  }
0xab: {  	[dreg:$0x4] =	wrdreg $0xC0  }
0xac: {  	_ =	task [dreg:s8], $0x5FFFF  }
0xad: {  	[dreg:$0x1] =	wrdreg $0xFFFFFFFF  }
0xae: {  	[dreg:$0x0] =	wrdreg $0x60  }
0xaf: {  	[dreg:$0x2] =	wrdreg s2  }
0xb0: {  	[dreg:$0x3] =	wrdreg s24  }
0xb1: {  	[dreg:$0x4] =	wrdreg s18  }
0xb2: {  	[dreg:$0x5] =	wrdreg $0x9  }
0xb3: {  	_ =	task.clear_ibuf [dreg:s8], $0x6FFFF;
	_ =	strace $0x90000049  }
0xb4: {  	s29 =	simm.s32 $0x9;
	_ =	strace $0x8000004B  }
0xb5: {  	_ =	swait.ge [sflag:s29], $0x1  }
0xb6: {  	[sflag:s29] =	ssyncadd.s32 $0xFFFFFFFF  }
0xb7: {  	_ =	strace $0x9000004B  }
0xb8: {  	_ =	sfence  }
0xb9: {  	s30 =	sld [smem:$0x0];
	_ =	sdelay $0x2  }
0xba: {  	s31 =	sshll.u32 s1, $0xD;
	s1 =	sshrl.u32 s1, $0x2  }
0xbb: {  	s3 =	sand.u32 $0x4000, s31;
	s1 =	sadd.s32 s1, s30  }
0xbc: {  	s0 =	sor.u32 s3, s0;
	s1 =	sshll.u32 s1, $0x11  }
0xbd: {  	s0 =	sor.u32 s1, s0  }
0xbe: {  	s0 =	sadd.s32 $0x8F2B, s0  }
0xbf: {  	[sflag:s0] =	ssyncadd.remote.s32 $0x1  }
0xc0: {  	_ =	sfence.sel $0xFFFF  }
0xc1: {  	[dreg:$0x0] =	wrdreg $0xFFFFFFFF;
	(pc) =	sbr.abs _section_cstart, $3  }
0xc2: {  	[dreg:$0x1] =	wrdreg $0xFFFFFFFF  }
0xc3: {  	_ =	task.clear_ibuf [dreg:s8], $0x2FFFF;
	_ =	strace $0x9FFFFFFF  }
0xc4: {  	(tm) =	ssettm $0x7FFFFFFF  }
0xc5: {  	_ =	shalt  }
tec
execute0_lowered:
.L_overlay_start_1:
0x0: {  	(tag) =	ssettag $0x1  }
0x1: {  	v0 =	vimm.s32 $0x30F;
	vm14 =	vcmask $0x300;
	vm13 =	vcmask $0x704  }
0x2: {  	vm12 =	vcmask $0xB08;
	vm11 =	vcmask $0xF0C;
	vm10 =	vcmask $0x1310  }
0x3: {  	vm9 =	vcmask $0x1714;
	vm8 =	vcmask $0x1B18;
	vm7 =	vcmask $0x1F1C  }
0x4: {  	vm6 =	vcmask $0x2320;
	vm5 =	vcmask $0x2724;
	vm4 =	vcmask $0x2B28  }
0x5: {  	vm3 =	vcmask $0x2F2C;
	vm2 =	vcmask $0x3330;
	vm1 =	vcmask $0x3734  }
0x6: {  	v2 =	vimm.s32 $0x38F;
	vm0 =	vcmask $0x3B38;
	v5 =	vimm.s32 $0x39F  }
0x7: {  	v9 =	vimm.s32 $0x32F;
	v11 =	vimm.s32 $0x3AF;
	v13 =	vimm.s32 $0x33F  }
0x8: {  	v15 =	vimm.s32 $0x3BF;
	v18 =	vimm.s32 $0x34F;
	v19 =	vimm.s32 $0x3CF  }
0x9: {  	v24 =	vimm.s32 $0x35F;
	v25 =	vimm.s32 $0x3DF;
	v26 =	vimm.s32 $0x36F  }
0xa: {  	v27 =	vimm.s32 $0x3EF;
	v28 =	vimm.s32 $0x37F;
	v29 =	vimm.s32 $0x3FF  }
0xb: {  	v0 =	vsel vm14, $0x0, v0;
	v4 =	vsel vm14, $0x80, v2;
	v5 =	vsel vm14, $0x90, v5  }
0xc: {  	v10 =	vsel vm14, $0x20, v9;
	v11 =	vsel vm14, $0xA0, v11;
	v13 =	vsel vm14, $0x30, v13  }
0xd: {  	v15 =	vsel vm14, $0xB0, v15;
	v18 =	vsel vm14, $0x40, v18;
	v19 =	vsel vm14, $0xC0, v19  }
0xe: {  	v24 =	vsel vm14, $0x50, v24;
	v25 =	vsel vm14, $0xD0, v25;
	v26 =	vsel vm14, $0x60, v26  }
0xf: {  	v27 =	vsel vm14, $0xE0, v27;
	v28 =	vsel vm14, $0x70, v28;
	v29 =	vsel vm14, $0xF0, v29  }
0x10: {  	v0 =	vsel vm13, $0x101, v0;
	v5 =	vsel vm13, $0x191, v5;
	v12 =	vsel vm13, $0x121, v10  }
0x11: {  	v11 =	vsel vm13, $0x1A1, v11;
	v13 =	vsel vm13, $0x131, v13;
	v17 =	vsel vm13, $0x1B1, v15  }
0x12: {  	v18 =	vsel vm13, $0x141, v18;
	v19 =	vsel vm13, $0x1C1, v19;
	v24 =	vsel vm13, $0x151, v24  }
0x13: {  	v25 =	vsel vm13, $0x1D1, v25;
	v26 =	vsel vm13, $0x161, v26;
	v27 =	vsel vm13, $0x1E1, v27  }
0x14: {  	v28 =	vsel vm13, $0x171, v28;
	v29 =	vsel vm13, $0x1F1, v29;
	v0 =	vsel vm12, $0x202, v0  }
0x15: {  	v5 =	vsel vm12, $0x292, v5;
	v12 =	vsel vm12, $0x222, v12;
	v11 =	vsel vm12, $0x2A2, v11  }
0x16: {  	v13 =	vsel vm12, $0x232, v13;
	v17 =	vsel vm12, $0x2B2, v17;
	v18 =	vsel vm12, $0x242, v18  }
0x17: {  	v19 =	vsel vm12, $0x2C2, v19;
	v24 =	vsel vm12, $0x252, v24;
	v25 =	vsel vm12, $0x2D2, v25  }
0x18: {  	v26 =	vsel vm12, $0x262, v26;
	v27 =	vsel vm12, $0x2E2, v27;
	v28 =	vsel vm12, $0x272, v28  }
0x19: {  	v29 =	vsel vm12, $0x2F2, v29;
	v0 =	vsel vm11, $0x303, v0;
	v5 =	vsel vm11, $0x393, v5  }
0x1a: {  	v12 =	vsel vm11, $0x323, v12;
	v11 =	vsel vm11, $0x3A3, v11;
	v13 =	vsel vm11, $0x333, v13  }
0x1b: {  	v17 =	vsel vm11, $0x3B3, v17;
	v18 =	vsel vm11, $0x343, v18;
	v19 =	vsel vm11, $0x3C3, v19  }
0x1c: {  	v24 =	vsel vm11, $0x353, v24;
	v25 =	vsel vm11, $0x3D3, v25;
	v26 =	vsel vm11, $0x363, v26  }
0x1d: {  	v27 =	vsel vm11, $0x3E3, v27;
	v28 =	vsel vm11, $0x373, v28;
	v29 =	vsel vm11, $0x3F3, v29  }
0x1e: {  	v0 =	vsel vm10, $0x4, v0;
	v5 =	vsel vm10, $0x94, v5;
	v12 =	vsel vm10, $0x24, v12  }
0x1f: {  	v11 =	vsel vm10, $0xA4, v11;
	v13 =	vsel vm10, $0x34, v13;
	v17 =	vsel vm10, $0xB4, v17  }
0x20: {  	v18 =	vsel vm10, $0x44, v18;
	v19 =	vsel vm10, $0xC4, v19;
	v24 =	vsel vm10, $0x54, v24  }
0x21: {  	v25 =	vsel vm10, $0xD4, v25;
	v26 =	vsel vm10, $0x64, v26;
	v27 =	vsel vm10, $0xE4, v27  }
0x22: {  	v28 =	vsel vm10, $0x74, v28;
	v29 =	vsel vm10, $0xF4, v29;
	v0 =	vsel vm9, $0x105, v0  }
0x23: {  	v5 =	vsel vm9, $0x195, v5;
	v12 =	vsel vm9, $0x125, v12;
	v11 =	vsel vm9, $0x1A5, v11  }
0x24: {  	v13 =	vsel vm9, $0x135, v13;
	v17 =	vsel vm9, $0x1B5, v17;
	v18 =	vsel vm9, $0x145, v18  }
0x25: {  	v19 =	vsel vm9, $0x1C5, v19;
	v24 =	vsel vm9, $0x155, v24;
	v25 =	vsel vm9, $0x1D5, v25  }
0x26: {  	v26 =	vsel vm9, $0x165, v26;
	v27 =	vsel vm9, $0x1E5, v27;
	v28 =	vsel vm9, $0x175, v28  }
0x27: {  	v29 =	vsel vm9, $0x1F5, v29;
	v0 =	vsel vm8, $0x206, v0;
	v5 =	vsel vm8, $0x296, v5  }
0x28: {  	v12 =	vsel vm8, $0x226, v12;
	v11 =	vsel vm8, $0x2A6, v11;
	v13 =	vsel vm8, $0x236, v13  }
0x29: {  	v17 =	vsel vm8, $0x2B6, v17;
	v18 =	vsel vm8, $0x246, v18;
	v19 =	vsel vm8, $0x2C6, v19  }
0x2a: {  	v24 =	vsel vm8, $0x256, v24;
	v25 =	vsel vm8, $0x2D6, v25;
	v26 =	vsel vm8, $0x266, v26  }
0x2b: {  	v27 =	vsel vm8, $0x2E6, v27;
	v28 =	vsel vm8, $0x276, v28;
	v29 =	vsel vm8, $0x2F6, v29  }
0x2c: {  	v0 =	vsel vm7, $0x307, v0;
	v5 =	vsel vm7, $0x397, v5;
	v12 =	vsel vm7, $0x327, v12  }
0x2d: {  	v11 =	vsel vm7, $0x3A7, v11;
	v13 =	vsel vm7, $0x337, v13;
	v17 =	vsel vm7, $0x3B7, v17  }
0x2e: {  	v18 =	vsel vm7, $0x347, v18;
	v19 =	vsel vm7, $0x3C7, v19;
	v24 =	vsel vm7, $0x357, v24  }
0x2f: {  	v25 =	vsel vm7, $0x3D7, v25;
	v26 =	vsel vm7, $0x367, v26;
	v27 =	vsel vm7, $0x3E7, v27  }
0x30: {  	v28 =	vsel vm7, $0x377, v28;
	v29 =	vsel vm7, $0x3F7, v29;
	v0 =	vsel vm6, $0x8, v0  }
0x31: {  	v5 =	vsel vm6, $0x98, v5;
	v12 =	vsel vm6, $0x28, v12;
	v11 =	vsel vm6, $0xA8, v11  }
0x32: {  	v13 =	vsel vm6, $0x38, v13;
	v17 =	vsel vm6, $0xB8, v17;
	v18 =	vsel vm6, $0x48, v18  }
0x33: {  	v19 =	vsel vm6, $0xC8, v19;
	v24 =	vsel vm6, $0x58, v24;
	v25 =	vsel vm6, $0xD8, v25  }
0x34: {  	v26 =	vsel vm6, $0x68, v26;
	v27 =	vsel vm6, $0xE8, v27;
	v28 =	vsel vm6, $0x78, v28  }
0x35: {  	v29 =	vsel vm6, $0xF8, v29;
	v0 =	vsel vm5, $0x109, v0;
	v5 =	vsel vm5, $0x199, v5  }
0x36: {  	v12 =	vsel vm5, $0x129, v12;
	v11 =	vsel vm5, $0x1A9, v11;
	v13 =	vsel vm5, $0x139, v13  }
0x37: {  	v17 =	vsel vm5, $0x1B9, v17;
	v18 =	vsel vm5, $0x149, v18;
	v19 =	vsel vm5, $0x1C9, v19  }
0x38: {  	v24 =	vsel vm5, $0x159, v24;
	v25 =	vsel vm5, $0x1D9, v25;
	v26 =	vsel vm5, $0x169, v26  }
0x39: {  	v27 =	vsel vm5, $0x1E9, v27;
	v28 =	vsel vm5, $0x179, v28;
	v29 =	vsel vm5, $0x1F9, v29  }
0x3a: {  	v1 =	vsel vm4, $0x20A, v0;
	v0 =	vlaneseq.u32;
	v5 =	vsel vm4, $0x29A, v5  }
0x3b: {  	v12 =	vsel vm4, $0x22A, v12;
	v11 =	vsel vm4, $0x2AA, v11;
	v13 =	vsel vm4, $0x23A, v13  }
0x3c: {  	v17 =	vsel vm4, $0x2BA, v17;
	v20 =	vsel vm4, $0x24A, v18;
	v19 =	vsel vm4, $0x2CA, v19  }
0x3d: {  	v24 =	vsel vm4, $0x25A, v24;
	v25 =	vsel vm4, $0x2DA, v25;
	v26 =	vsel vm4, $0x26A, v26  }
0x3e: {  	v27 =	vsel vm4, $0x2EA, v27;
	v28 =	vsel vm4, $0x27A, v28;
	v29 =	vsel vm4, $0x2FA, v29  }
0x3f: {  	v1 =	vsel vm3, $0x30B, v1;
	v5 =	vsel vm3, $0x39B, v5;
	v8 =	vor.u32 $0x10, v0  }
0x40: {  	v9 =	vor.u32 $0x90, v0;
	v12 =	vsel vm3, $0x32B, v12;
	v11 =	vsel vm3, $0x3AB, v11  }
0x41: {  	v17 =	vsel vm3, $0x3BB, v17;
	v18 =	vor.u32 $0x30, v0;
	v20 =	vsel vm3, $0x34B, v20  }
0x42: {  	v21 =	vsel vm3, $0x3CB, v19;
	v19 =	vor.u32 $0xB0, v0;
	v24 =	vsel vm3, $0x35B, v24  }
0x43: {  	v25 =	vsel vm3, $0x3DB, v25;
	v26 =	vsel vm3, $0x36B, v26;
	v27 =	vsel vm3, $0x3EB, v27  }
0x44: {  	v28 =	vsel vm3, $0x37B, v28;
	v29 =	vsel vm3, $0x3FB, v29;
	v1 =	vsel vm2, $0xC, v1  }
0x45: {  	v7 =	vsel vm2, $0x9C, v5;
	v12 =	vsel vm2, $0x2C, v12;
	v14 =	vsel vm2, $0xAC, v11  }
0x46: {  	v17 =	vsel vm2, $0xBC, v17;
	v22 =	vsel vm2, $0x4C, v20;
	v21 =	vsel vm2, $0xCC, v21  }
0x47: {  	v24 =	vsel vm2, $0x5C, v24;
	v25 =	vsel vm2, $0xDC, v25;
	v26 =	vsel vm2, $0x6C, v26  }
0x48: {  	v27 =	vsel vm2, $0xEC, v27;
	v28 =	vsel vm2, $0x7C, v28;
	v29 =	vsel vm2, $0xFC, v29  }
0x49: {  	v3 =	vsel vm1, $0x10D, v1;
	v1 =	vmul.u32 $0x20, v0;
	v7 =	vsel vm1, $0x19D, v7  }
0x4a: {  	v12 =	vsel vm1, $0x12D, v12;
	v17 =	vsel vm1, $0x1BD, v17;
	v22 =	vsel vm1, $0x14D, v22  }
0x4b: {  	v23 =	vsel vm1, $0x1CD, v21;
	v24 =	vsel vm1, $0x15D, v24;
	v25 =	vsel vm1, $0x1DD, v25  }
0x4c: {  	v26 =	vsel vm1, $0x16D, v26;
	v27 =	vsel vm1, $0x1ED, v27;
	v28 =	vsel vm1, $0x17D, v28  }
0x4d: {  	v29 =	vsel vm1, $0x1FD, v29;
	v2 =	vsel vm0, $0x20E, v3;
	v3 =	vsel vm13, $0x181, v4  }
0x4e: {  	v4 =	vimm.s32 $0x31F;
	v7 =	vsel vm0, $0x29E, v7;
	v11 =	vsel vm0, $0x22E, v12  }
0x4f: {  	v12 =	vsel vm1, $0x1AD, v14;
	v14 =	vsel vm3, $0x33B, v13;
	v13 =	vor.u32 $0x20, v0  }
0x50: {  	v17 =	vsel vm0, $0x2BE, v17;
	v21 =	vsel vm0, $0x24E, v22;
	v22 =	vsel vm0, $0x2CE, v23  }
0x51: {  	v23 =	vor.u32 $0x40, v0;
	v24 =	vsel vm0, $0x25E, v24;
	v4 =	vsel vm14, $0x10, v4  }
0x52: {  	v25 =	vsel vm0, $0x2DE, v25;
	v26 =	vsel vm0, $0x26E, v26;
	v4 =	vsel vm13, $0x111, v4  }
0x53: {  	v27 =	vsel vm0, $0x2EE, v27;
	v3 =	vsel vm12, $0x282, v3;
	v4 =	vsel vm12, $0x212, v4  }
0x54: {  	s6 =	rddreg [dreg:$0x0];
	v28 =	vsel vm0, $0x27E, v28;
	v3 =	vsel vm11, $0x383, v3;
	v4 =	vsel vm11, $0x313, v4  }
0x55: {  	s4 =	rddreg [dreg:$0x1];
	v29 =	vsel vm0, $0x2FE, v29;
	v3 =	vsel vm10, $0x84, v3;
	v4 =	vsel vm10, $0x14, v4  }
0x56: {  	s1 =	srdreg.scid;
	s0 =	stileid.u32;
	v5 =	vor.u32 $0x200, v1;
	v3 =	vsel vm9, $0x185, v3;
	v4 =	vsel vm9, $0x115, v4  }
0x57: {  	s2 =	rddreg [dreg:$0x2];
	s3 =	simm.s32 $0x0;
	s10 =	simm.s32 $0x6400;
	v10 =	vor.u32 $0x400, v1;
	v3 =	vsel vm8, $0x286, v3;
	v4 =	vsel vm8, $0x216, v4  }
0x58: {  	s11 =	simm.s32 $0x7400;
	s12 =	simm.s32 $0x100;
	s13 =	simm.s32 $0x8400;
	v12 =	vsel vm0, $0x2AE, v12;
	v3 =	vsel vm7, $0x387, v3;
	v4 =	vsel vm7, $0x317, v4  }
0x59: {  	s14 =	simm.s32 $0x400;
	s15 =	simm.s32 $0x8000;
	s16 =	simm.s32 $0x5;
	v16 =	vsel vm2, $0x3C, v14;
	v3 =	vsel vm6, $0x88, v3;
	v4 =	vsel vm6, $0x18, v4  }
0x5a: {  	s17 =	simm.s32 $0x6;
	s5 =	sand.u32 $0x1, s1;
	s7 =	sshll.u32 s0, $0x1;
	v14 =	vor.u32 $0xA0, v0;
	v3 =	vsel vm5, $0x189, v3;
	v4 =	vsel vm5, $0x119, v4  }
0x5b: {  	s18 =	simm.s32 $0x0;
	s1 =	rddreg [dreg:$0x3];
	s7 =	sor.u32 s5, s7;
	v15 =	vor.u32 $0x600, v1;
	v3 =	vsel vm4, $0x28A, v3;
	v4 =	vsel vm4, $0x21A, v4  }
0x5c: {  	[smem:$0x7FF] =	sst s3;
	s5 =	ssub.s32 $0x2, s5;
	s8 =	smul.u32 $0xC80, s7;
	v20 =	vor.u32 $0x800, v1;
	v3 =	vsel vm3, $0x38B, v3;
	v6 =	vsel vm3, $0x31B, v4  }
0x5d: {  	s4 =	sadd.s32 $0x800, s4;
	_ =	strace $0x8000004A;
	s9 =	sshrl.u32 s5, $0x1;
	v16 =	vsel vm1, $0x13D, v16;
	v3 =	vsel vm2, $0x8C, v3;
	v6 =	vsel vm2, $0x1C, v6  }
0x5e: {  	s9 =	ssub.s32 s5, s9;
	s5 =	smul.u32 $0xC8, s7;
	s6 =	sadd.s32 s6, s8;
	v16 =	vsel vm0, $0x23E, v16;
	v3 =	vsel vm1, $0x18D, v3;
	v6 =	vsel vm1, $0x11D, v6  }
0x5f: {  	s7 =	smax.u32 s9, $0x1;
	s8 =	simm.s32 $0x7;
	s9 =	simm.s32 $0x80;
	v4 =	vor.u32 $0x80, v0;
	v3 =	vsel vm0, $0x28E, v3;
	v6 =	vsel vm0, $0x21E, v6  }
.LBB2_1:
0x60: {  	[tilespmem:s3], [sflag:$0x7] =	stream.linear.gather [hbm4b:s6+s3], $0x6400, $0x38;
	[tilespmem:$0xE400] =	vst v63  }
0x61: {  	_ =	swait.ge [sflag:s8], $0x6400  }
0x62: {  	[sflag:s8] =	ssyncset.done $0x0  }
0x63: {  	[sflag:s8] =	ssyncadd.s32 $0xFFFF9C00  }
0x64: {  	[tilespmem:s10], [sflag:$0x1] =	stream.indirect.gather [hbm4b:s4+s9], $0x20, s3, s9, $0xb8;
	[tilespmem:$0xE400] =	vst v63  }
0x65: {  	_ = 	snop  }
0x66: {  	[tilespmem:s11], [sflag:$0x2] =	stream.indirect.gather [hbm4b:s4+s9], $0x20, s9, s9, $0xb8;
	[tilespmem:$0xE400] =	vst v63  }
0x67: {  	s19 =	simm.s32 $0x0  }
0x68: {  	[tilespmem:s13], [sflag:$0x3] =	stream.indirect.gather [hbm4b:s4+s9], $0x20, s12, s9, $0xb8;
	[tilespmem:$0xE400] =	vst v63  }
.LBB2_2:
0x69: {  	p0 =	sgt.u32 s19, $0xC4  }
0x6a: {  	s31 =	sand.u32 $0x3, s19;
	s20 =	sadd.s32 @!p0 $0x3, s19  }
0x6b: {  	s24 =	simm.s32 $0x0;
	s23 =	simm.s32 @!p0 $0x80;
	s21 =	sand.u32 @!p0 $0x3, s20  }
0x6c: {  	s25 =	sadd.s32 $0x1, s31;
	s20 =	sshll.u32 @!p0 s20, $0x7;
	s22 =	sshll.u32 @!p0 s21, $0xC  }
0x6d: {  	s20 =	sand.u32 @!p0 $0x3FFFFF80, s20;
	s21 =	sadd.s32 @!p0 $0x1, s21;
	s22 =	sadd.s32 @!p0 $0x6400, s22  }
0x6e: {  	v32 =	vadd.s32 s24, v0;
	[tilespmem:s22], [sflag:s21] =	stream.indirect.gather @!p0 [hbm4b:s4+s23], $0x20, s20, s23, $0xb8;
	[tilespmem:$0xE400] =	vst v63  }
0x6f: {  	s26 =	simm.s32 $0x3;
	v30 =	vand.u32 $0x1F, v32;
	_ =	swait.ge [sflag:s25], $0x1000  }
0x70: {  	v33 =	vor.u32 v1, v30;
	s20 =	sand.u32 $0x1, s19;
	p0 =	slt.u32 s19, $0x2;
	[sflag:s25] =	ssyncset.done $0x0  }
0x71: {  	v35 =	vadd.s32 s26, v0;
	s22 =	sadd.s32 @!p0 $0x5, s20;
	[sflag:s25] =	ssyncadd.s32 $0xFFFFF000  }
0x72: {  	v31 =	vand.u32 $0x1F, v35;
	_ =	swait.ge @!p0 [sflag:s22], $0x2000  }
0x73: {  	s29 =	simm.s32 $0x2;
	v36 =	vor.u32 v1, v31;
	s21 =	sshll.u32 s31, $0xC;
	[sflag:s22] =	ssyncset.done @!p0 $0x0  }
0x74: {  	s30 =	simm.s32 $0x1;
	v41 =	vadd.s32 s29, v0;
	s21 =	sadd.s32 $0x6400, s21;
	[sflag:s22] =	ssyncadd.s32 @!p0 $0xFFFFE000  }
0x75: {  	v42 =	vadd.s32 s30, v0;
	v37 =	vld.idx.msk [tilespmem:v33+s21+$0x0], $0xffff;
	v33 =	vand.u32 $0x1F, v41  }
0x76: {  	v32 =	vshll.u32 v32, $0x8;
	v34 =	vand.u32 $0x1F, v42;
	v40 =	vor.u32 v1, v33  }
0x77: {  	v35 =	vshll.u32 v35, $0x8;
	v55 =	vshll.u32 v41, $0x8;
	v42 =	vshll.u32 v42, $0x8;
	s23 =	simm.s32 $0x4  }
0x78: {  	v32 =	vand.u32 $0x1C00, v32;
	v43 =	vor.u32 v1, v34;
	v38 =	vadd.s32 s23, v0;
	v44 =	vld.idx.msk [tilespmem:v36+s21+$0x0], $0xffff  }
0x79: {  	s24 =	simm.s32 $0x7;
	v35 =	vand.u32 $0x1F00, v35;
	v46 =	vor.u32 v2, v32;
	v39 =	vand.u32 $0x1F, v38  }
0x7a: {  	v47 =	vor.u32 v3, v32;
	v45 =	vor.u32 v1, v39;
	v39 =	vadd.s32 s24, v0  }
0x7b: {  	v56 =	vor.u32 v0, v35;
	v51 =	vor.u32 v4, v35;
	v54 =	vand.u32 $0x1F, v39;
	v48 =	vld.idx.msk [tilespmem:v40+s21+$0x0], $0xffff  }
0x7c: {  	v36 =	vand.u32 $0x1F00, v55;
	v53 =	vunpack.i.u.bf16.f32 v37;
	v37 =	vunpack.i.l.bf16.f32 v37  }
0x7d: {  	s31 =	sshll.u32 s20, $0xD;
	v43 =	vld.idx.msk [tilespmem:v43+s21+$0x0], $0xffff;
	v50 =	vunpack.i.u.bf16.f32 v44;
	v44 =	vunpack.i.l.bf16.f32 v44;
	v37 =	vmul.f32 $8.000000000e+00, v37  }
0x7e: {  	s22 =	sadd.s32 $0xA400, s31;
	v52 =	vor.u32 v0, v36;
	v49 =	vmul.f32 $8.000000000e+00, v53;
	v57 =	vmul.f32 $8.000000000e+00, v44  }
0x7f: {  	v40 =	vor.u32 v1, v54;
	v53 =	vor.u32 v4, v36;
	[tilespmem:v46+s22+$0x0] =	vst.idx.msk $0xffff, v37;
	v37 =	vand.u32 $0x1F00, v42  }
0x80: {  	v59 =	vmul.f32 $8.000000000e+00, v50;
	[tilespmem:v56+s22+$0x0] =	vst.idx.msk $0xffff, v57;
	v44 =	vor.u32 v0, v37;
	v58 =	vunpack.i.l.bf16.f32 v48  }
0x81: {  	s25 =	simm.s32 $0x6;
	[tilespmem:v47+s22+$0x0] =	vst.idx.msk $0xffff, v49;
	v42 =	vor.u32 v4, v37;
	v48 =	vunpack.i.u.bf16.f32 v48;
	v60 =	vmul.f32 $8.000000000e+00, v58  }
0x82: {  	v41 =	vadd.s32 s25, v0;
	v61 =	vunpack.i.l.bf16.f32 v43;
	[tilespmem:v51+s22+$0x0] =	vst.idx.msk $0xffff, v59;
	v54 =	vmul.f32 $8.000000000e+00, v48  }
0x83: {  	s26 =	simm.s32 $0x5;
	v62 =	vand.u32 $0x1F, v41;
	v45 =	vld.idx.msk [tilespmem:v45+s21+$0x0], $0xffff;
	v63 =	vunpack.i.u.bf16.f32 v43;
	v47 =	vmul.f32 $8.000000000e+00, v61;
	[tilespmem:v52+s22+$0x0] =	vst.idx.msk $0xffff, v60  }
0x84: {  	s28 =	simm.s32 $0x8;
	v43 =	vadd.s32 s26, v0;
	v46 =	vor.u32 v1, v62;
	v48 =	vmul.f32 $8.000000000e+00, v63;
	[tilespmem:v53+s22+$0x0] =	vst.idx.msk $0xffff, v54  }
.LBB2_3:
0x85: {  	p0 =	slt.u32 s28, $0x1C;
	v49 =	vshll.u32 v38, $0x8;
	v38 =	vadd.s32 s28, v0;
	v50 =	vand.u32 $0x1F, v43;
	[tilespmem:v44+s22+$0x0] =	vst.idx.msk $0xffff, v47  }
0x86: {  	v44 =	vand.u32 $0x1F, v38;
	v47 =	vand.u32 $0x1C00, v49;
	v49 =	vor.u32 v1, v50;
	v50 =	vld.idx.msk [tilespmem:v40+s21+$0x0], $0xffff;
	[tilespmem:v42+s22+$0x0] =	vst.idx.msk $0xffff, v48  }
0x87: {  	v48 =	vor.u32 v1, v44;
	v42 =	vor.u32 v2, v47  }
0x88: {  	s29 =	sadd.s32 $0x3, s28;
	v40 =	vunpack.i.u.bf16.f32 v45;
	v44 =	vunpack.i.l.bf16.f32 v45;
	v45 =	vor.u32 v3, v47  }
0x89: {  	v47 =	vshll.u32 v39, $0x8;
	v39 =	vadd.s32 s29, v0;
	v44 =	vmul.f32 $8.000000000e+00, v44;
	v46 =	vld.idx.msk [tilespmem:v46+s21+$0x0], $0xffff  }
0x8a: {  	v51 =	vand.u32 $0x1F, v39;
	v52 =	vmul.f32 $8.000000000e+00, v40;
	v47 =	vand.u32 $0x1F00, v47  }
0x8b: {  	v41 =	vshll.u32 v41, $0x8;
	v40 =	vor.u32 v1, v51;
	v51 =	vor.u32 v0, v47;
	v49 =	vld.idx.msk [tilespmem:v49+s21+$0x0], $0xffff  }
0x8c: {  	v41 =	vand.u32 $0x1F00, v41;
	v47 =	vor.u32 v4, v47;
	v53 =	vunpack.i.u.bf16.f32 v50  }
0x8d: {  	v43 =	vshll.u32 v43, $0x8;
	v54 =	vor.u32 v0, v41;
	v50 =	vunpack.i.l.bf16.f32 v50  }
0x8e: {  	v55 =	vor.u32 v4, v41;
	v41 =	vmul.f32 $8.000000000e+00, v50;
	[tilespmem:v42+s22+$0x0] =	vst.idx.msk $0xffff, v44;
	v42 =	vand.u32 $0x1F00, v43  }
.Ltmp0:
0x8f: {  	v50 =	vmul.f32 $8.000000000e+00, v53;
	v43 =	vunpack.i.l.bf16.f32 v46;
	[tilespmem:v45+s22+$0x0] =	vst.idx.msk $0xffff, v52;
	v44 =	vor.u32 v0, v42;
	(pc) =	sbr.rel @p0 .LBB2_3-.Ltmp0, $4  }
0x90: {  	s29 =	sadd.s32 $0x2, s28;
	v46 =	vunpack.i.u.bf16.f32 v46;
	v42 =	vor.u32 v4, v42;
	v43 =	vmul.f32 $8.000000000e+00, v43;
	[tilespmem:v51+s22+$0x0] =	vst.idx.msk $0xffff, v41  }
0x91: {  	v41 =	vadd.s32 s29, v0;
	v51 =	vmul.f32 $8.000000000e+00, v46;
	v45 =	vld.idx.msk [tilespmem:v48+s21+$0x0], $0xffff;
	v48 =	vunpack.i.l.bf16.f32 v49;
	[tilespmem:v47+s22+$0x0] =	vst.idx.msk $0xffff, v50  }
0x92: {  	s29 =	sadd.s32 $0x1, s28;
	v46 =	vand.u32 $0x1F, v41;
	v49 =	vunpack.i.u.bf16.f32 v49;
	v47 =	vmul.f32 $8.000000000e+00, v48;
	[tilespmem:v54+s22+$0x0] =	vst.idx.msk $0xffff, v43  }
0x93: {  	s28 =	sadd.s32 $0x4, s28;
	v43 =	vadd.s32 s29, v0;
	v46 =	vor.u32 v1, v46;
	v48 =	vmul.f32 $8.000000000e+00, v49;
	[tilespmem:v55+s22+$0x0] =	vst.idx.msk $0xffff, v51  }
0x94: {  	_ =	sdelay $0x1  }
0x95: {  	v49 =	vand.u32 $0x1F, v43  }
0x96: {  	v38 =	vshll.u32 v38, $0x8;
	v49 =	vor.u32 v1, v49  }
0x97: {  	v40 =	vld.idx.msk [tilespmem:v40+s21+$0x0], $0xffff;
	v39 =	vshll.u32 v39, $0x8;
	v38 =	vand.u32 $0x1C00, v38  }
0x98: {  	v41 =	vshll.u32 v41, $0x8;
	v39 =	vand.u32 $0x1F00, v39;
	v50 =	vor.u32 v2, v38  }
0x99: {  	v46 =	vld.idx.msk [tilespmem:v46+s21+$0x0], $0xffff;
	v41 =	vand.u32 $0x1F00, v41;
	v52 =	vunpack.i.l.bf16.f32 v45;
	v38 =	vor.u32 v3, v38  }
0x9a: {  	[tilespmem:v44+s22+$0x0] =	vst.idx.msk $0xffff, v47;
	v51 =	vunpack.i.u.bf16.f32 v45;
	v45 =	vmul.f32 $8.000000000e+00, v52;
	v52 =	vor.u32 v0, v39  }
0x9b: {  	v55 =	vshll.u32 v43, $0x8;
	v56 =	vor.u32 v0, v41;
	v39 =	vor.u32 v4, v39;
	v53 =	vld.idx.msk [tilespmem:v49+s21+$0x0], $0xffff  }
0x9c: {  	[tilespmem:v42+s22+$0x0] =	vst.idx.msk $0xffff, v48;
	v51 =	vmul.f32 $8.000000000e+00, v51;
	v54 =	vunpack.i.u.bf16.f32 v40;
	v40 =	vunpack.i.l.bf16.f32 v40  }
0x9d: {  	v42 =	vand.u32 $0x1F00, v55;
	v41 =	vor.u32 v4, v41;
	v40 =	vmul.f32 $8.000000000e+00, v40;
	[tilespmem:v50+s22+$0x0] =	vst.idx.msk $0xffff, v45  }
0x9e: {  	v57 =	vor.u32 v0, v42;
	v58 =	vunpack.i.l.bf16.f32 v46;
	v47 =	vmul.f32 $8.000000000e+00, v54;
	[tilespmem:v38+s22+$0x0] =	vst.idx.msk $0xffff, v51  }
0x9f: {  	v42 =	vor.u32 v4, v42;
	v46 =	vunpack.i.u.bf16.f32 v46;
	v45 =	vmul.f32 $8.000000000e+00, v58;
	[tilespmem:v52+s22+$0x0] =	vst.idx.msk $0xffff, v40  }
0xa0: {  	v30 =	vor.u32 v5, v30;
	v46 =	vmul.f32 $8.000000000e+00, v46;
	[tilespmem:v39+s22+$0x0] =	vst.idx.msk $0xffff, v47;
	v59 =	vunpack.i.l.bf16.f32 v53  }
0xa1: {  	v61 =	vor.u32 v5, v31;
	[tilespmem:v56+s22+$0x0] =	vst.idx.msk $0xffff, v45;
	v60 =	vunpack.i.u.bf16.f32 v53;
	v40 =	vmul.f32 $8.000000000e+00, v59  }
0xa2: {  	[tilespmem:v41+s22+$0x0] =	vst.idx.msk $0xffff, v46;
	v39 =	vmul.f32 $8.000000000e+00, v60  }
0xa3: {  	[tilespmem:v57+s22+$0x0] =	vst.idx.msk $0xffff, v40  }
0xa4: {  	v33 =	vor.u32 v5, v33;
	[tilespmem:v42+s22+$0x0] =	vst.idx.msk $0xffff, v39  }
0xa5: {  	v30 =	vld.idx.msk [tilespmem:v30+s21+$0x0], $0xffff  }
0xa6: {  	v34 =	vor.u32 v5, v34;
	v38 =	vld.idx.msk [tilespmem:v61+s21+$0x0], $0xffff  }
0xa7: {  	v31 =	vadd.s32 s23, v0  }
0xa8: {  	v63 =	vor.u32 v6, v32;
	v62 =	vand.u32 $0x1F, v31;
	v54 =	vor.u32 v8, v36  }
0xa9: {  	v50 =	vor.u32 v7, v32;
	v51 =	vor.u32 v8, v35;
	v56 =	vor.u32 v9, v36;
	v33 =	vld.idx.msk [tilespmem:v33+s21+$0x0], $0xffff  }
0xaa: {  	v36 =	vor.u32 v8, v37;
	v53 =	vor.u32 v9, v35;
	v49 =	vunpack.i.l.bf16.f32 v30  }
0xab: {  	v39 =	vor.u32 v5, v62;
	v45 =	vld.idx.msk [tilespmem:v34+s21+$0x0], $0xffff;
	v55 =	vunpack.i.l.bf16.f32 v38;
	v42 =	vmul.f32 $8.000000000e+00, v49  }
0xac: {  	v34 =	vor.u32 v9, v37;
	v48 =	vunpack.i.u.bf16.f32 v30;
	v57 =	vmul.f32 $8.000000000e+00, v55  }
0xad: {  	v30 =	vadd.s32 s24, v0;
	v38 =	vunpack.i.u.bf16.f32 v38;
	v41 =	vmul.f32 $8.000000000e+00, v48;
	[tilespmem:v63+s22+$0x0] =	vst.idx.msk $0xffff, v42  }
0xae: {  	v58 =	vunpack.i.l.bf16.f32 v33;
	v52 =	vand.u32 $0x1F, v30;
	v38 =	vmul.f32 $8.000000000e+00, v38;
	[tilespmem:v51+s22+$0x0] =	vst.idx.msk $0xffff, v57  }
0xaf: {  	v59 =	vunpack.i.u.bf16.f32 v33;
	v32 =	vor.u32 v5, v52;
	[tilespmem:v50+s22+$0x0] =	vst.idx.msk $0xffff, v41;
	v41 =	vmul.f32 $8.000000000e+00, v58  }
0xb0: {  	v33 =	vadd.s32 s25, v0;
	v60 =	vunpack.i.l.bf16.f32 v45;
	v61 =	vmul.f32 $8.000000000e+00, v59;
	[tilespmem:v53+s22+$0x0] =	vst.idx.msk $0xffff, v38  }
0xb1: {  	v37 =	vld.idx.msk [tilespmem:v39+s21+$0x0], $0xffff;
	v62 =	vand.u32 $0x1F, v33;
	v40 =	vmul.f32 $8.000000000e+00, v60;
	v63 =	vunpack.i.u.bf16.f32 v45;
	[tilespmem:v54+s22+$0x0] =	vst.idx.msk $0xffff, v41  }
0xb2: {  	s23 =	simm.s32 $0x8;
	v35 =	vadd.s32 s26, v0;
	v38 =	vor.u32 v5, v62;
	v39 =	vmul.f32 $8.000000000e+00, v63;
	[tilespmem:v56+s22+$0x0] =	vst.idx.msk $0xffff, v61  }
.LBB2_5:
0xb3: {  	p0 =	slt.u32 s23, $0x1C;
	v41 =	vshll.u32 v31, $0x8;
	v31 =	vadd.s32 s23, v0;
	v42 =	vand.u32 $0x1F, v35;
	[tilespmem:v36+s22+$0x0] =	vst.idx.msk $0xffff, v40  }
0xb4: {  	v36 =	vand.u32 $0x1F, v31;
	v40 =	vand.u32 $0x1C00, v41;
	v41 =	vor.u32 v5, v42;
	v42 =	vld.idx.msk [tilespmem:v32+s21+$0x0], $0xffff;
	[tilespmem:v34+s22+$0x0] =	vst.idx.msk $0xffff, v39  }
0xb5: {  	v39 =	vor.u32 v5, v36;
	v34 =	vor.u32 v6, v40  }
0xb6: {  	s24 =	sadd.s32 $0x3, s23;
	v32 =	vunpack.i.u.bf16.f32 v37;
	v36 =	vunpack.i.l.bf16.f32 v37;
	v37 =	vor.u32 v7, v40  }
0xb7: {  	v40 =	vshll.u32 v30, $0x8;
	v30 =	vadd.s32 s24, v0;
	v36 =	vmul.f32 $8.000000000e+00, v36;
	v38 =	vld.idx.msk [tilespmem:v38+s21+$0x0], $0xffff  }
0xb8: {  	v43 =	vand.u32 $0x1F, v30;
	v44 =	vmul.f32 $8.000000000e+00, v32;
	v40 =	vand.u32 $0x1F00, v40  }
0xb9: {  	v33 =	vshll.u32 v33, $0x8;
	v32 =	vor.u32 v5, v43;
	v43 =	vor.u32 v8, v40;
	v41 =	vld.idx.msk [tilespmem:v41+s21+$0x0], $0xffff  }
0xba: {  	v33 =	vand.u32 $0x1F00, v33;
	v40 =	vor.u32 v9, v40;
	v45 =	vunpack.i.u.bf16.f32 v42  }
0xbb: {  	v35 =	vshll.u32 v35, $0x8;
	v46 =	vor.u32 v8, v33;
	v42 =	vunpack.i.l.bf16.f32 v42  }
0xbc: {  	v47 =	vor.u32 v9, v33;
	v33 =	vmul.f32 $8.000000000e+00, v42;
	[tilespmem:v34+s22+$0x0] =	vst.idx.msk $0xffff, v36;
	v34 =	vand.u32 $0x1F00, v35  }
.Ltmp1:
0xbd: {  	v42 =	vmul.f32 $8.000000000e+00, v45;
	v35 =	vunpack.i.l.bf16.f32 v38;
	[tilespmem:v37+s22+$0x0] =	vst.idx.msk $0xffff, v44;
	v36 =	vor.u32 v8, v34;
	(pc) =	sbr.rel @p0 .LBB2_5-.Ltmp1, $4  }
0xbe: {  	s24 =	sadd.s32 $0x2, s23;
	v38 =	vunpack.i.u.bf16.f32 v38;
	v34 =	vor.u32 v9, v34;
	v35 =	vmul.f32 $8.000000000e+00, v35;
	[tilespmem:v43+s22+$0x0] =	vst.idx.msk $0xffff, v33  }
0xbf: {  	v33 =	vadd.s32 s24, v0;
	v43 =	vmul.f32 $8.000000000e+00, v38;
	v37 =	vld.idx.msk [tilespmem:v39+s21+$0x0], $0xffff;
	v39 =	vunpack.i.l.bf16.f32 v41;
	[tilespmem:v40+s22+$0x0] =	vst.idx.msk $0xffff, v42  }
0xc0: {  	s24 =	sadd.s32 $0x1, s23;
	v38 =	vand.u32 $0x1F, v33;
	v41 =	vunpack.i.u.bf16.f32 v41;
	v40 =	vmul.f32 $8.000000000e+00, v39;
	[tilespmem:v46+s22+$0x0] =	vst.idx.msk $0xffff, v35  }
0xc1: {  	s23 =	sadd.s32 $0x4, s23;
	v35 =	vadd.s32 s24, v0;
	v38 =	vor.u32 v5, v38;
	v39 =	vmul.f32 $8.000000000e+00, v41;
	[tilespmem:v47+s22+$0x0] =	vst.idx.msk $0xffff, v43  }
0xc2: {  	_ =	sdelay $0x2  }
0xc3: {  	v31 =	vshll.u32 v31, $0x8;
	v41 =	vand.u32 $0x1F, v35;
	v30 =	vshll.u32 v30, $0x8  }
0xc4: {  	v32 =	vld.idx.msk [tilespmem:v32+s21+$0x0], $0xffff;
	v33 =	vshll.u32 v33, $0x8;
	v31 =	vand.u32 $0x1C00, v31;
	v41 =	vor.u32 v5, v41  }
0xc5: {  	v38 =	vld.idx.msk [tilespmem:v38+s21+$0x0], $0xffff;
	s23 =	simm.s32 $0x0;
	v30 =	vand.u32 $0x1F00, v30;
	v33 =	vand.u32 $0x1F00, v33;
	v42 =	vor.u32 v6, v31  }
0xc6: {  	v48 =	vadd.s32 s23, v0;
	v43 =	vunpack.i.u.bf16.f32 v37;
	v31 =	vor.u32 v7, v31  }
0xc7: {  	v60 =	vunpack.i.l.bf16.f32 v37;
	v61 =	vor.u32 v8, v30;
	v44 =	vor.u32 v9, v30  }
0xc8: {  	v63 =	vor.u32 v8, v33;
	v33 =	vor.u32 v9, v33;
	v37 =	vmul.f32 $8.000000000e+00, v60  }
0xc9: {  	[tilespmem:v36+s22+$0x0] =	vst.idx.msk $0xffff, v40;
	v43 =	vmul.f32 $8.000000000e+00, v43;
	v62 =	vunpack.i.u.bf16.f32 v32;
	v32 =	vunpack.i.l.bf16.f32 v32;
	v41 =	vld.idx.msk [tilespmem:v41+s21+$0x0], $0xffff  }
0xca: {  	v30 =	vshll.u32 v35, $0x8;
	v46 =	vunpack.i.l.bf16.f32 v38;
	v32 =	vmul.f32 $8.000000000e+00, v32;
	[tilespmem:v42+s22+$0x0] =	vst.idx.msk $0xffff, v37  }
0xcb: {  	s30 =	simm.s32 $0x2;
	v30 =	vand.u32 $0x1F00, v30;
	v38 =	vunpack.i.u.bf16.f32 v38;
	v37 =	vmul.f32 $8.000000000e+00, v46;
	[tilespmem:v31+s22+$0x0] =	vst.idx.msk $0xffff, v43  }
0xcc: {  	v55 =	vadd.s32 s30, v0;
	v45 =	vor.u32 v8, v30;
	v50 =	vmul.f32 $8.000000000e+00, v38;
	[tilespmem:v61+s22+$0x0] =	vst.idx.msk $0xffff, v32  }
0xcd: {  	v47 =	vor.u32 v9, v30;
	v30 =	vand.u32 $0x1F, v48;
	v31 =	vmul.f32 $8.000000000e+00, v62;
	[tilespmem:v63+s22+$0x0] =	vst.idx.msk $0xffff, v37  }
0xce: {  	v51 =	vor.u32 v10, v30;
	[tilespmem:v33+s22+$0x0] =	vst.idx.msk $0xffff, v50;
	v33 =	vand.u32 $0x1F, v55;
	v49 =	vunpack.i.l.bf16.f32 v41  }
0xcf: {  	s29 =	simm.s32 $0x3;
	[tilespmem:v44+s22+$0x0] =	vst.idx.msk $0xffff, v31;
	v31 =	vunpack.i.u.bf16.f32 v41;
	v56 =	vor.u32 v10, v33;
	v32 =	vmul.f32 $8.000000000e+00, v49  }
0xd0: {  	s24 =	simm.s32 $0x7;
	[tilespmem:v34+s22+$0x0] =	vst.idx.msk $0xffff, v39;
	v53 =	vadd.s32 s29, v0;
	v52 =	vmul.f32 $8.000000000e+00, v31  }
0xd1: {  	s31 =	simm.s32 $0x1;
	v39 =	vadd.s32 s24, v0;
	v31 =	vand.u32 $0x1F, v53;
	[tilespmem:v45+s22+$0x0] =	vst.idx.msk $0xffff, v32  }
0xd2: {  	s23 =	simm.s32 $0x4;
	v57 =	vshll.u32 v48, $0x8;
	v42 =	vadd.s32 s31, v0;
	v54 =	vor.u32 v10, v31;
	[tilespmem:v47+s22+$0x0] =	vst.idx.msk $0xffff, v52  }
0xd3: {  	v36 =	vshll.u32 v53, $0x8;
	v38 =	vadd.s32 s23, v0;
	v34 =	vand.u32 $0x1F, v42;
	v37 =	vld.idx.msk [tilespmem:v51+s21+$0x0], $0xffff  }
0xd4: {  	v36 =	vand.u32 $0x1F00, v36;
	v58 =	vand.u32 $0x1F, v38;
	v59 =	vor.u32 v10, v34;
	v43 =	vld.idx.msk [tilespmem:v56+s21+$0x0], $0xffff  }
0xd5: {  	v46 =	vor.u32 v10, v58;
	v62 =	vshll.u32 v55, $0x8;
	v32 =	vand.u32 $0x1C00, v57  }
0xd6: {  	v61 =	vand.u32 $0x1F, v39;
	v35 =	vand.u32 $0x1F00, v62;
	v47 =	vor.u32 v11, v32  }
0xd7: {  	v42 =	vshll.u32 v42, $0x8;
	v40 =	vor.u32 v10, v61;
	v53 =	vor.u32 v13, v35;
	v45 =	vld.idx.msk [tilespmem:v54+s21+$0x0], $0xffff  }
0xd8: {  	v48 =	vor.u32 v12, v32;
	v60 =	vunpack.i.u.bf16.f32 v37;
	v37 =	vunpack.i.l.bf16.f32 v37  }
0xd9: {  	v50 =	vld.idx.msk [tilespmem:v59+s21+$0x0], $0xffff;
	v54 =	vor.u32 v14, v35;
	v58 =	vunpack.i.l.bf16.f32 v43;
	v37 =	vmul.f32 $8.000000000e+00, v37  }
0xda: {  	v63 =	vor.u32 v13, v36;
	v49 =	vmul.f32 $8.000000000e+00, v60;
	v60 =	vmul.f32 $8.000000000e+00, v58  }
0xdb: {  	v52 =	vor.u32 v14, v36;
	v43 =	vunpack.i.u.bf16.f32 v43;
	[tilespmem:v47+s22+$0x0] =	vst.idx.msk $0xffff, v37;
	v37 =	vand.u32 $0x1F00, v42  }
0xdc: {  	v62 =	vmul.f32 $8.000000000e+00, v43;
	v57 =	vunpack.i.l.bf16.f32 v45;
	[tilespmem:v53+s22+$0x0] =	vst.idx.msk $0xffff, v60;
	v44 =	vor.u32 v13, v37  }
0xdd: {  	s25 =	simm.s32 $0x6;
	v51 =	vunpack.i.u.bf16.f32 v45;
	v45 =	vmul.f32 $8.000000000e+00, v57;
	[tilespmem:v48+s22+$0x0] =	vst.idx.msk $0xffff, v49;
	v42 =	vor.u32 v14, v37  }
0xde: {  	v41 =	vadd.s32 s25, v0;
	v61 =	vunpack.i.l.bf16.f32 v50;
	v59 =	vmul.f32 $8.000000000e+00, v51;
	[tilespmem:v54+s22+$0x0] =	vst.idx.msk $0xffff, v62  }
0xdf: {  	s26 =	simm.s32 $0x5;
	v50 =	vunpack.i.u.bf16.f32 v50;
	v47 =	vmul.f32 $8.000000000e+00, v61;
	[tilespmem:v63+s22+$0x0] =	vst.idx.msk $0xffff, v45;
	v63 =	vand.u32 $0x1F, v41;
	v45 =	vld.idx.msk [tilespmem:v46+s21+$0x0], $0xffff  }
0xe0: {  	s28 =	simm.s32 $0x8;
	v43 =	vadd.s32 s26, v0;
	v48 =	vmul.f32 $8.000000000e+00, v50;
	[tilespmem:v52+s22+$0x0] =	vst.idx.msk $0xffff, v59;
	v46 =	vor.u32 v10, v63  }
.LBB2_7:
0xe1: {  	p0 =	slt.u32 s28, $0x1C;
	v49 =	vshll.u32 v38, $0x8;
	v38 =	vadd.s32 s28, v0;
	v50 =	vand.u32 $0x1F, v43;
	[tilespmem:v44+s22+$0x0] =	vst.idx.msk $0xffff, v47  }
0xe2: {  	v44 =	vand.u32 $0x1F, v38;
	v47 =	vand.u32 $0x1C00, v49;
	v49 =	vor.u32 v10, v50;
	v50 =	vld.idx.msk [tilespmem:v40+s21+$0x0], $0xffff;
	[tilespmem:v42+s22+$0x0] =	vst.idx.msk $0xffff, v48  }
0xe3: {  	v48 =	vor.u32 v10, v44;
	v42 =	vor.u32 v11, v47  }
0xe4: {  	s29 =	sadd.s32 $0x3, s28;
	v40 =	vunpack.i.u.bf16.f32 v45;
	v44 =	vunpack.i.l.bf16.f32 v45;
	v45 =	vor.u32 v12, v47  }
0xe5: {  	v47 =	vshll.u32 v39, $0x8;
	v39 =	vadd.s32 s29, v0;
	v44 =	vmul.f32 $8.000000000e+00, v44;
	v46 =	vld.idx.msk [tilespmem:v46+s21+$0x0], $0xffff  }
0xe6: {  	v51 =	vand.u32 $0x1F, v39;
	v52 =	vmul.f32 $8.000000000e+00, v40;
	v47 =	vand.u32 $0x1F00, v47  }
0xe7: {  	v41 =	vshll.u32 v41, $0x8;
	v40 =	vor.u32 v10, v51;
	v51 =	vor.u32 v13, v47;
	v49 =	vld.idx.msk [tilespmem:v49+s21+$0x0], $0xffff  }
0xe8: {  	v41 =	vand.u32 $0x1F00, v41;
	v47 =	vor.u32 v14, v47;
	v53 =	vunpack.i.u.bf16.f32 v50  }
0xe9: {  	v43 =	vshll.u32 v43, $0x8;
	v54 =	vor.u32 v13, v41;
	v50 =	vunpack.i.l.bf16.f32 v50  }
0xea: {  	v55 =	vor.u32 v14, v41;
	v41 =	vmul.f32 $8.000000000e+00, v50;
	[tilespmem:v42+s22+$0x0] =	vst.idx.msk $0xffff, v44;
	v42 =	vand.u32 $0x1F00, v43  }
.Ltmp2:
0xeb: {  	v50 =	vmul.f32 $8.000000000e+00, v53;
	v43 =	vunpack.i.l.bf16.f32 v46;
	[tilespmem:v45+s22+$0x0] =	vst.idx.msk $0xffff, v52;
	v44 =	vor.u32 v13, v42;
	(pc) =	sbr.rel @p0 .LBB2_7-.Ltmp2, $4  }
0xec: {  	s29 =	sadd.s32 $0x2, s28;
	v46 =	vunpack.i.u.bf16.f32 v46;
	v42 =	vor.u32 v14, v42;
	v43 =	vmul.f32 $8.000000000e+00, v43;
	[tilespmem:v51+s22+$0x0] =	vst.idx.msk $0xffff, v41  }
0xed: {  	v41 =	vadd.s32 s29, v0;
	v51 =	vmul.f32 $8.000000000e+00, v46;
	v45 =	vld.idx.msk [tilespmem:v48+s21+$0x0], $0xffff;
	v48 =	vunpack.i.l.bf16.f32 v49;
	[tilespmem:v47+s22+$0x0] =	vst.idx.msk $0xffff, v50  }
0xee: {  	s29 =	sadd.s32 $0x1, s28;
	v46 =	vand.u32 $0x1F, v41;
	v49 =	vunpack.i.u.bf16.f32 v49;
	v47 =	vmul.f32 $8.000000000e+00, v48;
	[tilespmem:v54+s22+$0x0] =	vst.idx.msk $0xffff, v43  }
0xef: {  	s28 =	sadd.s32 $0x4, s28;
	v43 =	vadd.s32 s29, v0;
	v46 =	vor.u32 v10, v46;
	v48 =	vmul.f32 $8.000000000e+00, v49;
	[tilespmem:v55+s22+$0x0] =	vst.idx.msk $0xffff, v51  }
0xf0: {  	_ =	sdelay $0x1  }
0xf1: {  	v49 =	vand.u32 $0x1F, v43  }
0xf2: {  	v38 =	vshll.u32 v38, $0x8;
	v49 =	vor.u32 v10, v49  }
0xf3: {  	v40 =	vld.idx.msk [tilespmem:v40+s21+$0x0], $0xffff;
	v39 =	vshll.u32 v39, $0x8;
	v38 =	vand.u32 $0x1C00, v38  }
0xf4: {  	v41 =	vshll.u32 v41, $0x8;
	v54 =	vshll.u32 v43, $0x8;
	v50 =	vor.u32 v11, v38  }
0xf5: {  	v46 =	vld.idx.msk [tilespmem:v46+s21+$0x0], $0xffff;
	v39 =	vand.u32 $0x1F00, v39;
	v41 =	vand.u32 $0x1F00, v41;
	v38 =	vor.u32 v12, v38  }
0xf6: {  	[tilespmem:v44+s22+$0x0] =	vst.idx.msk $0xffff, v47;
	v51 =	vunpack.i.u.bf16.f32 v45;
	v63 =	vunpack.i.l.bf16.f32 v45;
	v52 =	vor.u32 v13, v39  }
0xf7: {  	v39 =	vor.u32 v14, v39;
	v55 =	vor.u32 v13, v41;
	v45 =	vmul.f32 $8.000000000e+00, v63;
	v49 =	vld.idx.msk [tilespmem:v49+s21+$0x0], $0xffff  }
0xf8: {  	[tilespmem:v42+s22+$0x0] =	vst.idx.msk $0xffff, v48;
	v51 =	vmul.f32 $8.000000000e+00, v51;
	v53 =	vunpack.i.u.bf16.f32 v40;
	v40 =	vunpack.i.l.bf16.f32 v40  }
0xf9: {  	v42 =	vand.u32 $0x1F00, v54;
	v41 =	vor.u32 v14, v41;
	v40 =	vmul.f32 $8.000000000e+00, v40;
	[tilespmem:v50+s22+$0x0] =	vst.idx.msk $0xffff, v45  }
0xfa: {  	v56 =	vor.u32 v13, v42;
	v57 =	vunpack.i.l.bf16.f32 v46;
	v47 =	vmul.f32 $8.000000000e+00, v53;
	[tilespmem:v38+s22+$0x0] =	vst.idx.msk $0xffff, v51  }
0xfb: {  	v42 =	vor.u32 v14, v42;
	v46 =	vunpack.i.u.bf16.f32 v46;
	v45 =	vmul.f32 $8.000000000e+00, v57;
	[tilespmem:v52+s22+$0x0] =	vst.idx.msk $0xffff, v40  }
0xfc: {  	v30 =	vor.u32 v15, v30;
	v46 =	vmul.f32 $8.000000000e+00, v46;
	[tilespmem:v39+s22+$0x0] =	vst.idx.msk $0xffff, v47;
	v58 =	vunpack.i.l.bf16.f32 v49  }
0xfd: {  	v60 =	vor.u32 v15, v31;
	[tilespmem:v55+s22+$0x0] =	vst.idx.msk $0xffff, v45;
	v59 =	vunpack.i.u.bf16.f32 v49;
	v40 =	vmul.f32 $8.000000000e+00, v58  }
0xfe: {  	v33 =	vor.u32 v15, v33;
	[tilespmem:v41+s22+$0x0] =	vst.idx.msk $0xffff, v46;
	v39 =	vmul.f32 $8.000000000e+00, v59  }
0xff: {  	[tilespmem:v56+s22+$0x0] =	vst.idx.msk $0xffff, v40  }
0x100: {  	[tilespmem:v42+s22+$0x0] =	vst.idx.msk $0xffff, v39  }
0x101: {  	v30 =	vld.idx.msk [tilespmem:v30+s21+$0x0], $0xffff  }
0x102: {  	v34 =	vor.u32 v15, v34;
	v38 =	vld.idx.msk [tilespmem:v60+s21+$0x0], $0xffff  }
0x103: {  	v31 =	vadd.s32 s23, v0;
	v33 =	vld.idx.msk [tilespmem:v33+s21+$0x0], $0xffff  }
0x104: {  	v62 =	vor.u32 v16, v32;
	v61 =	vand.u32 $0x1F, v31;
	v53 =	vor.u32 v18, v35  }
0x105: {  	v50 =	vor.u32 v18, v36;
	v52 =	vor.u32 v19, v36;
	v36 =	vor.u32 v18, v37  }
0x106: {  	v55 =	vor.u32 v19, v35;
	v49 =	vor.u32 v17, v32;
	v48 =	vunpack.i.l.bf16.f32 v30  }
0x107: {  	v39 =	vor.u32 v15, v61;
	v45 =	vld.idx.msk [tilespmem:v34+s21+$0x0], $0xffff;
	v54 =	vunpack.i.l.bf16.f32 v38;
	v42 =	vmul.f32 $8.000000000e+00, v48  }
0x108: {  	v34 =	vor.u32 v19, v37;
	v57 =	vunpack.i.l.bf16.f32 v33;
	v56 =	vmul.f32 $8.000000000e+00, v54  }
0x109: {  	v63 =	vunpack.i.u.bf16.f32 v30;
	v30 =	vadd.s32 s24, v0;
	v59 =	vmul.f32 $8.000000000e+00, v57;
	[tilespmem:v62+s22+$0x0] =	vst.idx.msk $0xffff, v42  }
0x10a: {  	v38 =	vunpack.i.u.bf16.f32 v38;
	v51 =	vand.u32 $0x1F, v30;
	v41 =	vmul.f32 $8.000000000e+00, v63;
	[tilespmem:v50+s22+$0x0] =	vst.idx.msk $0xffff, v56  }
0x10b: {  	v58 =	vunpack.i.u.bf16.f32 v33;
	v38 =	vmul.f32 $8.000000000e+00, v38;
	v32 =	vor.u32 v15, v51;
	[tilespmem:v53+s22+$0x0] =	vst.idx.msk $0xffff, v59  }
0x10c: {  	v33 =	vadd.s32 s25, v0;
	v60 =	vunpack.i.l.bf16.f32 v45;
	v61 =	vmul.f32 $8.000000000e+00, v58;
	[tilespmem:v49+s22+$0x0] =	vst.idx.msk $0xffff, v41  }
0x10d: {  	v37 =	vld.idx.msk [tilespmem:v39+s21+$0x0], $0xffff;
	v63 =	vunpack.i.u.bf16.f32 v45;
	v40 =	vmul.f32 $8.000000000e+00, v60;
	v62 =	vand.u32 $0x1F, v33;
	[tilespmem:v52+s22+$0x0] =	vst.idx.msk $0xffff, v38  }
0x10e: {  	s23 =	simm.s32 $0x8;
	v35 =	vadd.s32 s26, v0;
	v39 =	vmul.f32 $8.000000000e+00, v63;
	v38 =	vor.u32 v15, v62;
	[tilespmem:v55+s22+$0x0] =	vst.idx.msk $0xffff, v61  }
.LBB2_9:
0x10f: {  	p0 =	slt.u32 s23, $0x1C;
	v41 =	vshll.u32 v31, $0x8;
	v31 =	vadd.s32 s23, v0;
	v42 =	vand.u32 $0x1F, v35;
	[tilespmem:v36+s22+$0x0] =	vst.idx.msk $0xffff, v40  }
0x110: {  	v36 =	vand.u32 $0x1F, v31;
	v40 =	vand.u32 $0x1C00, v41;
	v41 =	vor.u32 v15, v42;
	v42 =	vld.idx.msk [tilespmem:v32+s21+$0x0], $0xffff;
	[tilespmem:v34+s22+$0x0] =	vst.idx.msk $0xffff, v39  }
0x111: {  	v39 =	vor.u32 v15, v36;
	v34 =	vor.u32 v16, v40  }
0x112: {  	s24 =	sadd.s32 $0x3, s23;
	v32 =	vunpack.i.u.bf16.f32 v37;
	v36 =	vunpack.i.l.bf16.f32 v37;
	v37 =	vor.u32 v17, v40  }
0x113: {  	v40 =	vshll.u32 v30, $0x8;
	v30 =	vadd.s32 s24, v0;
	v36 =	vmul.f32 $8.000000000e+00, v36;
	v38 =	vld.idx.msk [tilespmem:v38+s21+$0x0], $0xffff  }
0x114: {  	v43 =	vand.u32 $0x1F, v30;
	v44 =	vmul.f32 $8.000000000e+00, v32;
	v40 =	vand.u32 $0x1F00, v40  }
0x115: {  	v33 =	vshll.u32 v33, $0x8;
	v32 =	vor.u32 v15, v43;
	v43 =	vor.u32 v18, v40;
	v41 =	vld.idx.msk [tilespmem:v41+s21+$0x0], $0xffff  }
0x116: {  	v33 =	vand.u32 $0x1F00, v33;
	v40 =	vor.u32 v19, v40;
	v45 =	vunpack.i.u.bf16.f32 v42  }
0x117: {  	v35 =	vshll.u32 v35, $0x8;
	v46 =	vor.u32 v18, v33;
	v42 =	vunpack.i.l.bf16.f32 v42  }
0x118: {  	v47 =	vor.u32 v19, v33;
	v33 =	vmul.f32 $8.000000000e+00, v42;
	[tilespmem:v34+s22+$0x0] =	vst.idx.msk $0xffff, v36;
	v34 =	vand.u32 $0x1F00, v35  }
.Ltmp3:
0x119: {  	v42 =	vmul.f32 $8.000000000e+00, v45;
	v35 =	vunpack.i.l.bf16.f32 v38;
	[tilespmem:v37+s22+$0x0] =	vst.idx.msk $0xffff, v44;
	v36 =	vor.u32 v18, v34;
	(pc) =	sbr.rel @p0 .LBB2_9-.Ltmp3, $4  }
0x11a: {  	s24 =	sadd.s32 $0x2, s23;
	v38 =	vunpack.i.u.bf16.f32 v38;
	v34 =	vor.u32 v19, v34;
	v35 =	vmul.f32 $8.000000000e+00, v35;
	[tilespmem:v43+s22+$0x0] =	vst.idx.msk $0xffff, v33  }
0x11b: {  	v33 =	vadd.s32 s24, v0;
	v43 =	vmul.f32 $8.000000000e+00, v38;
	v37 =	vld.idx.msk [tilespmem:v39+s21+$0x0], $0xffff;
	v39 =	vunpack.i.l.bf16.f32 v41;
	[tilespmem:v40+s22+$0x0] =	vst.idx.msk $0xffff, v42  }
0x11c: {  	s24 =	sadd.s32 $0x1, s23;
	v38 =	vand.u32 $0x1F, v33;
	v41 =	vunpack.i.u.bf16.f32 v41;
	v40 =	vmul.f32 $8.000000000e+00, v39;
	[tilespmem:v46+s22+$0x0] =	vst.idx.msk $0xffff, v35  }
0x11d: {  	s23 =	sadd.s32 $0x4, s23;
	v35 =	vadd.s32 s24, v0;
	v38 =	vor.u32 v15, v38;
	v39 =	vmul.f32 $8.000000000e+00, v41;
	[tilespmem:v47+s22+$0x0] =	vst.idx.msk $0xffff, v43  }
0x11e: {  	_ =	sdelay $0x1  }
0x11f: {  	v41 =	vand.u32 $0x1F, v35  }
0x120: {  	v31 =	vshll.u32 v31, $0x8;
	v41 =	vor.u32 v15, v41  }
0x121: {  	v32 =	vld.idx.msk [tilespmem:v32+s21+$0x0], $0xffff;
	v30 =	vshll.u32 v30, $0x8;
	v33 =	vshll.u32 v33, $0x8;
	v31 =	vand.u32 $0x1C00, v31  }
0x122: {  	v38 =	vld.idx.msk [tilespmem:v38+s21+$0x0], $0xffff;
	v48 =	vshll.u32 v35, $0x8;
	v30 =	vand.u32 $0x1F00, v30;
	v42 =	vor.u32 v16, v31  }
0x123: {  	v33 =	vand.u32 $0x1F00, v33;
	v49 =	vand.u32 $0x1F00, v48;
	v31 =	vor.u32 v17, v31  }
0x124: {  	[tilespmem:v36+s22+$0x0] =	vst.idx.msk $0xffff, v40;
	v43 =	vunpack.i.u.bf16.f32 v37;
	v61 =	vunpack.i.l.bf16.f32 v37;
	v62 =	vor.u32 v18, v30  }
0x125: {  	v30 =	vor.u32 v19, v30;
	v44 =	vor.u32 v18, v33;
	v37 =	vmul.f32 $8.000000000e+00, v61;
	v41 =	vld.idx.msk [tilespmem:v41+s21+$0x0], $0xffff  }
0x126: {  	[tilespmem:v34+s22+$0x0] =	vst.idx.msk $0xffff, v39;
	v43 =	vmul.f32 $8.000000000e+00, v43;
	v63 =	vunpack.i.u.bf16.f32 v32;
	v32 =	vunpack.i.l.bf16.f32 v32  }
0x127: {  	v50 =	vor.u32 v19, v33;
	v52 =	vunpack.i.l.bf16.f32 v38;
	v32 =	vmul.f32 $8.000000000e+00, v32;
	[tilespmem:v42+s22+$0x0] =	vst.idx.msk $0xffff, v37  }
0x128: {  	s23 =	simm.s32 $0x2;
	v51 =	vor.u32 v18, v49;
	v53 =	vor.u32 v19, v49;
	v55 =	vmul.f32 $8.000000000e+00, v52;
	[tilespmem:v31+s22+$0x0] =	vst.idx.msk $0xffff, v43  }
0x129: {  	v33 =	vadd.s32 s23, v0;
	v54 =	vunpack.i.u.bf16.f32 v38;
	v31 =	vmul.f32 $8.000000000e+00, v63;
	[tilespmem:v62+s22+$0x0] =	vst.idx.msk $0xffff, v32  }
0x12a: {  	v56 =	vand.u32 $0x1F, v33;
	v34 =	vmul.f32 $8.000000000e+00, v54;
	[tilespmem:v44+s22+$0x0] =	vst.idx.msk $0xffff, v55;
	v57 =	vunpack.i.l.bf16.f32 v41  }
0x12b: {  	s30 =	simm.s32 $0x1;
	[tilespmem:v30+s22+$0x0] =	vst.idx.msk $0xffff, v31;
	v30 =	vor.u32 v20, v56;
	v31 =	vunpack.i.u.bf16.f32 v41;
	v58 =	vmul.f32 $8.000000000e+00, v57  }
0x12c: {  	[tilespmem:v50+s22+$0x0] =	vst.idx.msk $0xffff, v34;
	v34 =	vadd.s32 s30, v0;
	v31 =	vmul.f32 $8.000000000e+00, v31  }
0x12d: {  	v59 =	vand.u32 $0x1F, v34;
	[tilespmem:v51+s22+$0x0] =	vst.idx.msk $0xffff, v58  }
0x12e: {  	s31 =	simm.s32 $0x3;
	[tilespmem:v53+s22+$0x0] =	vst.idx.msk $0xffff, v31;
	v31 =	vor.u32 v20, v59  }
0x12f: {  	v60 =	vadd.s32 s31, v0  }
0x130: {  	v36 =	vand.u32 $0x1F, v60;
	v44 =	vld.idx.msk [tilespmem:v30+s21+$0x0], $0xffff;
	v30 =	vshll.u32 v34, $0x8  }
0x131: {  	s23 =	simm.s32 $0x0;
	v61 =	vor.u32 v20, v36;
	v42 =	vand.u32 $0x1F00, v30;
	v30 =	vshll.u32 v33, $0x8  }
0x132: {  	v62 =	vand.u32 $0x1F00, v30;
	v30 =	vadd.s32 s23, v0  }
0x133: {  	s26 =	simm.s32 $0x7;
	v45 =	vld.idx.msk [tilespmem:v31+s21+$0x0], $0xffff;
	v31 =	vand.u32 $0x1F, v30  }
0x134: {  	v35 =	vshll.u32 v60, $0x8;
	v32 =	vadd.s32 s26, v0;
	v63 =	vor.u32 v20, v31  }
0x135: {  	v37 =	vor.u32 $0xC0, v0;
	v47 =	vand.u32 $0x1F, v32;
	v38 =	vshll.u32 v32, $0x8  }
0x136: {  	s24 =	simm.s32 $0x5;
	v39 =	vor.u32 v20, v47;
	v53 =	vld.idx.msk [tilespmem:v61+s21+$0x0], $0xffff;
	v61 =	vand.u32 $0x1F00, v35;
	v30 =	vshll.u32 v30, $0x8  }
0x137: {  	s25 =	simm.s32 $0x6;
	v43 =	vor.u32 v37, v61;
	v48 =	vand.u32 $0x1C00, v30;
	v30 =	vadd.s32 s24, v0  }
0x138: {  	v46 =	vor.u32 v23, v62;
	v31 =	vadd.s32 s25, v0;
	v56 =	vand.u32 $0x1F, v30  }
0x139: {  	v47 =	vor.u32 v37, v62;
	v57 =	vand.u32 $0x1F, v31;
	v50 =	vor.u32 v20, v56;
	v60 =	vld.idx.msk [tilespmem:v63+s21+$0x0], $0xffff  }
0x13a: {  	v55 =	vunpack.i.l.bf16.f32 v44;
	v62 =	vunpack.i.u.bf16.f32 v44;
	v51 =	vor.u32 v20, v57  }
0x13b: {  	v49 =	vshll.u32 v30, $0x8;
	v52 =	vmul.f32 $8.000000000e+00, v55;
	v59 =	vshll.u32 v31, $0x8  }
0x13c: {  	v40 =	vand.u32 $0x1F00, v49;
	v41 =	vand.u32 $0x1F00, v59;
	v56 =	vor.u32 v23, v42  }
0x13d: {  	v57 =	vor.u32 v37, v42;
	v58 =	vunpack.i.u.bf16.f32 v45;
	v55 =	vunpack.i.l.bf16.f32 v45  }
0x13e: {  	[tilespmem:v46+s22+$0x0] =	vst.idx.msk $0xffff, v52;
	v54 =	vmul.f32 $8.000000000e+00, v58;
	v58 =	vor.u32 v21, v48;
	v44 =	vld.idx.msk [tilespmem:v50+s21+$0x0], $0xffff;
	v46 =	vunpack.i.u.bf16.f32 v60  }
0x13f: {  	v59 =	vunpack.i.u.bf16.f32 v53;
	v55 =	vmul.f32 $8.000000000e+00, v55;
	v50 =	vmul.f32 $8.000000000e+00, v46;
	v46 =	vld.idx.msk [tilespmem:v51+s21+$0x0], $0xffff  }
0x140: {  	s24 =	simm.s32 $0x4;
	v42 =	vor.u32 v23, v41;
	v48 =	vor.u32 v22, v48;
	v49 =	vunpack.i.l.bf16.f32 v60  }
0x141: {  	v45 =	vor.u32 v23, v61;
	v63 =	vadd.s32 s24, v0;
	[tilespmem:v56+s22+$0x0] =	vst.idx.msk $0xffff, v55;
	v61 =	vmul.f32 $8.000000000e+00, v49  }
0x142: {  	v52 =	vmul.f32 $8.000000000e+00, v62;
	[tilespmem:v57+s22+$0x0] =	vst.idx.msk $0xffff, v54;
	v54 =	vand.u32 $0x1F, v63;
	v60 =	vunpack.i.l.bf16.f32 v53  }
0x143: {  	s25 =	simm.s32 $0x8;
	v53 =	vshll.u32 v63, $0x8;
	v49 =	vmul.f32 $8.000000000e+00, v59;
	v51 =	vmul.f32 $8.000000000e+00, v60;
	[tilespmem:v58+s22+$0x0] =	vst.idx.msk $0xffff, v61  }
.LBB2_11:
0x144: {  	s26 =	sadd.s32 $0x1, s25;
	s28 =	sadd.s32 $0x2, s25;
	s29 =	sadd.s32 $0x3, s25;
	v54 =	vor.u32 v20, v54;
	v53 =	vand.u32 $0x1C00, v53;
	v55 =	vunpack.i.l.bf16.f32 v46;
	[tilespmem:v47+s22+$0x0] =	vst.idx.msk $0xffff, v52;
	v52 =	vmovc v46  }
0x145: {  	p0 =	slt.u32 s25, $0x1C;
	v46 =	vadd.s32 s26, v0;
	v47 =	vadd.s32 s28, v0;
	v56 =	vadd.s32 s29, v0;
	[tilespmem:v48+s22+$0x0] =	vst.idx.msk $0xffff, v50;
	s26 =	smov.u32 s25;
	s25 =	sadd.s32 $0x4, s25  }
0x146: {  	v48 =	vand.u32 $0x1F, v46;
	v50 =	vand.u32 $0x1F, v47;
	v57 =	vand.u32 $0x1F, v56;
	[tilespmem:v45+s22+$0x0] =	vst.idx.msk $0xffff, v51  }
0x147: {  	v46 =	vshll.u32 v46, $0x8;
	v45 =	vor.u32 v20, v48;
	v48 =	vor.u32 v20, v50;
	[tilespmem:v43+s22+$0x0] =	vst.idx.msk $0xffff, v49  }
0x148: {  	v43 =	vunpack.i.u.bf16.f32 v44;
	v49 =	vmul.f32 $8.000000000e+00, v55;
	v50 =	vld.idx.msk [tilespmem:v39+s21+$0x0], $0xffff;
	v39 =	vor.u32 v20, v57  }
0x149: {  	v51 =	vand.u32 $0x1F00, v46;
	v46 =	vshll.u32 v47, $0x8;
	v55 =	vmul.f32 $8.000000000e+00, v43;
	v54 =	vld.idx.msk [tilespmem:v54+s21+$0x0], $0xffff  }
0x14a: {  	v57 =	vand.u32 $0x1F00, v46;
	v43 =	vshll.u32 v56, $0x8;
	v56 =	vunpack.i.l.bf16.f32 v44;
	[tilespmem:v42+s22+$0x0] =	vst.idx.msk $0xffff, v49  }
0x14b: {  	v58 =	vand.u32 $0x1F00, v38;
	v38 =	vmov v43;
	v49 =	vor.u32 v23, v40  }
0x14c: {  	v59 =	vor.u32 v37, v40;
	v47 =	vor.u32 v37, v41;
	v43 =	vor.u32 v37, v58;
	v44 =	vld.idx.msk [tilespmem:v45+s21+$0x0], $0xffff  }
0x14d: {  	v60 =	vor.u32 v21, v53;
	v42 =	vor.u32 v23, v57;
	v45 =	vor.u32 v23, v58;
	v46 =	vld.idx.msk [tilespmem:v48+s21+$0x0], $0xffff  }
.Ltmp4:
0x14e: {  	v41 =	vmovc v57;
	v40 =	vmovc v51;
	v48 =	vor.u32 v22, v53;
	v53 =	vmul.f32 $8.000000000e+00, v56;
	v56 =	vunpack.i.u.bf16.f32 v50;
	(pc) =	sbr.rel @p0 .LBB2_11-.Ltmp4, $4  }
0x14f: {  	v57 =	vunpack.i.l.bf16.f32 v50;
	v51 =	vunpack.i.u.bf16.f32 v54;
	v54 =	vunpack.i.l.bf16.f32 v54  }
0x150: {  	v52 =	vunpack.i.u.bf16.f32 v52;
	v58 =	vmul.f32 $8.000000000e+00, v54;
	[tilespmem:v49+s22+$0x0] =	vst.idx.msk $0xffff, v53;
	v49 =	vmul.f32 $8.000000000e+00, v56  }
0x151: {  	v52 =	vmul.f32 $8.000000000e+00, v52;
	v50 =	vmul.f32 $8.000000000e+00, v51;
	v53 =	vadd.s32 s26, v0;
	[tilespmem:v59+s22+$0x0] =	vst.idx.msk $0xffff, v55  }
0x152: {  	v51 =	vmul.f32 $8.000000000e+00, v57;
	v54 =	vand.u32 $0x1F, v53;
	v53 =	vshll.u32 v53, $0x8;
	[tilespmem:v60+s22+$0x0] =	vst.idx.msk $0xffff, v58  }
0x153: {  	_ = 	snop  }
0x154: {  	v54 =	vor.u32 v20, v54  }
0x155: {  	v53 =	vand.u32 $0x1C00, v53  }
0x156: {  	v55 =	vunpack.i.l.bf16.f32 v46;
	v63 =	vunpack.i.u.bf16.f32 v44;
	v57 =	vor.u32 v23, v40  }
0x157: {  	v39 =	vld.idx.msk [tilespmem:v39+s21+$0x0], $0xffff;
	[tilespmem:v47+s22+$0x0] =	vst.idx.msk $0xffff, v52;
	v58 =	vunpack.i.l.bf16.f32 v44;
	v38 =	vand.u32 $0x1F00, v38;
	v59 =	vor.u32 v37, v40  }
0x158: {  	[tilespmem:v48+s22+$0x0] =	vst.idx.msk $0xffff, v50;
	v41 =	vor.u32 v37, v41;
	v56 =	vmul.f32 $8.000000000e+00, v55;
	v47 =	vmul.f32 $8.000000000e+00, v63  }
0x159: {  	[tilespmem:v45+s22+$0x0] =	vst.idx.msk $0xffff, v51;
	v45 =	vor.u32 v37, v38;
	v60 =	vor.u32 v21, v53;
	v52 =	vld.idx.msk [tilespmem:v54+s21+$0x0], $0xffff  }
0x15a: {  	v38 =	vor.u32 v23, v38;
	v61 =	vmul.f32 $8.000000000e+00, v58;
	v37 =	vor.u32 $0xA00, v1;
	[tilespmem:v43+s22+$0x0] =	vst.idx.msk $0xffff, v49  }
0x15b: {  	v58 =	vadd.s32 s23, v0;
	v43 =	vor.u32 v22, v53;
	[tilespmem:v42+s22+$0x0] =	vst.idx.msk $0xffff, v56;
	v54 =	vunpack.i.u.bf16.f32 v46  }
0x15c: {  	v62 =	vunpack.i.u.bf16.f32 v39;
	v39 =	vunpack.i.l.bf16.f32 v39;
	[tilespmem:v57+s22+$0x0] =	vst.idx.msk $0xffff, v61;
	v55 =	vmul.f32 $8.000000000e+00, v54  }
0x15d: {  	v57 =	vor.u32 v37, v36;
	v61 =	vand.u32 $0x1F, v58;
	[tilespmem:v59+s22+$0x0] =	vst.idx.msk $0xffff, v47;
	v39 =	vmul.f32 $8.000000000e+00, v39  }
0x15e: {  	v59 =	vand.u32 $0x1F, v33;
	v42 =	vmul.f32 $8.000000000e+00, v62;
	[tilespmem:v41+s22+$0x0] =	vst.idx.msk $0xffff, v55;
	v53 =	vunpack.i.l.bf16.f32 v52  }
0x15f: {  	v62 =	vor.u32 v37, v59;
	[tilespmem:v38+s22+$0x0] =	vst.idx.msk $0xffff, v39;
	v63 =	vunpack.i.u.bf16.f32 v52;
	v48 =	vmul.f32 $8.000000000e+00, v53  }
0x160: {  	v56 =	vand.u32 $0x1F, v34;
	[tilespmem:v45+s22+$0x0] =	vst.idx.msk $0xffff, v42;
	v44 =	vmul.f32 $8.000000000e+00, v63;
	v63 =	vor.u32 v37, v61  }
0x161: {  	[tilespmem:v60+s22+$0x0] =	vst.idx.msk $0xffff, v48;
	v60 =	vor.u32 v37, v56  }
0x162: {  	v36 =	vadd.s32 s24, v0;
	[tilespmem:v43+s22+$0x0] =	vst.idx.msk $0xffff, v44  }
0x163: {  	v35 =	vand.u32 $0x1F00, v35;
	v54 =	vshll.u32 v58, $0x8;
	v40 =	vand.u32 $0x1F, v36;
	v48 =	vld.idx.msk [tilespmem:v57+s21+$0x0], $0xffff  }
0x164: {  	v47 =	vand.u32 $0x1F, v31;
	v38 =	vand.u32 $0x1C00, v54;
	v55 =	vshll.u32 v34, $0x8;
	v58 =	vld.idx.msk [tilespmem:v62+s21+$0x0], $0xffff  }
0x165: {  	v34 =	vor.u32 $0xD0, v0;
	v56 =	vshll.u32 v33, $0x8;
	v33 =	vor.u32 $0x50, v0;
	v44 =	vld.idx.msk [tilespmem:v63+s21+$0x0], $0xffff  }
0x166: {  	v45 =	vor.u32 v34, v35;
	v59 =	vand.u32 $0x1F00, v56;
	v49 =	vld.idx.msk [tilespmem:v60+s21+$0x0], $0xffff;
	v60 =	vor.u32 v33, v35  }
0x167: {  	v43 =	vand.u32 $0x1F, v30;
	v57 =	vand.u32 $0x1F00, v55;
	v39 =	vor.u32 v33, v59  }
0x168: {  	v42 =	vor.u32 v33, v57;
	v41 =	vor.u32 v34, v57;
	v61 =	vunpack.i.l.bf16.f32 v48  }
0x169: {  	v35 =	vor.u32 v34, v59;
	v63 =	vunpack.i.u.bf16.f32 v48;
	v62 =	vmul.f32 $8.000000000e+00, v61  }
0x16a: {  	v48 =	vunpack.i.u.bf16.f32 v58;
	v52 =	vunpack.i.l.bf16.f32 v58;
	v51 =	vmul.f32 $8.000000000e+00, v63  }
0x16b: {  	s23 =	simm.s32 $0x8;
	v46 =	vunpack.i.u.bf16.f32 v49;
	v50 =	vunpack.i.l.bf16.f32 v49;
	v49 =	vunpack.i.u.bf16.f32 v44;
	[tilespmem:v60+s22+$0x0] =	vst.idx.msk $0xffff, v62  }
.LBB2_13:
0x16c: {  	p0 =	slt.u32 s23, $0x1C;
	v53 =	vand.u32 $0x1F, v32;
	v44 =	vunpack.i.l.bf16.f32 v44;
	[tilespmem:v45+s22+$0x0] =	vst.idx.msk $0xffff, v51  }
0x16d: {  	v43 =	vor.u32 v37, v43;
	v45 =	vor.u32 v37, v47;
	v47 =	vor.u32 v37, v53  }
0x16e: {  	v51 =	vor.u32 v37, v40;
	v40 =	vmul.f32 $8.000000000e+00, v50;
	v46 =	vmul.f32 $8.000000000e+00, v46  }
0x16f: {  	v50 =	vor.u32 v24, v38;
	v52 =	vmul.f32 $8.000000000e+00, v52;
	v48 =	vmul.f32 $8.000000000e+00, v48  }
0x170: {  	v49 =	vmul.f32 $8.000000000e+00, v49;
	v44 =	vmul.f32 $8.000000000e+00, v44;
	v53 =	vor.u32 v25, v38;
	[tilespmem:v42+s22+$0x0] =	vst.idx.msk $0xffff, v40  }
0x171: {  	s24 =	sadd.s32 $0x1, s23;
	s25 =	sadd.s32 $0x2, s23;
	v38 =	vshll.u32 v36, $0x8;
	v36 =	vadd.s32 s23, v0;
	[tilespmem:v41+s22+$0x0] =	vst.idx.msk $0xffff, v46  }
0x172: {  	v40 =	vand.u32 $0x1F, v36;
	v42 =	vadd.s32 s25, v0;
	v41 =	vadd.s32 s24, v0;
	v54 =	vld.idx.msk [tilespmem:v47+s21+$0x0], $0xffff;
	[tilespmem:v39+s22+$0x0] =	vst.idx.msk $0xffff, v52  }
0x173: {  	v38 =	vand.u32 $0x1C00, v38;
	v46 =	vshll.u32 v31, $0x8;
	v39 =	vshll.u32 v30, $0x8;
	v30 =	vmovc v41;
	v52 =	vld.idx.msk [tilespmem:v43+s21+$0x0], $0xffff;
	[tilespmem:v35+s22+$0x0] =	vst.idx.msk $0xffff, v48  }
0x174: {  	v32 =	vshll.u32 v32, $0x8;
	v31 =	vmovc v42;
	v43 =	vand.u32 $0x1F, v30;
	v35 =	vand.u32 $0x1F00, v39;
	v55 =	vld.idx.msk [tilespmem:v45+s21+$0x0], $0xffff;
	[tilespmem:v50+s22+$0x0] =	vst.idx.msk $0xffff, v44  }
0x175: {  	v32 =	vand.u32 $0x1F00, v32;
	v46 =	vand.u32 $0x1F00, v46;
	v44 =	vld.idx.msk [tilespmem:v51+s21+$0x0], $0xffff;
	[tilespmem:v53+s22+$0x0] =	vst.idx.msk $0xffff, v49  }
0x176: {  	v42 =	vor.u32 v33, v35;
	v53 =	vor.u32 v33, v32  }
.Ltmp5:
0x177: {  	v39 =	vor.u32 v33, v46;
	v41 =	vor.u32 v34, v35;
	v45 =	vor.u32 v34, v32;
	(pc) =	sbr.rel @p0 .LBB2_13-.Ltmp5, $4  }
0x178: {  	v47 =	vand.u32 $0x1F, v31;
	v35 =	vor.u32 v34, v46;
	v32 =	vunpack.i.l.bf16.f32 v54  }
0x179: {  	v49 =	vunpack.i.u.bf16.f32 v54;
	v46 =	vunpack.i.u.bf16.f32 v52;
	v54 =	vmul.f32 $8.000000000e+00, v32  }
0x17a: {  	s24 =	sadd.s32 $0x3, s23;
	v50 =	vunpack.i.l.bf16.f32 v52;
	v51 =	vmul.f32 $8.000000000e+00, v49;
	v48 =	vunpack.i.u.bf16.f32 v55  }
0x17b: {  	s23 =	sadd.s32 $0x4, s23;
	v32 =	vadd.s32 s24, v0;
	v52 =	vunpack.i.l.bf16.f32 v55;
	v49 =	vunpack.i.u.bf16.f32 v44;
	[tilespmem:v53+s22+$0x0] =	vst.idx.msk $0xffff, v54  }
0x17c: {  	v53 =	vand.u32 $0x1F, v32;
	v43 =	vor.u32 v37, v43  }
0x17d: {  	v53 =	vor.u32 v37, v53  }
0x17e: {  	v47 =	vor.u32 v37, v47;
	_ =	sdelay $0x1  }
0x17f: {  	v44 =	vunpack.i.l.bf16.f32 v44;
	v58 =	vor.u32 v37, v40;
	v59 =	vmul.f32 $8.000000000e+00, v50  }
0x180: {  	v46 =	vmul.f32 $8.000000000e+00, v46;
	v60 =	vor.u32 v24, v38;
	v52 =	vmul.f32 $8.000000000e+00, v52;
	v43 =	vld.idx.msk [tilespmem:v43+s21+$0x0], $0xffff  }
0x181: {  	v48 =	vmul.f32 $8.000000000e+00, v48;
	v36 =	vshll.u32 v36, $0x8;
	[tilespmem:v45+s22+$0x0] =	vst.idx.msk $0xffff, v51;
	v30 =	vshll.u32 v30, $0x8;
	v53 =	vld.idx.msk [tilespmem:v53+s21+$0x0], $0xffff  }
0x182: {  	v62 =	vor.u32 v25, v38;
	v30 =	vand.u32 $0x1F00, v30;
	[tilespmem:v42+s22+$0x0] =	vst.idx.msk $0xffff, v59;
	v63 =	vld.idx.msk [tilespmem:v47+s21+$0x0], $0xffff;
	v47 =	vshll.u32 v32, $0x8  }
0x183: {  	v61 =	vmul.f32 $8.000000000e+00, v49;
	v49 =	vor.u32 v33, v30;
	[tilespmem:v39+s22+$0x0] =	vst.idx.msk $0xffff, v52;
	v32 =	vand.u32 $0x1F00, v47  }
0x184: {  	v31 =	vshll.u32 v31, $0x8;
	v44 =	vmul.f32 $8.000000000e+00, v44;
	[tilespmem:v41+s22+$0x0] =	vst.idx.msk $0xffff, v46;
	v51 =	vor.u32 v33, v32  }
0x185: {  	v31 =	vand.u32 $0x1F00, v31;
	v30 =	vor.u32 v34, v30;
	[tilespmem:v35+s22+$0x0] =	vst.idx.msk $0xffff, v48;
	v57 =	vunpack.i.l.bf16.f32 v43  }
0x186: {  	[tilespmem:v60+s22+$0x0] =	vst.idx.msk $0xffff, v44;
	v32 =	vor.u32 v34, v32;
	v54 =	vunpack.i.l.bf16.f32 v53;
	v35 =	vmul.f32 $8.000000000e+00, v57  }
0x187: {  	v46 =	vor.u32 v33, v31;
	v37 =	vld.idx.msk [tilespmem:v58+s21+$0x0], $0xffff;
	[tilespmem:v62+s22+$0x0] =	vst.idx.msk $0xffff, v61;
	v55 =	vunpack.i.u.bf16.f32 v43;
	v33 =	vmul.f32 $8.000000000e+00, v54  }
0x188: {  	s24 =	simm.s32 $0x1;
	v31 =	vor.u32 v34, v31;
	v56 =	vunpack.i.u.bf16.f32 v53;
	v34 =	vmul.f32 $8.000000000e+00, v55;
	[tilespmem:v49+s22+$0x0] =	vst.idx.msk $0xffff, v35  }
0x189: {  	s23 =	simm.s32 $0x3;
	v36 =	vand.u32 $0x1C00, v36;
	v52 =	vadd.s32 s24, v0;
	v39 =	vmul.f32 $8.000000000e+00, v56;
	[tilespmem:v51+s22+$0x0] =	vst.idx.msk $0xffff, v33  }
0x18a: {  	v58 =	vunpack.i.u.bf16.f32 v63;
	v40 =	vunpack.i.l.bf16.f32 v63;
	v63 =	vadd.s32 s23, v0;
	[tilespmem:v30+s22+$0x0] =	vst.idx.msk $0xffff, v34  }
0x18b: {  	v60 =	vor.u32 v24, v36;
	v61 =	vmul.f32 $8.000000000e+00, v40;
	v53 =	vand.u32 $0x1F, v63;
	[tilespmem:v32+s22+$0x0] =	vst.idx.msk $0xffff, v39  }
0x18c: {  	v62 =	vor.u32 v25, v36;
	v59 =	vunpack.i.u.bf16.f32 v37;
	v37 =	vunpack.i.l.bf16.f32 v37;
	[tilespmem:$0x1FFD0] =	vst v53  }
0x18d: {  	s29 =	simm.s32 $0x2;
	v43 =	vmul.f32 $8.000000000e+00, v58;
	v40 =	vor.u32 $0xC00, v1;
	v55 =	vand.u32 $0x1F, v52;
	[tilespmem:v46+s22+$0x0] =	vst.idx.msk $0xffff, v61  }
0x18e: {  	s30 =	simm.s32 $0x0;
	v37 =	vmul.f32 $8.000000000e+00, v37;
	v54 =	vadd.s32 s29, v0;
	v56 =	vor.u32 v40, v53;
	[tilespmem:$0x1FFE0] =	vst v55  }
0x18f: {  	v58 =	vor.u32 v40, v55;
	v57 =	vand.u32 $0x1F, v54;
	v30 =	vadd.s32 s30, v0;
	[tilespmem:v31+s22+$0x0] =	vst.idx.msk $0xffff, v43  }
0x190: {  	v44 =	vmul.f32 $8.000000000e+00, v59;
	v59 =	vor.u32 v40, v57;
	v35 =	vand.u32 $0x1F, v30;
	[tilespmem:$0x1FFF0] =	vst v57  }
0x191: {  	v42 =	vor.u32 $0xE0, v0;
	v63 =	vshll.u32 v63, $0x8;
	[tilespmem:v60+s22+$0x0] =	vst.idx.msk $0xffff, v37;
	v60 =	vor.u32 v40, v35  }
0x192: {  	s31 =	simm.s32 $0x5;
	v41 =	vor.u32 $0x60, v0;
	v36 =	vshll.u32 v30, $0x8;
	v39 =	vand.u32 $0x1F00, v63;
	[tilespmem:v62+s22+$0x0] =	vst.idx.msk $0xffff, v44  }
0x193: {  	s25 =	simm.s32 $0x6;
	s23 =	simm.s32 $0x4;
	v30 =	vadd.s32 s31, v0;
	v63 =	vor.u32 v41, v39;
	v61 =	vshll.u32 v52, $0x8;
	v49 =	vld.idx.msk [tilespmem:v56+s21+$0x0], $0xffff  }
0x194: {  	v52 =	vand.u32 $0x1F, v30;
	v43 =	vadd.s32 s23, v0;
	v31 =	vadd.s32 s25, v0;
	v53 =	vld.idx.msk [tilespmem:v58+s21+$0x0], $0xffff  }
0x195: {  	v55 =	vor.u32 v42, v39;
	v45 =	vand.u32 $0x1F, v43;
	v57 =	vand.u32 $0x1F, v31;
	v47 =	vld.idx.msk [tilespmem:v59+s21+$0x0], $0xffff  }
0x196: {  	v37 =	vand.u32 $0x1F00, v61;
	v44 =	vand.u32 $0x1C00, v36;
	v62 =	vshll.u32 v54, $0x8;
	v54 =	vld.idx.msk [tilespmem:v60+s21+$0x0], $0xffff  }
0x197: {  	v51 =	vor.u32 v41, v37;
	v50 =	vor.u32 v42, v37;
	v38 =	vand.u32 $0x1F00, v62  }
0x198: {  	v48 =	vor.u32 v41, v38;
	v58 =	vunpack.i.l.bf16.f32 v49;
	v49 =	vunpack.i.u.bf16.f32 v49  }
0x199: {  	s24 =	simm.s32 $0x7;
	v46 =	vor.u32 v42, v38;
	v56 =	vunpack.i.u.bf16.f32 v53;
	v32 =	vmul.f32 $8.000000000e+00, v58  }
0x19a: {  	v60 =	vunpack.i.l.bf16.f32 v53;
	v53 =	vadd.s32 s24, v0;
	v61 =	vmul.f32 $8.000000000e+00, v49  }
0x19b: {  	s25 =	simm.s32 $0x8;
	v62 =	vunpack.i.l.bf16.f32 v47;
	v58 =	vunpack.i.u.bf16.f32 v47;
	v47 =	vmovc v30;
	v59 =	vunpack.i.u.bf16.f32 v54;
	[tilespmem:v63+s22+$0x0] =	vst.idx.msk $0xffff, v32;
	v49 =	vmovc v31  }
.LBB2_15:
0x19c: {  	p0 =	slt.u32 s25, $0x1C;
	v32 =	vand.u32 $0x1F, v53;
	v54 =	vunpack.i.l.bf16.f32 v54;
	[tilespmem:v55+s22+$0x0] =	vst.idx.msk $0xffff, v61  }
0x19d: {  	v52 =	vor.u32 v40, v52;
	v55 =	vor.u32 v40, v57;
	v32 =	vor.u32 v40, v32  }
0x19e: {  	v57 =	vor.u32 v40, v45;
	v45 =	vmul.f32 $8.000000000e+00, v60;
	v56 =	vmul.f32 $8.000000000e+00, v56  }
0x19f: {  	v60 =	vor.u32 v26, v44;
	v61 =	vmul.f32 $8.000000000e+00, v62;
	v58 =	vmul.f32 $8.000000000e+00, v58  }
0x1a0: {  	v59 =	vmul.f32 $8.000000000e+00, v59;
	v62 =	vor.u32 v27, v44;
	v54 =	vmul.f32 $8.000000000e+00, v54;
	[tilespmem:v51+s22+$0x0] =	vst.idx.msk $0xffff, v45  }
0x1a1: {  	s26 =	sadd.s32 $0x1, s25;
	s28 =	sadd.s32 $0x2, s25;
	v44 =	vshll.u32 v43, $0x8;
	v43 =	vadd.s32 s25, v0;
	[tilespmem:v50+s22+$0x0] =	vst.idx.msk $0xffff, v56  }
0x1a2: {  	v45 =	vand.u32 $0x1F, v43;
	v51 =	vadd.s32 s28, v0;
	v50 =	vadd.s32 s26, v0;
	v32 =	vld.idx.msk [tilespmem:v32+s21+$0x0], $0xffff;
	[tilespmem:v48+s22+$0x0] =	vst.idx.msk $0xffff, v61  }
0x1a3: {  	v44 =	vand.u32 $0x1C00, v44;
	v56 =	vshll.u32 v49, $0x8;
	v48 =	vshll.u32 v47, $0x8;
	v47 =	vmovc v50;
	v61 =	vld.idx.msk [tilespmem:v52+s21+$0x0], $0xffff;
	[tilespmem:v46+s22+$0x0] =	vst.idx.msk $0xffff, v58  }
0x1a4: {  	v49 =	vmovc v51;
	v52 =	vand.u32 $0x1F, v47;
	v46 =	vand.u32 $0x1F00, v48;
	v48 =	vshll.u32 v53, $0x8;
	v63 =	vld.idx.msk [tilespmem:v55+s21+$0x0], $0xffff;
	[tilespmem:v60+s22+$0x0] =	vst.idx.msk $0xffff, v54  }
0x1a5: {  	v53 =	vand.u32 $0x1F00, v56;
	v55 =	vand.u32 $0x1F00, v48;
	v54 =	vld.idx.msk [tilespmem:v57+s21+$0x0], $0xffff;
	[tilespmem:v62+s22+$0x0] =	vst.idx.msk $0xffff, v59  }
0x1a6: {  	v51 =	vor.u32 v41, v46;
	v33 =	vor.u32 v41, v55  }
.Ltmp6:
0x1a7: {  	v50 =	vor.u32 v42, v46;
	v48 =	vor.u32 v41, v53;
	v55 =	vor.u32 v42, v55;
	(pc) =	sbr.rel @p0 .LBB2_15-.Ltmp6, $4  }
0x1a8: {  	v46 =	vor.u32 v42, v53;
	v57 =	vand.u32 $0x1F, v49;
	v53 =	vunpack.i.l.bf16.f32 v32  }
0x1a9: {  	v32 =	vunpack.i.u.bf16.f32 v32;
	v56 =	vunpack.i.u.bf16.f32 v61;
	v34 =	vmul.f32 $8.000000000e+00, v53  }
0x1aa: {  	s26 =	sadd.s32 $0x3, s25;
	v60 =	vunpack.i.l.bf16.f32 v61;
	v61 =	vmul.f32 $8.000000000e+00, v32;
	v58 =	vunpack.i.u.bf16.f32 v63  }
0x1ab: {  	s25 =	sadd.s32 $0x4, s25;
	v53 =	vadd.s32 s26, v0;
	v62 =	vunpack.i.l.bf16.f32 v63;
	v59 =	vunpack.i.u.bf16.f32 v54;
	[tilespmem:v33+s22+$0x0] =	vst.idx.msk $0xffff, v34  }
0x1ac: {  	v32 =	vand.u32 $0x1F, v53  }
0x1ad: {  	v32 =	vor.u32 v40, v32;
	_ =	sdelay $0x1  }
0x1ae: {  	v33 =	vor.u32 v40, v52;
	_ =	sdelay $0x1  }
0x1af: {  	v34 =	vunpack.i.l.bf16.f32 v54;
	v60 =	vmul.f32 $8.000000000e+00, v60  }
0x1b0: {  	v52 =	vor.u32 v40, v57;
	v63 =	vmul.f32 $8.000000000e+00, v56;
	v56 =	vmul.f32 $8.000000000e+00, v62;
	v32 =	vld.idx.msk [tilespmem:v32+s21+$0x0], $0xffff  }
0x1b1: {  	v57 =	vor.u32 v26, v44;
	[tilespmem:v55+s22+$0x0] =	vst.idx.msk $0xffff, v61;
	v55 =	vmul.f32 $8.000000000e+00, v59;
	v59 =	vshll.u32 v53, $0x8  }
0x1b2: {  	v58 =	vmul.f32 $8.000000000e+00, v58;
	v44 =	vor.u32 v27, v44;
	[tilespmem:v51+s22+$0x0] =	vst.idx.msk $0xffff, v60;
	v60 =	vand.u32 $0x1F00, v59;
	v33 =	vld.idx.msk [tilespmem:v33+s21+$0x0], $0xffff  }
0x1b3: {  	v61 =	vshll.u32 v47, $0x8;
	v40 =	vor.u32 v40, v45;
	[tilespmem:v50+s22+$0x0] =	vst.idx.msk $0xffff, v63;
	v63 =	vor.u32 v41, v60  }
0x1b4: {  	v34 =	vmul.f32 $8.000000000e+00, v34;
	v45 =	vand.u32 $0x1F00, v61;
	[tilespmem:v48+s22+$0x0] =	vst.idx.msk $0xffff, v56;
	v48 =	vor.u32 v42, v60  }
0x1b5: {  	v62 =	vshll.u32 v49, $0x8;
	v54 =	vor.u32 v41, v45;
	[tilespmem:v46+s22+$0x0] =	vst.idx.msk $0xffff, v58;
	v49 =	vld.idx.msk [tilespmem:v52+s21+$0x0], $0xffff;
	v56 =	vunpack.i.l.bf16.f32 v32  }
0x1b6: {  	v45 =	vor.u32 v42, v45;
	[tilespmem:v57+s22+$0x0] =	vst.idx.msk $0xffff, v34;
	v32 =	vunpack.i.u.bf16.f32 v32;
	v59 =	vmul.f32 $8.000000000e+00, v56  }
0x1b7: {  	v47 =	vand.u32 $0x1F00, v62;
	[tilespmem:v44+s22+$0x0] =	vst.idx.msk $0xffff, v55;
	v61 =	vunpack.i.l.bf16.f32 v33;
	v32 =	vmul.f32 $8.000000000e+00, v32  }
0x1b8: {  	v58 =	vor.u32 v41, v47;
	v33 =	vunpack.i.u.bf16.f32 v33;
	[tilespmem:v63+s22+$0x0] =	vst.idx.msk $0xffff, v59;
	v63 =	vmul.f32 $8.000000000e+00, v61  }
0x1b9: {  	v60 =	vor.u32 v42, v47;
	v50 =	vmul.f32 $8.000000000e+00, v33;
	[tilespmem:v48+s22+$0x0] =	vst.idx.msk $0xffff, v32  }
0x1ba: {  	v62 =	vunpack.i.u.bf16.f32 v49;
	v49 =	vunpack.i.l.bf16.f32 v49;
	[tilespmem:v54+s22+$0x0] =	vst.idx.msk $0xffff, v63  }
0x1bb: {  	v57 =	vld.idx.msk [tilespmem:v40+s21+$0x0], $0xffff;
	v44 =	vmul.f32 $8.000000000e+00, v49;
	[tilespmem:v45+s22+$0x0] =	vst.idx.msk $0xffff, v50  }
0x1bc: {  	v43 =	vshll.u32 v43, $0x8;
	v47 =	vmul.f32 $8.000000000e+00, v62;
	v32 =	vld [tilespmem:$0x1FFD0]  }
0x1bd: {  	v43 =	vand.u32 $0x1C00, v43;
	[tilespmem:v58+s22+$0x0] =	vst.idx.msk $0xffff, v44  }
0x1be: {  	v51 =	vor.u32 v26, v43;
	v41 =	vld [tilespmem:$0x1FFE0];
	[tilespmem:v60+s22+$0x0] =	vst.idx.msk $0xffff, v47  }
0x1bf: {  	v43 =	vor.u32 v27, v43;
	v40 =	vor.u32 $0xE00, v1;
	v55 =	vld [tilespmem:$0x1FFF0]  }
0x1c0: {  	v52 =	vunpack.i.l.bf16.f32 v57;
	v34 =	vunpack.i.u.bf16.f32 v57;
	v57 =	vor.u32 v40, v35  }
0x1c1: {  	v53 =	vmul.f32 $8.000000000e+00, v52;
	v32 =	vor.u32 v40, v32  }
0x1c2: {  	v34 =	vmul.f32 $8.000000000e+00, v34  }
0x1c3: {  	[tilespmem:v51+s22+$0x0] =	vst.idx.msk $0xffff, v53;
	v54 =	vor.u32 v40, v41  }
0x1c4: {  	[tilespmem:v43+s22+$0x0] =	vst.idx.msk $0xffff, v34;
	v56 =	vor.u32 v40, v55  }
0x1c5: {  	v45 =	vld.idx.msk [tilespmem:v57+s21+$0x0], $0xffff  }
0x1c6: {  	v48 =	vld.idx.msk [tilespmem:v32+s21+$0x0], $0xffff  }
0x1c7: {  	v35 =	vand.u32 $0x1C00, v36;
	v33 =	vor.u32 $0xF0, v0  }
0x1c8: {  	v42 =	vor.u32 v33, v37;
	v36 =	vor.u32 v33, v38;
	v32 =	vor.u32 $0x70, v0;
	v58 =	vld.idx.msk [tilespmem:v54+s21+$0x0], $0xffff  }
0x1c9: {  	v44 =	vand.u32 $0x1F, v30;
	v34 =	vadd.s32 s23, v0;
	v60 =	vor.u32 v32, v39;
	v59 =	vld.idx.msk [tilespmem:v56+s21+$0x0], $0xffff  }
0x1ca: {  	v47 =	vand.u32 $0x1F, v31;
	v41 =	vand.u32 $0x1F, v34;
	v39 =	vor.u32 v33, v39  }
0x1cb: {  	v49 =	vunpack.i.u.bf16.f32 v45;
	v43 =	vor.u32 v32, v37;
	v61 =	vunpack.i.l.bf16.f32 v48  }
0x1cc: {  	v37 =	vor.u32 v32, v38;
	v62 =	vunpack.i.u.bf16.f32 v48;
	v63 =	vmul.f32 $8.000000000e+00, v61  }
0x1cd: {  	v38 =	vadd.s32 s24, v0;
	v46 =	vunpack.i.u.bf16.f32 v58;
	v51 =	vmul.f32 $8.000000000e+00, v62  }
0x1ce: {  	s23 =	simm.s32 $0x8;
	v50 =	vunpack.i.l.bf16.f32 v58;
	v48 =	vunpack.i.u.bf16.f32 v59;
	v52 =	vunpack.i.l.bf16.f32 v59;
	[tilespmem:v60+s22+$0x0] =	vst.idx.msk $0xffff, v63  }
.LBB2_17:
0x1cf: {  	p0 =	slt.u32 s23, $0x1C;
	v53 =	vand.u32 $0x1F, v38;
	v45 =	vunpack.i.l.bf16.f32 v45;
	[tilespmem:v39+s22+$0x0] =	vst.idx.msk $0xffff, v51  }
0x1d0: {  	v39 =	vor.u32 v40, v44;
	v47 =	vor.u32 v40, v47;
	v44 =	vor.u32 v40, v53  }
0x1d1: {  	v51 =	vor.u32 v40, v41;
	v41 =	vmul.f32 $8.000000000e+00, v50;
	v46 =	vmul.f32 $8.000000000e+00, v46  }
0x1d2: {  	v50 =	vor.u32 v28, v35;
	v52 =	vmul.f32 $8.000000000e+00, v52;
	v48 =	vmul.f32 $8.000000000e+00, v48  }
0x1d3: {  	v49 =	vmul.f32 $8.000000000e+00, v49;
	v45 =	vmul.f32 $8.000000000e+00, v45;
	v53 =	vor.u32 v29, v35;
	[tilespmem:v43+s22+$0x0] =	vst.idx.msk $0xffff, v41  }
0x1d4: {  	s24 =	sadd.s32 $0x1, s23;
	s25 =	sadd.s32 $0x2, s23;
	v35 =	vshll.u32 v34, $0x8;
	v34 =	vadd.s32 s23, v0;
	[tilespmem:v42+s22+$0x0] =	vst.idx.msk $0xffff, v46  }
0x1d5: {  	v41 =	vand.u32 $0x1F, v34;
	v43 =	vadd.s32 s25, v0;
	v42 =	vadd.s32 s24, v0;
	v54 =	vld.idx.msk [tilespmem:v44+s21+$0x0], $0xffff;
	[tilespmem:v37+s22+$0x0] =	vst.idx.msk $0xffff, v52  }
0x1d6: {  	v35 =	vand.u32 $0x1C00, v35;
	v37 =	vshll.u32 v30, $0x8;
	v30 =	vmovc v42;
	v52 =	vld.idx.msk [tilespmem:v39+s21+$0x0], $0xffff;
	v39 =	vshll.u32 v31, $0x8;
	[tilespmem:v36+s22+$0x0] =	vst.idx.msk $0xffff, v48  }
0x1d7: {  	v44 =	vand.u32 $0x1F, v30;
	v36 =	vand.u32 $0x1F00, v37;
	v37 =	vshll.u32 v38, $0x8;
	v31 =	vmovc v43;
	v55 =	vld.idx.msk [tilespmem:v47+s21+$0x0], $0xffff;
	[tilespmem:v50+s22+$0x0] =	vst.idx.msk $0xffff, v45  }
0x1d8: {  	v38 =	vand.u32 $0x1F00, v39;
	v39 =	vand.u32 $0x1F00, v37;
	v45 =	vld.idx.msk [tilespmem:v51+s21+$0x0], $0xffff;
	[tilespmem:v53+s22+$0x0] =	vst.idx.msk $0xffff, v49  }
0x1d9: {  	v43 =	vor.u32 v32, v36;
	v53 =	vor.u32 v32, v39  }
.Ltmp7:
0x1da: {  	v42 =	vor.u32 v33, v36;
	v37 =	vor.u32 v32, v38;
	v39 =	vor.u32 v33, v39;
	(pc) =	sbr.rel @p0 .LBB2_17-.Ltmp7, $4  }
0x1db: {  	v47 =	vand.u32 $0x1F, v31;
	v36 =	vor.u32 v33, v38;
	v38 =	vunpack.i.l.bf16.f32 v54  }
0x1dc: {  	v49 =	vunpack.i.u.bf16.f32 v54;
	v46 =	vunpack.i.u.bf16.f32 v52;
	v54 =	vmul.f32 $8.000000000e+00, v38  }
0x1dd: {  	s24 =	sadd.s32 $0x3, s23;
	v50 =	vunpack.i.l.bf16.f32 v52;
	v51 =	vmul.f32 $8.000000000e+00, v49;
	v48 =	vunpack.i.u.bf16.f32 v55  }
0x1de: {  	s23 =	sadd.s32 $0x4, s23;
	v38 =	vadd.s32 s24, v0;
	v52 =	vunpack.i.l.bf16.f32 v55;
	v49 =	vunpack.i.u.bf16.f32 v45;
	[tilespmem:v53+s22+$0x0] =	vst.idx.msk $0xffff, v54  }
0x1df: {  	v44 =	vor.u32 v40, v44  }
0x1e0: {  	v47 =	vor.u32 v40, v47  }
0x1e1: {  	v53 =	vand.u32 $0x1F, v38;
	v56 =	vor.u32 v40, v41  }
0x1e2: {  	v57 =	vmul.f32 $8.000000000e+00, v50;
	v53 =	vor.u32 v40, v53  }
0x1e3: {  	v45 =	vunpack.i.l.bf16.f32 v45;
	v46 =	vmul.f32 $8.000000000e+00, v46;
	v52 =	vmul.f32 $8.000000000e+00, v52  }
0x1e4: {  	v58 =	vor.u32 v28, v35;
	v48 =	vmul.f32 $8.000000000e+00, v48;
	v60 =	vmul.f32 $8.000000000e+00, v49;
	v63 =	vld.idx.msk [tilespmem:v44+s21+$0x0], $0xffff  }
0x1e5: {  	[tilespmem:v39+s22+$0x0] =	vst.idx.msk $0xffff, v51;
	v61 =	vshll.u32 v38, $0x8;
	v62 =	vor.u32 v29, v35;
	v30 =	vshll.u32 v30, $0x8;
	v47 =	vld.idx.msk [tilespmem:v47+s21+$0x0], $0xffff  }
0x1e6: {  	v34 =	vshll.u32 v34, $0x8;
	v31 =	vshll.u32 v31, $0x8;
	v30 =	vand.u32 $0x1F00, v30;
	[tilespmem:v37+s22+$0x0] =	vst.idx.msk $0xffff, v52;
	v52 =	vld.idx.msk [tilespmem:v56+s21+$0x0], $0xffff  }
0x1e7: {  	v59 =	vmul.f32 $8.000000000e+00, v45;
	v31 =	vand.u32 $0x1F00, v31;
	[tilespmem:v43+s22+$0x0] =	vst.idx.msk $0xffff, v57;
	v49 =	vor.u32 v32, v30;
	v53 =	vld.idx.msk [tilespmem:v53+s21+$0x0], $0xffff  }
0x1e8: {  	v38 =	vand.u32 $0x1F00, v61;
	v34 =	vand.u32 $0x1C00, v34;
	v55 =	vor.u32 v32, v31;
	[tilespmem:v42+s22+$0x0] =	vst.idx.msk $0xffff, v46  }
0x1e9: {  	v30 =	vor.u32 v33, v30;
	[tilespmem:v58+s22+$0x0] =	vst.idx.msk $0xffff, v59;
	v59 =	vor.u32 v28, v34;
	v56 =	vunpack.i.l.bf16.f32 v63  }
0x1ea: {  	v46 =	vor.u32 v32, v38;
	[tilespmem:v36+s22+$0x0] =	vst.idx.msk $0xffff, v48;
	v58 =	vunpack.i.l.bf16.f32 v47;
	v35 =	vmul.f32 $8.000000000e+00, v56  }
0x1eb: {  	v31 =	vor.u32 v33, v31;
	[tilespmem:v62+s22+$0x0] =	vst.idx.msk $0xffff, v60;
	v61 =	vunpack.i.l.bf16.f32 v52;
	v60 =	vmul.f32 $8.000000000e+00, v58  }
0x1ec: {  	v57 =	vunpack.i.u.bf16.f32 v63;
	v51 =	vunpack.i.l.bf16.f32 v53;
	v63 =	vmul.f32 $8.000000000e+00, v61;
	[tilespmem:v49+s22+$0x0] =	vst.idx.msk $0xffff, v35  }
0x1ed: {  	v38 =	vor.u32 v33, v38;
	v43 =	vmul.f32 $8.000000000e+00, v51;
	[tilespmem:v55+s22+$0x0] =	vst.idx.msk $0xffff, v60  }
0x1ee: {  	s31 =	sadd.s32 s5, s19;
	s19 =	sadd.s32 $0x1, s19;
	v34 =	vor.u32 v29, v34;
	v37 =	vunpack.i.u.bf16.f32 v47;
	v33 =	vmul.f32 $8.000000000e+00, v57;
	[tilespmem:v59+s22+$0x0] =	vst.idx.msk $0xffff, v63  }
0x1ef: {  	p0 =	sne.s32 s19, $0xC8;
	v54 =	vunpack.i.u.bf16.f32 v53;
	v62 =	vmul.f32 $8.000000000e+00, v37;
	[tilespmem:v46+s22+$0x0] =	vst.idx.msk $0xffff, v43  }
.Ltmp8:
0x1f0: {  	s23 =	sshll.u32 s31, $0x7;
	v40 =	vmul.f32 $8.000000000e+00, v54;
	[tilespmem:v30+s22+$0x0] =	vst.idx.msk $0xffff, v33;
	v30 =	vunpack.i.u.bf16.f32 v52;
	(pc) =	sbr.rel @p0 .LBB2_2-.Ltmp8, $4  }
0x1f1: {  	s23 =	sand.u32 $0xF80, s23;
	s21 =	sshll.u32 s31, $0xA;
	[tilespmem:v31+s22+$0x0] =	vst.idx.msk $0xffff, v62;
	v30 =	vmul.f32 $8.000000000e+00, v30  }
0x1f2: {  	s23 =	sadd.s32 s2, s23;
	s21 =	sand.u32 $0xFFF8000, s21;
	[tilespmem:v38+s22+$0x0] =	vst.idx.msk $0xffff, v40  }
0x1f3: {  	s20 =	sadd.s32 $0x5, s20;
	s21 =	sadd.s32 s21, s23;
	[tilespmem:v34+s22+$0x0] =	vst.idx.msk $0xffff, v30  }
0x1f4: {  	[hbm4b:s21+s14] =	stream.strided.scatter [tilespmem:s22], [sflag:s20], $0x2000, s15, s14, $0x38;
	[tilespmem:$0xE400] =	vst v63  }
0x1f5: {  	s18 =	sadd.s32 $0x1, s18  }
0x1f6: {  	_ =	swait.ge [sflag:s16], $0x2000;
	p0 =	sne.s32 s18, s7  }
.Ltmp9:
0x1f7: {  	[sflag:s16] =	ssyncset.done $0x0;
	(pc) =	sbr.rel @p0 .LBB2_1-.Ltmp9, $4  }
0x1f8: {  	[sflag:s16] =	ssyncadd.s32 $0xFFFFE000  }
0x1f9: {  	_ =	swait.ge [sflag:s17], $0x2000  }
0x1fa: {  	[sflag:s17] =	ssyncset.done $0x0  }
0x1fb: {  	[sflag:s17] =	ssyncadd.s32 $0xFFFFE000  }
0x1fc: {  	_ =	sfence.sel $0x180000  }
0x1fd: {  	[bflag:$0x0] =	sbarrier.arrive $0xFFFF  }
0x1fe: {  	p0 =	sne.s32 s0, $0x0;
	_ =	strace $0x9000004A  }
0x1ff: {  	s0 =	sadd.s32 @!p0 $0x100000, s1;
	[bflag:$0x2] =	sbarrier.arrive $0xFFFF  }
0x200: {  	[sflag:s0] =	ssyncadd.tile.s32 @!p0 $0x1;
	_ =	shalt  }
.Lfunc_end2:
_tile_overlayer_lowered:
.L_overlay_start_2:
0x201: {  	(tag) =	ssettag $0x2  }
0x202: {  	s0 =	rddreg [dreg:$0x0];
	s2 =	stileid.u32  }
0x203: {  	s1 =	rddreg [dreg:$0x1];
	p0 =	sne.s32 s2, $0x0  }
0x204: {  	s3 =	rddreg [dreg:$0x2];
	[bflag:$0x3] =	sbarrier.arrive $0xFFFF;
	s2 =	simm.s32 @!p0 $0x1C07  }
0x205: {  	[timem:s3], [sflag:s2] =	dma.local @!p0 [hbm:s0], s1  }
0x206: {  	s0 =	simm.s32 @!p0 $0x7  }
0x207: {  	_ =	swait.ge @!p0 [sflag:s0], s1  }
0x208: {  	s1 =	ssub.s32 @!p0 $0x0, s1;
	[sflag:s0] =	ssyncset.done @!p0 $0x0  }
0x209: {  	[sflag:s0] =	ssyncadd.s32 @!p0 s1  }
0x20a: {  	[bflag:$0x3] =	sbarrier.arrive $0xFFFF  }
0x20b: {  	_ =	shalt  }

</sc_bundles>
